<compile_context>
chip_gen: v7x
topology: tpu7x:2x2x1
jax: 0.10.2.dev20260603
libtpu: 0.0.44.dev20260713+nightly
codegen_flags: <defaults>
</compile_context>

<pallas_src>
import dataclasses
import functools

import jax
import jax.numpy as jnp
from jax import lax
from jax.experimental import pallas as pl
from jax.experimental.pallas import tpu as pltpu
from jax.experimental.pallas import tpu_sc as plsc

N_NODES = 100000
Q = 16
DT = 0.1

NC = 2
NS = 16
NW = NC * NS
SUB = 128
B = 512
KSUB = B // SUB

N1 = 100352
RPS = N1 // NS

E_PAD = 3211264
E_PER_W = E_PAD // NW
NCHUNK = E_PER_W // B


def _sc_all_body(f_hbm, src_hbm, dst_hbm, w_hbm,
                 acc_out, sd_out,
                 srcv, dstv, wv, rows0, rows1,
                 acc_sh, sem_g, sem_sc):
    c = lax.axis_index("c")
    s = lax.axis_index("s")
    wid = s * NC + c

    iota = lax.iota(jnp.int32, 16)
    pat = jnp.where(iota == 1, 1.0, 0.0).astype(jnp.float32)
    zeros16_i = jnp.zeros((16,), jnp.int32)
    zeros16_f = jnp.zeros((16,), jnp.float32)
    r0 = pl.multiple_of(s * RPS, 8)
    ebase = wid * E_PER_W
    rbase = ebase // SUB

    def zero_slice():
        @pl.loop(0, B)
        def _zrow(j):
            rows0[j] = zeros16_f

        for t in range((RPS + B - 1) // B):
            nr = min(B, RPS - t * B)
            pltpu.sync_copy(rows0.at[pl.ds(0, nr)],
                            acc_sh.at[pl.ds(r0 + t * B, nr)])

    def drain_slice(out):
        pltpu.sync_copy(acc_sh.at[pl.ds(r0, RPS)], out.at[c, pl.ds(r0, RPS)])

    def fire_gathers(rows, half):
        return [
            pltpu.async_copy(f_hbm.at[srcv.at[half * KSUB + j]],
                             rows.at[pl.ds(j * SUB, SUB)], sem_g)
            for j in range(KSUB)
        ]

    def fire_scatters(rows, half):
        return [
            pltpu.async_copy(rows.at[pl.ds(j * SUB, SUB)],
                             acc_sh.at[dstv.at[half * KSUB + j]], sem_sc,
                             add=True)
            for j in range(KSUB)
        ]

    def multiply(rows, half):
        off = half * B

        @plsc.parallel_loop(0, B, unroll=8)
        def _mul(j):
            wb = plsc.load_gather(wv, [zeros16_i + (off + j)])
            rows[j] = rows[j] * wb

    zero_slice()
    plsc.subcore_barrier()

    @pl.loop(0, NCHUNK, step=4)
    def _pipe(i):
        rb = pl.multiple_of(rbase + i * KSUB, 8)
        eb = pl.multiple_of(ebase + i * B, 8)
        pltpu.sync_copy(src_hbm.at[pl.ds(rb, 4 * KSUB)], srcv)
        pltpu.sync_copy(dst_hbm.at[pl.ds(rb, 4 * KSUB)], dstv)
        pltpu.sync_copy(w_hbm.at[pl.ds(eb, 4 * B)], wv)
        g0 = fire_gathers(rows0, 0)
        g1 = fire_gathers(rows1, 1)
        for h in g0:
            h.wait()
        multiply(rows0, 0)
        s0 = fire_scatters(rows0, 0)
        for h in g1:
            h.wait()
        multiply(rows1, 1)
        for h in s0:
            h.wait()
        g2 = fire_gathers(rows0, 2)
        s1 = fire_scatters(rows1, 1)
        for h in g2:
            h.wait()
        multiply(rows0, 2)
        for h in s1:
            h.wait()
        g3 = fire_gathers(rows1, 3)
        s2 = fire_scatters(rows0, 2)
        for h in g3:
            h.wait()
        multiply(rows1, 3)
        for h in s2:
            h.wait()
        s3 = fire_scatters(rows1, 3)
        for h in s3:
            h.wait()

    plsc.subcore_barrier()
    drain_slice(acc_out)

    zero_slice()

    @pl.loop(0, B)
    def _pval(j):
        rows0[j] = pat
        rows1[j] = pat
    plsc.subcore_barrier()

    def build(vals, half):
        @plsc.parallel_loop(0, B // 16, unroll=4)
        def _mkval(g):
            w16 = wv[pl.ds(half * B + g * 16, 16)]
            plsc.store_scatter(vals, [g * 16 + iota, zeros16_i], w16)

    @pl.loop(0, NCHUNK, step=4)
    def _chunk(ci):
        rb = pl.multiple_of(rbase + ci * KSUB, 8)
        eb = pl.multiple_of(ebase + ci * B, 8)
        pltpu.sync_copy(dst_hbm.at[pl.ds(rb, 4 * KSUB)], dstv)
        pltpu.sync_copy(w_hbm.at[pl.ds(eb, 4 * B)], wv)

        build(rows0, 0)
        s0 = fire_scatters(rows0, 0)
        build(rows1, 1)
        for h in s0:
            h.wait()
        s1 = fire_scatters(rows1, 1)
        build(rows0, 2)
        for h in s1:
            h.wait()
        s2 = fire_scatters(rows0, 2)
        build(rows1, 3)
        for h in s2:
            h.wait()
        s3 = fire_scatters(rows1, 3)
        for h in s3:
            h.wait()

    plsc.subcore_barrier()
    drain_slice(sd_out)


_SC_CP = pltpu.CompilerParams(needs_layout_passes=False,
                              use_tc_tiling_on_sc=False)


@jax.jit
def _sc_segment_sums(f, src2, dst2, w1):
    mesh = plsc.VectorSubcoreMesh(core_axis_name="c", subcore_axis_name="s")
    k = pl.kernel(
        _sc_all_body,
        compiler_params=_SC_CP,
        out_type=[jax.ShapeDtypeStruct((NC, N1, Q), jnp.float32),
                  jax.ShapeDtypeStruct((NC, N1, Q), jnp.float32)],
        mesh=mesh,
        scratch_types=[
            pltpu.VMEM((4 * KSUB, SUB), jnp.int32),
            pltpu.VMEM((4 * KSUB, SUB), jnp.int32),
            pltpu.VMEM((4 * B,), jnp.float32),
            pltpu.VMEM((B, Q), jnp.float32),
            pltpu.VMEM((B, Q), jnp.float32),
            pltpu.VMEM_SHARED((N1, Q), jnp.float32),
            pltpu.SemaphoreType.DMA,
            pltpu.SemaphoreType.DMA,
        ],
    )
    return k(f, src2, dst2, w1)


def _combine_body(f_ref, coll_ref, srcterm_ref, acc_ref, sd_ref, xi_ref,
                  out_ref):
    f = f_ref[...]
    a = acc_ref[0] + acc_ref[1]
    sv = sd_ref[0, :, 0:1] + sd_ref[1, :, 0:1]
    deg = sd_ref[0, :, 1:2] + sd_ref[1, :, 1:2]
    deg = jnp.maximum(deg, 1.0)
    xi = xi_ref[...]
    transport = xi * (a - f * sv) / deg
    out_ref[...] = f - DT * (transport - coll_ref[...] + srcterm_ref[...])


@jax.jit
def _tc_combine(f, coll, srcterm, acc, sd, xi):
    R = 1000
    grid = (N_NODES // R,)
    return pl.pallas_call(
        _combine_body,
        grid=grid,
        in_specs=[
            pl.BlockSpec((R, Q), lambda i: (i, 0)),
            pl.BlockSpec((R, Q), lambda i: (i, 0)),
            pl.BlockSpec((R, Q), lambda i: (i, 0)),
            pl.BlockSpec((NC, R, Q), lambda i: (0, i, 0)),
            pl.BlockSpec((NC, R, Q), lambda i: (0, i, 0)),
            pl.BlockSpec((1, Q), lambda i: (0, 0)),
        ],
        out_specs=pl.BlockSpec((R, Q), lambda i: (i, 0)),
        out_shape=jax.ShapeDtypeStruct((N_NODES, Q), jnp.float32),
    )(f, coll, srcterm, acc, sd, xi)


def kernel(f_distribution, collision_term, source_term, edge_index,
           edge_weight, xi_velocities):
    E = edge_weight.shape[0]
    pad = E_PAD - E
    src = jnp.concatenate([edge_index[0], jnp.zeros((pad,), jnp.int32)])
    dst = jnp.concatenate([edge_index[1],
                           jnp.full((pad,), N_NODES, jnp.int32)])
    w = jnp.concatenate([edge_weight, jnp.zeros((pad,), jnp.float32)])
    src2 = src.reshape(E_PAD // SUB, SUB)
    dst2 = dst.reshape(E_PAD // SUB, SUB)
    acc, sd = _sc_segment_sums(f_distribution, src2, dst2, w)
    return _tc_combine(f_distribution, collision_term, source_term, acc, sd,
                       xi_velocities.reshape(1, Q))

# --- scband reference (transcript-rebuilt; emitter-appended) ---
"""Pipeline reference for scband-kinetic-forecasting-framework-2370821947812 (READ-ONLY COPY).

The authoritative reference and input builder live on the scoring server;
editing this copy changes nothing except your own understanding.
"""

import jax, jax.numpy as jnp
import numpy as np

N_NODES = 100000
N_EDGES = 3200000
Q = 16
DT = 0.1


def setup_inputs(seed: int = 0) -> dict:
    key = jax.random.key(seed)
    k1, k2, k3, k4, k5 = jax.random.split(key, 5)
    f_distribution = jax.random.normal(k1, (N_NODES, Q), dtype=jnp.float32)
    collision_term = jax.random.normal(k2, (N_NODES, Q), dtype=jnp.float32) * 0.1
    source_term = jax.random.normal(k3, (N_NODES, Q), dtype=jnp.float32) * 0.1
    edge_index = jax.random.randint(k4, (2, N_EDGES), 0, N_NODES, dtype=jnp.int32)
    edge_weight = jax.random.uniform(k5, (N_EDGES,), dtype=jnp.float32)
    # xi_velocities: discretized mesoscale velocity abscissae (registered buffer)
    xi_velocities = jnp.linspace(-1.0, 1.0, Q, dtype=jnp.float32)
    return {
        'f_distribution': f_distribution,
        'collision_term': collision_term,
        'source_term': source_term,
        'edge_index': edge_index,
        'edge_weight': edge_weight,
        'xi_velocities': xi_velocities,
    }


def reference(f_distribution, collision_term, source_term, edge_index, edge_weight, xi_velocities):
    """BoltzmannUpdater.forward (core message-passing step of KineticForecastingFramework).

    transport_i[k] = sum_{j -> i} (1/deg_i) * xi_k * (f_j[k] - f_i[k]) * w_ij
    f_new = f - dt * (transport - collision + source)
    """
    src = edge_index[0]
    dst = edge_index[1]
    n_edges = edge_weight.shape[0]
    # in-degree of destination nodes, clamped to min 1.0 (matches graph.in_degrees().clamp(min=1.0))
    deg = jax.ops.segment_sum(jnp.ones((n_edges,), dtype=jnp.float32), dst, num_segments=N_NODES)
    deg = jnp.clip(deg, 1.0, None)
    q_ij = (1.0 / deg)[dst]                      # [E]
    f_src = jnp.take(f_distribution, src, axis=0)  # gather [E, Q]
    f_dst = jnp.take(f_distribution, dst, axis=0)  # gather [E, Q]
    f_diff = f_src - f_dst                         # [E, Q]
    # vectorized over all k channels simultaneously (same math as the per-k loop)
    msg = f_diff * xi_velocities[None, :] * (edge_weight * q_ij)[:, None]  # [E, Q]
    transport = jax.ops.segment_sum(msg, dst, num_segments=N_NODES)       # scatter-add [N, Q]
    f_new = f_distribution - DT * (transport - collision_term + source_term)
    return f_new

if __name__ == "__main__":
    import jax
    _d = setup_inputs()
    print(jax.jit(kernel)(*tuple(_d.values())))

</pallas_src>

<mosaic_0001>
#map = affine_map<(d0, d1) -> (0, 0)>
#map1 = affine_map<(d0, d1) -> (0)>
#map2 = affine_map<(d0, d1) -> (0, 0, 0)>
module attributes {stable_mosaic.version = 14 : i64} {
  func.func @_sc_all_body(%arg0: i32, %arg1: i32, %arg2: memref<100000x16xf32, #tpu.memory_space<hbm>>, %arg3: memref<25088x128xi32, #tpu.memory_space<hbm>>, %arg4: memref<25088x128xi32, #tpu.memory_space<hbm>>, %arg5: memref<3211264xf32, #tpu.memory_space<hbm>>, %arg6: memref<2x100352x16xf32, #tpu.memory_space<hbm>>, %arg7: memref<2x100352x16xf32, #tpu.memory_space<hbm>>, %arg8: memref<16x128xi32, #tpu.memory_space<vmem>>, %arg9: memref<16x128xi32, #tpu.memory_space<vmem>>, %arg10: memref<2048xf32, #tpu.memory_space<vmem>>, %arg11: memref<512x16xf32, #tpu.memory_space<vmem>>, %arg12: memref<512x16xf32, #tpu.memory_space<vmem>>, %arg13: memref<100352x16xf32, #tpu.memory_space<vmem_shared>>, %arg14: memref<!tpu.dma_semaphore, #tpu.memory_space<semaphore_mem>>, %arg15: memref<!tpu.dma_semaphore, #tpu.memory_space<semaphore_mem>>) attributes {dimension_semantics = [#tpu.dimension_semantics<core_parallel>, #tpu.dimension_semantics<subcore_parallel>], iteration_bounds = array<i64: 2, 16>, scalar_prefetch = 0 : i64, scratch_operands = 8 : i64, tpu.core_type = #tpu.core_type<sc_vector_subcore>, window_params = [{transform_indices = #map}, {transform_indices = #map}, {transform_indices = #map}, {transform_indices = #map1}, {transform_indices = #map2}, {transform_indices = #map2}]} {
    %mul3A = arith.constant 2 : i32
    %mul3A_0 = arith.muli %arg1, %mul3A : i32
    %add3A = arith.addi %mul3A_0, %arg0 : i32
    %iota3A = tpu.iota {dimensions = array<i32: 0>} : vector<16xi32>
    %eq3A = arith.constant 1 : i32
    %eq3A_1 = vector.broadcast %eq3A : i32 to vector<16xi32>
    %eq3A_2 = arith.cmpi eq, %iota3A, %eq3A_1 : vector<16xi32>
    %jit3A = arith.constant 1.000000e+00 : f32
    %jit3A_3 = arith.constant 0.000000e+00 : f32
    %broadcast_in_dim3A = vector.broadcast %jit3A : f32 to vector<16xf32>
    %broadcast_in_dim3A_4 = vector.broadcast %jit3A_3 : f32 to vector<16xf32>
    %select_n3A = arith.select %eq3A_2, %broadcast_in_dim3A, %broadcast_in_dim3A_4 : vector<16xi1>, vector<16xf32>
    %broadcast_in_dim3A_5 = arith.constant 0 : i32
    %broadcast_in_dim3A_6 = vector.broadcast %broadcast_in_dim3A_5 : i32 to vector<16xi32>
    %broadcast_in_dim3A_7 = arith.constant 0.000000e+00 : f32
    %broadcast_in_dim3A_8 = vector.broadcast %broadcast_in_dim3A_7 : f32 to vector<16xf32>
    %mul3A_9 = arith.constant 6272 : i32
    %mul3A_10 = arith.muli %arg1, %mul3A_9 : i32
    %multiple_of3A = tpu.assume_multiple %mul3A_10, 8 : i32
    %mul3A_11 = arith.constant 100352 : i32
    %mul3A_12 = arith.muli %add3A, %mul3A_11 : i32
    %jit3A_13 = arith.constant 128 : i32
    %div3A = arith.divsi %mul3A_12, %jit3A_13 : i32
    %sign3A = arith.constant 0 : i32
    %sign3A_14 = arith.cmpi sgt, %mul3A_12, %sign3A : i32
    %sign3A_15 = arith.extui %sign3A_14 : i1 to i32
    %sign3A_16 = arith.constant 0 : i32
    %sign3A_17 = arith.cmpi slt, %mul3A_12, %sign3A_16 : i32
    %sign3A_18 = arith.extui %sign3A_17 : i1 to i32
    %sign3A_19 = arith.subi %sign3A_15, %sign3A_18 : i32
    %sign3A_20 = arith.constant 0 : i32
    %sign3A_21 = arith.cmpi sgt, %jit3A_13, %sign3A_20 : i32
    %sign3A_22 = arith.extui %sign3A_21 : i1 to i32
    %sign3A_23 = arith.constant 0 : i32
    %sign3A_24 = arith.cmpi slt, %jit3A_13, %sign3A_23 : i32
    %sign3A_25 = arith.extui %sign3A_24 : i1 to i32
    %sign3A_26 = arith.subi %sign3A_22, %sign3A_25 : i32
    %ne3A = arith.cmpi ne, %sign3A_19, %sign3A_26 : i32
    %rem3A = arith.remsi %mul3A_12, %jit3A_13 : i32
    %ne3A_27 = arith.constant 0 : i32
    %ne3A_28 = arith.cmpi ne, %rem3A, %ne3A_27 : i32
    %and3A = arith.andi %ne3A, %ne3A_28 : i1
    %sub3A = arith.constant 1 : i32
    %sub3A_29 = arith.subi %div3A, %sub3A : i32
    %select_n3A_30 = arith.select %and3A, %sub3A_29, %div3A : i32
    %scan3A = arith.constant 0 : i32
    %scan3A_31 = arith.constant 512 : i32
    %scan3A_32 = arith.addi %scan3A, %scan3A_31 : i32
    %scan3A_33 = arith.constant 1 : i32
    scf.for %scan3A_110 = %scan3A to %scan3A_32 step %scan3A_33  : i32 {
      %mul3A_111 = arith.constant 1 : i32
      %mul3A_112 = arith.muli %scan3A_110, %mul3A_111 : i32
      %add3A_113 = arith.constant 0 : i32
      %add3A_114 = arith.addi %add3A_113, %mul3A_112 : i32
      %swap3A = arith.index_cast %add3A_114 : i32 to index
      %swap3A_115 = arith.constant 0 : index
      %swap3A_116 = tpu.vector_load %arg11[%swap3A, %swap3A_115] {strides = array<i32>} : memref<512x16xf32, #tpu.memory_space<vmem>>, vector<16xf32>,
      tpu.vector_store %arg11[%swap3A, %swap3A_115], %broadcast_in_dim3A_8 {strides = array<i32>} : memref<512x16xf32, #tpu.memory_space<vmem>>, vector<16xf32>,
    }
    %scan3A_34 = arith.constant 512 : i32
    %add3A_35 = arith.constant 0 : i32
    %add3A_36 = arith.addi %multiple_of3A, %add3A_35 : i32
    "tpu.region"() ({
      %run_scoped3A = tpu.sem_alloc : memref<!tpu.dma_semaphore, #tpu.memory_space<semaphore_mem>>
      %dma_start3A = arith.constant 0 : i32
      %dma_start3A_110 = arith.constant 0 : i32
      %dma_start3A_111 = tpu.memref_slice %arg11[%dma_start3A, %dma_start3A_110] : memref<512x16xf32, #tpu.memory_space<vmem>> -> memref<512x16xf32, #tpu.memory_space<vmem>>
      %dma_start3A_112 = arith.constant 0 : i32
      %dma_start3A_113 = tpu.memref_slice %arg13[%add3A_36, %dma_start3A_112] : memref<100352x16xf32, #tpu.memory_space<vmem_shared>> -> memref<512x16xf32, #tpu.memory_space<vmem_shared>>
      %dma_start3A_114 = arith.constant 0 : i32
      %dma_start3A_115 = tpu.memref_slice %arg13[%add3A_36, %dma_start3A_114] : memref<100352x16xf32, #tpu.memory_space<vmem_shared>> -> memref<512x16xf32, #tpu.memory_space<vmem_shared>>
      %dma_start3A_116 = arith.constant 0 : i32
      %dma_start3A_117 = arith.constant 0 : i32
      %dma_start3A_118 = tpu.memref_slice %arg11[%dma_start3A_116, %dma_start3A_117] : memref<512x16xf32, #tpu.memory_space<vmem>> -> memref<512x16xf32, #tpu.memory_space<vmem>>
      tpu.enqueue_dma source(%dma_start3A_118 : memref<512x16xf32, #tpu.memory_space<vmem>>) target(%dma_start3A_115 : memref<512x16xf32, #tpu.memory_space<vmem_shared>>) target_semaphore(%run_scoped3A : memref<!tpu.dma_semaphore, #tpu.memory_space<semaphore_mem>>)
      %dma_wait3A = arith.constant 0 : i32
      %dma_wait3A_119 = arith.constant 0 : i32
      %dma_wait3A_120 = tpu.memref_slice %arg11[%dma_wait3A, %dma_wait3A_119] : memref<512x16xf32, #tpu.memory_space<vmem>> -> memref<512x16xf32, #tpu.memory_space<vmem>>
      %dma_wait3A_121 = arith.constant 0 : i32
      %dma_wait3A_122 = tpu.memref_slice %arg13[%add3A_36, %dma_wait3A_121] : memref<100352x16xf32, #tpu.memory_space<vmem_shared>> -> memref<512x16xf32, #tpu.memory_space<vmem_shared>>
      %dma_wait3A_123 = arith.constant 0 : i32
      %dma_wait3A_124 = tpu.memref_slice %arg13[%add3A_36, %dma_wait3A_123] : memref<100352x16xf32, #tpu.memory_space<vmem_shared>> -> memref<512x16xf32, #tpu.memory_space<vmem_shared>>
      %dma_wait3A_125 = arith.constant 0 : i32
      %dma_wait3A_126 = arith.constant 0 : i32
      %dma_wait3A_127 = tpu.memref_slice %arg11[%dma_wait3A_125, %dma_wait3A_126] : memref<512x16xf32, #tpu.memory_space<vmem>> -> memref<512x16xf32, #tpu.memory_space<vmem>>
      tpu.wait_dma2 semaphore(%run_scoped3A : memref<!tpu.dma_semaphore, #tpu.memory_space<semaphore_mem>>) src(%dma_wait3A_127 : memref<512x16xf32, #tpu.memory_space<vmem>>) dst(%dma_wait3A_124 : memref<512x16xf32, #tpu.memory_space<vmem_shared>>)
      tpu.yield
    }) : () -> ()
    %add3A_37 = arith.constant 512 : i32
    %add3A_38 = arith.addi %multiple_of3A, %add3A_37 : i32
    "tpu.region"() ({
      %run_scoped3A = tpu.sem_alloc : memref<!tpu.dma_semaphore, #tpu.memory_space<semaphore_mem>>
      %dma_start3A = arith.constant 0 : i32
      %dma_start3A_110 = arith.constant 0 : i32
      %dma_start3A_111 = tpu.memref_slice %arg11[%dma_start3A, %dma_start3A_110] : memref<512x16xf32, #tpu.memory_space<vmem>> -> memref<512x16xf32, #tpu.memory_space<vmem>>
      %dma_start3A_112 = arith.constant 0 : i32
      %dma_start3A_113 = tpu.memref_slice %arg13[%add3A_38, %dma_start3A_112] : memref<100352x16xf32, #tpu.memory_space<vmem_shared>> -> memref<512x16xf32, #tpu.memory_space<vmem_shared>>
      %dma_start3A_114 = arith.constant 0 : i32
      %dma_start3A_115 = tpu.memref_slice %arg13[%add3A_38, %dma_start3A_114] : memref<100352x16xf32, #tpu.memory_space<vmem_shared>> -> memref<512x16xf32, #tpu.memory_space<vmem_shared>>
      %dma_start3A_116 = arith.constant 0 : i32
      %dma_start3A_117 = arith.constant 0 : i32
      %dma_start3A_118 = tpu.memref_slice %arg11[%dma_start3A_116, %dma_start3A_117] : memref<512x16xf32, #tpu.memory_space<vmem>> -> memref<512x16xf32, #tpu.memory_space<vmem>>
      tpu.enqueue_dma source(%dma_start3A_118 : memref<512x16xf32, #tpu.memory_space<vmem>>) target(%dma_start3A_115 : memref<512x16xf32, #tpu.memory_space<vmem_shared>>) target_semaphore(%run_scoped3A : memref<!tpu.dma_semaphore, #tpu.memory_space<semaphore_mem>>)
      %dma_wait3A = arith.constant 0 : i32
      %dma_wait3A_119 = arith.constant 0 : i32
      %dma_wait3A_120 = tpu.memref_slice %arg11[%dma_wait3A, %dma_wait3A_119] : memref<512x16xf32, #tpu.memory_space<vmem>> -> memref<512x16xf32, #tpu.memory_space<vmem>>
      %dma_wait3A_121 = arith.constant 0 : i32
      %dma_wait3A_122 = tpu.memref_slice %arg13[%add3A_38, %dma_wait3A_121] : memref<100352x16xf32, #tpu.memory_space<vmem_shared>> -> memref<512x16xf32, #tpu.memory_space<vmem_shared>>
      %dma_wait3A_123 = arith.constant 0 : i32
      %dma_wait3A_124 = tpu.memref_slice %arg13[%add3A_38, %dma_wait3A_123] : memref<100352x16xf32, #tpu.memory_space<vmem_shared>> -> memref<512x16xf32, #tpu.memory_space<vmem_shared>>
      %dma_wait3A_125 = arith.constant 0 : i32
      %dma_wait3A_126 = arith.constant 0 : i32
      %dma_wait3A_127 = tpu.memref_slice %arg11[%dma_wait3A_125, %dma_wait3A_126] : memref<512x16xf32, #tpu.memory_space<vmem>> -> memref<512x16xf32, #tpu.memory_space<vmem>>
      tpu.wait_dma2 semaphore(%run_scoped3A : memref<!tpu.dma_semaphore, #tpu.memory_space<semaphore_mem>>) src(%dma_wait3A_127 : memref<512x16xf32, #tpu.memory_space<vmem>>) dst(%dma_wait3A_124 : memref<512x16xf32, #tpu.memory_space<vmem_shared>>)
      tpu.yield
    }) : () -> ()
    %add3A_39 = arith.constant 1024 : i32
    %add3A_40 = arith.addi %multiple_of3A, %add3A_39 : i32
    "tpu.region"() ({
      %run_scoped3A = tpu.sem_alloc : memref<!tpu.dma_semaphore, #tpu.memory_space<semaphore_mem>>
      %dma_start3A = arith.constant 0 : i32
      %dma_start3A_110 = arith.constant 0 : i32
      %dma_start3A_111 = tpu.memref_slice %arg11[%dma_start3A, %dma_start3A_110] : memref<512x16xf32, #tpu.memory_space<vmem>> -> memref<512x16xf32, #tpu.memory_space<vmem>>
      %dma_start3A_112 = arith.constant 0 : i32
      %dma_start3A_113 = tpu.memref_slice %arg13[%add3A_40, %dma_start3A_112] : memref<100352x16xf32, #tpu.memory_space<vmem_shared>> -> memref<512x16xf32, #tpu.memory_space<vmem_shared>>
      %dma_start3A_114 = arith.constant 0 : i32
      %dma_start3A_115 = tpu.memref_slice %arg13[%add3A_40, %dma_start3A_114] : memref<100352x16xf32, #tpu.memory_space<vmem_shared>> -> memref<512x16xf32, #tpu.memory_space<vmem_shared>>
      %dma_start3A_116 = arith.constant 0 : i32
      %dma_start3A_117 = arith.constant 0 : i32
      %dma_start3A_118 = tpu.memref_slice %arg11[%dma_start3A_116, %dma_start3A_117] : memref<512x16xf32, #tpu.memory_space<vmem>> -> memref<512x16xf32, #tpu.memory_space<vmem>>
      tpu.enqueue_dma source(%dma_start3A_118 : memref<512x16xf32, #tpu.memory_space<vmem>>) target(%dma_start3A_115 : memref<512x16xf32, #tpu.memory_space<vmem_shared>>) target_semaphore(%run_scoped3A : memref<!tpu.dma_semaphore, #tpu.memory_space<semaphore_mem>>)
      %dma_wait3A = arith.constant 0 : i32
      %dma_wait3A_119 = arith.constant 0 : i32
      %dma_wait3A_120 = tpu.memref_slice %arg11[%dma_wait3A, %dma_wait3A_119] : memref<512x16xf32, #tpu.memory_space<vmem>> -> memref<512x16xf32, #tpu.memory_space<vmem>>
      %dma_wait3A_121 = arith.constant 0 : i32
      %dma_wait3A_122 = tpu.memref_slice %arg13[%add3A_40, %dma_wait3A_121] : memref<100352x16xf32, #tpu.memory_space<vmem_shared>> -> memref<512x16xf32, #tpu.memory_space<vmem_shared>>
      %dma_wait3A_123 = arith.constant 0 : i32
      %dma_wait3A_124 = tpu.memref_slice %arg13[%add3A_40, %dma_wait3A_123] : memref<100352x16xf32, #tpu.memory_space<vmem_shared>> -> memref<512x16xf32, #tpu.memory_space<vmem_shared>>
      %dma_wait3A_125 = arith.constant 0 : i32
      %dma_wait3A_126 = arith.constant 0 : i32
      %dma_wait3A_127 = tpu.memref_slice %arg11[%dma_wait3A_125, %dma_wait3A_126] : memref<512x16xf32, #tpu.memory_space<vmem>> -> memref<512x16xf32, #tpu.memory_space<vmem>>
      tpu.wait_dma2 semaphore(%run_scoped3A : memref<!tpu.dma_semaphore, #tpu.memory_space<semaphore_mem>>) src(%dma_wait3A_127 : memref<512x16xf32, #tpu.memory_space<vmem>>) dst(%dma_wait3A_124 : memref<512x16xf32, #tpu.memory_space<vmem_shared>>)
      tpu.yield
    }) : () -> ()
    %add3A_41 = arith.constant 1536 : i32
    %add3A_42 = arith.addi %multiple_of3A, %add3A_41 : i32
    "tpu.region"() ({
      %run_scoped3A = tpu.sem_alloc : memref<!tpu.dma_semaphore, #tpu.memory_space<semaphore_mem>>
      %dma_start3A = arith.constant 0 : i32
      %dma_start3A_110 = arith.constant 0 : i32
      %dma_start3A_111 = tpu.memref_slice %arg11[%dma_start3A, %dma_start3A_110] : memref<512x16xf32, #tpu.memory_space<vmem>> -> memref<512x16xf32, #tpu.memory_space<vmem>>
      %dma_start3A_112 = arith.constant 0 : i32
      %dma_start3A_113 = tpu.memref_slice %arg13[%add3A_42, %dma_start3A_112] : memref<100352x16xf32, #tpu.memory_space<vmem_shared>> -> memref<512x16xf32, #tpu.memory_space<vmem_shared>>
      %dma_start3A_114 = arith.constant 0 : i32
      %dma_start3A_115 = tpu.memref_slice %arg13[%add3A_42, %dma_start3A_114] : memref<100352x16xf32, #tpu.memory_space<vmem_shared>> -> memref<512x16xf32, #tpu.memory_space<vmem_shared>>
      %dma_start3A_116 = arith.constant 0 : i32
      %dma_start3A_117 = arith.constant 0 : i32
      %dma_start3A_118 = tpu.memref_slice %arg11[%dma_start3A_116, %dma_start3A_117] : memref<512x16xf32, #tpu.memory_space<vmem>> -> memref<512x16xf32, #tpu.memory_space<vmem>>
      tpu.enqueue_dma source(%dma_start3A_118 : memref<512x16xf32, #tpu.memory_space<vmem>>) target(%dma_start3A_115 : memref<512x16xf32, #tpu.memory_space<vmem_shared>>) target_semaphore(%run_scoped3A : memref<!tpu.dma_semaphore, #tpu.memory_space<semaphore_mem>>)
      %dma_wait3A = arith.constant 0 : i32
      %dma_wait3A_119 = arith.constant 0 : i32
      %dma_wait3A_120 = tpu.memref_slice %arg11[%dma_wait3A, %dma_wait3A_119] : memref<512x16xf32, #tpu.memory_space<vmem>> -> memref<512x16xf32, #tpu.memory_space<vmem>>
      %dma_wait3A_121 = arith.constant 0 : i32
      %dma_wait3A_122 = tpu.memref_slice %arg13[%add3A_42, %dma_wait3A_121] : memref<100352x16xf32, #tpu.memory_space<vmem_shared>> -> memref<512x16xf32, #tpu.memory_space<vmem_shared>>
      %dma_wait3A_123 = arith.constant 0 : i32
      %dma_wait3A_124 = tpu.memref_slice %arg13[%add3A_42, %dma_wait3A_123] : memref<100352x16xf32, #tpu.memory_space<vmem_shared>> -> memref<512x16xf32, #tpu.memory_space<vmem_shared>>
      %dma_wait3A_125 = arith.constant 0 : i32
      %dma_wait3A_126 = arith.constant 0 : i32
      %dma_wait3A_127 = tpu.memref_slice %arg11[%dma_wait3A_125, %dma_wait3A_126] : memref<512x16xf32, #tpu.memory_space<vmem>> -> memref<512x16xf32, #tpu.memory_space<vmem>>
      tpu.wait_dma2 semaphore(%run_scoped3A : memref<!tpu.dma_semaphore, #tpu.memory_space<semaphore_mem>>) src(%dma_wait3A_127 : memref<512x16xf32, #tpu.memory_space<vmem>>) dst(%dma_wait3A_124 : memref<512x16xf32, #tpu.memory_space<vmem_shared>>)
      tpu.yield
    }) : () -> ()
    %add3A_43 = arith.constant 2048 : i32
    %add3A_44 = arith.addi %multiple_of3A, %add3A_43 : i32
    "tpu.region"() ({
      %run_scoped3A = tpu.sem_alloc : memref<!tpu.dma_semaphore, #tpu.memory_space<semaphore_mem>>
      %dma_start3A = arith.constant 0 : i32
      %dma_start3A_110 = arith.constant 0 : i32
      %dma_start3A_111 = tpu.memref_slice %arg11[%dma_start3A, %dma_start3A_110] : memref<512x16xf32, #tpu.memory_space<vmem>> -> memref<512x16xf32, #tpu.memory_space<vmem>>
      %dma_start3A_112 = arith.constant 0 : i32
      %dma_start3A_113 = tpu.memref_slice %arg13[%add3A_44, %dma_start3A_112] : memref<100352x16xf32, #tpu.memory_space<vmem_shared>> -> memref<512x16xf32, #tpu.memory_space<vmem_shared>>
      %dma_start3A_114 = arith.constant 0 : i32
      %dma_start3A_115 = tpu.memref_slice %arg13[%add3A_44, %dma_start3A_114] : memref<100352x16xf32, #tpu.memory_space<vmem_shared>> -> memref<512x16xf32, #tpu.memory_space<vmem_shared>>
      %dma_start3A_116 = arith.constant 0 : i32
      %dma_start3A_117 = arith.constant 0 : i32
      %dma_start3A_118 = tpu.memref_slice %arg11[%dma_start3A_116, %dma_start3A_117] : memref<512x16xf32, #tpu.memory_space<vmem>> -> memref<512x16xf32, #tpu.memory_space<vmem>>
      tpu.enqueue_dma source(%dma_start3A_118 : memref<512x16xf32, #tpu.memory_space<vmem>>) target(%dma_start3A_115 : memref<512x16xf32, #tpu.memory_space<vmem_shared>>) target_semaphore(%run_scoped3A : memref<!tpu.dma_semaphore, #tpu.memory_space<semaphore_mem>>)
      %dma_wait3A = arith.constant 0 : i32
      %dma_wait3A_119 = arith.constant 0 : i32
      %dma_wait3A_120 = tpu.memref_slice %arg11[%dma_wait3A, %dma_wait3A_119] : memref<512x16xf32, #tpu.memory_space<vmem>> -> memref<512x16xf32, #tpu.memory_space<vmem>>
      %dma_wait3A_121 = arith.constant 0 : i32
      %dma_wait3A_122 = tpu.memref_slice %arg13[%add3A_44, %dma_wait3A_121] : memref<100352x16xf32, #tpu.memory_space<vmem_shared>> -> memref<512x16xf32, #tpu.memory_space<vmem_shared>>
      %dma_wait3A_123 = arith.constant 0 : i32
      %dma_wait3A_124 = tpu.memref_slice %arg13[%add3A_44, %dma_wait3A_123] : memref<100352x16xf32, #tpu.memory_space<vmem_shared>> -> memref<512x16xf32, #tpu.memory_space<vmem_shared>>
      %dma_wait3A_125 = arith.constant 0 : i32
      %dma_wait3A_126 = arith.constant 0 : i32
      %dma_wait3A_127 = tpu.memref_slice %arg11[%dma_wait3A_125, %dma_wait3A_126] : memref<512x16xf32, #tpu.memory_space<vmem>> -> memref<512x16xf32, #tpu.memory_space<vmem>>
      tpu.wait_dma2 semaphore(%run_scoped3A : memref<!tpu.dma_semaphore, #tpu.memory_space<semaphore_mem>>) src(%dma_wait3A_127 : memref<512x16xf32, #tpu.memory_space<vmem>>) dst(%dma_wait3A_124 : memref<512x16xf32, #tpu.memory_space<vmem_shared>>)
      tpu.yield
    }) : () -> ()
    %add3A_45 = arith.constant 2560 : i32
    %add3A_46 = arith.addi %multiple_of3A, %add3A_45 : i32
    "tpu.region"() ({
      %run_scoped3A = tpu.sem_alloc : memref<!tpu.dma_semaphore, #tpu.memory_space<semaphore_mem>>
      %dma_start3A = arith.constant 0 : i32
      %dma_start3A_110 = arith.constant 0 : i32
      %dma_start3A_111 = tpu.memref_slice %arg11[%dma_start3A, %dma_start3A_110] : memref<512x16xf32, #tpu.memory_space<vmem>> -> memref<512x16xf32, #tpu.memory_space<vmem>>
      %dma_start3A_112 = arith.constant 0 : i32
      %dma_start3A_113 = tpu.memref_slice %arg13[%add3A_46, %dma_start3A_112] : memref<100352x16xf32, #tpu.memory_space<vmem_shared>> -> memref<512x16xf32, #tpu.memory_space<vmem_shared>>
      %dma_start3A_114 = arith.constant 0 : i32
      %dma_start3A_115 = tpu.memref_slice %arg13[%add3A_46, %dma_start3A_114] : memref<100352x16xf32, #tpu.memory_space<vmem_shared>> -> memref<512x16xf32, #tpu.memory_space<vmem_shared>>
      %dma_start3A_116 = arith.constant 0 : i32
      %dma_start3A_117 = arith.constant 0 : i32
      %dma_start3A_118 = tpu.memref_slice %arg11[%dma_start3A_116, %dma_start3A_117] : memref<512x16xf32, #tpu.memory_space<vmem>> -> memref<512x16xf32, #tpu.memory_space<vmem>>
      tpu.enqueue_dma source(%dma_start3A_118 : memref<512x16xf32, #tpu.memory_space<vmem>>) target(%dma_start3A_115 : memref<512x16xf32, #tpu.memory_space<vmem_shared>>) target_semaphore(%run_scoped3A : memref<!tpu.dma_semaphore, #tpu.memory_space<semaphore_mem>>)
      %dma_wait3A = arith.constant 0 : i32
      %dma_wait3A_119 = arith.constant 0 : i32
      %dma_wait3A_120 = tpu.memref_slice %arg11[%dma_wait3A, %dma_wait3A_119] : memref<512x16xf32, #tpu.memory_space<vmem>> -> memref<512x16xf32, #tpu.memory_space<vmem>>
      %dma_wait3A_121 = arith.constant 0 : i32
      %dma_wait3A_122 = tpu.memref_slice %arg13[%add3A_46, %dma_wait3A_121] : memref<100352x16xf32, #tpu.memory_space<vmem_shared>> -> memref<512x16xf32, #tpu.memory_space<vmem_shared>>
      %dma_wait3A_123 = arith.constant 0 : i32
      %dma_wait3A_124 = tpu.memref_slice %arg13[%add3A_46, %dma_wait3A_123] : memref<100352x16xf32, #tpu.memory_space<vmem_shared>> -> memref<512x16xf32, #tpu.memory_space<vmem_shared>>
      %dma_wait3A_125 = arith.constant 0 : i32
      %dma_wait3A_126 = arith.constant 0 : i32
      %dma_wait3A_127 = tpu.memref_slice %arg11[%dma_wait3A_125, %dma_wait3A_126] : memref<512x16xf32, #tpu.memory_space<vmem>> -> memref<512x16xf32, #tpu.memory_space<vmem>>
      tpu.wait_dma2 semaphore(%run_scoped3A : memref<!tpu.dma_semaphore, #tpu.memory_space<semaphore_mem>>) src(%dma_wait3A_127 : memref<512x16xf32, #tpu.memory_space<vmem>>) dst(%dma_wait3A_124 : memref<512x16xf32, #tpu.memory_space<vmem_shared>>)
      tpu.yield
    }) : () -> ()
    %add3A_47 = arith.constant 3072 : i32
    %add3A_48 = arith.addi %multiple_of3A, %add3A_47 : i32
    "tpu.region"() ({
      %run_scoped3A = tpu.sem_alloc : memref<!tpu.dma_semaphore, #tpu.memory_space<semaphore_mem>>
      %dma_start3A = arith.constant 0 : i32
      %dma_start3A_110 = arith.constant 0 : i32
      %dma_start3A_111 = tpu.memref_slice %arg11[%dma_start3A, %dma_start3A_110] : memref<512x16xf32, #tpu.memory_space<vmem>> -> memref<512x16xf32, #tpu.memory_space<vmem>>
      %dma_start3A_112 = arith.constant 0 : i32
      %dma_start3A_113 = tpu.memref_slice %arg13[%add3A_48, %dma_start3A_112] : memref<100352x16xf32, #tpu.memory_space<vmem_shared>> -> memref<512x16xf32, #tpu.memory_space<vmem_shared>>
      %dma_start3A_114 = arith.constant 0 : i32
      %dma_start3A_115 = tpu.memref_slice %arg13[%add3A_48, %dma_start3A_114] : memref<100352x16xf32, #tpu.memory_space<vmem_shared>> -> memref<512x16xf32, #tpu.memory_space<vmem_shared>>
      %dma_start3A_116 = arith.constant 0 : i32
      %dma_start3A_117 = arith.constant 0 : i32
      %dma_start3A_118 = tpu.memref_slice %arg11[%dma_start3A_116, %dma_start3A_117] : memref<512x16xf32, #tpu.memory_space<vmem>> -> memref<512x16xf32, #tpu.memory_space<vmem>>
      tpu.enqueue_dma source(%dma_start3A_118 : memref<512x16xf32, #tpu.memory_space<vmem>>) target(%dma_start3A_115 : memref<512x16xf32, #tpu.memory_space<vmem_shared>>) target_semaphore(%run_scoped3A : memref<!tpu.dma_semaphore, #tpu.memory_space<semaphore_mem>>)
      %dma_wait3A = arith.constant 0 : i32
      %dma_wait3A_119 = arith.constant 0 : i32
      %dma_wait3A_120 = tpu.memref_slice %arg11[%dma_wait3A, %dma_wait3A_119] : memref<512x16xf32, #tpu.memory_space<vmem>> -> memref<512x16xf32, #tpu.memory_space<vmem>>
      %dma_wait3A_121 = arith.constant 0 : i32
      %dma_wait3A_122 = tpu.memref_slice %arg13[%add3A_48, %dma_wait3A_121] : memref<100352x16xf32, #tpu.memory_space<vmem_shared>> -> memref<512x16xf32, #tpu.memory_space<vmem_shared>>
      %dma_wait3A_123 = arith.constant 0 : i32
      %dma_wait3A_124 = tpu.memref_slice %arg13[%add3A_48, %dma_wait3A_123] : memref<100352x16xf32, #tpu.memory_space<vmem_shared>> -> memref<512x16xf32, #tpu.memory_space<vmem_shared>>
      %dma_wait3A_125 = arith.constant 0 : i32
      %dma_wait3A_126 = arith.constant 0 : i32
      %dma_wait3A_127 = tpu.memref_slice %arg11[%dma_wait3A_125, %dma_wait3A_126] : memref<512x16xf32, #tpu.memory_space<vmem>> -> memref<512x16xf32, #tpu.memory_space<vmem>>
      tpu.wait_dma2 semaphore(%run_scoped3A : memref<!tpu.dma_semaphore, #tpu.memory_space<semaphore_mem>>) src(%dma_wait3A_127 : memref<512x16xf32, #tpu.memory_space<vmem>>) dst(%dma_wait3A_124 : memref<512x16xf32, #tpu.memory_space<vmem_shared>>)
      tpu.yield
    }) : () -> ()
    %add3A_49 = arith.constant 3584 : i32
    %add3A_50 = arith.addi %multiple_of3A, %add3A_49 : i32
    "tpu.region"() ({
      %run_scoped3A = tpu.sem_alloc : memref<!tpu.dma_semaphore, #tpu.memory_space<semaphore_mem>>
      %dma_start3A = arith.constant 0 : i32
      %dma_start3A_110 = arith.constant 0 : i32
      %dma_start3A_111 = tpu.memref_slice %arg11[%dma_start3A, %dma_start3A_110] : memref<512x16xf32, #tpu.memory_space<vmem>> -> memref<512x16xf32, #tpu.memory_space<vmem>>
      %dma_start3A_112 = arith.constant 0 : i32
      %dma_start3A_113 = tpu.memref_slice %arg13[%add3A_50, %dma_start3A_112] : memref<100352x16xf32, #tpu.memory_space<vmem_shared>> -> memref<512x16xf32, #tpu.memory_space<vmem_shared>>
      %dma_start3A_114 = arith.constant 0 : i32
      %dma_start3A_115 = tpu.memref_slice %arg13[%add3A_50, %dma_start3A_114] : memref<100352x16xf32, #tpu.memory_space<vmem_shared>> -> memref<512x16xf32, #tpu.memory_space<vmem_shared>>
      %dma_start3A_116 = arith.constant 0 : i32
      %dma_start3A_117 = arith.constant 0 : i32
      %dma_start3A_118 = tpu.memref_slice %arg11[%dma_start3A_116, %dma_start3A_117] : memref<512x16xf32, #tpu.memory_space<vmem>> -> memref<512x16xf32, #tpu.memory_space<vmem>>
      tpu.enqueue_dma source(%dma_start3A_118 : memref<512x16xf32, #tpu.memory_space<vmem>>) target(%dma_start3A_115 : memref<512x16xf32, #tpu.memory_space<vmem_shared>>) target_semaphore(%run_scoped3A : memref<!tpu.dma_semaphore, #tpu.memory_space<semaphore_mem>>)
      %dma_wait3A = arith.constant 0 : i32
      %dma_wait3A_119 = arith.constant 0 : i32
      %dma_wait3A_120 = tpu.memref_slice %arg11[%dma_wait3A, %dma_wait3A_119] : memref<512x16xf32, #tpu.memory_space<vmem>> -> memref<512x16xf32, #tpu.memory_space<vmem>>
      %dma_wait3A_121 = arith.constant 0 : i32
      %dma_wait3A_122 = tpu.memref_slice %arg13[%add3A_50, %dma_wait3A_121] : memref<100352x16xf32, #tpu.memory_space<vmem_shared>> -> memref<512x16xf32, #tpu.memory_space<vmem_shared>>
      %dma_wait3A_123 = arith.constant 0 : i32
      %dma_wait3A_124 = tpu.memref_slice %arg13[%add3A_50, %dma_wait3A_123] : memref<100352x16xf32, #tpu.memory_space<vmem_shared>> -> memref<512x16xf32, #tpu.memory_space<vmem_shared>>
      %dma_wait3A_125 = arith.constant 0 : i32
      %dma_wait3A_126 = arith.constant 0 : i32
      %dma_wait3A_127 = tpu.memref_slice %arg11[%dma_wait3A_125, %dma_wait3A_126] : memref<512x16xf32, #tpu.memory_space<vmem>> -> memref<512x16xf32, #tpu.memory_space<vmem>>
      tpu.wait_dma2 semaphore(%run_scoped3A : memref<!tpu.dma_semaphore, #tpu.memory_space<semaphore_mem>>) src(%dma_wait3A_127 : memref<512x16xf32, #tpu.memory_space<vmem>>) dst(%dma_wait3A_124 : memref<512x16xf32, #tpu.memory_space<vmem_shared>>)
      tpu.yield
    }) : () -> ()
    %add3A_51 = arith.constant 4096 : i32
    %add3A_52 = arith.addi %multiple_of3A, %add3A_51 : i32
    "tpu.region"() ({
      %run_scoped3A = tpu.sem_alloc : memref<!tpu.dma_semaphore, #tpu.memory_space<semaphore_mem>>
      %dma_start3A = arith.constant 0 : i32
      %dma_start3A_110 = arith.constant 0 : i32
      %dma_start3A_111 = tpu.memref_slice %arg11[%dma_start3A, %dma_start3A_110] : memref<512x16xf32, #tpu.memory_space<vmem>> -> memref<512x16xf32, #tpu.memory_space<vmem>>
      %dma_start3A_112 = arith.constant 0 : i32
      %dma_start3A_113 = tpu.memref_slice %arg13[%add3A_52, %dma_start3A_112] : memref<100352x16xf32, #tpu.memory_space<vmem_shared>> -> memref<512x16xf32, #tpu.memory_space<vmem_shared>>
      %dma_start3A_114 = arith.constant 0 : i32
      %dma_start3A_115 = tpu.memref_slice %arg13[%add3A_52, %dma_start3A_114] : memref<100352x16xf32, #tpu.memory_space<vmem_shared>> -> memref<512x16xf32, #tpu.memory_space<vmem_shared>>
      %dma_start3A_116 = arith.constant 0 : i32
      %dma_start3A_117 = arith.constant 0 : i32
      %dma_start3A_118 = tpu.memref_slice %arg11[%dma_start3A_116, %dma_start3A_117] : memref<512x16xf32, #tpu.memory_space<vmem>> -> memref<512x16xf32, #tpu.memory_space<vmem>>
      tpu.enqueue_dma source(%dma_start3A_118 : memref<512x16xf32, #tpu.memory_space<vmem>>) target(%dma_start3A_115 : memref<512x16xf32, #tpu.memory_space<vmem_shared>>) target_semaphore(%run_scoped3A : memref<!tpu.dma_semaphore, #tpu.memory_space<semaphore_mem>>)
      %dma_wait3A = arith.constant 0 : i32
      %dma_wait3A_119 = arith.constant 0 : i32
      %dma_wait3A_120 = tpu.memref_slice %arg11[%dma_wait3A, %dma_wait3A_119] : memref<512x16xf32, #tpu.memory_space<vmem>> -> memref<512x16xf32, #tpu.memory_space<vmem>>
      %dma_wait3A_121 = arith.constant 0 : i32
      %dma_wait3A_122 = tpu.memref_slice %arg13[%add3A_52, %dma_wait3A_121] : memref<100352x16xf32, #tpu.memory_space<vmem_shared>> -> memref<512x16xf32, #tpu.memory_space<vmem_shared>>
      %dma_wait3A_123 = arith.constant 0 : i32
      %dma_wait3A_124 = tpu.memref_slice %arg13[%add3A_52, %dma_wait3A_123] : memref<100352x16xf32, #tpu.memory_space<vmem_shared>> -> memref<512x16xf32, #tpu.memory_space<vmem_shared>>
      %dma_wait3A_125 = arith.constant 0 : i32
      %dma_wait3A_126 = arith.constant 0 : i32
      %dma_wait3A_127 = tpu.memref_slice %arg11[%dma_wait3A_125, %dma_wait3A_126] : memref<512x16xf32, #tpu.memory_space<vmem>> -> memref<512x16xf32, #tpu.memory_space<vmem>>
      tpu.wait_dma2 semaphore(%run_scoped3A : memref<!tpu.dma_semaphore, #tpu.memory_space<semaphore_mem>>) src(%dma_wait3A_127 : memref<512x16xf32, #tpu.memory_space<vmem>>) dst(%dma_wait3A_124 : memref<512x16xf32, #tpu.memory_space<vmem_shared>>)
      tpu.yield
    }) : () -> ()
    %add3A_53 = arith.constant 4608 : i32
    %add3A_54 = arith.addi %multiple_of3A, %add3A_53 : i32
    "tpu.region"() ({
      %run_scoped3A = tpu.sem_alloc : memref<!tpu.dma_semaphore, #tpu.memory_space<semaphore_mem>>
      %dma_start3A = arith.constant 0 : i32
      %dma_start3A_110 = arith.constant 0 : i32
      %dma_start3A_111 = tpu.memref_slice %arg11[%dma_start3A, %dma_start3A_110] : memref<512x16xf32, #tpu.memory_space<vmem>> -> memref<512x16xf32, #tpu.memory_space<vmem>>
      %dma_start3A_112 = arith.constant 0 : i32
      %dma_start3A_113 = tpu.memref_slice %arg13[%add3A_54, %dma_start3A_112] : memref<100352x16xf32, #tpu.memory_space<vmem_shared>> -> memref<512x16xf32, #tpu.memory_space<vmem_shared>>
      %dma_start3A_114 = arith.constant 0 : i32
      %dma_start3A_115 = tpu.memref_slice %arg13[%add3A_54, %dma_start3A_114] : memref<100352x16xf32, #tpu.memory_space<vmem_shared>> -> memref<512x16xf32, #tpu.memory_space<vmem_shared>>
      %dma_start3A_116 = arith.constant 0 : i32
      %dma_start3A_117 = arith.constant 0 : i32
      %dma_start3A_118 = tpu.memref_slice %arg11[%dma_start3A_116, %dma_start3A_117] : memref<512x16xf32, #tpu.memory_space<vmem>> -> memref<512x16xf32, #tpu.memory_space<vmem>>
      tpu.enqueue_dma source(%dma_start3A_118 : memref<512x16xf32, #tpu.memory_space<vmem>>) target(%dma_start3A_115 : memref<512x16xf32, #tpu.memory_space<vmem_shared>>) target_semaphore(%run_scoped3A : memref<!tpu.dma_semaphore, #tpu.memory_space<semaphore_mem>>)
      %dma_wait3A = arith.constant 0 : i32
      %dma_wait3A_119 = arith.constant 0 : i32
      %dma_wait3A_120 = tpu.memref_slice %arg11[%dma_wait3A, %dma_wait3A_119] : memref<512x16xf32, #tpu.memory_space<vmem>> -> memref<512x16xf32, #tpu.memory_space<vmem>>
      %dma_wait3A_121 = arith.constant 0 : i32
      %dma_wait3A_122 = tpu.memref_slice %arg13[%add3A_54, %dma_wait3A_121] : memref<100352x16xf32, #tpu.memory_space<vmem_shared>> -> memref<512x16xf32, #tpu.memory_space<vmem_shared>>
      %dma_wait3A_123 = arith.constant 0 : i32
      %dma_wait3A_124 = tpu.memref_slice %arg13[%add3A_54, %dma_wait3A_123] : memref<100352x16xf32, #tpu.memory_space<vmem_shared>> -> memref<512x16xf32, #tpu.memory_space<vmem_shared>>
      %dma_wait3A_125 = arith.constant 0 : i32
      %dma_wait3A_126 = arith.constant 0 : i32
      %dma_wait3A_127 = tpu.memref_slice %arg11[%dma_wait3A_125, %dma_wait3A_126] : memref<512x16xf32, #tpu.memory_space<vmem>> -> memref<512x16xf32, #tpu.memory_space<vmem>>
      tpu.wait_dma2 semaphore(%run_scoped3A : memref<!tpu.dma_semaphore, #tpu.memory_space<semaphore_mem>>) src(%dma_wait3A_127 : memref<512x16xf32, #tpu.memory_space<vmem>>) dst(%dma_wait3A_124 : memref<512x16xf32, #tpu.memory_space<vmem_shared>>)
      tpu.yield
    }) : () -> ()
    %add3A_55 = arith.constant 5120 : i32
    %add3A_56 = arith.addi %multiple_of3A, %add3A_55 : i32
    "tpu.region"() ({
      %run_scoped3A = tpu.sem_alloc : memref<!tpu.dma_semaphore, #tpu.memory_space<semaphore_mem>>
      %dma_start3A = arith.constant 0 : i32
      %dma_start3A_110 = arith.constant 0 : i32
      %dma_start3A_111 = tpu.memref_slice %arg11[%dma_start3A, %dma_start3A_110] : memref<512x16xf32, #tpu.memory_space<vmem>> -> memref<512x16xf32, #tpu.memory_space<vmem>>
      %dma_start3A_112 = arith.constant 0 : i32
      %dma_start3A_113 = tpu.memref_slice %arg13[%add3A_56, %dma_start3A_112] : memref<100352x16xf32, #tpu.memory_space<vmem_shared>> -> memref<512x16xf32, #tpu.memory_space<vmem_shared>>
      %dma_start3A_114 = arith.constant 0 : i32
      %dma_start3A_115 = tpu.memref_slice %arg13[%add3A_56, %dma_start3A_114] : memref<100352x16xf32, #tpu.memory_space<vmem_shared>> -> memref<512x16xf32, #tpu.memory_space<vmem_shared>>
      %dma_start3A_116 = arith.constant 0 : i32
      %dma_start3A_117 = arith.constant 0 : i32
      %dma_start3A_118 = tpu.memref_slice %arg11[%dma_start3A_116, %dma_start3A_117] : memref<512x16xf32, #tpu.memory_space<vmem>> -> memref<512x16xf32, #tpu.memory_space<vmem>>
      tpu.enqueue_dma source(%dma_start3A_118 : memref<512x16xf32, #tpu.memory_space<vmem>>) target(%dma_start3A_115 : memref<512x16xf32, #tpu.memory_space<vmem_shared>>) target_semaphore(%run_scoped3A : memref<!tpu.dma_semaphore, #tpu.memory_space<semaphore_mem>>)
      %dma_wait3A = arith.constant 0 : i32
      %dma_wait3A_119 = arith.constant 0 : i32
      %dma_wait3A_120 = tpu.memref_slice %arg11[%dma_wait3A, %dma_wait3A_119] : memref<512x16xf32, #tpu.memory_space<vmem>> -> memref<512x16xf32, #tpu.memory_space<vmem>>
      %dma_wait3A_121 = arith.constant 0 : i32
      %dma_wait3A_122 = tpu.memref_slice %arg13[%add3A_56, %dma_wait3A_121] : memref<100352x16xf32, #tpu.memory_space<vmem_shared>> -> memref<512x16xf32, #tpu.memory_space<vmem_shared>>
      %dma_wait3A_123 = arith.constant 0 : i32
      %dma_wait3A_124 = tpu.memref_slice %arg13[%add3A_56, %dma_wait3A_123] : memref<100352x16xf32, #tpu.memory_space<vmem_shared>> -> memref<512x16xf32, #tpu.memory_space<vmem_shared>>
      %dma_wait3A_125 = arith.constant 0 : i32
      %dma_wait3A_126 = arith.constant 0 : i32
      %dma_wait3A_127 = tpu.memref_slice %arg11[%dma_wait3A_125, %dma_wait3A_126] : memref<512x16xf32, #tpu.memory_space<vmem>> -> memref<512x16xf32, #tpu.memory_space<vmem>>
      tpu.wait_dma2 semaphore(%run_scoped3A : memref<!tpu.dma_semaphore, #tpu.memory_space<semaphore_mem>>) src(%dma_wait3A_127 : memref<512x16xf32, #tpu.memory_space<vmem>>) dst(%dma_wait3A_124 : memref<512x16xf32, #tpu.memory_space<vmem_shared>>)
      tpu.yield
    }) : () -> ()
    %add3A_57 = arith.constant 5632 : i32
    %add3A_58 = arith.addi %multiple_of3A, %add3A_57 : i32
    "tpu.region"() ({
      %run_scoped3A = tpu.sem_alloc : memref<!tpu.dma_semaphore, #tpu.memory_space<semaphore_mem>>
      %dma_start3A = arith.constant 0 : i32
      %dma_start3A_110 = arith.constant 0 : i32
      %dma_start3A_111 = tpu.memref_slice %arg11[%dma_start3A, %dma_start3A_110] : memref<512x16xf32, #tpu.memory_space<vmem>> -> memref<512x16xf32, #tpu.memory_space<vmem>>
      %dma_start3A_112 = arith.constant 0 : i32
      %dma_start3A_113 = tpu.memref_slice %arg13[%add3A_58, %dma_start3A_112] : memref<100352x16xf32, #tpu.memory_space<vmem_shared>> -> memref<512x16xf32, #tpu.memory_space<vmem_shared>>
      %dma_start3A_114 = arith.constant 0 : i32
      %dma_start3A_115 = tpu.memref_slice %arg13[%add3A_58, %dma_start3A_114] : memref<100352x16xf32, #tpu.memory_space<vmem_shared>> -> memref<512x16xf32, #tpu.memory_space<vmem_shared>>
      %dma_start3A_116 = arith.constant 0 : i32
      %dma_start3A_117 = arith.constant 0 : i32
      %dma_start3A_118 = tpu.memref_slice %arg11[%dma_start3A_116, %dma_start3A_117] : memref<512x16xf32, #tpu.memory_space<vmem>> -> memref<512x16xf32, #tpu.memory_space<vmem>>
      tpu.enqueue_dma source(%dma_start3A_118 : memref<512x16xf32, #tpu.memory_space<vmem>>) target(%dma_start3A_115 : memref<512x16xf32, #tpu.memory_space<vmem_shared>>) target_semaphore(%run_scoped3A : memref<!tpu.dma_semaphore, #tpu.memory_space<semaphore_mem>>)
      %dma_wait3A = arith.constant 0 : i32
      %dma_wait3A_119 = arith.constant 0 : i32
      %dma_wait3A_120 = tpu.memref_slice %arg11[%dma_wait3A, %dma_wait3A_119] : memref<512x16xf32, #tpu.memory_space<vmem>> -> memref<512x16xf32, #tpu.memory_space<vmem>>
      %dma_wait3A_121 = arith.constant 0 : i32
      %dma_wait3A_122 = tpu.memref_slice %arg13[%add3A_58, %dma_wait3A_121] : memref<100352x16xf32, #tpu.memory_space<vmem_shared>> -> memref<512x16xf32, #tpu.memory_space<vmem_shared>>
      %dma_wait3A_123 = arith.constant 0 : i32
      %dma_wait3A_124 = tpu.memref_slice %arg13[%add3A_58, %dma_wait3A_123] : memref<100352x16xf32, #tpu.memory_space<vmem_shared>> -> memref<512x16xf32, #tpu.memory_space<vmem_shared>>
      %dma_wait3A_125 = arith.constant 0 : i32
      %dma_wait3A_126 = arith.constant 0 : i32
      %dma_wait3A_127 = tpu.memref_slice %arg11[%dma_wait3A_125, %dma_wait3A_126] : memref<512x16xf32, #tpu.memory_space<vmem>> -> memref<512x16xf32, #tpu.memory_space<vmem>>
      tpu.wait_dma2 semaphore(%run_scoped3A : memref<!tpu.dma_semaphore, #tpu.memory_space<semaphore_mem>>) src(%dma_wait3A_127 : memref<512x16xf32, #tpu.memory_space<vmem>>) dst(%dma_wait3A_124 : memref<512x16xf32, #tpu.memory_space<vmem_shared>>)
      tpu.yield
    }) : () -> ()
    %add3A_59 = arith.constant 6144 : i32
    %add3A_60 = arith.addi %multiple_of3A, %add3A_59 : i32
    "tpu.region"() ({
      %run_scoped3A = tpu.sem_alloc : memref<!tpu.dma_semaphore, #tpu.memory_space<semaphore_mem>>
      %dma_start3A = arith.constant 0 : i32
      %dma_start3A_110 = arith.constant 0 : i32
      %dma_start3A_111 = tpu.memref_slice %arg11[%dma_start3A, %dma_start3A_110] : memref<512x16xf32, #tpu.memory_space<vmem>> -> memref<128x16xf32, #tpu.memory_space<vmem>>
      %dma_start3A_112 = arith.constant 0 : i32
      %dma_start3A_113 = tpu.memref_slice %arg13[%add3A_60, %dma_start3A_112] : memref<100352x16xf32, #tpu.memory_space<vmem_shared>> -> memref<128x16xf32, #tpu.memory_space<vmem_shared>>
      %dma_start3A_114 = arith.constant 0 : i32
      %dma_start3A_115 = tpu.memref_slice %arg13[%add3A_60, %dma_start3A_114] : memref<100352x16xf32, #tpu.memory_space<vmem_shared>> -> memref<128x16xf32, #tpu.memory_space<vmem_shared>>
      %dma_start3A_116 = arith.constant 0 : i32
      %dma_start3A_117 = arith.constant 0 : i32
      %dma_start3A_118 = tpu.memref_slice %arg11[%dma_start3A_116, %dma_start3A_117] : memref<512x16xf32, #tpu.memory_space<vmem>> -> memref<128x16xf32, #tpu.memory_space<vmem>>
      tpu.enqueue_dma source(%dma_start3A_118 : memref<128x16xf32, #tpu.memory_space<vmem>>) target(%dma_start3A_115 : memref<128x16xf32, #tpu.memory_space<vmem_shared>>) target_semaphore(%run_scoped3A : memref<!tpu.dma_semaphore, #tpu.memory_space<semaphore_mem>>)
      %dma_wait3A = arith.constant 0 : i32
      %dma_wait3A_119 = arith.constant 0 : i32
      %dma_wait3A_120 = tpu.memref_slice %arg11[%dma_wait3A, %dma_wait3A_119] : memref<512x16xf32, #tpu.memory_space<vmem>> -> memref<128x16xf32, #tpu.memory_space<vmem>>
      %dma_wait3A_121 = arith.constant 0 : i32
      %dma_wait3A_122 = tpu.memref_slice %arg13[%add3A_60, %dma_wait3A_121] : memref<100352x16xf32, #tpu.memory_space<vmem_shared>> -> memref<128x16xf32, #tpu.memory_space<vmem_shared>>
      %dma_wait3A_123 = arith.constant 0 : i32
      %dma_wait3A_124 = tpu.memref_slice %arg13[%add3A_60, %dma_wait3A_123] : memref<100352x16xf32, #tpu.memory_space<vmem_shared>> -> memref<128x16xf32, #tpu.memory_space<vmem_shared>>
      %dma_wait3A_125 = arith.constant 0 : i32
      %dma_wait3A_126 = arith.constant 0 : i32
      %dma_wait3A_127 = tpu.memref_slice %arg11[%dma_wait3A_125, %dma_wait3A_126] : memref<512x16xf32, #tpu.memory_space<vmem>> -> memref<128x16xf32, #tpu.memory_space<vmem>>
      tpu.wait_dma2 semaphore(%run_scoped3A : memref<!tpu.dma_semaphore, #tpu.memory_space<semaphore_mem>>) src(%dma_wait3A_127 : memref<128x16xf32, #tpu.memory_space<vmem>>) dst(%dma_wait3A_124 : memref<128x16xf32, #tpu.memory_space<vmem_shared>>)
      tpu.yield
    }) : () -> ()
    %barrier3A = arith.constant 0 : index
    tpu.barrier barrier_id(%barrier3A)
    %scan3A_61 = arith.constant 0 : i32
    %scan3A_62 = arith.constant 49 : i32
    %scan3A_63 = arith.addi %scan3A_61, %scan3A_62 : i32
    %scan3A_64 = arith.constant 1 : i32
    scf.for %scan3A_110 = %scan3A_61 to %scan3A_63 step %scan3A_64  : i32 {
      %mul3A_111 = arith.constant 4 : i32
      %mul3A_112 = arith.muli %scan3A_110, %mul3A_111 : i32
      %add3A_113 = arith.constant 0 : i32
      %add3A_114 = arith.addi %add3A_113, %mul3A_112 : i32
      %mul3A_115 = arith.constant 4 : i32
      %mul3A_116 = arith.muli %add3A_114, %mul3A_115 : i32
      %add3A_117 = arith.addi %select_n3A_30, %mul3A_116 : i32
      %multiple_of3A_118 = tpu.assume_multiple %add3A_117, 8 : i32
      %mul3A_119 = arith.constant 512 : i32
      %mul3A_120 = arith.muli %add3A_114, %mul3A_119 : i32
      %add3A_121 = arith.addi %mul3A_12, %mul3A_120 : i32
      %multiple_of3A_122 = tpu.assume_multiple %add3A_121, 8 : i32
      "tpu.region"() ({
        %run_scoped3A = tpu.sem_alloc : memref<!tpu.dma_semaphore, #tpu.memory_space<semaphore_mem>>
        %dma_start3A_772 = arith.constant 0 : i32
        %dma_start3A_773 = tpu.memref_slice %arg3[%multiple_of3A_118, %dma_start3A_772] : memref<25088x128xi32, #tpu.memory_space<hbm>> -> memref<16x128xi32, #tpu.memory_space<hbm>>
        %dma_start3A_774 = arith.constant 0 : i32
        %dma_start3A_775 = tpu.memref_slice %arg3[%multiple_of3A_118, %dma_start3A_774] : memref<25088x128xi32, #tpu.memory_space<hbm>> -> memref<16x128xi32, #tpu.memory_space<hbm>>
        tpu.enqueue_dma source(%dma_start3A_775 : memref<16x128xi32, #tpu.memory_space<hbm>>) target(%arg8 : memref<16x128xi32, #tpu.memory_space<vmem>>) target_semaphore(%run_scoped3A : memref<!tpu.dma_semaphore, #tpu.memory_space<semaphore_mem>>)
        %dma_wait3A_776 = arith.constant 0 : i32
        %dma_wait3A_777 = tpu.memref_slice %arg3[%multiple_of3A_118, %dma_wait3A_776] : memref<25088x128xi32, #tpu.memory_space<hbm>> -> memref<16x128xi32, #tpu.memory_space<hbm>>
        %dma_wait3A_778 = arith.constant 0 : i32
        %dma_wait3A_779 = tpu.memref_slice %arg3[%multiple_of3A_118, %dma_wait3A_778] : memref<25088x128xi32, #tpu.memory_space<hbm>> -> memref<16x128xi32, #tpu.memory_space<hbm>>
        tpu.wait_dma2 semaphore(%run_scoped3A : memref<!tpu.dma_semaphore, #tpu.memory_space<semaphore_mem>>) src(%dma_wait3A_779 : memref<16x128xi32, #tpu.memory_space<hbm>>) dst(%arg8 : memref<16x128xi32, #tpu.memory_space<vmem>>)
        tpu.yield
      }) : () -> ()
      "tpu.region"() ({
        %run_scoped3A = tpu.sem_alloc : memref<!tpu.dma_semaphore, #tpu.memory_space<semaphore_mem>>
        %dma_start3A_772 = arith.constant 0 : i32
        %dma_start3A_773 = tpu.memref_slice %arg4[%multiple_of3A_118, %dma_start3A_772] : memref<25088x128xi32, #tpu.memory_space<hbm>> -> memref<16x128xi32, #tpu.memory_space<hbm>>
        %dma_start3A_774 = arith.constant 0 : i32
        %dma_start3A_775 = tpu.memref_slice %arg4[%multiple_of3A_118, %dma_start3A_774] : memref<25088x128xi32, #tpu.memory_space<hbm>> -> memref<16x128xi32, #tpu.memory_space<hbm>>
        tpu.enqueue_dma source(%dma_start3A_775 : memref<16x128xi32, #tpu.memory_space<hbm>>) target(%arg9 : memref<16x128xi32, #tpu.memory_space<vmem>>) target_semaphore(%run_scoped3A : memref<!tpu.dma_semaphore, #tpu.memory_space<semaphore_mem>>)
        %dma_wait3A_776 = arith.constant 0 : i32
        %dma_wait3A_777 = tpu.memref_slice %arg4[%multiple_of3A_118, %dma_wait3A_776] : memref<25088x128xi32, #tpu.memory_space<hbm>> -> memref<16x128xi32, #tpu.memory_space<hbm>>
        %dma_wait3A_778 = arith.constant 0 : i32
        %dma_wait3A_779 = tpu.memref_slice %arg4[%multiple_of3A_118, %dma_wait3A_778] : memref<25088x128xi32, #tpu.memory_space<hbm>> -> memref<16x128xi32, #tpu.memory_space<hbm>>
        tpu.wait_dma2 semaphore(%run_scoped3A : memref<!tpu.dma_semaphore, #tpu.memory_space<semaphore_mem>>) src(%dma_wait3A_779 : memref<16x128xi32, #tpu.memory_space<hbm>>) dst(%arg9 : memref<16x128xi32, #tpu.memory_space<vmem>>)
        tpu.yield
      }) : () -> ()
      "tpu.region"() ({
        %run_scoped3A = tpu.sem_alloc : memref<!tpu.dma_semaphore, #tpu.memory_space<semaphore_mem>>
        %dma_start3A_772 = tpu.memref_slice %arg5[%multiple_of3A_122] : memref<3211264xf32, #tpu.memory_space<hbm>> -> memref<2048xf32, #tpu.memory_space<hbm>>
        %dma_start3A_773 = tpu.memref_slice %arg5[%multiple_of3A_122] : memref<3211264xf32, #tpu.memory_space<hbm>> -> memref<2048xf32, #tpu.memory_space<hbm>>
        tpu.enqueue_dma source(%dma_start3A_773 : memref<2048xf32, #tpu.memory_space<hbm>>) target(%arg10 : memref<2048xf32, #tpu.memory_space<vmem>>) target_semaphore(%run_scoped3A : memref<!tpu.dma_semaphore, #tpu.memory_space<semaphore_mem>>)
        %dma_wait3A_774 = tpu.memref_slice %arg5[%multiple_of3A_122] : memref<3211264xf32, #tpu.memory_space<hbm>> -> memref<2048xf32, #tpu.memory_space<hbm>>
        %dma_wait3A_775 = tpu.memref_slice %arg5[%multiple_of3A_122] : memref<3211264xf32, #tpu.memory_space<hbm>> -> memref<2048xf32, #tpu.memory_space<hbm>>
        tpu.wait_dma2 semaphore(%run_scoped3A : memref<!tpu.dma_semaphore, #tpu.memory_space<semaphore_mem>>) src(%dma_wait3A_775 : memref<2048xf32, #tpu.memory_space<hbm>>) dst(%arg10 : memref<2048xf32, #tpu.memory_space<vmem>>)
        tpu.yield
      }) : () -> ()
      %dma_start3A = arith.constant 0 : i32
      %dma_start3A_123 = arith.constant 0 : i32
      %dma_start3A_124 = arith.constant 0 : i32
      %dma_start3A_125 = tpu.memref_slice %arg11[%dma_start3A_123, %dma_start3A_124] : memref<512x16xf32, #tpu.memory_space<vmem>> -> memref<128x16xf32, #tpu.memory_space<vmem>>
      %dma_start3A_126 = arith.constant 0 : i32
      %dma_start3A_127 = tpu.memref_slice %arg8[%dma_start3A, %dma_start3A_126] : memref<16x128xi32, #tpu.memory_space<vmem>> -> memref<1x128xi32, #tpu.memory_space<vmem>>
      %dma_start3A_128 = tpu.memref_squeeze %dma_start3A_127 : memref<1x128xi32, #tpu.memory_space<vmem>> -> memref<128xi32, #tpu.memory_space<vmem>>
      %dma_start3A_129 = arith.constant 0 : i32
      %dma_start3A_130 = arith.constant 0 : i32
      %dma_start3A_131 = tpu.memref_slice %arg2[%dma_start3A_129, %dma_start3A_130] : memref<100000x16xf32, #tpu.memory_space<hbm>> -> memref<100000x16xf32, #tpu.memory_space<hbm>>
      tpu.enqueue_indirect_dma source(%dma_start3A_131 : memref<100000x16xf32, #tpu.memory_space<hbm>>) target(%dma_start3A_125 : memref<128x16xf32, #tpu.memory_space<vmem>>) offsets(%dma_start3A_128 : memref<128xi32, #tpu.memory_space<vmem>>) semaphore(%arg14 : memref<!tpu.dma_semaphore, #tpu.memory_space<semaphore_mem>>)
      %dma_start3A_132 = arith.constant 1 : i32
      %dma_start3A_133 = arith.constant 128 : i32
      %dma_start3A_134 = arith.constant 0 : i32
      %dma_start3A_135 = tpu.memref_slice %arg11[%dma_start3A_133, %dma_start3A_134] : memref<512x16xf32, #tpu.memory_space<vmem>> -> memref<128x16xf32, #tpu.memory_space<vmem>>
      %dma_start3A_136 = arith.constant 0 : i32
      %dma_start3A_137 = tpu.memref_slice %arg8[%dma_start3A_132, %dma_start3A_136] : memref<16x128xi32, #tpu.memory_space<vmem>> -> memref<1x128xi32, #tpu.memory_space<vmem>>
      %dma_start3A_138 = tpu.memref_squeeze %dma_start3A_137 : memref<1x128xi32, #tpu.memory_space<vmem>> -> memref<128xi32, #tpu.memory_space<vmem>>
      %dma_start3A_139 = arith.constant 0 : i32
      %dma_start3A_140 = arith.constant 0 : i32
      %dma_start3A_141 = tpu.memref_slice %arg2[%dma_start3A_139, %dma_start3A_140] : memref<100000x16xf32, #tpu.memory_space<hbm>> -> memref<100000x16xf32, #tpu.memory_space<hbm>>
      tpu.enqueue_indirect_dma source(%dma_start3A_141 : memref<100000x16xf32, #tpu.memory_space<hbm>>) target(%dma_start3A_135 : memref<128x16xf32, #tpu.memory_space<vmem>>) offsets(%dma_start3A_138 : memref<128xi32, #tpu.memory_space<vmem>>) semaphore(%arg14 : memref<!tpu.dma_semaphore, #tpu.memory_space<semaphore_mem>>)
      %dma_start3A_142 = arith.constant 2 : i32
      %dma_start3A_143 = arith.constant 256 : i32
      %dma_start3A_144 = arith.constant 0 : i32
      %dma_start3A_145 = tpu.memref_slice %arg11[%dma_start3A_143, %dma_start3A_144] : memref<512x16xf32, #tpu.memory_space<vmem>> -> memref<128x16xf32, #tpu.memory_space<vmem>>
      %dma_start3A_146 = arith.constant 0 : i32
      %dma_start3A_147 = tpu.memref_slice %arg8[%dma_start3A_142, %dma_start3A_146] : memref<16x128xi32, #tpu.memory_space<vmem>> -> memref<1x128xi32, #tpu.memory_space<vmem>>
      %dma_start3A_148 = tpu.memref_squeeze %dma_start3A_147 : memref<1x128xi32, #tpu.memory_space<vmem>> -> memref<128xi32, #tpu.memory_space<vmem>>
      %dma_start3A_149 = arith.constant 0 : i32
      %dma_start3A_150 = arith.constant 0 : i32
      %dma_start3A_151 = tpu.memref_slice %arg2[%dma_start3A_149, %dma_start3A_150] : memref<100000x16xf32, #tpu.memory_space<hbm>> -> memref<100000x16xf32, #tpu.memory_space<hbm>>
      tpu.enqueue_indirect_dma source(%dma_start3A_151 : memref<100000x16xf32, #tpu.memory_space<hbm>>) target(%dma_start3A_145 : memref<128x16xf32, #tpu.memory_space<vmem>>) offsets(%dma_start3A_148 : memref<128xi32, #tpu.memory_space<vmem>>) semaphore(%arg14 : memref<!tpu.dma_semaphore, #tpu.memory_space<semaphore_mem>>)
      %dma_start3A_152 = arith.constant 3 : i32
      %dma_start3A_153 = arith.constant 384 : i32
      %dma_start3A_154 = arith.constant 0 : i32
      %dma_start3A_155 = tpu.memref_slice %arg11[%dma_start3A_153, %dma_start3A_154] : memref<512x16xf32, #tpu.memory_space<vmem>> -> memref<128x16xf32, #tpu.memory_space<vmem>>
      %dma_start3A_156 = arith.constant 0 : i32
      %dma_start3A_157 = tpu.memref_slice %arg8[%dma_start3A_152, %dma_start3A_156] : memref<16x128xi32, #tpu.memory_space<vmem>> -> memref<1x128xi32, #tpu.memory_space<vmem>>
      %dma_start3A_158 = tpu.memref_squeeze %dma_start3A_157 : memref<1x128xi32, #tpu.memory_space<vmem>> -> memref<128xi32, #tpu.memory_space<vmem>>
      %dma_start3A_159 = arith.constant 0 : i32
      %dma_start3A_160 = arith.constant 0 : i32
      %dma_start3A_161 = tpu.memref_slice %arg2[%dma_start3A_159, %dma_start3A_160] : memref<100000x16xf32, #tpu.memory_space<hbm>> -> memref<100000x16xf32, #tpu.memory_space<hbm>>
      tpu.enqueue_indirect_dma source(%dma_start3A_161 : memref<100000x16xf32, #tpu.memory_space<hbm>>) target(%dma_start3A_155 : memref<128x16xf32, #tpu.memory_space<vmem>>) offsets(%dma_start3A_158 : memref<128xi32, #tpu.memory_space<vmem>>) semaphore(%arg14 : memref<!tpu.dma_semaphore, #tpu.memory_space<semaphore_mem>>)
      %dma_start3A_162 = arith.constant 4 : i32
      %dma_start3A_163 = arith.constant 0 : i32
      %dma_start3A_164 = arith.constant 0 : i32
      %dma_start3A_165 = tpu.memref_slice %arg12[%dma_start3A_163, %dma_start3A_164] : memref<512x16xf32, #tpu.memory_space<vmem>> -> memref<128x16xf32, #tpu.memory_space<vmem>>
      %dma_start3A_166 = arith.constant 0 : i32
      %dma_start3A_167 = tpu.memref_slice %arg8[%dma_start3A_162, %dma_start3A_166] : memref<16x128xi32, #tpu.memory_space<vmem>> -> memref<1x128xi32, #tpu.memory_space<vmem>>
      %dma_start3A_168 = tpu.memref_squeeze %dma_start3A_167 : memref<1x128xi32, #tpu.memory_space<vmem>> -> memref<128xi32, #tpu.memory_space<vmem>>
      %dma_start3A_169 = arith.constant 0 : i32
      %dma_start3A_170 = arith.constant 0 : i32
      %dma_start3A_171 = tpu.memref_slice %arg2[%dma_start3A_169, %dma_start3A_170] : memref<100000x16xf32, #tpu.memory_space<hbm>> -> memref<100000x16xf32, #tpu.memory_space<hbm>>
      tpu.enqueue_indirect_dma source(%dma_start3A_171 : memref<100000x16xf32, #tpu.memory_space<hbm>>) target(%dma_start3A_165 : memref<128x16xf32, #tpu.memory_space<vmem>>) offsets(%dma_start3A_168 : memref<128xi32, #tpu.memory_space<vmem>>) semaphore(%arg14 : memref<!tpu.dma_semaphore, #tpu.memory_space<semaphore_mem>>)
      %dma_start3A_172 = arith.constant 5 : i32
      %dma_start3A_173 = arith.constant 128 : i32
      %dma_start3A_174 = arith.constant 0 : i32
      %dma_start3A_175 = tpu.memref_slice %arg12[%dma_start3A_173, %dma_start3A_174] : memref<512x16xf32, #tpu.memory_space<vmem>> -> memref<128x16xf32, #tpu.memory_space<vmem>>
      %dma_start3A_176 = arith.constant 0 : i32
      %dma_start3A_177 = tpu.memref_slice %arg8[%dma_start3A_172, %dma_start3A_176] : memref<16x128xi32, #tpu.memory_space<vmem>> -> memref<1x128xi32, #tpu.memory_space<vmem>>
      %dma_start3A_178 = tpu.memref_squeeze %dma_start3A_177 : memref<1x128xi32, #tpu.memory_space<vmem>> -> memref<128xi32, #tpu.memory_space<vmem>>
      %dma_start3A_179 = arith.constant 0 : i32
      %dma_start3A_180 = arith.constant 0 : i32
      %dma_start3A_181 = tpu.memref_slice %arg2[%dma_start3A_179, %dma_start3A_180] : memref<100000x16xf32, #tpu.memory_space<hbm>> -> memref<100000x16xf32, #tpu.memory_space<hbm>>
      tpu.enqueue_indirect_dma source(%dma_start3A_181 : memref<100000x16xf32, #tpu.memory_space<hbm>>) target(%dma_start3A_175 : memref<128x16xf32, #tpu.memory_space<vmem>>) offsets(%dma_start3A_178 : memref<128xi32, #tpu.memory_space<vmem>>) semaphore(%arg14 : memref<!tpu.dma_semaphore, #tpu.memory_space<semaphore_mem>>)
      %dma_start3A_182 = arith.constant 6 : i32
      %dma_start3A_183 = arith.constant 256 : i32
      %dma_start3A_184 = arith.constant 0 : i32
      %dma_start3A_185 = tpu.memref_slice %arg12[%dma_start3A_183, %dma_start3A_184] : memref<512x16xf32, #tpu.memory_space<vmem>> -> memref<128x16xf32, #tpu.memory_space<vmem>>
      %dma_start3A_186 = arith.constant 0 : i32
      %dma_start3A_187 = tpu.memref_slice %arg8[%dma_start3A_182, %dma_start3A_186] : memref<16x128xi32, #tpu.memory_space<vmem>> -> memref<1x128xi32, #tpu.memory_space<vmem>>
      %dma_start3A_188 = tpu.memref_squeeze %dma_start3A_187 : memref<1x128xi32, #tpu.memory_space<vmem>> -> memref<128xi32, #tpu.memory_space<vmem>>
      %dma_start3A_189 = arith.constant 0 : i32
      %dma_start3A_190 = arith.constant 0 : i32
      %dma_start3A_191 = tpu.memref_slice %arg2[%dma_start3A_189, %dma_start3A_190] : memref<100000x16xf32, #tpu.memory_space<hbm>> -> memref<100000x16xf32, #tpu.memory_space<hbm>>
      tpu.enqueue_indirect_dma source(%dma_start3A_191 : memref<100000x16xf32, #tpu.memory_space<hbm>>) target(%dma_start3A_185 : memref<128x16xf32, #tpu.memory_space<vmem>>) offsets(%dma_start3A_188 : memref<128xi32, #tpu.memory_space<vmem>>) semaphore(%arg14 : memref<!tpu.dma_semaphore, #tpu.memory_space<semaphore_mem>>)
      %dma_start3A_192 = arith.constant 7 : i32
      %dma_start3A_193 = arith.constant 384 : i32
      %dma_start3A_194 = arith.constant 0 : i32
      %dma_start3A_195 = tpu.memref_slice %arg12[%dma_start3A_193, %dma_start3A_194] : memref<512x16xf32, #tpu.memory_space<vmem>> -> memref<128x16xf32, #tpu.memory_space<vmem>>
      %dma_start3A_196 = arith.constant 0 : i32
      %dma_start3A_197 = tpu.memref_slice %arg8[%dma_start3A_192, %dma_start3A_196] : memref<16x128xi32, #tpu.memory_space<vmem>> -> memref<1x128xi32, #tpu.memory_space<vmem>>
      %dma_start3A_198 = tpu.memref_squeeze %dma_start3A_197 : memref<1x128xi32, #tpu.memory_space<vmem>> -> memref<128xi32, #tpu.memory_space<vmem>>
      %dma_start3A_199 = arith.constant 0 : i32
      %dma_start3A_200 = arith.constant 0 : i32
      %dma_start3A_201 = tpu.memref_slice %arg2[%dma_start3A_199, %dma_start3A_200] : memref<100000x16xf32, #tpu.memory_space<hbm>> -> memref<100000x16xf32, #tpu.memory_space<hbm>>
      tpu.enqueue_indirect_dma source(%dma_start3A_201 : memref<100000x16xf32, #tpu.memory_space<hbm>>) target(%dma_start3A_195 : memref<128x16xf32, #tpu.memory_space<vmem>>) offsets(%dma_start3A_198 : memref<128xi32, #tpu.memory_space<vmem>>) semaphore(%arg14 : memref<!tpu.dma_semaphore, #tpu.memory_space<semaphore_mem>>)
      %dma_wait3A = arith.constant 0 : i32
      %dma_wait3A_202 = arith.constant 0 : i32
      %dma_wait3A_203 = arith.constant 0 : i32
      %dma_wait3A_204 = tpu.memref_slice %arg11[%dma_wait3A_202, %dma_wait3A_203] : memref<512x16xf32, #tpu.memory_space<vmem>> -> memref<128x16xf32, #tpu.memory_space<vmem>>
      %dma_wait3A_205 = arith.constant 0 : i32
      %dma_wait3A_206 = tpu.memref_slice %arg8[%dma_wait3A, %dma_wait3A_205] : memref<16x128xi32, #tpu.memory_space<vmem>> -> memref<1x128xi32, #tpu.memory_space<vmem>>
      %dma_wait3A_207 = tpu.memref_squeeze %dma_wait3A_206 : memref<1x128xi32, #tpu.memory_space<vmem>> -> memref<128xi32, #tpu.memory_space<vmem>>
      %dma_wait3A_208 = arith.constant 0 : i32
      %dma_wait3A_209 = arith.constant 0 : i32
      %dma_wait3A_210 = tpu.memref_slice %arg2[%dma_wait3A_208, %dma_wait3A_209] : memref<100000x16xf32, #tpu.memory_space<hbm>> -> memref<100000x16xf32, #tpu.memory_space<hbm>>
      tpu.wait_indirect_dma semaphore(%arg14 : memref<!tpu.dma_semaphore, #tpu.memory_space<semaphore_mem>>) src(%dma_wait3A_210 : memref<100000x16xf32, #tpu.memory_space<hbm>>) dst(%dma_wait3A_204 : memref<128x16xf32, #tpu.memory_space<vmem>>)
      %dma_wait3A_211 = arith.constant 1 : i32
      %dma_wait3A_212 = arith.constant 128 : i32
      %dma_wait3A_213 = arith.constant 0 : i32
      %dma_wait3A_214 = tpu.memref_slice %arg11[%dma_wait3A_212, %dma_wait3A_213] : memref<512x16xf32, #tpu.memory_space<vmem>> -> memref<128x16xf32, #tpu.memory_space<vmem>>
      %dma_wait3A_215 = arith.constant 0 : i32
      %dma_wait3A_216 = tpu.memref_slice %arg8[%dma_wait3A_211, %dma_wait3A_215] : memref<16x128xi32, #tpu.memory_space<vmem>> -> memref<1x128xi32, #tpu.memory_space<vmem>>
      %dma_wait3A_217 = tpu.memref_squeeze %dma_wait3A_216 : memref<1x128xi32, #tpu.memory_space<vmem>> -> memref<128xi32, #tpu.memory_space<vmem>>
      %dma_wait3A_218 = arith.constant 0 : i32
      %dma_wait3A_219 = arith.constant 0 : i32
      %dma_wait3A_220 = tpu.memref_slice %arg2[%dma_wait3A_218, %dma_wait3A_219] : memref<100000x16xf32, #tpu.memory_space<hbm>> -> memref<100000x16xf32, #tpu.memory_space<hbm>>
      tpu.wait_indirect_dma semaphore(%arg14 : memref<!tpu.dma_semaphore, #tpu.memory_space<semaphore_mem>>) src(%dma_wait3A_220 : memref<100000x16xf32, #tpu.memory_space<hbm>>) dst(%dma_wait3A_214 : memref<128x16xf32, #tpu.memory_space<vmem>>)
      %dma_wait3A_221 = arith.constant 2 : i32
      %dma_wait3A_222 = arith.constant 256 : i32
      %dma_wait3A_223 = arith.constant 0 : i32
      %dma_wait3A_224 = tpu.memref_slice %arg11[%dma_wait3A_222, %dma_wait3A_223] : memref<512x16xf32, #tpu.memory_space<vmem>> -> memref<128x16xf32, #tpu.memory_space<vmem>>
      %dma_wait3A_225 = arith.constant 0 : i32
      %dma_wait3A_226 = tpu.memref_slice %arg8[%dma_wait3A_221, %dma_wait3A_225] : memref<16x128xi32, #tpu.memory_space<vmem>> -> memref<1x128xi32, #tpu.memory_space<vmem>>
      %dma_wait3A_227 = tpu.memref_squeeze %dma_wait3A_226 : memref<1x128xi32, #tpu.memory_space<vmem>> -> memref<128xi32, #tpu.memory_space<vmem>>
      %dma_wait3A_228 = arith.constant 0 : i32
      %dma_wait3A_229 = arith.constant 0 : i32
      %dma_wait3A_230 = tpu.memref_slice %arg2[%dma_wait3A_228, %dma_wait3A_229] : memref<100000x16xf32, #tpu.memory_space<hbm>> -> memref<100000x16xf32, #tpu.memory_space<hbm>>
      tpu.wait_indirect_dma semaphore(%arg14 : memref<!tpu.dma_semaphore, #tpu.memory_space<semaphore_mem>>) src(%dma_wait3A_230 : memref<100000x16xf32, #tpu.memory_space<hbm>>) dst(%dma_wait3A_224 : memref<128x16xf32, #tpu.memory_space<vmem>>)
      %dma_wait3A_231 = arith.constant 3 : i32
      %dma_wait3A_232 = arith.constant 384 : i32
      %dma_wait3A_233 = arith.constant 0 : i32
      %dma_wait3A_234 = tpu.memref_slice %arg11[%dma_wait3A_232, %dma_wait3A_233] : memref<512x16xf32, #tpu.memory_space<vmem>> -> memref<128x16xf32, #tpu.memory_space<vmem>>
      %dma_wait3A_235 = arith.constant 0 : i32
      %dma_wait3A_236 = tpu.memref_slice %arg8[%dma_wait3A_231, %dma_wait3A_235] : memref<16x128xi32, #tpu.memory_space<vmem>> -> memref<1x128xi32, #tpu.memory_space<vmem>>
      %dma_wait3A_237 = tpu.memref_squeeze %dma_wait3A_236 : memref<1x128xi32, #tpu.memory_space<vmem>> -> memref<128xi32, #tpu.memory_space<vmem>>
      %dma_wait3A_238 = arith.constant 0 : i32
      %dma_wait3A_239 = arith.constant 0 : i32
      %dma_wait3A_240 = tpu.memref_slice %arg2[%dma_wait3A_238, %dma_wait3A_239] : memref<100000x16xf32, #tpu.memory_space<hbm>> -> memref<100000x16xf32, #tpu.memory_space<hbm>>
      tpu.wait_indirect_dma semaphore(%arg14 : memref<!tpu.dma_semaphore, #tpu.memory_space<semaphore_mem>>) src(%dma_wait3A_240 : memref<100000x16xf32, #tpu.memory_space<hbm>>) dst(%dma_wait3A_234 : memref<128x16xf32, #tpu.memory_space<vmem>>)
      %parallel_loop3A = arith.constant 0 : i32
      %parallel_loop3A_241 = arith.constant 512 : i32
      %parallel_loop3A_242 = arith.constant 1 : i32
      scf.for %parallel_loop3A_772 = %parallel_loop3A to %parallel_loop3A_241 step %parallel_loop3A_242  : i32 {
        %parallel_loop3A_773 = arith.constant 0 : i32
        %parallel_loop3A_774 = arith.addi %parallel_loop3A_773, %parallel_loop3A_772 : i32
        %parallel_loop3A_775 = vector.broadcast %parallel_loop3A_774 : i32 to vector<16xi32>
        %parallel_loop3A_776 = arith.addi %broadcast_in_dim3A_6, %parallel_loop3A_775 : vector<16xi32>
        %parallel_loop3A_777 = tpu.vector_load_idx %arg10[%parallel_loop3A_776] : memref<2048xf32, #tpu.memory_space<vmem>>[vector<16xi32>], vector<16xf32>,
        %parallel_loop3A_778 = arith.index_cast %parallel_loop3A_772 : i32 to index
        %parallel_loop3A_779 = arith.constant 0 : index
        %parallel_loop3A_780 = tpu.vector_load %arg11[%parallel_loop3A_778, %parallel_loop3A_779] {strides = array<i32>} : memref<512x16xf32, #tpu.memory_space<vmem>>, vector<16xf32>,
        %parallel_loop3A_781 = arith.mulf %parallel_loop3A_780, %parallel_loop3A_777 : vector<16xf32>
        %parallel_loop3A_782 = arith.index_cast %parallel_loop3A_772 : i32 to index
        %parallel_loop3A_783 = arith.constant 0 : index
        %parallel_loop3A_784 = tpu.vector_load %arg11[%parallel_loop3A_782, %parallel_loop3A_783] {strides = array<i32>} : memref<512x16xf32, #tpu.memory_space<vmem>>, vector<16xf32>,
        tpu.vector_store %arg11[%parallel_loop3A_782, %parallel_loop3A_783], %parallel_loop3A_781 {strides = array<i32>} : memref<512x16xf32, #tpu.memory_space<vmem>>, vector<16xf32>,
      } {sc.loop_unroll_factor = 8 : i64, sc.parallel_access}
      %dma_start3A_243 = arith.constant 0 : i32
      %dma_start3A_244 = arith.constant 0 : i32
      %dma_start3A_245 = arith.constant 0 : i32
      %dma_start3A_246 = tpu.memref_slice %arg11[%dma_start3A_244, %dma_start3A_245] : memref<512x16xf32, #tpu.memory_space<vmem>> -> memref<128x16xf32, #tpu.memory_space<vmem>>
      %dma_start3A_247 = arith.constant 0 : i32
      %dma_start3A_248 = tpu.memref_slice %arg9[%dma_start3A_243, %dma_start3A_247] : memref<16x128xi32, #tpu.memory_space<vmem>> -> memref<1x128xi32, #tpu.memory_space<vmem>>
      %dma_start3A_249 = tpu.memref_squeeze %dma_start3A_248 : memref<1x128xi32, #tpu.memory_space<vmem>> -> memref<128xi32, #tpu.memory_space<vmem>>
      %dma_start3A_250 = arith.constant 0 : i32
      %dma_start3A_251 = arith.constant 0 : i32
      %dma_start3A_252 = tpu.memref_slice %arg13[%dma_start3A_250, %dma_start3A_251] : memref<100352x16xf32, #tpu.memory_space<vmem_shared>> -> memref<100352x16xf32, #tpu.memory_space<vmem_shared>>
      tpu.enqueue_indirect_dma source(%dma_start3A_246 : memref<128x16xf32, #tpu.memory_space<vmem>>) target(%dma_start3A_252 : memref<100352x16xf32, #tpu.memory_space<vmem_shared>>) offsets(%dma_start3A_249 : memref<128xi32, #tpu.memory_space<vmem>>) semaphore(%arg15 : memref<!tpu.dma_semaphore, #tpu.memory_space<semaphore_mem>>) {add = true}
      %dma_start3A_253 = arith.constant 1 : i32
      %dma_start3A_254 = arith.constant 128 : i32
      %dma_start3A_255 = arith.constant 0 : i32
      %dma_start3A_256 = tpu.memref_slice %arg11[%dma_start3A_254, %dma_start3A_255] : memref<512x16xf32, #tpu.memory_space<vmem>> -> memref<128x16xf32, #tpu.memory_space<vmem>>
      %dma_start3A_257 = arith.constant 0 : i32
      %dma_start3A_258 = tpu.memref_slice %arg9[%dma_start3A_253, %dma_start3A_257] : memref<16x128xi32, #tpu.memory_space<vmem>> -> memref<1x128xi32, #tpu.memory_space<vmem>>
      %dma_start3A_259 = tpu.memref_squeeze %dma_start3A_258 : memref<1x128xi32, #tpu.memory_space<vmem>> -> memref<128xi32, #tpu.memory_space<vmem>>
      %dma_start3A_260 = arith.constant 0 : i32
      %dma_start3A_261 = arith.constant 0 : i32
      %dma_start3A_262 = tpu.memref_slice %arg13[%dma_start3A_260, %dma_start3A_261] : memref<100352x16xf32, #tpu.memory_space<vmem_shared>> -> memref<100352x16xf32, #tpu.memory_space<vmem_shared>>
      tpu.enqueue_indirect_dma source(%dma_start3A_256 : memref<128x16xf32, #tpu.memory_space<vmem>>) target(%dma_start3A_262 : memref<100352x16xf32, #tpu.memory_space<vmem_shared>>) offsets(%dma_start3A_259 : memref<128xi32, #tpu.memory_space<vmem>>) semaphore(%arg15 : memref<!tpu.dma_semaphore, #tpu.memory_space<semaphore_mem>>) {add = true}
      %dma_start3A_263 = arith.constant 2 : i32
      %dma_start3A_264 = arith.constant 256 : i32
      %dma_start3A_265 = arith.constant 0 : i32
      %dma_start3A_266 = tpu.memref_slice %arg11[%dma_start3A_264, %dma_start3A_265] : memref<512x16xf32, #tpu.memory_space<vmem>> -> memref<128x16xf32, #tpu.memory_space<vmem>>
      %dma_start3A_267 = arith.constant 0 : i32
      %dma_start3A_268 = tpu.memref_slice %arg9[%dma_start3A_263, %dma_start3A_267] : memref<16x128xi32, #tpu.memory_space<vmem>> -> memref<1x128xi32, #tpu.memory_space<vmem>>
      %dma_start3A_269 = tpu.memref_squeeze %dma_start3A_268 : memref<1x128xi32, #tpu.memory_space<vmem>> -> memref<128xi32, #tpu.memory_space<vmem>>
      %dma_start3A_270 = arith.constant 0 : i32
      %dma_start3A_271 = arith.constant 0 : i32
      %dma_start3A_272 = tpu.memref_slice %arg13[%dma_start3A_270, %dma_start3A_271] : memref<100352x16xf32, #tpu.memory_space<vmem_shared>> -> memref<100352x16xf32, #tpu.memory_space<vmem_shared>>
      tpu.enqueue_indirect_dma source(%dma_start3A_266 : memref<128x16xf32, #tpu.memory_space<vmem>>) target(%dma_start3A_272 : memref<100352x16xf32, #tpu.memory_space<vmem_shared>>) offsets(%dma_start3A_269 : memref<128xi32, #tpu.memory_space<vmem>>) semaphore(%arg15 : memref<!tpu.dma_semaphore, #tpu.memory_space<semaphore_mem>>) {add = true}
      %dma_start3A_273 = arith.constant 3 : i32
      %dma_start3A_274 = arith.constant 384 : i32
      %dma_start3A_275 = arith.constant 0 : i32
      %dma_start3A_276 = tpu.memref_slice %arg11[%dma_start3A_274, %dma_start3A_275] : memref<512x16xf32, #tpu.memory_space<vmem>> -> memref<128x16xf32, #tpu.memory_space<vmem>>
      %dma_start3A_277 = arith.constant 0 : i32
      %dma_start3A_278 = tpu.memref_slice %arg9[%dma_start3A_273, %dma_start3A_277] : memref<16x128xi32, #tpu.memory_space<vmem>> -> memref<1x128xi32, #tpu.memory_space<vmem>>
      %dma_start3A_279 = tpu.memref_squeeze %dma_start3A_278 : memref<1x128xi32, #tpu.memory_space<vmem>> -> memref<128xi32, #tpu.memory_space<vmem>>
      %dma_start3A_280 = arith.constant 0 : i32
      %dma_start3A_281 = arith.constant 0 : i32
      %dma_start3A_282 = tpu.memref_slice %arg13[%dma_start3A_280, %dma_start3A_281] : memref<100352x16xf32, #tpu.memory_space<vmem_shared>> -> memref<100352x16xf32, #tpu.memory_space<vmem_shared>>
      tpu.enqueue_indirect_dma source(%dma_start3A_276 : memref<128x16xf32, #tpu.memory_space<vmem>>) target(%dma_start3A_282 : memref<100352x16xf32, #tpu.memory_space<vmem_shared>>) offsets(%dma_start3A_279 : memref<128xi32, #tpu.memory_space<vmem>>) semaphore(%arg15 : memref<!tpu.dma_semaphore, #tpu.memory_space<semaphore_mem>>) {add = true}
      %dma_wait3A_283 = arith.constant 4 : i32
      %dma_wait3A_284 = arith.constant 0 : i32
      %dma_wait3A_285 = arith.constant 0 : i32
      %dma_wait3A_286 = tpu.memref_slice %arg12[%dma_wait3A_284, %dma_wait3A_285] : memref<512x16xf32, #tpu.memory_space<vmem>> -> memref<128x16xf32, #tpu.memory_space<vmem>>
      %dma_wait3A_287 = arith.constant 0 : i32
      %dma_wait3A_288 = tpu.memref_slice %arg8[%dma_wait3A_283, %dma_wait3A_287] : memref<16x128xi32, #tpu.memory_space<vmem>> -> memref<1x128xi32, #tpu.memory_space<vmem>>
      %dma_wait3A_289 = tpu.memref_squeeze %dma_wait3A_288 : memref<1x128xi32, #tpu.memory_space<vmem>> -> memref<128xi32, #tpu.memory_space<vmem>>
      %dma_wait3A_290 = arith.constant 0 : i32
      %dma_wait3A_291 = arith.constant 0 : i32
      %dma_wait3A_292 = tpu.memref_slice %arg2[%dma_wait3A_290, %dma_wait3A_291] : memref<100000x16xf32, #tpu.memory_space<hbm>> -> memref<100000x16xf32, #tpu.memory_space<hbm>>
      tpu.wait_indirect_dma semaphore(%arg14 : memref<!tpu.dma_semaphore, #tpu.memory_space<semaphore_mem>>) src(%dma_wait3A_292 : memref<100000x16xf32, #tpu.memory_space<hbm>>) dst(%dma_wait3A_286 : memref<128x16xf32, #tpu.memory_space<vmem>>)
      %dma_wait3A_293 = arith.constant 5 : i32
      %dma_wait3A_294 = arith.constant 128 : i32
      %dma_wait3A_295 = arith.constant 0 : i32
      %dma_wait3A_296 = tpu.memref_slice %arg12[%dma_wait3A_294, %dma_wait3A_295] : memref<512x16xf32, #tpu.memory_space<vmem>> -> memref<128x16xf32, #tpu.memory_space<vmem>>
      %dma_wait3A_297 = arith.constant 0 : i32
      %dma_wait3A_298 = tpu.memref_slice %arg8[%dma_wait3A_293, %dma_wait3A_297] : memref<16x128xi32, #tpu.memory_space<vmem>> -> memref<1x128xi32, #tpu.memory_space<vmem>>
      %dma_wait3A_299 = tpu.memref_squeeze %dma_wait3A_298 : memref<1x128xi32, #tpu.memory_space<vmem>> -> memref<128xi32, #tpu.memory_space<vmem>>
      %dma_wait3A_300 = arith.constant 0 : i32
      %dma_wait3A_301 = arith.constant 0 : i32
      %dma_wait3A_302 = tpu.memref_slice %arg2[%dma_wait3A_300, %dma_wait3A_301] : memref<100000x16xf32, #tpu.memory_space<hbm>> -> memref<100000x16xf32, #tpu.memory_space<hbm>>
      tpu.wait_indirect_dma semaphore(%arg14 : memref<!tpu.dma_semaphore, #tpu.memory_space<semaphore_mem>>) src(%dma_wait3A_302 : memref<100000x16xf32, #tpu.memory_space<hbm>>) dst(%dma_wait3A_296 : memref<128x16xf32, #tpu.memory_space<vmem>>)
      %dma_wait3A_303 = arith.constant 6 : i32
      %dma_wait3A_304 = arith.constant 256 : i32
      %dma_wait3A_305 = arith.constant 0 : i32
      %dma_wait3A_306 = tpu.memref_slice %arg12[%dma_wait3A_304, %dma_wait3A_305] : memref<512x16xf32, #tpu.memory_space<vmem>> -> memref<128x16xf32, #tpu.memory_space<vmem>>
      %dma_wait3A_307 = arith.constant 0 : i32
      %dma_wait3A_308 = tpu.memref_slice %arg8[%dma_wait3A_303, %dma_wait3A_307] : memref<16x128xi32, #tpu.memory_space<vmem>> -> memref<1x128xi32, #tpu.memory_space<vmem>>
      %dma_wait3A_309 = tpu.memref_squeeze %dma_wait3A_308 : memref<1x128xi32, #tpu.memory_space<vmem>> -> memref<128xi32, #tpu.memory_space<vmem>>
      %dma_wait3A_310 = arith.constant 0 : i32
      %dma_wait3A_311 = arith.constant 0 : i32
      %dma_wait3A_312 = tpu.memref_slice %arg2[%dma_wait3A_310, %dma_wait3A_311] : memref<100000x16xf32, #tpu.memory_space<hbm>> -> memref<100000x16xf32, #tpu.memory_space<hbm>>
      tpu.wait_indirect_dma semaphore(%arg14 : memref<!tpu.dma_semaphore, #tpu.memory_space<semaphore_mem>>) src(%dma_wait3A_312 : memref<100000x16xf32, #tpu.memory_space<hbm>>) dst(%dma_wait3A_306 : memref<128x16xf32, #tpu.memory_space<vmem>>)
      %dma_wait3A_313 = arith.constant 7 : i32
      %dma_wait3A_314 = arith.constant 384 : i32
      %dma_wait3A_315 = arith.constant 0 : i32
      %dma_wait3A_316 = tpu.memref_slice %arg12[%dma_wait3A_314, %dma_wait3A_315] : memref<512x16xf32, #tpu.memory_space<vmem>> -> memref<128x16xf32, #tpu.memory_space<vmem>>
      %dma_wait3A_317 = arith.constant 0 : i32
      %dma_wait3A_318 = tpu.memref_slice %arg8[%dma_wait3A_313, %dma_wait3A_317] : memref<16x128xi32, #tpu.memory_space<vmem>> -> memref<1x128xi32, #tpu.memory_space<vmem>>
      %dma_wait3A_319 = tpu.memref_squeeze %dma_wait3A_318 : memref<1x128xi32, #tpu.memory_space<vmem>> -> memref<128xi32, #tpu.memory_space<vmem>>
      %dma_wait3A_320 = arith.constant 0 : i32
      %dma_wait3A_321 = arith.constant 0 : i32
      %dma_wait3A_322 = tpu.memref_slice %arg2[%dma_wait3A_320, %dma_wait3A_321] : memref<100000x16xf32, #tpu.memory_space<hbm>> -> memref<100000x16xf32, #tpu.memory_space<hbm>>
      tpu.wait_indirect_dma semaphore(%arg14 : memref<!tpu.dma_semaphore, #tpu.memory_space<semaphore_mem>>) src(%dma_wait3A_322 : memref<100000x16xf32, #tpu.memory_space<hbm>>) dst(%dma_wait3A_316 : memref<128x16xf32, #tpu.memory_space<vmem>>)
      %parallel_loop3A_323 = arith.constant 0 : i32
      %parallel_loop3A_324 = arith.constant 512 : i32
      %parallel_loop3A_325 = arith.constant 1 : i32
      scf.for %parallel_loop3A_772 = %parallel_loop3A_323 to %parallel_loop3A_324 step %parallel_loop3A_325  : i32 {
        %parallel_loop3A_773 = arith.constant 512 : i32
        %parallel_loop3A_774 = arith.addi %parallel_loop3A_773, %parallel_loop3A_772 : i32
        %parallel_loop3A_775 = vector.broadcast %parallel_loop3A_774 : i32 to vector<16xi32>
        %parallel_loop3A_776 = arith.addi %broadcast_in_dim3A_6, %parallel_loop3A_775 : vector<16xi32>
        %parallel_loop3A_777 = tpu.vector_load_idx %arg10[%parallel_loop3A_776] : memref<2048xf32, #tpu.memory_space<vmem>>[vector<16xi32>], vector<16xf32>,
        %parallel_loop3A_778 = arith.index_cast %parallel_loop3A_772 : i32 to index
        %parallel_loop3A_779 = arith.constant 0 : index
        %parallel_loop3A_780 = tpu.vector_load %arg12[%parallel_loop3A_778, %parallel_loop3A_779] {strides = array<i32>} : memref<512x16xf32, #tpu.memory_space<vmem>>, vector<16xf32>,
        %parallel_loop3A_781 = arith.mulf %parallel_loop3A_780, %parallel_loop3A_777 : vector<16xf32>
        %parallel_loop3A_782 = arith.index_cast %parallel_loop3A_772 : i32 to index
        %parallel_loop3A_783 = arith.constant 0 : index
        %parallel_loop3A_784 = tpu.vector_load %arg12[%parallel_loop3A_782, %parallel_loop3A_783] {strides = array<i32>} : memref<512x16xf32, #tpu.memory_space<vmem>>, vector<16xf32>,
        tpu.vector_store %arg12[%parallel_loop3A_782, %parallel_loop3A_783], %parallel_loop3A_781 {strides = array<i32>} : memref<512x16xf32, #tpu.memory_space<vmem>>, vector<16xf32>,
      } {sc.loop_unroll_factor = 8 : i64, sc.parallel_access}
      %dma_wait3A_326 = arith.constant 0 : i32
      %dma_wait3A_327 = arith.constant 0 : i32
      %dma_wait3A_328 = arith.constant 0 : i32
      %dma_wait3A_329 = tpu.memref_slice %arg11[%dma_wait3A_327, %dma_wait3A_328] : memref<512x16xf32, #tpu.memory_space<vmem>> -> memref<128x16xf32, #tpu.memory_space<vmem>>
      %dma_wait3A_330 = arith.constant 0 : i32
      %dma_wait3A_331 = tpu.memref_slice %arg9[%dma_wait3A_326, %dma_wait3A_330] : memref<16x128xi32, #tpu.memory_space<vmem>> -> memref<1x128xi32, #tpu.memory_space<vmem>>
      %dma_wait3A_332 = tpu.memref_squeeze %dma_wait3A_331 : memref<1x128xi32, #tpu.memory_space<vmem>> -> memref<128xi32, #tpu.memory_space<vmem>>
      %dma_wait3A_333 = arith.constant 0 : i32
      %dma_wait3A_334 = arith.constant 0 : i32
      %dma_wait3A_335 = tpu.memref_slice %arg13[%dma_wait3A_333, %dma_wait3A_334] : memref<100352x16xf32, #tpu.memory_space<vmem_shared>> -> memref<100352x16xf32, #tpu.memory_space<vmem_shared>>
      tpu.wait_indirect_dma semaphore(%arg15 : memref<!tpu.dma_semaphore, #tpu.memory_space<semaphore_mem>>) src(%dma_wait3A_329 : memref<128x16xf32, #tpu.memory_space<vmem>>) dst(%dma_wait3A_335 : memref<100352x16xf32, #tpu.memory_space<vmem_shared>>)
      %dma_wait3A_336 = arith.constant 1 : i32
      %dma_wait3A_337 = arith.constant 128 : i32
      %dma_wait3A_338 = arith.constant 0 : i32
      %dma_wait3A_339 = tpu.memref_slice %arg11[%dma_wait3A_337, %dma_wait3A_338] : memref<512x16xf32, #tpu.memory_space<vmem>> -> memref<128x16xf32, #tpu.memory_space<vmem>>
      %dma_wait3A_340 = arith.constant 0 : i32
      %dma_wait3A_341 = tpu.memref_slice %arg9[%dma_wait3A_336, %dma_wait3A_340] : memref<16x128xi32, #tpu.memory_space<vmem>> -> memref<1x128xi32, #tpu.memory_space<vmem>>
      %dma_wait3A_342 = tpu.memref_squeeze %dma_wait3A_341 : memref<1x128xi32, #tpu.memory_space<vmem>> -> memref<128xi32, #tpu.memory_space<vmem>>
      %dma_wait3A_343 = arith.constant 0 : i32
      %dma_wait3A_344 = arith.constant 0 : i32
      %dma_wait3A_345 = tpu.memref_slice %arg13[%dma_wait3A_343, %dma_wait3A_344] : memref<100352x16xf32, #tpu.memory_space<vmem_shared>> -> memref<100352x16xf32, #tpu.memory_space<vmem_shared>>
      tpu.wait_indirect_dma semaphore(%arg15 : memref<!tpu.dma_semaphore, #tpu.memory_space<semaphore_mem>>) src(%dma_wait3A_339 : memref<128x16xf32, #tpu.memory_space<vmem>>) dst(%dma_wait3A_345 : memref<100352x16xf32, #tpu.memory_space<vmem_shared>>)
      %dma_wait3A_346 = arith.constant 2 : i32
      %dma_wait3A_347 = arith.constant 256 : i32
      %dma_wait3A_348 = arith.constant 0 : i32
      %dma_wait3A_349 = tpu.memref_slice %arg11[%dma_wait3A_347, %dma_wait3A_348] : memref<512x16xf32, #tpu.memory_space<vmem>> -> memref<128x16xf32, #tpu.memory_space<vmem>>
      %dma_wait3A_350 = arith.constant 0 : i32
      %dma_wait3A_351 = tpu.memref_slice %arg9[%dma_wait3A_346, %dma_wait3A_350] : memref<16x128xi32, #tpu.memory_space<vmem>> -> memref<1x128xi32, #tpu.memory_space<vmem>>
      %dma_wait3A_352 = tpu.memref_squeeze %dma_wait3A_351 : memref<1x128xi32, #tpu.memory_space<vmem>> -> memref<128xi32, #tpu.memory_space<vmem>>
      %dma_wait3A_353 = arith.constant 0 : i32
      %dma_wait3A_354 = arith.constant 0 : i32
      %dma_wait3A_355 = tpu.memref_slice %arg13[%dma_wait3A_353, %dma_wait3A_354] : memref<100352x16xf32, #tpu.memory_space<vmem_shared>> -> memref<100352x16xf32, #tpu.memory_space<vmem_shared>>
      tpu.wait_indirect_dma semaphore(%arg15 : memref<!tpu.dma_semaphore, #tpu.memory_space<semaphore_mem>>) src(%dma_wait3A_349 : memref<128x16xf32, #tpu.memory_space<vmem>>) dst(%dma_wait3A_355 : memref<100352x16xf32, #tpu.memory_space<vmem_shared>>)
      %dma_wait3A_356 = arith.constant 3 : i32
      %dma_wait3A_357 = arith.constant 384 : i32
      %dma_wait3A_358 = arith.constant 0 : i32
      %dma_wait3A_359 = tpu.memref_slice %arg11[%dma_wait3A_357, %dma_wait3A_358] : memref<512x16xf32, #tpu.memory_space<vmem>> -> memref<128x16xf32, #tpu.memory_space<vmem>>
      %dma_wait3A_360 = arith.constant 0 : i32
      %dma_wait3A_361 = tpu.memref_slice %arg9[%dma_wait3A_356, %dma_wait3A_360] : memref<16x128xi32, #tpu.memory_space<vmem>> -> memref<1x128xi32, #tpu.memory_space<vmem>>
      %dma_wait3A_362 = tpu.memref_squeeze %dma_wait3A_361 : memref<1x128xi32, #tpu.memory_space<vmem>> -> memref<128xi32, #tpu.memory_space<vmem>>
      %dma_wait3A_363 = arith.constant 0 : i32
      %dma_wait3A_364 = arith.constant 0 : i32
      %dma_wait3A_365 = tpu.memref_slice %arg13[%dma_wait3A_363, %dma_wait3A_364] : memref<100352x16xf32, #tpu.memory_space<vmem_shared>> -> memref<100352x16xf32, #tpu.memory_space<vmem_shared>>
      tpu.wait_indirect_dma semaphore(%arg15 : memref<!tpu.dma_semaphore, #tpu.memory_space<semaphore_mem>>) src(%dma_wait3A_359 : memref<128x16xf32, #tpu.memory_space<vmem>>) dst(%dma_wait3A_365 : memref<100352x16xf32, #tpu.memory_space<vmem_shared>>)
      %dma_start3A_366 = arith.constant 8 : i32
      %dma_start3A_367 = arith.constant 0 : i32
      %dma_start3A_368 = arith.constant 0 : i32
      %dma_start3A_369 = tpu.memref_slice %arg11[%dma_start3A_367, %dma_start3A_368] : memref<512x16xf32, #tpu.memory_space<vmem>> -> memref<128x16xf32, #tpu.memory_space<vmem>>
      %dma_start3A_370 = arith.constant 0 : i32
      %dma_start3A_371 = tpu.memref_slice %arg8[%dma_start3A_366, %dma_start3A_370] : memref<16x128xi32, #tpu.memory_space<vmem>> -> memref<1x128xi32, #tpu.memory_space<vmem>>
      %dma_start3A_372 = tpu.memref_squeeze %dma_start3A_371 : memref<1x128xi32, #tpu.memory_space<vmem>> -> memref<128xi32, #tpu.memory_space<vmem>>
      %dma_start3A_373 = arith.constant 0 : i32
      %dma_start3A_374 = arith.constant 0 : i32
      %dma_start3A_375 = tpu.memref_slice %arg2[%dma_start3A_373, %dma_start3A_374] : memref<100000x16xf32, #tpu.memory_space<hbm>> -> memref<100000x16xf32, #tpu.memory_space<hbm>>
      tpu.enqueue_indirect_dma source(%dma_start3A_375 : memref<100000x16xf32, #tpu.memory_space<hbm>>) target(%dma_start3A_369 : memref<128x16xf32, #tpu.memory_space<vmem>>) offsets(%dma_start3A_372 : memref<128xi32, #tpu.memory_space<vmem>>) semaphore(%arg14 : memref<!tpu.dma_semaphore, #tpu.memory_space<semaphore_mem>>)
      %dma_start3A_376 = arith.constant 9 : i32
      %dma_start3A_377 = arith.constant 128 : i32
      %dma_start3A_378 = arith.constant 0 : i32
      %dma_start3A_379 = tpu.memref_slice %arg11[%dma_start3A_377, %dma_start3A_378] : memref<512x16xf32, #tpu.memory_space<vmem>> -> memref<128x16xf32, #tpu.memory_space<vmem>>
      %dma_start3A_380 = arith.constant 0 : i32
      %dma_start3A_381 = tpu.memref_slice %arg8[%dma_start3A_376, %dma_start3A_380] : memref<16x128xi32, #tpu.memory_space<vmem>> -> memref<1x128xi32, #tpu.memory_space<vmem>>
      %dma_start3A_382 = tpu.memref_squeeze %dma_start3A_381 : memref<1x128xi32, #tpu.memory_space<vmem>> -> memref<128xi32, #tpu.memory_space<vmem>>
      %dma_start3A_383 = arith.constant 0 : i32
      %dma_start3A_384 = arith.constant 0 : i32
      %dma_start3A_385 = tpu.memref_slice %arg2[%dma_start3A_383, %dma_start3A_384] : memref<100000x16xf32, #tpu.memory_space<hbm>> -> memref<100000x16xf32, #tpu.memory_space<hbm>>
      tpu.enqueue_indirect_dma source(%dma_start3A_385 : memref<100000x16xf32, #tpu.memory_space<hbm>>) target(%dma_start3A_379 : memref<128x16xf32, #tpu.memory_space<vmem>>) offsets(%dma_start3A_382 : memref<128xi32, #tpu.memory_space<vmem>>) semaphore(%arg14 : memref<!tpu.dma_semaphore, #tpu.memory_space<semaphore_mem>>)
      %dma_start3A_386 = arith.constant 10 : i32
      %dma_start3A_387 = arith.constant 256 : i32
      %dma_start3A_388 = arith.constant 0 : i32
      %dma_start3A_389 = tpu.memref_slice %arg11[%dma_start3A_387, %dma_start3A_388] : memref<512x16xf32, #tpu.memory_space<vmem>> -> memref<128x16xf32, #tpu.memory_space<vmem>>
      %dma_start3A_390 = arith.constant 0 : i32
      %dma_start3A_391 = tpu.memref_slice %arg8[%dma_start3A_386, %dma_start3A_390] : memref<16x128xi32, #tpu.memory_space<vmem>> -> memref<1x128xi32, #tpu.memory_space<vmem>>
      %dma_start3A_392 = tpu.memref_squeeze %dma_start3A_391 : memref<1x128xi32, #tpu.memory_space<vmem>> -> memref<128xi32, #tpu.memory_space<vmem>>
      %dma_start3A_393 = arith.constant 0 : i32
      %dma_start3A_394 = arith.constant 0 : i32
      %dma_start3A_395 = tpu.memref_slice %arg2[%dma_start3A_393, %dma_start3A_394] : memref<100000x16xf32, #tpu.memory_space<hbm>> -> memref<100000x16xf32, #tpu.memory_space<hbm>>
      tpu.enqueue_indirect_dma source(%dma_start3A_395 : memref<100000x16xf32, #tpu.memory_space<hbm>>) target(%dma_start3A_389 : memref<128x16xf32, #tpu.memory_space<vmem>>) offsets(%dma_start3A_392 : memref<128xi32, #tpu.memory_space<vmem>>) semaphore(%arg14 : memref<!tpu.dma_semaphore, #tpu.memory_space<semaphore_mem>>)
      %dma_start3A_396 = arith.constant 11 : i32
      %dma_start3A_397 = arith.constant 384 : i32
      %dma_start3A_398 = arith.constant 0 : i32
      %dma_start3A_399 = tpu.memref_slice %arg11[%dma_start3A_397, %dma_start3A_398] : memref<512x16xf32, #tpu.memory_space<vmem>> -> memref<128x16xf32, #tpu.memory_space<vmem>>
      %dma_start3A_400 = arith.constant 0 : i32
      %dma_start3A_401 = tpu.memref_slice %arg8[%dma_start3A_396, %dma_start3A_400] : memref<16x128xi32, #tpu.memory_space<vmem>> -> memref<1x128xi32, #tpu.memory_space<vmem>>
      %dma_start3A_402 = tpu.memref_squeeze %dma_start3A_401 : memref<1x128xi32, #tpu.memory_space<vmem>> -> memref<128xi32, #tpu.memory_space<vmem>>
      %dma_start3A_403 = arith.constant 0 : i32
      %dma_start3A_404 = arith.constant 0 : i32
      %dma_start3A_405 = tpu.memref_slice %arg2[%dma_start3A_403, %dma_start3A_404] : memref<100000x16xf32, #tpu.memory_space<hbm>> -> memref<100000x16xf32, #tpu.memory_space<hbm>>
      tpu.enqueue_indirect_dma source(%dma_start3A_405 : memref<100000x16xf32, #tpu.memory_space<hbm>>) target(%dma_start3A_399 : memref<128x16xf32, #tpu.memory_space<vmem>>) offsets(%dma_start3A_402 : memref<128xi32, #tpu.memory_space<vmem>>) semaphore(%arg14 : memref<!tpu.dma_semaphore, #tpu.memory_space<semaphore_mem>>)
      %dma_start3A_406 = arith.constant 4 : i32
      %dma_start3A_407 = arith.constant 0 : i32
      %dma_start3A_408 = arith.constant 0 : i32
      %dma_start3A_409 = tpu.memref_slice %arg12[%dma_start3A_407, %dma_start3A_408] : memref<512x16xf32, #tpu.memory_space<vmem>> -> memref<128x16xf32, #tpu.memory_space<vmem>>
      %dma_start3A_410 = arith.constant 0 : i32
      %dma_start3A_411 = tpu.memref_slice %arg9[%dma_start3A_406, %dma_start3A_410] : memref<16x128xi32, #tpu.memory_space<vmem>> -> memref<1x128xi32, #tpu.memory_space<vmem>>
      %dma_start3A_412 = tpu.memref_squeeze %dma_start3A_411 : memref<1x128xi32, #tpu.memory_space<vmem>> -> memref<128xi32, #tpu.memory_space<vmem>>
      %dma_start3A_413 = arith.constant 0 : i32
      %dma_start3A_414 = arith.constant 0 : i32
      %dma_start3A_415 = tpu.memref_slice %arg13[%dma_start3A_413, %dma_start3A_414] : memref<100352x16xf32, #tpu.memory_space<vmem_shared>> -> memref<100352x16xf32, #tpu.memory_space<vmem_shared>>
      tpu.enqueue_indirect_dma source(%dma_start3A_409 : memref<128x16xf32, #tpu.memory_space<vmem>>) target(%dma_start3A_415 : memref<100352x16xf32, #tpu.memory_space<vmem_shared>>) offsets(%dma_start3A_412 : memref<128xi32, #tpu.memory_space<vmem>>) semaphore(%arg15 : memref<!tpu.dma_semaphore, #tpu.memory_space<semaphore_mem>>) {add = true}
      %dma_start3A_416 = arith.constant 5 : i32
      %dma_start3A_417 = arith.constant 128 : i32
      %dma_start3A_418 = arith.constant 0 : i32
      %dma_start3A_419 = tpu.memref_slice %arg12[%dma_start3A_417, %dma_start3A_418] : memref<512x16xf32, #tpu.memory_space<vmem>> -> memref<128x16xf32, #tpu.memory_space<vmem>>
      %dma_start3A_420 = arith.constant 0 : i32
      %dma_start3A_421 = tpu.memref_slice %arg9[%dma_start3A_416, %dma_start3A_420] : memref<16x128xi32, #tpu.memory_space<vmem>> -> memref<1x128xi32, #tpu.memory_space<vmem>>
      %dma_start3A_422 = tpu.memref_squeeze %dma_start3A_421 : memref<1x128xi32, #tpu.memory_space<vmem>> -> memref<128xi32, #tpu.memory_space<vmem>>
      %dma_start3A_423 = arith.constant 0 : i32
      %dma_start3A_424 = arith.constant 0 : i32
      %dma_start3A_425 = tpu.memref_slice %arg13[%dma_start3A_423, %dma_start3A_424] : memref<100352x16xf32, #tpu.memory_space<vmem_shared>> -> memref<100352x16xf32, #tpu.memory_space<vmem_shared>>
      tpu.enqueue_indirect_dma source(%dma_start3A_419 : memref<128x16xf32, #tpu.memory_space<vmem>>) target(%dma_start3A_425 : memref<100352x16xf32, #tpu.memory_space<vmem_shared>>) offsets(%dma_start3A_422 : memref<128xi32, #tpu.memory_space<vmem>>) semaphore(%arg15 : memref<!tpu.dma_semaphore, #tpu.memory_space<semaphore_mem>>) {add = true}
      %dma_start3A_426 = arith.constant 6 : i32
      %dma_start3A_427 = arith.constant 256 : i32
      %dma_start3A_428 = arith.constant 0 : i32
      %dma_start3A_429 = tpu.memref_slice %arg12[%dma_start3A_427, %dma_start3A_428] : memref<512x16xf32, #tpu.memory_space<vmem>> -> memref<128x16xf32, #tpu.memory_space<vmem>>
      %dma_start3A_430 = arith.constant 0 : i32
      %dma_start3A_431 = tpu.memref_slice %arg9[%dma_start3A_426, %dma_start3A_430] : memref<16x128xi32, #tpu.memory_space<vmem>> -> memref<1x128xi32, #tpu.memory_space<vmem>>
      %dma_start3A_432 = tpu.memref_squeeze %dma_start3A_431 : memref<1x128xi32, #tpu.memory_space<vmem>> -> memref<128xi32, #tpu.memory_space<vmem>>
      %dma_start3A_433 = arith.constant 0 : i32
      %dma_start3A_434 = arith.constant 0 : i32
      %dma_start3A_435 = tpu.memref_slice %arg13[%dma_start3A_433, %dma_start3A_434] : memref<100352x16xf32, #tpu.memory_space<vmem_shared>> -> memref<100352x16xf32, #tpu.memory_space<vmem_shared>>
      tpu.enqueue_indirect_dma source(%dma_start3A_429 : memref<128x16xf32, #tpu.memory_space<vmem>>) target(%dma_start3A_435 : memref<100352x16xf32, #tpu.memory_space<vmem_shared>>) offsets(%dma_start3A_432 : memref<128xi32, #tpu.memory_space<vmem>>) semaphore(%arg15 : memref<!tpu.dma_semaphore, #tpu.memory_space<semaphore_mem>>) {add = true}
      %dma_start3A_436 = arith.constant 7 : i32
      %dma_start3A_437 = arith.constant 384 : i32
      %dma_start3A_438 = arith.constant 0 : i32
      %dma_start3A_439 = tpu.memref_slice %arg12[%dma_start3A_437, %dma_start3A_438] : memref<512x16xf32, #tpu.memory_space<vmem>> -> memref<128x16xf32, #tpu.memory_space<vmem>>
      %dma_start3A_440 = arith.constant 0 : i32
      %dma_start3A_441 = tpu.memref_slice %arg9[%dma_start3A_436, %dma_start3A_440] : memref<16x128xi32, #tpu.memory_space<vmem>> -> memref<1x128xi32, #tpu.memory_space<vmem>>
      %dma_start3A_442 = tpu.memref_squeeze %dma_start3A_441 : memref<1x128xi32, #tpu.memory_space<vmem>> -> memref<128xi32, #tpu.memory_space<vmem>>
      %dma_start3A_443 = arith.constant 0 : i32
      %dma_start3A_444 = arith.constant 0 : i32
      %dma_start3A_445 = tpu.memref_slice %arg13[%dma_start3A_443, %dma_start3A_444] : memref<100352x16xf32, #tpu.memory_space<vmem_shared>> -> memref<100352x16xf32, #tpu.memory_space<vmem_shared>>
      tpu.enqueue_indirect_dma source(%dma_start3A_439 : memref<128x16xf32, #tpu.memory_space<vmem>>) target(%dma_start3A_445 : memref<100352x16xf32, #tpu.memory_space<vmem_shared>>) offsets(%dma_start3A_442 : memref<128xi32, #tpu.memory_space<vmem>>) semaphore(%arg15 : memref<!tpu.dma_semaphore, #tpu.memory_space<semaphore_mem>>) {add = true}
      %dma_wait3A_446 = arith.constant 8 : i32
      %dma_wait3A_447 = arith.constant 0 : i32
      %dma_wait3A_448 = arith.constant 0 : i32
      %dma_wait3A_449 = tpu.memref_slice %arg11[%dma_wait3A_447, %dma_wait3A_448] : memref<512x16xf32, #tpu.memory_space<vmem>> -> memref<128x16xf32, #tpu.memory_space<vmem>>
      %dma_wait3A_450 = arith.constant 0 : i32
      %dma_wait3A_451 = tpu.memref_slice %arg8[%dma_wait3A_446, %dma_wait3A_450] : memref<16x128xi32, #tpu.memory_space<vmem>> -> memref<1x128xi32, #tpu.memory_space<vmem>>
      %dma_wait3A_452 = tpu.memref_squeeze %dma_wait3A_451 : memref<1x128xi32, #tpu.memory_space<vmem>> -> memref<128xi32, #tpu.memory_space<vmem>>
      %dma_wait3A_453 = arith.constant 0 : i32
      %dma_wait3A_454 = arith.constant 0 : i32
      %dma_wait3A_455 = tpu.memref_slice %arg2[%dma_wait3A_453, %dma_wait3A_454] : memref<100000x16xf32, #tpu.memory_space<hbm>> -> memref<100000x16xf32, #tpu.memory_space<hbm>>
      tpu.wait_indirect_dma semaphore(%arg14 : memref<!tpu.dma_semaphore, #tpu.memory_space<semaphore_mem>>) src(%dma_wait3A_455 : memref<100000x16xf32, #tpu.memory_space<hbm>>) dst(%dma_wait3A_449 : memref<128x16xf32, #tpu.memory_space<vmem>>)
      %dma_wait3A_456 = arith.constant 9 : i32
      %dma_wait3A_457 = arith.constant 128 : i32
      %dma_wait3A_458 = arith.constant 0 : i32
      %dma_wait3A_459 = tpu.memref_slice %arg11[%dma_wait3A_457, %dma_wait3A_458] : memref<512x16xf32, #tpu.memory_space<vmem>> -> memref<128x16xf32, #tpu.memory_space<vmem>>
      %dma_wait3A_460 = arith.constant 0 : i32
      %dma_wait3A_461 = tpu.memref_slice %arg8[%dma_wait3A_456, %dma_wait3A_460] : memref<16x128xi32, #tpu.memory_space<vmem>> -> memref<1x128xi32, #tpu.memory_space<vmem>>
      %dma_wait3A_462 = tpu.memref_squeeze %dma_wait3A_461 : memref<1x128xi32, #tpu.memory_space<vmem>> -> memref<128xi32, #tpu.memory_space<vmem>>
      %dma_wait3A_463 = arith.constant 0 : i32
      %dma_wait3A_464 = arith.constant 0 : i32
      %dma_wait3A_465 = tpu.memref_slice %arg2[%dma_wait3A_463, %dma_wait3A_464] : memref<100000x16xf32, #tpu.memory_space<hbm>> -> memref<100000x16xf32, #tpu.memory_space<hbm>>
      tpu.wait_indirect_dma semaphore(%arg14 : memref<!tpu.dma_semaphore, #tpu.memory_space<semaphore_mem>>) src(%dma_wait3A_465 : memref<100000x16xf32, #tpu.memory_space<hbm>>) dst(%dma_wait3A_459 : memref<128x16xf32, #tpu.memory_space<vmem>>)
      %dma_wait3A_466 = arith.constant 10 : i32
      %dma_wait3A_467 = arith.constant 256 : i32
      %dma_wait3A_468 = arith.constant 0 : i32
      %dma_wait3A_469 = tpu.memref_slice %arg11[%dma_wait3A_467, %dma_wait3A_468] : memref<512x16xf32, #tpu.memory_space<vmem>> -> memref<128x16xf32, #tpu.memory_space<vmem>>
      %dma_wait3A_470 = arith.constant 0 : i32
      %dma_wait3A_471 = tpu.memref_slice %arg8[%dma_wait3A_466, %dma_wait3A_470] : memref<16x128xi32, #tpu.memory_space<vmem>> -> memref<1x128xi32, #tpu.memory_space<vmem>>
      %dma_wait3A_472 = tpu.memref_squeeze %dma_wait3A_471 : memref<1x128xi32, #tpu.memory_space<vmem>> -> memref<128xi32, #tpu.memory_space<vmem>>
      %dma_wait3A_473 = arith.constant 0 : i32
      %dma_wait3A_474 = arith.constant 0 : i32
      %dma_wait3A_475 = tpu.memref_slice %arg2[%dma_wait3A_473, %dma_wait3A_474] : memref<100000x16xf32, #tpu.memory_space<hbm>> -> memref<100000x16xf32, #tpu.memory_space<hbm>>
      tpu.wait_indirect_dma semaphore(%arg14 : memref<!tpu.dma_semaphore, #tpu.memory_space<semaphore_mem>>) src(%dma_wait3A_475 : memref<100000x16xf32, #tpu.memory_space<hbm>>) dst(%dma_wait3A_469 : memref<128x16xf32, #tpu.memory_space<vmem>>)
      %dma_wait3A_476 = arith.constant 11 : i32
      %dma_wait3A_477 = arith.constant 384 : i32
      %dma_wait3A_478 = arith.constant 0 : i32
      %dma_wait3A_479 = tpu.memref_slice %arg11[%dma_wait3A_477, %dma_wait3A_478] : memref<512x16xf32, #tpu.memory_space<vmem>> -> memref<128x16xf32, #tpu.memory_space<vmem>>
      %dma_wait3A_480 = arith.constant 0 : i32
      %dma_wait3A_481 = tpu.memref_slice %arg8[%dma_wait3A_476, %dma_wait3A_480] : memref<16x128xi32, #tpu.memory_space<vmem>> -> memref<1x128xi32, #tpu.memory_space<vmem>>
      %dma_wait3A_482 = tpu.memref_squeeze %dma_wait3A_481 : memref<1x128xi32, #tpu.memory_space<vmem>> -> memref<128xi32, #tpu.memory_space<vmem>>
      %dma_wait3A_483 = arith.constant 0 : i32
      %dma_wait3A_484 = arith.constant 0 : i32
      %dma_wait3A_485 = tpu.memref_slice %arg2[%dma_wait3A_483, %dma_wait3A_484] : memref<100000x16xf32, #tpu.memory_space<hbm>> -> memref<100000x16xf32, #tpu.memory_space<hbm>>
      tpu.wait_indirect_dma semaphore(%arg14 : memref<!tpu.dma_semaphore, #tpu.memory_space<semaphore_mem>>) src(%dma_wait3A_485 : memref<100000x16xf32, #tpu.memory_space<hbm>>) dst(%dma_wait3A_479 : memref<128x16xf32, #tpu.memory_space<vmem>>)
      %parallel_loop3A_486 = arith.constant 0 : i32
      %parallel_loop3A_487 = arith.constant 512 : i32
      %parallel_loop3A_488 = arith.constant 1 : i32
      scf.for %parallel_loop3A_772 = %parallel_loop3A_486 to %parallel_loop3A_487 step %parallel_loop3A_488  : i32 {
        %parallel_loop3A_773 = arith.constant 1024 : i32
        %parallel_loop3A_774 = arith.addi %parallel_loop3A_773, %parallel_loop3A_772 : i32
        %parallel_loop3A_775 = vector.broadcast %parallel_loop3A_774 : i32 to vector<16xi32>
        %parallel_loop3A_776 = arith.addi %broadcast_in_dim3A_6, %parallel_loop3A_775 : vector<16xi32>
        %parallel_loop3A_777 = tpu.vector_load_idx %arg10[%parallel_loop3A_776] : memref<2048xf32, #tpu.memory_space<vmem>>[vector<16xi32>], vector<16xf32>,
        %parallel_loop3A_778 = arith.index_cast %parallel_loop3A_772 : i32 to index
        %parallel_loop3A_779 = arith.constant 0 : index
        %parallel_loop3A_780 = tpu.vector_load %arg11[%parallel_loop3A_778, %parallel_loop3A_779] {strides = array<i32>} : memref<512x16xf32, #tpu.memory_space<vmem>>, vector<16xf32>,
        %parallel_loop3A_781 = arith.mulf %parallel_loop3A_780, %parallel_loop3A_777 : vector<16xf32>
        %parallel_loop3A_782 = arith.index_cast %parallel_loop3A_772 : i32 to index
        %parallel_loop3A_783 = arith.constant 0 : index
        %parallel_loop3A_784 = tpu.vector_load %arg11[%parallel_loop3A_782, %parallel_loop3A_783] {strides = array<i32>} : memref<512x16xf32, #tpu.memory_space<vmem>>, vector<16xf32>,
        tpu.vector_store %arg11[%parallel_loop3A_782, %parallel_loop3A_783], %parallel_loop3A_781 {strides = array<i32>} : memref<512x16xf32, #tpu.memory_space<vmem>>, vector<16xf32>,
      } {sc.loop_unroll_factor = 8 : i64, sc.parallel_access}
      %dma_wait3A_489 = arith.constant 4 : i32
      %dma_wait3A_490 = arith.constant 0 : i32
      %dma_wait3A_491 = arith.constant 0 : i32
      %dma_wait3A_492 = tpu.memref_slice %arg12[%dma_wait3A_490, %dma_wait3A_491] : memref<512x16xf32, #tpu.memory_space<vmem>> -> memref<128x16xf32, #tpu.memory_space<vmem>>
      %dma_wait3A_493 = arith.constant 0 : i32
      %dma_wait3A_494 = tpu.memref_slice %arg9[%dma_wait3A_489, %dma_wait3A_493] : memref<16x128xi32, #tpu.memory_space<vmem>> -> memref<1x128xi32, #tpu.memory_space<vmem>>
      %dma_wait3A_495 = tpu.memref_squeeze %dma_wait3A_494 : memref<1x128xi32, #tpu.memory_space<vmem>> -> memref<128xi32, #tpu.memory_space<vmem>>
      %dma_wait3A_496 = arith.constant 0 : i32
      %dma_wait3A_497 = arith.constant 0 : i32
      %dma_wait3A_498 = tpu.memref_slice %arg13[%dma_wait3A_496, %dma_wait3A_497] : memref<100352x16xf32, #tpu.memory_space<vmem_shared>> -> memref<100352x16xf32, #tpu.memory_space<vmem_shared>>
      tpu.wait_indirect_dma semaphore(%arg15 : memref<!tpu.dma_semaphore, #tpu.memory_space<semaphore_mem>>) src(%dma_wait3A_492 : memref<128x16xf32, #tpu.memory_space<vmem>>) dst(%dma_wait3A_498 : memref<100352x16xf32, #tpu.memory_space<vmem_shared>>)
      %dma_wait3A_499 = arith.constant 5 : i32
      %dma_wait3A_500 = arith.constant 128 : i32
      %dma_wait3A_501 = arith.constant 0 : i32
      %dma_wait3A_502 = tpu.memref_slice %arg12[%dma_wait3A_500, %dma_wait3A_501] : memref<512x16xf32, #tpu.memory_space<vmem>> -> memref<128x16xf32, #tpu.memory_space<vmem>>
      %dma_wait3A_503 = arith.constant 0 : i32
      %dma_wait3A_504 = tpu.memref_slice %arg9[%dma_wait3A_499, %dma_wait3A_503] : memref<16x128xi32, #tpu.memory_space<vmem>> -> memref<1x128xi32, #tpu.memory_space<vmem>>
      %dma_wait3A_505 = tpu.memref_squeeze %dma_wait3A_504 : memref<1x128xi32, #tpu.memory_space<vmem>> -> memref<128xi32, #tpu.memory_space<vmem>>
      %dma_wait3A_506 = arith.constant 0 : i32
      %dma_wait3A_507 = arith.constant 0 : i32
      %dma_wait3A_508 = tpu.memref_slice %arg13[%dma_wait3A_506, %dma_wait3A_507] : memref<100352x16xf32, #tpu.memory_space<vmem_shared>> -> memref<100352x16xf32, #tpu.memory_space<vmem_shared>>
      tpu.wait_indirect_dma semaphore(%arg15 : memref<!tpu.dma_semaphore, #tpu.memory_space<semaphore_mem>>) src(%dma_wait3A_502 : memref<128x16xf32, #tpu.memory_space<vmem>>) dst(%dma_wait3A_508 : memref<100352x16xf32, #tpu.memory_space<vmem_shared>>)
      %dma_wait3A_509 = arith.constant 6 : i32
      %dma_wait3A_510 = arith.constant 256 : i32
      %dma_wait3A_511 = arith.constant 0 : i32
      %dma_wait3A_512 = tpu.memref_slice %arg12[%dma_wait3A_510, %dma_wait3A_511] : memref<512x16xf32, #tpu.memory_space<vmem>> -> memref<128x16xf32, #tpu.memory_space<vmem>>
      %dma_wait3A_513 = arith.constant 0 : i32
      %dma_wait3A_514 = tpu.memref_slice %arg9[%dma_wait3A_509, %dma_wait3A_513] : memref<16x128xi32, #tpu.memory_space<vmem>> -> memref<1x128xi32, #tpu.memory_space<vmem>>
      %dma_wait3A_515 = tpu.memref_squeeze %dma_wait3A_514 : memref<1x128xi32, #tpu.memory_space<vmem>> -> memref<128xi32, #tpu.memory_space<vmem>>
      %dma_wait3A_516 = arith.constant 0 : i32
      %dma_wait3A_517 = arith.constant 0 : i32
      %dma_wait3A_518 = tpu.memref_slice %arg13[%dma_wait3A_516, %dma_wait3A_517] : memref<100352x16xf32, #tpu.memory_space<vmem_shared>> -> memref<100352x16xf32, #tpu.memory_space<vmem_shared>>
      tpu.wait_indirect_dma semaphore(%arg15 : memref<!tpu.dma_semaphore, #tpu.memory_space<semaphore_mem>>) src(%dma_wait3A_512 : memref<128x16xf32, #tpu.memory_space<vmem>>) dst(%dma_wait3A_518 : memref<100352x16xf32, #tpu.memory_space<vmem_shared>>)
      %dma_wait3A_519 = arith.constant 7 : i32
      %dma_wait3A_520 = arith.constant 384 : i32
      %dma_wait3A_521 = arith.constant 0 : i32
      %dma_wait3A_522 = tpu.memref_slice %arg12[%dma_wait3A_520, %dma_wait3A_521] : memref<512x16xf32, #tpu.memory_space<vmem>> -> memref<128x16xf32, #tpu.memory_space<vmem>>
      %dma_wait3A_523 = arith.constant 0 : i32
      %dma_wait3A_524 = tpu.memref_slice %arg9[%dma_wait3A_519, %dma_wait3A_523] : memref<16x128xi32, #tpu.memory_space<vmem>> -> memref<1x128xi32, #tpu.memory_space<vmem>>
      %dma_wait3A_525 = tpu.memref_squeeze %dma_wait3A_524 : memref<1x128xi32, #tpu.memory_space<vmem>> -> memref<128xi32, #tpu.memory_space<vmem>>
      %dma_wait3A_526 = arith.constant 0 : i32
      %dma_wait3A_527 = arith.constant 0 : i32
      %dma_wait3A_528 = tpu.memref_slice %arg13[%dma_wait3A_526, %dma_wait3A_527] : memref<100352x16xf32, #tpu.memory_space<vmem_shared>> -> memref<100352x16xf32, #tpu.memory_space<vmem_shared>>
      tpu.wait_indirect_dma semaphore(%arg15 : memref<!tpu.dma_semaphore, #tpu.memory_space<semaphore_mem>>) src(%dma_wait3A_522 : memref<128x16xf32, #tpu.memory_space<vmem>>) dst(%dma_wait3A_528 : memref<100352x16xf32, #tpu.memory_space<vmem_shared>>)
      %dma_start3A_529 = arith.constant 12 : i32
      %dma_start3A_530 = arith.constant 0 : i32
      %dma_start3A_531 = arith.constant 0 : i32
      %dma_start3A_532 = tpu.memref_slice %arg12[%dma_start3A_530, %dma_start3A_531] : memref<512x16xf32, #tpu.memory_space<vmem>> -> memref<128x16xf32, #tpu.memory_space<vmem>>
      %dma_start3A_533 = arith.constant 0 : i32
      %dma_start3A_534 = tpu.memref_slice %arg8[%dma_start3A_529, %dma_start3A_533] : memref<16x128xi32, #tpu.memory_space<vmem>> -> memref<1x128xi32, #tpu.memory_space<vmem>>
      %dma_start3A_535 = tpu.memref_squeeze %dma_start3A_534 : memref<1x128xi32, #tpu.memory_space<vmem>> -> memref<128xi32, #tpu.memory_space<vmem>>
      %dma_start3A_536 = arith.constant 0 : i32
      %dma_start3A_537 = arith.constant 0 : i32
      %dma_start3A_538 = tpu.memref_slice %arg2[%dma_start3A_536, %dma_start3A_537] : memref<100000x16xf32, #tpu.memory_space<hbm>> -> memref<100000x16xf32, #tpu.memory_space<hbm>>
      tpu.enqueue_indirect_dma source(%dma_start3A_538 : memref<100000x16xf32, #tpu.memory_space<hbm>>) target(%dma_start3A_532 : memref<128x16xf32, #tpu.memory_space<vmem>>) offsets(%dma_start3A_535 : memref<128xi32, #tpu.memory_space<vmem>>) semaphore(%arg14 : memref<!tpu.dma_semaphore, #tpu.memory_space<semaphore_mem>>)
      %dma_start3A_539 = arith.constant 13 : i32
      %dma_start3A_540 = arith.constant 128 : i32
      %dma_start3A_541 = arith.constant 0 : i32
      %dma_start3A_542 = tpu.memref_slice %arg12[%dma_start3A_540, %dma_start3A_541] : memref<512x16xf32, #tpu.memory_space<vmem>> -> memref<128x16xf32, #tpu.memory_space<vmem>>
      %dma_start3A_543 = arith.constant 0 : i32
      %dma_start3A_544 = tpu.memref_slice %arg8[%dma_start3A_539, %dma_start3A_543] : memref<16x128xi32, #tpu.memory_space<vmem>> -> memref<1x128xi32, #tpu.memory_space<vmem>>
      %dma_start3A_545 = tpu.memref_squeeze %dma_start3A_544 : memref<1x128xi32, #tpu.memory_space<vmem>> -> memref<128xi32, #tpu.memory_space<vmem>>
      %dma_start3A_546 = arith.constant 0 : i32
      %dma_start3A_547 = arith.constant 0 : i32
      %dma_start3A_548 = tpu.memref_slice %arg2[%dma_start3A_546, %dma_start3A_547] : memref<100000x16xf32, #tpu.memory_space<hbm>> -> memref<100000x16xf32, #tpu.memory_space<hbm>>
      tpu.enqueue_indirect_dma source(%dma_start3A_548 : memref<100000x16xf32, #tpu.memory_space<hbm>>) target(%dma_start3A_542 : memref<128x16xf32, #tpu.memory_space<vmem>>) offsets(%dma_start3A_545 : memref<128xi32, #tpu.memory_space<vmem>>) semaphore(%arg14 : memref<!tpu.dma_semaphore, #tpu.memory_space<semaphore_mem>>)
      %dma_start3A_549 = arith.constant 14 : i32
      %dma_start3A_550 = arith.constant 256 : i32
      %dma_start3A_551 = arith.constant 0 : i32
      %dma_start3A_552 = tpu.memref_slice %arg12[%dma_start3A_550, %dma_start3A_551] : memref<512x16xf32, #tpu.memory_space<vmem>> -> memref<128x16xf32, #tpu.memory_space<vmem>>
      %dma_start3A_553 = arith.constant 0 : i32
      %dma_start3A_554 = tpu.memref_slice %arg8[%dma_start3A_549, %dma_start3A_553] : memref<16x128xi32, #tpu.memory_space<vmem>> -> memref<1x128xi32, #tpu.memory_space<vmem>>
      %dma_start3A_555 = tpu.memref_squeeze %dma_start3A_554 : memref<1x128xi32, #tpu.memory_space<vmem>> -> memref<128xi32, #tpu.memory_space<vmem>>
      %dma_start3A_556 = arith.constant 0 : i32
      %dma_start3A_557 = arith.constant 0 : i32
      %dma_start3A_558 = tpu.memref_slice %arg2[%dma_start3A_556, %dma_start3A_557] : memref<100000x16xf32, #tpu.memory_space<hbm>> -> memref<100000x16xf32, #tpu.memory_space<hbm>>
      tpu.enqueue_indirect_dma source(%dma_start3A_558 : memref<100000x16xf32, #tpu.memory_space<hbm>>) target(%dma_start3A_552 : memref<128x16xf32, #tpu.memory_space<vmem>>) offsets(%dma_start3A_555 : memref<128xi32, #tpu.memory_space<vmem>>) semaphore(%arg14 : memref<!tpu.dma_semaphore, #tpu.memory_space<semaphore_mem>>)
      %dma_start3A_559 = arith.constant 15 : i32
      %dma_start3A_560 = arith.constant 384 : i32
      %dma_start3A_561 = arith.constant 0 : i32
      %dma_start3A_562 = tpu.memref_slice %arg12[%dma_start3A_560, %dma_start3A_561] : memref<512x16xf32, #tpu.memory_space<vmem>> -> memref<128x16xf32, #tpu.memory_space<vmem>>
      %dma_start3A_563 = arith.constant 0 : i32
      %dma_start3A_564 = tpu.memref_slice %arg8[%dma_start3A_559, %dma_start3A_563] : memref<16x128xi32, #tpu.memory_space<vmem>> -> memref<1x128xi32, #tpu.memory_space<vmem>>
      %dma_start3A_565 = tpu.memref_squeeze %dma_start3A_564 : memref<1x128xi32, #tpu.memory_space<vmem>> -> memref<128xi32, #tpu.memory_space<vmem>>
      %dma_start3A_566 = arith.constant 0 : i32
      %dma_start3A_567 = arith.constant 0 : i32
      %dma_start3A_568 = tpu.memref_slice %arg2[%dma_start3A_566, %dma_start3A_567] : memref<100000x16xf32, #tpu.memory_space<hbm>> -> memref<100000x16xf32, #tpu.memory_space<hbm>>
      tpu.enqueue_indirect_dma source(%dma_start3A_568 : memref<100000x16xf32, #tpu.memory_space<hbm>>) target(%dma_start3A_562 : memref<128x16xf32, #tpu.memory_space<vmem>>) offsets(%dma_start3A_565 : memref<128xi32, #tpu.memory_space<vmem>>) semaphore(%arg14 : memref<!tpu.dma_semaphore, #tpu.memory_space<semaphore_mem>>)
      %dma_start3A_569 = arith.constant 8 : i32
      %dma_start3A_570 = arith.constant 0 : i32
      %dma_start3A_571 = arith.constant 0 : i32
      %dma_start3A_572 = tpu.memref_slice %arg11[%dma_start3A_570, %dma_start3A_571] : memref<512x16xf32, #tpu.memory_space<vmem>> -> memref<128x16xf32, #tpu.memory_space<vmem>>
      %dma_start3A_573 = arith.constant 0 : i32
      %dma_start3A_574 = tpu.memref_slice %arg9[%dma_start3A_569, %dma_start3A_573] : memref<16x128xi32, #tpu.memory_space<vmem>> -> memref<1x128xi32, #tpu.memory_space<vmem>>
      %dma_start3A_575 = tpu.memref_squeeze %dma_start3A_574 : memref<1x128xi32, #tpu.memory_space<vmem>> -> memref<128xi32, #tpu.memory_space<vmem>>
      %dma_start3A_576 = arith.constant 0 : i32
      %dma_start3A_577 = arith.constant 0 : i32
      %dma_start3A_578 = tpu.memref_slice %arg13[%dma_start3A_576, %dma_start3A_577] : memref<100352x16xf32, #tpu.memory_space<vmem_shared>> -> memref<100352x16xf32, #tpu.memory_space<vmem_shared>>
      tpu.enqueue_indirect_dma source(%dma_start3A_572 : memref<128x16xf32, #tpu.memory_space<vmem>>) target(%dma_start3A_578 : memref<100352x16xf32, #tpu.memory_space<vmem_shared>>) offsets(%dma_start3A_575 : memref<128xi32, #tpu.memory_space<vmem>>) semaphore(%arg15 : memref<!tpu.dma_semaphore, #tpu.memory_space<semaphore_mem>>) {add = true}
      %dma_start3A_579 = arith.constant 9 : i32
      %dma_start3A_580 = arith.constant 128 : i32
      %dma_start3A_581 = arith.constant 0 : i32
      %dma_start3A_582 = tpu.memref_slice %arg11[%dma_start3A_580, %dma_start3A_581] : memref<512x16xf32, #tpu.memory_space<vmem>> -> memref<128x16xf32, #tpu.memory_space<vmem>>
      %dma_start3A_583 = arith.constant 0 : i32
      %dma_start3A_584 = tpu.memref_slice %arg9[%dma_start3A_579, %dma_start3A_583] : memref<16x128xi32, #tpu.memory_space<vmem>> -> memref<1x128xi32, #tpu.memory_space<vmem>>
      %dma_start3A_585 = tpu.memref_squeeze %dma_start3A_584 : memref<1x128xi32, #tpu.memory_space<vmem>> -> memref<128xi32, #tpu.memory_space<vmem>>
      %dma_start3A_586 = arith.constant 0 : i32
      %dma_start3A_587 = arith.constant 0 : i32
      %dma_start3A_588 = tpu.memref_slice %arg13[%dma_start3A_586, %dma_start3A_587] : memref<100352x16xf32, #tpu.memory_space<vmem_shared>> -> memref<100352x16xf32, #tpu.memory_space<vmem_shared>>
      tpu.enqueue_indirect_dma source(%dma_start3A_582 : memref<128x16xf32, #tpu.memory_space<vmem>>) target(%dma_start3A_588 : memref<100352x16xf32, #tpu.memory_space<vmem_shared>>) offsets(%dma_start3A_585 : memref<128xi32, #tpu.memory_space<vmem>>) semaphore(%arg15 : memref<!tpu.dma_semaphore, #tpu.memory_space<semaphore_mem>>) {add = true}
      %dma_start3A_589 = arith.constant 10 : i32
      %dma_start3A_590 = arith.constant 256 : i32
      %dma_start3A_591 = arith.constant 0 : i32
      %dma_start3A_592 = tpu.memref_slice %arg11[%dma_start3A_590, %dma_start3A_591] : memref<512x16xf32, #tpu.memory_space<vmem>> -> memref<128x16xf32, #tpu.memory_space<vmem>>
      %dma_start3A_593 = arith.constant 0 : i32
      %dma_start3A_594 = tpu.memref_slice %arg9[%dma_start3A_589, %dma_start3A_593] : memref<16x128xi32, #tpu.memory_space<vmem>> -> memref<1x128xi32, #tpu.memory_space<vmem>>
      %dma_start3A_595 = tpu.memref_squeeze %dma_start3A_594 : memref<1x128xi32, #tpu.memory_space<vmem>> -> memref<128xi32, #tpu.memory_space<vmem>>
      %dma_start3A_596 = arith.constant 0 : i32
      %dma_start3A_597 = arith.constant 0 : i32
      %dma_start3A_598 = tpu.memref_slice %arg13[%dma_start3A_596, %dma_start3A_597] : memref<100352x16xf32, #tpu.memory_space<vmem_shared>> -> memref<100352x16xf32, #tpu.memory_space<vmem_shared>>
      tpu.enqueue_indirect_dma source(%dma_start3A_592 : memref<128x16xf32, #tpu.memory_space<vmem>>) target(%dma_start3A_598 : memref<100352x16xf32, #tpu.memory_space<vmem_shared>>) offsets(%dma_start3A_595 : memref<128xi32, #tpu.memory_space<vmem>>) semaphore(%arg15 : memref<!tpu.dma_semaphore, #tpu.memory_space<semaphore_mem>>) {add = true}
      %dma_start3A_599 = arith.constant 11 : i32
      %dma_start3A_600 = arith.constant 384 : i32
      %dma_start3A_601 = arith.constant 0 : i32
      %dma_start3A_602 = tpu.memref_slice %arg11[%dma_start3A_600, %dma_start3A_601] : memref<512x16xf32, #tpu.memory_space<vmem>> -> memref<128x16xf32, #tpu.memory_space<vmem>>
      %dma_start3A_603 = arith.constant 0 : i32
      %dma_start3A_604 = tpu.memref_slice %arg9[%dma_start3A_599, %dma_start3A_603] : memref<16x128xi32, #tpu.memory_space<vmem>> -> memref<1x128xi32, #tpu.memory_space<vmem>>
      %dma_start3A_605 = tpu.memref_squeeze %dma_start3A_604 : memref<1x128xi32, #tpu.memory_space<vmem>> -> memref<128xi32, #tpu.memory_space<vmem>>
      %dma_start3A_606 = arith.constant 0 : i32
      %dma_start3A_607 = arith.constant 0 : i32
      %dma_start3A_608 = tpu.memref_slice %arg13[%dma_start3A_606, %dma_start3A_607] : memref<100352x16xf32, #tpu.memory_space<vmem_shared>> -> memref<100352x16xf32, #tpu.memory_space<vmem_shared>>
      tpu.enqueue_indirect_dma source(%dma_start3A_602 : memref<128x16xf32, #tpu.memory_space<vmem>>) target(%dma_start3A_608 : memref<100352x16xf32, #tpu.memory_space<vmem_shared>>) offsets(%dma_start3A_605 : memref<128xi32, #tpu.memory_space<vmem>>) semaphore(%arg15 : memref<!tpu.dma_semaphore, #tpu.memory_space<semaphore_mem>>) {add = true}
      %dma_wait3A_609 = arith.constant 12 : i32
      %dma_wait3A_610 = arith.constant 0 : i32
      %dma_wait3A_611 = arith.constant 0 : i32
      %dma_wait3A_612 = tpu.memref_slice %arg12[%dma_wait3A_610, %dma_wait3A_611] : memref<512x16xf32, #tpu.memory_space<vmem>> -> memref<128x16xf32, #tpu.memory_space<vmem>>
      %dma_wait3A_613 = arith.constant 0 : i32
      %dma_wait3A_614 = tpu.memref_slice %arg8[%dma_wait3A_609, %dma_wait3A_613] : memref<16x128xi32, #tpu.memory_space<vmem>> -> memref<1x128xi32, #tpu.memory_space<vmem>>
      %dma_wait3A_615 = tpu.memref_squeeze %dma_wait3A_614 : memref<1x128xi32, #tpu.memory_space<vmem>> -> memref<128xi32, #tpu.memory_space<vmem>>
      %dma_wait3A_616 = arith.constant 0 : i32
      %dma_wait3A_617 = arith.constant 0 : i32
      %dma_wait3A_618 = tpu.memref_slice %arg2[%dma_wait3A_616, %dma_wait3A_617] : memref<100000x16xf32, #tpu.memory_space<hbm>> -> memref<100000x16xf32, #tpu.memory_space<hbm>>
      tpu.wait_indirect_dma semaphore(%arg14 : memref<!tpu.dma_semaphore, #tpu.memory_space<semaphore_mem>>) src(%dma_wait3A_618 : memref<100000x16xf32, #tpu.memory_space<hbm>>) dst(%dma_wait3A_612 : memref<128x16xf32, #tpu.memory_space<vmem>>)
      %dma_wait3A_619 = arith.constant 13 : i32
      %dma_wait3A_620 = arith.constant 128 : i32
      %dma_wait3A_621 = arith.constant 0 : i32
      %dma_wait3A_622 = tpu.memref_slice %arg12[%dma_wait3A_620, %dma_wait3A_621] : memref<512x16xf32, #tpu.memory_space<vmem>> -> memref<128x16xf32, #tpu.memory_space<vmem>>
      %dma_wait3A_623 = arith.constant 0 : i32
      %dma_wait3A_624 = tpu.memref_slice %arg8[%dma_wait3A_619, %dma_wait3A_623] : memref<16x128xi32, #tpu.memory_space<vmem>> -> memref<1x128xi32, #tpu.memory_space<vmem>>
      %dma_wait3A_625 = tpu.memref_squeeze %dma_wait3A_624 : memref<1x128xi32, #tpu.memory_space<vmem>> -> memref<128xi32, #tpu.memory_space<vmem>>
      %dma_wait3A_626 = arith.constant 0 : i32
      %dma_wait3A_627 = arith.constant 0 : i32
      %dma_wait3A_628 = tpu.memref_slice %arg2[%dma_wait3A_626, %dma_wait3A_627] : memref<100000x16xf32, #tpu.memory_space<hbm>> -> memref<100000x16xf32, #tpu.memory_space<hbm>>
      tpu.wait_indirect_dma semaphore(%arg14 : memref<!tpu.dma_semaphore, #tpu.memory_space<semaphore_mem>>) src(%dma_wait3A_628 : memref<100000x16xf32, #tpu.memory_space<hbm>>) dst(%dma_wait3A_622 : memref<128x16xf32, #tpu.memory_space<vmem>>)
      %dma_wait3A_629 = arith.constant 14 : i32
      %dma_wait3A_630 = arith.constant 256 : i32
      %dma_wait3A_631 = arith.constant 0 : i32
      %dma_wait3A_632 = tpu.memref_slice %arg12[%dma_wait3A_630, %dma_wait3A_631] : memref<512x16xf32, #tpu.memory_space<vmem>> -> memref<128x16xf32, #tpu.memory_space<vmem>>
      %dma_wait3A_633 = arith.constant 0 : i32
      %dma_wait3A_634 = tpu.memref_slice %arg8[%dma_wait3A_629, %dma_wait3A_633] : memref<16x128xi32, #tpu.memory_space<vmem>> -> memref<1x128xi32, #tpu.memory_space<vmem>>
      %dma_wait3A_635 = tpu.memref_squeeze %dma_wait3A_634 : memref<1x128xi32, #tpu.memory_space<vmem>> -> memref<128xi32, #tpu.memory_space<vmem>>
      %dma_wait3A_636 = arith.constant 0 : i32
      %dma_wait3A_637 = arith.constant 0 : i32
      %dma_wait3A_638 = tpu.memref_slice %arg2[%dma_wait3A_636, %dma_wait3A_637] : memref<100000x16xf32, #tpu.memory_space<hbm>> -> memref<100000x16xf32, #tpu.memory_space<hbm>>
      tpu.wait_indirect_dma semaphore(%arg14 : memref<!tpu.dma_semaphore, #tpu.memory_space<semaphore_mem>>) src(%dma_wait3A_638 : memref<100000x16xf32, #tpu.memory_space<hbm>>) dst(%dma_wait3A_632 : memref<128x16xf32, #tpu.memory_space<vmem>>)
      %dma_wait3A_639 = arith.constant 15 : i32
      %dma_wait3A_640 = arith.constant 384 : i32
      %dma_wait3A_641 = arith.constant 0 : i32
      %dma_wait3A_642 = tpu.memref_slice %arg12[%dma_wait3A_640, %dma_wait3A_641] : memref<512x16xf32, #tpu.memory_space<vmem>> -> memref<128x16xf32, #tpu.memory_space<vmem>>
      %dma_wait3A_643 = arith.constant 0 : i32
      %dma_wait3A_644 = tpu.memref_slice %arg8[%dma_wait3A_639, %dma_wait3A_643] : memref<16x128xi32, #tpu.memory_space<vmem>> -> memref<1x128xi32, #tpu.memory_space<vmem>>
      %dma_wait3A_645 = tpu.memref_squeeze %dma_wait3A_644 : memref<1x128xi32, #tpu.memory_space<vmem>> -> memref<128xi32, #tpu.memory_space<vmem>>
      %dma_wait3A_646 = arith.constant 0 : i32
      %dma_wait3A_647 = arith.constant 0 : i32
      %dma_wait3A_648 = tpu.memref_slice %arg2[%dma_wait3A_646, %dma_wait3A_647] : memref<100000x16xf32, #tpu.memory_space<hbm>> -> memref<100000x16xf32, #tpu.memory_space<hbm>>
      tpu.wait_indirect_dma semaphore(%arg14 : memref<!tpu.dma_semaphore, #tpu.memory_space<semaphore_mem>>) src(%dma_wait3A_648 : memref<100000x16xf32, #tpu.memory_space<hbm>>) dst(%dma_wait3A_642 : memref<128x16xf32, #tpu.memory_space<vmem>>)
      %parallel_loop3A_649 = arith.constant 0 : i32
      %parallel_loop3A_650 = arith.constant 512 : i32
      %parallel_loop3A_651 = arith.constant 1 : i32
      scf.for %parallel_loop3A_772 = %parallel_loop3A_649 to %parallel_loop3A_650 step %parallel_loop3A_651  : i32 {
        %parallel_loop3A_773 = arith.constant 1536 : i32
        %parallel_loop3A_774 = arith.addi %parallel_loop3A_773, %parallel_loop3A_772 : i32
        %parallel_loop3A_775 = vector.broadcast %parallel_loop3A_774 : i32 to vector<16xi32>
        %parallel_loop3A_776 = arith.addi %broadcast_in_dim3A_6, %parallel_loop3A_775 : vector<16xi32>
        %parallel_loop3A_777 = tpu.vector_load_idx %arg10[%parallel_loop3A_776] : memref<2048xf32, #tpu.memory_space<vmem>>[vector<16xi32>], vector<16xf32>,
        %parallel_loop3A_778 = arith.index_cast %parallel_loop3A_772 : i32 to index
        %parallel_loop3A_779 = arith.constant 0 : index
        %parallel_loop3A_780 = tpu.vector_load %arg12[%parallel_loop3A_778, %parallel_loop3A_779] {strides = array<i32>} : memref<512x16xf32, #tpu.memory_space<vmem>>, vector<16xf32>,
        %parallel_loop3A_781 = arith.mulf %parallel_loop3A_780, %parallel_loop3A_777 : vector<16xf32>
        %parallel_loop3A_782 = arith.index_cast %parallel_loop3A_772 : i32 to index
        %parallel_loop3A_783 = arith.constant 0 : index
        %parallel_loop3A_784 = tpu.vector_load %arg12[%parallel_loop3A_782, %parallel_loop3A_783] {strides = array<i32>} : memref<512x16xf32, #tpu.memory_space<vmem>>, vector<16xf32>,
        tpu.vector_store %arg12[%parallel_loop3A_782, %parallel_loop3A_783], %parallel_loop3A_781 {strides = array<i32>} : memref<512x16xf32, #tpu.memory_space<vmem>>, vector<16xf32>,
      } {sc.loop_unroll_factor = 8 : i64, sc.parallel_access}
      %dma_wait3A_652 = arith.constant 8 : i32
      %dma_wait3A_653 = arith.constant 0 : i32
      %dma_wait3A_654 = arith.constant 0 : i32
      %dma_wait3A_655 = tpu.memref_slice %arg11[%dma_wait3A_653, %dma_wait3A_654] : memref<512x16xf32, #tpu.memory_space<vmem>> -> memref<128x16xf32, #tpu.memory_space<vmem>>
      %dma_wait3A_656 = arith.constant 0 : i32
      %dma_wait3A_657 = tpu.memref_slice %arg9[%dma_wait3A_652, %dma_wait3A_656] : memref<16x128xi32, #tpu.memory_space<vmem>> -> memref<1x128xi32, #tpu.memory_space<vmem>>
      %dma_wait3A_658 = tpu.memref_squeeze %dma_wait3A_657 : memref<1x128xi32, #tpu.memory_space<vmem>> -> memref<128xi32, #tpu.memory_space<vmem>>
      %dma_wait3A_659 = arith.constant 0 : i32
      %dma_wait3A_660 = arith.constant 0 : i32
      %dma_wait3A_661 = tpu.memref_slice %arg13[%dma_wait3A_659, %dma_wait3A_660] : memref<100352x16xf32, #tpu.memory_space<vmem_shared>> -> memref<100352x16xf32, #tpu.memory_space<vmem_shared>>
      tpu.wait_indirect_dma semaphore(%arg15 : memref<!tpu.dma_semaphore, #tpu.memory_space<semaphore_mem>>) src(%dma_wait3A_655 : memref<128x16xf32, #tpu.memory_space<vmem>>) dst(%dma_wait3A_661 : memref<100352x16xf32, #tpu.memory_space<vmem_shared>>)
      %dma_wait3A_662 = arith.constant 9 : i32
      %dma_wait3A_663 = arith.constant 128 : i32
      %dma_wait3A_664 = arith.constant 0 : i32
      %dma_wait3A_665 = tpu.memref_slice %arg11[%dma_wait3A_663, %dma_wait3A_664] : memref<512x16xf32, #tpu.memory_space<vmem>> -> memref<128x16xf32, #tpu.memory_space<vmem>>
      %dma_wait3A_666 = arith.constant 0 : i32
      %dma_wait3A_667 = tpu.memref_slice %arg9[%dma_wait3A_662, %dma_wait3A_666] : memref<16x128xi32, #tpu.memory_space<vmem>> -> memref<1x128xi32, #tpu.memory_space<vmem>>
      %dma_wait3A_668 = tpu.memref_squeeze %dma_wait3A_667 : memref<1x128xi32, #tpu.memory_space<vmem>> -> memref<128xi32, #tpu.memory_space<vmem>>
      %dma_wait3A_669 = arith.constant 0 : i32
      %dma_wait3A_670 = arith.constant 0 : i32
      %dma_wait3A_671 = tpu.memref_slice %arg13[%dma_wait3A_669, %dma_wait3A_670] : memref<100352x16xf32, #tpu.memory_space<vmem_shared>> -> memref<100352x16xf32, #tpu.memory_space<vmem_shared>>
      tpu.wait_indirect_dma semaphore(%arg15 : memref<!tpu.dma_semaphore, #tpu.memory_space<semaphore_mem>>) src(%dma_wait3A_665 : memref<128x16xf32, #tpu.memory_space<vmem>>) dst(%dma_wait3A_671 : memref<100352x16xf32, #tpu.memory_space<vmem_shared>>)
      %dma_wait3A_672 = arith.constant 10 : i32
      %dma_wait3A_673 = arith.constant 256 : i32
      %dma_wait3A_674 = arith.constant 0 : i32
      %dma_wait3A_675 = tpu.memref_slice %arg11[%dma_wait3A_673, %dma_wait3A_674] : memref<512x16xf32, #tpu.memory_space<vmem>> -> memref<128x16xf32, #tpu.memory_space<vmem>>
      %dma_wait3A_676 = arith.constant 0 : i32
      %dma_wait3A_677 = tpu.memref_slice %arg9[%dma_wait3A_672, %dma_wait3A_676] : memref<16x128xi32, #tpu.memory_space<vmem>> -> memref<1x128xi32, #tpu.memory_space<vmem>>
      %dma_wait3A_678 = tpu.memref_squeeze %dma_wait3A_677 : memref<1x128xi32, #tpu.memory_space<vmem>> -> memref<128xi32, #tpu.memory_space<vmem>>
      %dma_wait3A_679 = arith.constant 0 : i32
      %dma_wait3A_680 = arith.constant 0 : i32
      %dma_wait3A_681 = tpu.memref_slice %arg13[%dma_wait3A_679, %dma_wait3A_680] : memref<100352x16xf32, #tpu.memory_space<vmem_shared>> -> memref<100352x16xf32, #tpu.memory_space<vmem_shared>>
      tpu.wait_indirect_dma semaphore(%arg15 : memref<!tpu.dma_semaphore, #tpu.memory_space<semaphore_mem>>) src(%dma_wait3A_675 : memref<128x16xf32, #tpu.memory_space<vmem>>) dst(%dma_wait3A_681 : memref<100352x16xf32, #tpu.memory_space<vmem_shared>>)
      %dma_wait3A_682 = arith.constant 11 : i32
      %dma_wait3A_683 = arith.constant 384 : i32
      %dma_wait3A_684 = arith.constant 0 : i32
      %dma_wait3A_685 = tpu.memref_slice %arg11[%dma_wait3A_683, %dma_wait3A_684] : memref<512x16xf32, #tpu.memory_space<vmem>> -> memref<128x16xf32, #tpu.memory_space<vmem>>
      %dma_wait3A_686 = arith.constant 0 : i32
      %dma_wait3A_687 = tpu.memref_slice %arg9[%dma_wait3A_682, %dma_wait3A_686] : memref<16x128xi32, #tpu.memory_space<vmem>> -> memref<1x128xi32, #tpu.memory_space<vmem>>
      %dma_wait3A_688 = tpu.memref_squeeze %dma_wait3A_687 : memref<1x128xi32, #tpu.memory_space<vmem>> -> memref<128xi32, #tpu.memory_space<vmem>>
      %dma_wait3A_689 = arith.constant 0 : i32
      %dma_wait3A_690 = arith.constant 0 : i32
      %dma_wait3A_691 = tpu.memref_slice %arg13[%dma_wait3A_689, %dma_wait3A_690] : memref<100352x16xf32, #tpu.memory_space<vmem_shared>> -> memref<100352x16xf32, #tpu.memory_space<vmem_shared>>
      tpu.wait_indirect_dma semaphore(%arg15 : memref<!tpu.dma_semaphore, #tpu.memory_space<semaphore_mem>>) src(%dma_wait3A_685 : memref<128x16xf32, #tpu.memory_space<vmem>>) dst(%dma_wait3A_691 : memref<100352x16xf32, #tpu.memory_space<vmem_shared>>)
      %dma_start3A_692 = arith.constant 12 : i32
      %dma_start3A_693 = arith.constant 0 : i32
      %dma_start3A_694 = arith.constant 0 : i32
      %dma_start3A_695 = tpu.memref_slice %arg12[%dma_start3A_693, %dma_start3A_694] : memref<512x16xf32, #tpu.memory_space<vmem>> -> memref<128x16xf32, #tpu.memory_space<vmem>>
      %dma_start3A_696 = arith.constant 0 : i32
      %dma_start3A_697 = tpu.memref_slice %arg9[%dma_start3A_692, %dma_start3A_696] : memref<16x128xi32, #tpu.memory_space<vmem>> -> memref<1x128xi32, #tpu.memory_space<vmem>>
      %dma_start3A_698 = tpu.memref_squeeze %dma_start3A_697 : memref<1x128xi32, #tpu.memory_space<vmem>> -> memref<128xi32, #tpu.memory_space<vmem>>
      %dma_start3A_699 = arith.constant 0 : i32
      %dma_start3A_700 = arith.constant 0 : i32
      %dma_start3A_701 = tpu.memref_slice %arg13[%dma_start3A_699, %dma_start3A_700] : memref<100352x16xf32, #tpu.memory_space<vmem_shared>> -> memref<100352x16xf32, #tpu.memory_space<vmem_shared>>
      tpu.enqueue_indirect_dma source(%dma_start3A_695 : memref<128x16xf32, #tpu.memory_space<vmem>>) target(%dma_start3A_701 : memref<100352x16xf32, #tpu.memory_space<vmem_shared>>) offsets(%dma_start3A_698 : memref<128xi32, #tpu.memory_space<vmem>>) semaphore(%arg15 : memref<!tpu.dma_semaphore, #tpu.memory_space<semaphore_mem>>) {add = true}
      %dma_start3A_702 = arith.constant 13 : i32
      %dma_start3A_703 = arith.constant 128 : i32
      %dma_start3A_704 = arith.constant 0 : i32
      %dma_start3A_705 = tpu.memref_slice %arg12[%dma_start3A_703, %dma_start3A_704] : memref<512x16xf32, #tpu.memory_space<vmem>> -> memref<128x16xf32, #tpu.memory_space<vmem>>
      %dma_start3A_706 = arith.constant 0 : i32
      %dma_start3A_707 = tpu.memref_slice %arg9[%dma_start3A_702, %dma_start3A_706] : memref<16x128xi32, #tpu.memory_space<vmem>> -> memref<1x128xi32, #tpu.memory_space<vmem>>
      %dma_start3A_708 = tpu.memref_squeeze %dma_start3A_707 : memref<1x128xi32, #tpu.memory_space<vmem>> -> memref<128xi32, #tpu.memory_space<vmem>>
      %dma_start3A_709 = arith.constant 0 : i32
      %dma_start3A_710 = arith.constant 0 : i32
      %dma_start3A_711 = tpu.memref_slice %arg13[%dma_start3A_709, %dma_start3A_710] : memref<100352x16xf32, #tpu.memory_space<vmem_shared>> -> memref<100352x16xf32, #tpu.memory_space<vmem_shared>>
      tpu.enqueue_indirect_dma source(%dma_start3A_705 : memref<128x16xf32, #tpu.memory_space<vmem>>) target(%dma_start3A_711 : memref<100352x16xf32, #tpu.memory_space<vmem_shared>>) offsets(%dma_start3A_708 : memref<128xi32, #tpu.memory_space<vmem>>) semaphore(%arg15 : memref<!tpu.dma_semaphore, #tpu.memory_space<semaphore_mem>>) {add = true}
      %dma_start3A_712 = arith.constant 14 : i32
      %dma_start3A_713 = arith.constant 256 : i32
      %dma_start3A_714 = arith.constant 0 : i32
      %dma_start3A_715 = tpu.memref_slice %arg12[%dma_start3A_713, %dma_start3A_714] : memref<512x16xf32, #tpu.memory_space<vmem>> -> memref<128x16xf32, #tpu.memory_space<vmem>>
      %dma_start3A_716 = arith.constant 0 : i32
      %dma_start3A_717 = tpu.memref_slice %arg9[%dma_start3A_712, %dma_start3A_716] : memref<16x128xi32, #tpu.memory_space<vmem>> -> memref<1x128xi32, #tpu.memory_space<vmem>>
      %dma_start3A_718 = tpu.memref_squeeze %dma_start3A_717 : memref<1x128xi32, #tpu.memory_space<vmem>> -> memref<128xi32, #tpu.memory_space<vmem>>
      %dma_start3A_719 = arith.constant 0 : i32
      %dma_start3A_720 = arith.constant 0 : i32
      %dma_start3A_721 = tpu.memref_slice %arg13[%dma_start3A_719, %dma_start3A_720] : memref<100352x16xf32, #tpu.memory_space<vmem_shared>> -> memref<100352x16xf32, #tpu.memory_space<vmem_shared>>
      tpu.enqueue_indirect_dma source(%dma_start3A_715 : memref<128x16xf32, #tpu.memory_space<vmem>>) target(%dma_start3A_721 : memref<100352x16xf32, #tpu.memory_space<vmem_shared>>) offsets(%dma_start3A_718 : memref<128xi32, #tpu.memory_space<vmem>>) semaphore(%arg15 : memref<!tpu.dma_semaphore, #tpu.memory_space<semaphore_mem>>) {add = true}
      %dma_start3A_722 = arith.constant 15 : i32
      %dma_start3A_723 = arith.constant 384 : i32
      %dma_start3A_724 = arith.constant 0 : i32
      %dma_start3A_725 = tpu.memref_slice %arg12[%dma_start3A_723, %dma_start3A_724] : memref<512x16xf32, #tpu.memory_space<vmem>> -> memref<128x16xf32, #tpu.memory_space<vmem>>
      %dma_start3A_726 = arith.constant 0 : i32
      %dma_start3A_727 = tpu.memref_slice %arg9[%dma_start3A_722, %dma_start3A_726] : memref<16x128xi32, #tpu.memory_space<vmem>> -> memref<1x128xi32, #tpu.memory_space<vmem>>
      %dma_start3A_728 = tpu.memref_squeeze %dma_start3A_727 : memref<1x128xi32, #tpu.memory_space<vmem>> -> memref<128xi32, #tpu.memory_space<vmem>>
      %dma_start3A_729 = arith.constant 0 : i32
      %dma_start3A_730 = arith.constant 0 : i32
      %dma_start3A_731 = tpu.memref_slice %arg13[%dma_start3A_729, %dma_start3A_730] : memref<100352x16xf32, #tpu.memory_space<vmem_shared>> -> memref<100352x16xf32, #tpu.memory_space<vmem_shared>>
      tpu.enqueue_indirect_dma source(%dma_start3A_725 : memref<128x16xf32, #tpu.memory_space<vmem>>) target(%dma_start3A_731 : memref<100352x16xf32, #tpu.memory_space<vmem_shared>>) offsets(%dma_start3A_728 : memref<128xi32, #tpu.memory_space<vmem>>) semaphore(%arg15 : memref<!tpu.dma_semaphore, #tpu.memory_space<semaphore_mem>>) {add = true}
      %dma_wait3A_732 = arith.constant 12 : i32
      %dma_wait3A_733 = arith.constant 0 : i32
      %dma_wait3A_734 = arith.constant 0 : i32
      %dma_wait3A_735 = tpu.memref_slice %arg12[%dma_wait3A_733, %dma_wait3A_734] : memref<512x16xf32, #tpu.memory_space<vmem>> -> memref<128x16xf32, #tpu.memory_space<vmem>>
      %dma_wait3A_736 = arith.constant 0 : i32
      %dma_wait3A_737 = tpu.memref_slice %arg9[%dma_wait3A_732, %dma_wait3A_736] : memref<16x128xi32, #tpu.memory_space<vmem>> -> memref<1x128xi32, #tpu.memory_space<vmem>>
      %dma_wait3A_738 = tpu.memref_squeeze %dma_wait3A_737 : memref<1x128xi32, #tpu.memory_space<vmem>> -> memref<128xi32, #tpu.memory_space<vmem>>
      %dma_wait3A_739 = arith.constant 0 : i32
      %dma_wait3A_740 = arith.constant 0 : i32
      %dma_wait3A_741 = tpu.memref_slice %arg13[%dma_wait3A_739, %dma_wait3A_740] : memref<100352x16xf32, #tpu.memory_space<vmem_shared>> -> memref<100352x16xf32, #tpu.memory_space<vmem_shared>>
      tpu.wait_indirect_dma semaphore(%arg15 : memref<!tpu.dma_semaphore, #tpu.memory_space<semaphore_mem>>) src(%dma_wait3A_735 : memref<128x16xf32, #tpu.memory_space<vmem>>) dst(%dma_wait3A_741 : memref<100352x16xf32, #tpu.memory_space<vmem_shared>>)
      %dma_wait3A_742 = arith.constant 13 : i32
      %dma_wait3A_743 = arith.constant 128 : i32
      %dma_wait3A_744 = arith.constant 0 : i32
      %dma_wait3A_745 = tpu.memref_slice %arg12[%dma_wait3A_743, %dma_wait3A_744] : memref<512x16xf32, #tpu.memory_space<vmem>> -> memref<128x16xf32, #tpu.memory_space<vmem>>
      %dma_wait3A_746 = arith.constant 0 : i32
      %dma_wait3A_747 = tpu.memref_slice %arg9[%dma_wait3A_742, %dma_wait3A_746] : memref<16x128xi32, #tpu.memory_space<vmem>> -> memref<1x128xi32, #tpu.memory_space<vmem>>
      %dma_wait3A_748 = tpu.memref_squeeze %dma_wait3A_747 : memref<1x128xi32, #tpu.memory_space<vmem>> -> memref<128xi32, #tpu.memory_space<vmem>>
      %dma_wait3A_749 = arith.constant 0 : i32
      %dma_wait3A_750 = arith.constant 0 : i32
      %dma_wait3A_751 = tpu.memref_slice %arg13[%dma_wait3A_749, %dma_wait3A_750] : memref<100352x16xf32, #tpu.memory_space<vmem_shared>> -> memref<100352x16xf32, #tpu.memory_space<vmem_shared>>
      tpu.wait_indirect_dma semaphore(%arg15 : memref<!tpu.dma_semaphore, #tpu.memory_space<semaphore_mem>>) src(%dma_wait3A_745 : memref<128x16xf32, #tpu.memory_space<vmem>>) dst(%dma_wait3A_751 : memref<100352x16xf32, #tpu.memory_space<vmem_shared>>)
      %dma_wait3A_752 = arith.constant 14 : i32
      %dma_wait3A_753 = arith.constant 256 : i32
      %dma_wait3A_754 = arith.constant 0 : i32
      %dma_wait3A_755 = tpu.memref_slice %arg12[%dma_wait3A_753, %dma_wait3A_754] : memref<512x16xf32, #tpu.memory_space<vmem>> -> memref<128x16xf32, #tpu.memory_space<vmem>>
      %dma_wait3A_756 = arith.constant 0 : i32
      %dma_wait3A_757 = tpu.memref_slice %arg9[%dma_wait3A_752, %dma_wait3A_756] : memref<16x128xi32, #tpu.memory_space<vmem>> -> memref<1x128xi32, #tpu.memory_space<vmem>>
      %dma_wait3A_758 = tpu.memref_squeeze %dma_wait3A_757 : memref<1x128xi32, #tpu.memory_space<vmem>> -> memref<128xi32, #tpu.memory_space<vmem>>
      %dma_wait3A_759 = arith.constant 0 : i32
      %dma_wait3A_760 = arith.constant 0 : i32
      %dma_wait3A_761 = tpu.memref_slice %arg13[%dma_wait3A_759, %dma_wait3A_760] : memref<100352x16xf32, #tpu.memory_space<vmem_shared>> -> memref<100352x16xf32, #tpu.memory_space<vmem_shared>>
      tpu.wait_indirect_dma semaphore(%arg15 : memref<!tpu.dma_semaphore, #tpu.memory_space<semaphore_mem>>) src(%dma_wait3A_755 : memref<128x16xf32, #tpu.memory_space<vmem>>) dst(%dma_wait3A_761 : memref<100352x16xf32, #tpu.memory_space<vmem_shared>>)
      %dma_wait3A_762 = arith.constant 15 : i32
      %dma_wait3A_763 = arith.constant 384 : i32
      %dma_wait3A_764 = arith.constant 0 : i32
      %dma_wait3A_765 = tpu.memref_slice %arg12[%dma_wait3A_763, %dma_wait3A_764] : memref<512x16xf32, #tpu.memory_space<vmem>> -> memref<128x16xf32, #tpu.memory_space<vmem>>
      %dma_wait3A_766 = arith.constant 0 : i32
      %dma_wait3A_767 = tpu.memref_slice %arg9[%dma_wait3A_762, %dma_wait3A_766] : memref<16x128xi32, #tpu.memory_space<vmem>> -> memref<1x128xi32, #tpu.memory_space<vmem>>
      %dma_wait3A_768 = tpu.memref_squeeze %dma_wait3A_767 : memref<1x128xi32, #tpu.memory_space<vmem>> -> memref<128xi32, #tpu.memory_space<vmem>>
      %dma_wait3A_769 = arith.constant 0 : i32
      %dma_wait3A_770 = arith.constant 0 : i32
      %dma_wait3A_771 = tpu.memref_slice %arg13[%dma_wait3A_769, %dma_wait3A_770] : memref<100352x16xf32, #tpu.memory_space<vmem_shared>> -> memref<100352x16xf32, #tpu.memory_space<vmem_shared>>
      tpu.wait_indirect_dma semaphore(%arg15 : memref<!tpu.dma_semaphore, #tpu.memory_space<semaphore_mem>>) src(%dma_wait3A_765 : memref<128x16xf32, #tpu.memory_space<vmem>>) dst(%dma_wait3A_771 : memref<100352x16xf32, #tpu.memory_space<vmem_shared>>)
    }
    %scan3A_65 = arith.constant 49 : i32
    %barrier3A_66 = arith.constant 0 : index
    tpu.barrier barrier_id(%barrier3A_66)
    "tpu.region"() ({
      %run_scoped3A = tpu.sem_alloc : memref<!tpu.dma_semaphore, #tpu.memory_space<semaphore_mem>>
      %dma_start3A = arith.constant 0 : i32
      %dma_start3A_110 = tpu.memref_slice %arg6[%arg0, %multiple_of3A, %dma_start3A] : memref<2x100352x16xf32, #tpu.memory_space<hbm>> -> memref<1x6272x16xf32, #tpu.memory_space<hbm>>
      %dma_start3A_111 = tpu.memref_squeeze %dma_start3A_110 : memref<1x6272x16xf32, #tpu.memory_space<hbm>> -> memref<6272x16xf32, #tpu.memory_space<hbm>>
      %dma_start3A_112 = arith.constant 0 : i32
      %dma_start3A_113 = tpu.memref_slice %arg13[%multiple_of3A, %dma_start3A_112] : memref<100352x16xf32, #tpu.memory_space<vmem_shared>> -> memref<6272x16xf32, #tpu.memory_space<vmem_shared>>
      tpu.enqueue_dma source(%dma_start3A_113 : memref<6272x16xf32, #tpu.memory_space<vmem_shared>>) target(%dma_start3A_111 : memref<6272x16xf32, #tpu.memory_space<hbm>>) target_semaphore(%run_scoped3A : memref<!tpu.dma_semaphore, #tpu.memory_space<semaphore_mem>>)
      %dma_wait3A = arith.constant 0 : i32
      %dma_wait3A_114 = tpu.memref_slice %arg6[%arg0, %multiple_of3A, %dma_wait3A] : memref<2x100352x16xf32, #tpu.memory_space<hbm>> -> memref<1x6272x16xf32, #tpu.memory_space<hbm>>
      %dma_wait3A_115 = tpu.memref_squeeze %dma_wait3A_114 : memref<1x6272x16xf32, #tpu.memory_space<hbm>> -> memref<6272x16xf32, #tpu.memory_space<hbm>>
      %dma_wait3A_116 = arith.constant 0 : i32
      %dma_wait3A_117 = tpu.memref_slice %arg13[%multiple_of3A, %dma_wait3A_116] : memref<100352x16xf32, #tpu.memory_space<vmem_shared>> -> memref<6272x16xf32, #tpu.memory_space<vmem_shared>>
      tpu.wait_dma2 semaphore(%run_scoped3A : memref<!tpu.dma_semaphore, #tpu.memory_space<semaphore_mem>>) src(%dma_wait3A_117 : memref<6272x16xf32, #tpu.memory_space<vmem_shared>>) dst(%dma_wait3A_115 : memref<6272x16xf32, #tpu.memory_space<hbm>>)
      tpu.yield
    }) : () -> ()
    %scan3A_67 = arith.constant 0 : i32
    %scan3A_68 = arith.constant 512 : i32
    %scan3A_69 = arith.addi %scan3A_67, %scan3A_68 : i32
    %scan3A_70 = arith.constant 1 : i32
    scf.for %scan3A_110 = %scan3A_67 to %scan3A_69 step %scan3A_70  : i32 {
      %mul3A_111 = arith.constant 1 : i32
      %mul3A_112 = arith.muli %scan3A_110, %mul3A_111 : i32
      %add3A_113 = arith.constant 0 : i32
      %add3A_114 = arith.addi %add3A_113, %mul3A_112 : i32
      %swap3A = arith.index_cast %add3A_114 : i32 to index
      %swap3A_115 = arith.constant 0 : index
      %swap3A_116 = tpu.vector_load %arg11[%swap3A, %swap3A_115] {strides = array<i32>} : memref<512x16xf32, #tpu.memory_space<vmem>>, vector<16xf32>,
      tpu.vector_store %arg11[%swap3A, %swap3A_115], %broadcast_in_dim3A_8 {strides = array<i32>} : memref<512x16xf32, #tpu.memory_space<vmem>>, vector<16xf32>,
    }
    %scan3A_71 = arith.constant 512 : i32
    %add3A_72 = arith.constant 0 : i32
    %add3A_73 = arith.addi %multiple_of3A, %add3A_72 : i32
    "tpu.region"() ({
      %run_scoped3A = tpu.sem_alloc : memref<!tpu.dma_semaphore, #tpu.memory_space<semaphore_mem>>
      %dma_start3A = arith.constant 0 : i32
      %dma_start3A_110 = arith.constant 0 : i32
      %dma_start3A_111 = tpu.memref_slice %arg11[%dma_start3A, %dma_start3A_110] : memref<512x16xf32, #tpu.memory_space<vmem>> -> memref<512x16xf32, #tpu.memory_space<vmem>>
      %dma_start3A_112 = arith.constant 0 : i32
      %dma_start3A_113 = tpu.memref_slice %arg13[%add3A_73, %dma_start3A_112] : memref<100352x16xf32, #tpu.memory_space<vmem_shared>> -> memref<512x16xf32, #tpu.memory_space<vmem_shared>>
      %dma_start3A_114 = arith.constant 0 : i32
      %dma_start3A_115 = tpu.memref_slice %arg13[%add3A_73, %dma_start3A_114] : memref<100352x16xf32, #tpu.memory_space<vmem_shared>> -> memref<512x16xf32, #tpu.memory_space<vmem_shared>>
      %dma_start3A_116 = arith.constant 0 : i32
      %dma_start3A_117 = arith.constant 0 : i32
      %dma_start3A_118 = tpu.memref_slice %arg11[%dma_start3A_116, %dma_start3A_117] : memref<512x16xf32, #tpu.memory_space<vmem>> -> memref<512x16xf32, #tpu.memory_space<vmem>>
      tpu.enqueue_dma source(%dma_start3A_118 : memref<512x16xf32, #tpu.memory_space<vmem>>) target(%dma_start3A_115 : memref<512x16xf32, #tpu.memory_space<vmem_shared>>) target_semaphore(%run_scoped3A : memref<!tpu.dma_semaphore, #tpu.memory_space<semaphore_mem>>)
      %dma_wait3A = arith.constant 0 : i32
      %dma_wait3A_119 = arith.constant 0 : i32
      %dma_wait3A_120 = tpu.memref_slice %arg11[%dma_wait3A, %dma_wait3A_119] : memref<512x16xf32, #tpu.memory_space<vmem>> -> memref<512x16xf32, #tpu.memory_space<vmem>>
      %dma_wait3A_121 = arith.constant 0 : i32
      %dma_wait3A_122 = tpu.memref_slice %arg13[%add3A_73, %dma_wait3A_121] : memref<100352x16xf32, #tpu.memory_space<vmem_shared>> -> memref<512x16xf32, #tpu.memory_space<vmem_shared>>
      %dma_wait3A_123 = arith.constant 0 : i32
      %dma_wait3A_124 = tpu.memref_slice %arg13[%add3A_73, %dma_wait3A_123] : memref<100352x16xf32, #tpu.memory_space<vmem_shared>> -> memref<512x16xf32, #tpu.memory_space<vmem_shared>>
      %dma_wait3A_125 = arith.constant 0 : i32
      %dma_wait3A_126 = arith.constant 0 : i32
      %dma_wait3A_127 = tpu.memref_slice %arg11[%dma_wait3A_125, %dma_wait3A_126] : memref<512x16xf32, #tpu.memory_space<vmem>> -> memref<512x16xf32, #tpu.memory_space<vmem>>
      tpu.wait_dma2 semaphore(%run_scoped3A : memref<!tpu.dma_semaphore, #tpu.memory_space<semaphore_mem>>) src(%dma_wait3A_127 : memref<512x16xf32, #tpu.memory_space<vmem>>) dst(%dma_wait3A_124 : memref<512x16xf32, #tpu.memory_space<vmem_shared>>)
      tpu.yield
    }) : () -> ()
    %add3A_74 = arith.constant 512 : i32
    %add3A_75 = arith.addi %multiple_of3A, %add3A_74 : i32
    "tpu.region"() ({
      %run_scoped3A = tpu.sem_alloc : memref<!tpu.dma_semaphore, #tpu.memory_space<semaphore_mem>>
      %dma_start3A = arith.constant 0 : i32
      %dma_start3A_110 = arith.constant 0 : i32
      %dma_start3A_111 = tpu.memref_slice %arg11[%dma_start3A, %dma_start3A_110] : memref<512x16xf32, #tpu.memory_space<vmem>> -> memref<512x16xf32, #tpu.memory_space<vmem>>
      %dma_start3A_112 = arith.constant 0 : i32
      %dma_start3A_113 = tpu.memref_slice %arg13[%add3A_75, %dma_start3A_112] : memref<100352x16xf32, #tpu.memory_space<vmem_shared>> -> memref<512x16xf32, #tpu.memory_space<vmem_shared>>
      %dma_start3A_114 = arith.constant 0 : i32
      %dma_start3A_115 = tpu.memref_slice %arg13[%add3A_75, %dma_start3A_114] : memref<100352x16xf32, #tpu.memory_space<vmem_shared>> -> memref<512x16xf32, #tpu.memory_space<vmem_shared>>
      %dma_start3A_116 = arith.constant 0 : i32
      %dma_start3A_117 = arith.constant 0 : i32
      %dma_start3A_118 = tpu.memref_slice %arg11[%dma_start3A_116, %dma_start3A_117] : memref<512x16xf32, #tpu.memory_space<vmem>> -> memref<512x16xf32, #tpu.memory_space<vmem>>
      tpu.enqueue_dma source(%dma_start3A_118 : memref<512x16xf32, #tpu.memory_space<vmem>>) target(%dma_start3A_115 : memref<512x16xf32, #tpu.memory_space<vmem_shared>>) target_semaphore(%run_scoped3A : memref<!tpu.dma_semaphore, #tpu.memory_space<semaphore_mem>>)
      %dma_wait3A = arith.constant 0 : i32
      %dma_wait3A_119 = arith.constant 0 : i32
      %dma_wait3A_120 = tpu.memref_slice %arg11[%dma_wait3A, %dma_wait3A_119] : memref<512x16xf32, #tpu.memory_space<vmem>> -> memref<512x16xf32, #tpu.memory_space<vmem>>
      %dma_wait3A_121 = arith.constant 0 : i32
      %dma_wait3A_122 = tpu.memref_slice %arg13[%add3A_75, %dma_wait3A_121] : memref<100352x16xf32, #tpu.memory_space<vmem_shared>> -> memref<512x16xf32, #tpu.memory_space<vmem_shared>>
      %dma_wait3A_123 = arith.constant 0 : i32
      %dma_wait3A_124 = tpu.memref_slice %arg13[%add3A_75, %dma_wait3A_123] : memref<100352x16xf32, #tpu.memory_space<vmem_shared>> -> memref<512x16xf32, #tpu.memory_space<vmem_shared>>
      %dma_wait3A_125 = arith.constant 0 : i32
      %dma_wait3A_126 = arith.constant 0 : i32
      %dma_wait3A_127 = tpu.memref_slice %arg11[%dma_wait3A_125, %dma_wait3A_126] : memref<512x16xf32, #tpu.memory_space<vmem>> -> memref<512x16xf32, #tpu.memory_space<vmem>>
      tpu.wait_dma2 semaphore(%run_scoped3A : memref<!tpu.dma_semaphore, #tpu.memory_space<semaphore_mem>>) src(%dma_wait3A_127 : memref<512x16xf32, #tpu.memory_space<vmem>>) dst(%dma_wait3A_124 : memref<512x16xf32, #tpu.memory_space<vmem_shared>>)
      tpu.yield
    }) : () -> ()
    %add3A_76 = arith.constant 1024 : i32
    %add3A_77 = arith.addi %multiple_of3A, %add3A_76 : i32
    "tpu.region"() ({
      %run_scoped3A = tpu.sem_alloc : memref<!tpu.dma_semaphore, #tpu.memory_space<semaphore_mem>>
      %dma_start3A = arith.constant 0 : i32
      %dma_start3A_110 = arith.constant 0 : i32
      %dma_start3A_111 = tpu.memref_slice %arg11[%dma_start3A, %dma_start3A_110] : memref<512x16xf32, #tpu.memory_space<vmem>> -> memref<512x16xf32, #tpu.memory_space<vmem>>
      %dma_start3A_112 = arith.constant 0 : i32
      %dma_start3A_113 = tpu.memref_slice %arg13[%add3A_77, %dma_start3A_112] : memref<100352x16xf32, #tpu.memory_space<vmem_shared>> -> memref<512x16xf32, #tpu.memory_space<vmem_shared>>
      %dma_start3A_114 = arith.constant 0 : i32
      %dma_start3A_115 = tpu.memref_slice %arg13[%add3A_77, %dma_start3A_114] : memref<100352x16xf32, #tpu.memory_space<vmem_shared>> -> memref<512x16xf32, #tpu.memory_space<vmem_shared>>
      %dma_start3A_116 = arith.constant 0 : i32
      %dma_start3A_117 = arith.constant 0 : i32
      %dma_start3A_118 = tpu.memref_slice %arg11[%dma_start3A_116, %dma_start3A_117] : memref<512x16xf32, #tpu.memory_space<vmem>> -> memref<512x16xf32, #tpu.memory_space<vmem>>
      tpu.enqueue_dma source(%dma_start3A_118 : memref<512x16xf32, #tpu.memory_space<vmem>>) target(%dma_start3A_115 : memref<512x16xf32, #tpu.memory_space<vmem_shared>>) target_semaphore(%run_scoped3A : memref<!tpu.dma_semaphore, #tpu.memory_space<semaphore_mem>>)
      %dma_wait3A = arith.constant 0 : i32
      %dma_wait3A_119 = arith.constant 0 : i32
      %dma_wait3A_120 = tpu.memref_slice %arg11[%dma_wait3A, %dma_wait3A_119] : memref<512x16xf32, #tpu.memory_space<vmem>> -> memref<512x16xf32, #tpu.memory_space<vmem>>
      %dma_wait3A_121 = arith.constant 0 : i32
      %dma_wait3A_122 = tpu.memref_slice %arg13[%add3A_77, %dma_wait3A_121] : memref<100352x16xf32, #tpu.memory_space<vmem_shared>> -> memref<512x16xf32, #tpu.memory_space<vmem_shared>>
      %dma_wait3A_123 = arith.constant 0 : i32
      %dma_wait3A_124 = tpu.memref_slice %arg13[%add3A_77, %dma_wait3A_123] : memref<100352x16xf32, #tpu.memory_space<vmem_shared>> -> memref<512x16xf32, #tpu.memory_space<vmem_shared>>
      %dma_wait3A_125 = arith.constant 0 : i32
      %dma_wait3A_126 = arith.constant 0 : i32
      %dma_wait3A_127 = tpu.memref_slice %arg11[%dma_wait3A_125, %dma_wait3A_126] : memref<512x16xf32, #tpu.memory_space<vmem>> -> memref<512x16xf32, #tpu.memory_space<vmem>>
      tpu.wait_dma2 semaphore(%run_scoped3A : memref<!tpu.dma_semaphore, #tpu.memory_space<semaphore_mem>>) src(%dma_wait3A_127 : memref<512x16xf32, #tpu.memory_space<vmem>>) dst(%dma_wait3A_124 : memref<512x16xf32, #tpu.memory_space<vmem_shared>>)
      tpu.yield
    }) : () -> ()
    %add3A_78 = arith.constant 1536 : i32
    %add3A_79 = arith.addi %multiple_of3A, %add3A_78 : i32
    "tpu.region"() ({
      %run_scoped3A = tpu.sem_alloc : memref<!tpu.dma_semaphore, #tpu.memory_space<semaphore_mem>>
      %dma_start3A = arith.constant 0 : i32
      %dma_start3A_110 = arith.constant 0 : i32
      %dma_start3A_111 = tpu.memref_slice %arg11[%dma_start3A, %dma_start3A_110] : memref<512x16xf32, #tpu.memory_space<vmem>> -> memref<512x16xf32, #tpu.memory_space<vmem>>
      %dma_start3A_112 = arith.constant 0 : i32
      %dma_start3A_113 = tpu.memref_slice %arg13[%add3A_79, %dma_start3A_112] : memref<100352x16xf32, #tpu.memory_space<vmem_shared>> -> memref<512x16xf32, #tpu.memory_space<vmem_shared>>
      %dma_start3A_114 = arith.constant 0 : i32
      %dma_start3A_115 = tpu.memref_slice %arg13[%add3A_79, %dma_start3A_114] : memref<100352x16xf32, #tpu.memory_space<vmem_shared>> -> memref<512x16xf32, #tpu.memory_space<vmem_shared>>
      %dma_start3A_116 = arith.constant 0 : i32
      %dma_start3A_117 = arith.constant 0 : i32
      %dma_start3A_118 = tpu.memref_slice %arg11[%dma_start3A_116, %dma_start3A_117] : memref<512x16xf32, #tpu.memory_space<vmem>> -> memref<512x16xf32, #tpu.memory_space<vmem>>
      tpu.enqueue_dma source(%dma_start3A_118 : memref<512x16xf32, #tpu.memory_space<vmem>>) target(%dma_start3A_115 : memref<512x16xf32, #tpu.memory_space<vmem_shared>>) target_semaphore(%run_scoped3A : memref<!tpu.dma_semaphore, #tpu.memory_space<semaphore_mem>>)
      %dma_wait3A = arith.constant 0 : i32
      %dma_wait3A_119 = arith.constant 0 : i32
      %dma_wait3A_120 = tpu.memref_slice %arg11[%dma_wait3A, %dma_wait3A_119] : memref<512x16xf32, #tpu.memory_space<vmem>> -> memref<512x16xf32, #tpu.memory_space<vmem>>
      %dma_wait3A_121 = arith.constant 0 : i32
      %dma_wait3A_122 = tpu.memref_slice %arg13[%add3A_79, %dma_wait3A_121] : memref<100352x16xf32, #tpu.memory_space<vmem_shared>> -> memref<512x16xf32, #tpu.memory_space<vmem_shared>>
      %dma_wait3A_123 = arith.constant 0 : i32
      %dma_wait3A_124 = tpu.memref_slice %arg13[%add3A_79, %dma_wait3A_123] : memref<100352x16xf32, #tpu.memory_space<vmem_shared>> -> memref<512x16xf32, #tpu.memory_space<vmem_shared>>
      %dma_wait3A_125 = arith.constant 0 : i32
      %dma_wait3A_126 = arith.constant 0 : i32
      %dma_wait3A_127 = tpu.memref_slice %arg11[%dma_wait3A_125, %dma_wait3A_126] : memref<512x16xf32, #tpu.memory_space<vmem>> -> memref<512x16xf32, #tpu.memory_space<vmem>>
      tpu.wait_dma2 semaphore(%run_scoped3A : memref<!tpu.dma_semaphore, #tpu.memory_space<semaphore_mem>>) src(%dma_wait3A_127 : memref<512x16xf32, #tpu.memory_space<vmem>>) dst(%dma_wait3A_124 : memref<512x16xf32, #tpu.memory_space<vmem_shared>>)
      tpu.yield
    }) : () -> ()
    %add3A_80 = arith.constant 2048 : i32
    %add3A_81 = arith.addi %multiple_of3A, %add3A_80 : i32
    "tpu.region"() ({
      %run_scoped3A = tpu.sem_alloc : memref<!tpu.dma_semaphore, #tpu.memory_space<semaphore_mem>>
      %dma_start3A = arith.constant 0 : i32
      %dma_start3A_110 = arith.constant 0 : i32
      %dma_start3A_111 = tpu.memref_slice %arg11[%dma_start3A, %dma_start3A_110] : memref<512x16xf32, #tpu.memory_space<vmem>> -> memref<512x16xf32, #tpu.memory_space<vmem>>
      %dma_start3A_112 = arith.constant 0 : i32
      %dma_start3A_113 = tpu.memref_slice %arg13[%add3A_81, %dma_start3A_112] : memref<100352x16xf32, #tpu.memory_space<vmem_shared>> -> memref<512x16xf32, #tpu.memory_space<vmem_shared>>
      %dma_start3A_114 = arith.constant 0 : i32
      %dma_start3A_115 = tpu.memref_slice %arg13[%add3A_81, %dma_start3A_114] : memref<100352x16xf32, #tpu.memory_space<vmem_shared>> -> memref<512x16xf32, #tpu.memory_space<vmem_shared>>
      %dma_start3A_116 = arith.constant 0 : i32
      %dma_start3A_117 = arith.constant 0 : i32
      %dma_start3A_118 = tpu.memref_slice %arg11[%dma_start3A_116, %dma_start3A_117] : memref<512x16xf32, #tpu.memory_space<vmem>> -> memref<512x16xf32, #tpu.memory_space<vmem>>
      tpu.enqueue_dma source(%dma_start3A_118 : memref<512x16xf32, #tpu.memory_space<vmem>>) target(%dma_start3A_115 : memref<512x16xf32, #tpu.memory_space<vmem_shared>>) target_semaphore(%run_scoped3A : memref<!tpu.dma_semaphore, #tpu.memory_space<semaphore_mem>>)
      %dma_wait3A = arith.constant 0 : i32
      %dma_wait3A_119 = arith.constant 0 : i32
      %dma_wait3A_120 = tpu.memref_slice %arg11[%dma_wait3A, %dma_wait3A_119] : memref<512x16xf32, #tpu.memory_space<vmem>> -> memref<512x16xf32, #tpu.memory_space<vmem>>
      %dma_wait3A_121 = arith.constant 0 : i32
      %dma_wait3A_122 = tpu.memref_slice %arg13[%add3A_81, %dma_wait3A_121] : memref<100352x16xf32, #tpu.memory_space<vmem_shared>> -> memref<512x16xf32, #tpu.memory_space<vmem_shared>>
      %dma_wait3A_123 = arith.constant 0 : i32
      %dma_wait3A_124 = tpu.memref_slice %arg13[%add3A_81, %dma_wait3A_123] : memref<100352x16xf32, #tpu.memory_space<vmem_shared>> -> memref<512x16xf32, #tpu.memory_space<vmem_shared>>
      %dma_wait3A_125 = arith.constant 0 : i32
      %dma_wait3A_126 = arith.constant 0 : i32
      %dma_wait3A_127 = tpu.memref_slice %arg11[%dma_wait3A_125, %dma_wait3A_126] : memref<512x16xf32, #tpu.memory_space<vmem>> -> memref<512x16xf32, #tpu.memory_space<vmem>>
      tpu.wait_dma2 semaphore(%run_scoped3A : memref<!tpu.dma_semaphore, #tpu.memory_space<semaphore_mem>>) src(%dma_wait3A_127 : memref<512x16xf32, #tpu.memory_space<vmem>>) dst(%dma_wait3A_124 : memref<512x16xf32, #tpu.memory_space<vmem_shared>>)
      tpu.yield
    }) : () -> ()
    %add3A_82 = arith.constant 2560 : i32
    %add3A_83 = arith.addi %multiple_of3A, %add3A_82 : i32
    "tpu.region"() ({
      %run_scoped3A = tpu.sem_alloc : memref<!tpu.dma_semaphore, #tpu.memory_space<semaphore_mem>>
      %dma_start3A = arith.constant 0 : i32
      %dma_start3A_110 = arith.constant 0 : i32
      %dma_start3A_111 = tpu.memref_slice %arg11[%dma_start3A, %dma_start3A_110] : memref<512x16xf32, #tpu.memory_space<vmem>> -> memref<512x16xf32, #tpu.memory_space<vmem>>
      %dma_start3A_112 = arith.constant 0 : i32
      %dma_start3A_113 = tpu.memref_slice %arg13[%add3A_83, %dma_start3A_112] : memref<100352x16xf32, #tpu.memory_space<vmem_shared>> -> memref<512x16xf32, #tpu.memory_space<vmem_shared>>
      %dma_start3A_114 = arith.constant 0 : i32
      %dma_start3A_115 = tpu.memref_slice %arg13[%add3A_83, %dma_start3A_114] : memref<100352x16xf32, #tpu.memory_space<vmem_shared>> -> memref<512x16xf32, #tpu.memory_space<vmem_shared>>
      %dma_start3A_116 = arith.constant 0 : i32
      %dma_start3A_117 = arith.constant 0 : i32
      %dma_start3A_118 = tpu.memref_slice %arg11[%dma_start3A_116, %dma_start3A_117] : memref<512x16xf32, #tpu.memory_space<vmem>> -> memref<512x16xf32, #tpu.memory_space<vmem>>
      tpu.enqueue_dma source(%dma_start3A_118 : memref<512x16xf32, #tpu.memory_space<vmem>>) target(%dma_start3A_115 : memref<512x16xf32, #tpu.memory_space<vmem_shared>>) target_semaphore(%run_scoped3A : memref<!tpu.dma_semaphore, #tpu.memory_space<semaphore_mem>>)
      %dma_wait3A = arith.constant 0 : i32
      %dma_wait3A_119 = arith.constant 0 : i32
      %dma_wait3A_120 = tpu.memref_slice %arg11[%dma_wait3A, %dma_wait3A_119] : memref<512x16xf32, #tpu.memory_space<vmem>> -> memref<512x16xf32, #tpu.memory_space<vmem>>
      %dma_wait3A_121 = arith.constant 0 : i32
      %dma_wait3A_122 = tpu.memref_slice %arg13[%add3A_83, %dma_wait3A_121] : memref<100352x16xf32, #tpu.memory_space<vmem_shared>> -> memref<512x16xf32, #tpu.memory_space<vmem_shared>>
      %dma_wait3A_123 = arith.constant 0 : i32
      %dma_wait3A_124 = tpu.memref_slice %arg13[%add3A_83, %dma_wait3A_123] : memref<100352x16xf32, #tpu.memory_space<vmem_shared>> -> memref<512x16xf32, #tpu.memory_space<vmem_shared>>
      %dma_wait3A_125 = arith.constant 0 : i32
      %dma_wait3A_126 = arith.constant 0 : i32
      %dma_wait3A_127 = tpu.memref_slice %arg11[%dma_wait3A_125, %dma_wait3A_126] : memref<512x16xf32, #tpu.memory_space<vmem>> -> memref<512x16xf32, #tpu.memory_space<vmem>>
      tpu.wait_dma2 semaphore(%run_scoped3A : memref<!tpu.dma_semaphore, #tpu.memory_space<semaphore_mem>>) src(%dma_wait3A_127 : memref<512x16xf32, #tpu.memory_space<vmem>>) dst(%dma_wait3A_124 : memref<512x16xf32, #tpu.memory_space<vmem_shared>>)
      tpu.yield
    }) : () -> ()
    %add3A_84 = arith.constant 3072 : i32
    %add3A_85 = arith.addi %multiple_of3A, %add3A_84 : i32
    "tpu.region"() ({
      %run_scoped3A = tpu.sem_alloc : memref<!tpu.dma_semaphore, #tpu.memory_space<semaphore_mem>>
      %dma_start3A = arith.constant 0 : i32
      %dma_start3A_110 = arith.constant 0 : i32
      %dma_start3A_111 = tpu.memref_slice %arg11[%dma_start3A, %dma_start3A_110] : memref<512x16xf32, #tpu.memory_space<vmem>> -> memref<512x16xf32, #tpu.memory_space<vmem>>
      %dma_start3A_112 = arith.constant 0 : i32
      %dma_start3A_113 = tpu.memref_slice %arg13[%add3A_85, %dma_start3A_112] : memref<100352x16xf32, #tpu.memory_space<vmem_shared>> -> memref<512x16xf32, #tpu.memory_space<vmem_shared>>
      %dma_start3A_114 = arith.constant 0 : i32
      %dma_start3A_115 = tpu.memref_slice %arg13[%add3A_85, %dma_start3A_114] : memref<100352x16xf32, #tpu.memory_space<vmem_shared>> -> memref<512x16xf32, #tpu.memory_space<vmem_shared>>
      %dma_start3A_116 = arith.constant 0 : i32
      %dma_start3A_117 = arith.constant 0 : i32
      %dma_start3A_118 = tpu.memref_slice %arg11[%dma_start3A_116, %dma_start3A_117] : memref<512x16xf32, #tpu.memory_space<vmem>> -> memref<512x16xf32, #tpu.memory_space<vmem>>
      tpu.enqueue_dma source(%dma_start3A_118 : memref<512x16xf32, #tpu.memory_space<vmem>>) target(%dma_start3A_115 : memref<512x16xf32, #tpu.memory_space<vmem_shared>>) target_semaphore(%run_scoped3A : memref<!tpu.dma_semaphore, #tpu.memory_space<semaphore_mem>>)
      %dma_wait3A = arith.constant 0 : i32
      %dma_wait3A_119 = arith.constant 0 : i32
      %dma_wait3A_120 = tpu.memref_slice %arg11[%dma_wait3A, %dma_wait3A_119] : memref<512x16xf32, #tpu.memory_space<vmem>> -> memref<512x16xf32, #tpu.memory_space<vmem>>
      %dma_wait3A_121 = arith.constant 0 : i32
      %dma_wait3A_122 = tpu.memref_slice %arg13[%add3A_85, %dma_wait3A_121] : memref<100352x16xf32, #tpu.memory_space<vmem_shared>> -> memref<512x16xf32, #tpu.memory_space<vmem_shared>>
      %dma_wait3A_123 = arith.constant 0 : i32
      %dma_wait3A_124 = tpu.memref_slice %arg13[%add3A_85, %dma_wait3A_123] : memref<100352x16xf32, #tpu.memory_space<vmem_shared>> -> memref<512x16xf32, #tpu.memory_space<vmem_shared>>
      %dma_wait3A_125 = arith.constant 0 : i32
      %dma_wait3A_126 = arith.constant 0 : i32
      %dma_wait3A_127 = tpu.memref_slice %arg11[%dma_wait3A_125, %dma_wait3A_126] : memref<512x16xf32, #tpu.memory_space<vmem>> -> memref<512x16xf32, #tpu.memory_space<vmem>>
      tpu.wait_dma2 semaphore(%run_scoped3A : memref<!tpu.dma_semaphore, #tpu.memory_space<semaphore_mem>>) src(%dma_wait3A_127 : memref<512x16xf32, #tpu.memory_space<vmem>>) dst(%dma_wait3A_124 : memref<512x16xf32, #tpu.memory_space<vmem_shared>>)
      tpu.yield
    }) : () -> ()
    %add3A_86 = arith.constant 3584 : i32
    %add3A_87 = arith.addi %multiple_of3A, %add3A_86 : i32
    "tpu.region"() ({
      %run_scoped3A = tpu.sem_alloc : memref<!tpu.dma_semaphore, #tpu.memory_space<semaphore_mem>>
      %dma_start3A = arith.constant 0 : i32
      %dma_start3A_110 = arith.constant 0 : i32
      %dma_start3A_111 = tpu.memref_slice %arg11[%dma_start3A, %dma_start3A_110] : memref<512x16xf32, #tpu.memory_space<vmem>> -> memref<512x16xf32, #tpu.memory_space<vmem>>
      %dma_start3A_112 = arith.constant 0 : i32
      %dma_start3A_113 = tpu.memref_slice %arg13[%add3A_87, %dma_start3A_112] : memref<100352x16xf32, #tpu.memory_space<vmem_shared>> -> memref<512x16xf32, #tpu.memory_space<vmem_shared>>
      %dma_start3A_114 = arith.constant 0 : i32
      %dma_start3A_115 = tpu.memref_slice %arg13[%add3A_87, %dma_start3A_114] : memref<100352x16xf32, #tpu.memory_space<vmem_shared>> -> memref<512x16xf32, #tpu.memory_space<vmem_shared>>
      %dma_start3A_116 = arith.constant 0 : i32
      %dma_start3A_117 = arith.constant 0 : i32
      %dma_start3A_118 = tpu.memref_slice %arg11[%dma_start3A_116, %dma_start3A_117] : memref<512x16xf32, #tpu.memory_space<vmem>> -> memref<512x16xf32, #tpu.memory_space<vmem>>
      tpu.enqueue_dma source(%dma_start3A_118 : memref<512x16xf32, #tpu.memory_space<vmem>>) target(%dma_start3A_115 : memref<512x16xf32, #tpu.memory_space<vmem_shared>>) target_semaphore(%run_scoped3A : memref<!tpu.dma_semaphore, #tpu.memory_space<semaphore_mem>>)
      %dma_wait3A = arith.constant 0 : i32
      %dma_wait3A_119 = arith.constant 0 : i32
      %dma_wait3A_120 = tpu.memref_slice %arg11[%dma_wait3A, %dma_wait3A_119] : memref<512x16xf32, #tpu.memory_space<vmem>> -> memref<512x16xf32, #tpu.memory_space<vmem>>
      %dma_wait3A_121 = arith.constant 0 : i32
      %dma_wait3A_122 = tpu.memref_slice %arg13[%add3A_87, %dma_wait3A_121] : memref<100352x16xf32, #tpu.memory_space<vmem_shared>> -> memref<512x16xf32, #tpu.memory_space<vmem_shared>>
      %dma_wait3A_123 = arith.constant 0 : i32
      %dma_wait3A_124 = tpu.memref_slice %arg13[%add3A_87, %dma_wait3A_123] : memref<100352x16xf32, #tpu.memory_space<vmem_shared>> -> memref<512x16xf32, #tpu.memory_space<vmem_shared>>
      %dma_wait3A_125 = arith.constant 0 : i32
      %dma_wait3A_126 = arith.constant 0 : i32
      %dma_wait3A_127 = tpu.memref_slice %arg11[%dma_wait3A_125, %dma_wait3A_126] : memref<512x16xf32, #tpu.memory_space<vmem>> -> memref<512x16xf32, #tpu.memory_space<vmem>>
      tpu.wait_dma2 semaphore(%run_scoped3A : memref<!tpu.dma_semaphore, #tpu.memory_space<semaphore_mem>>) src(%dma_wait3A_127 : memref<512x16xf32, #tpu.memory_space<vmem>>) dst(%dma_wait3A_124 : memref<512x16xf32, #tpu.memory_space<vmem_shared>>)
      tpu.yield
    }) : () -> ()
    %add3A_88 = arith.constant 4096 : i32
    %add3A_89 = arith.addi %multiple_of3A, %add3A_88 : i32
    "tpu.region"() ({
      %run_scoped3A = tpu.sem_alloc : memref<!tpu.dma_semaphore, #tpu.memory_space<semaphore_mem>>
      %dma_start3A = arith.constant 0 : i32
      %dma_start3A_110 = arith.constant 0 : i32
      %dma_start3A_111 = tpu.memref_slice %arg11[%dma_start3A, %dma_start3A_110] : memref<512x16xf32, #tpu.memory_space<vmem>> -> memref<512x16xf32, #tpu.memory_space<vmem>>
      %dma_start3A_112 = arith.constant 0 : i32
      %dma_start3A_113 = tpu.memref_slice %arg13[%add3A_89, %dma_start3A_112] : memref<100352x16xf32, #tpu.memory_space<vmem_shared>> -> memref<512x16xf32, #tpu.memory_space<vmem_shared>>
      %dma_start3A_114 = arith.constant 0 : i32
      %dma_start3A_115 = tpu.memref_slice %arg13[%add3A_89, %dma_start3A_114] : memref<100352x16xf32, #tpu.memory_space<vmem_shared>> -> memref<512x16xf32, #tpu.memory_space<vmem_shared>>
      %dma_start3A_116 = arith.constant 0 : i32
      %dma_start3A_117 = arith.constant 0 : i32
      %dma_start3A_118 = tpu.memref_slice %arg11[%dma_start3A_116, %dma_start3A_117] : memref<512x16xf32, #tpu.memory_space<vmem>> -> memref<512x16xf32, #tpu.memory_space<vmem>>
      tpu.enqueue_dma source(%dma_start3A_118 : memref<512x16xf32, #tpu.memory_space<vmem>>) target(%dma_start3A_115 : memref<512x16xf32, #tpu.memory_space<vmem_shared>>) target_semaphore(%run_scoped3A : memref<!tpu.dma_semaphore, #tpu.memory_space<semaphore_mem>>)
      %dma_wait3A = arith.constant 0 : i32
      %dma_wait3A_119 = arith.constant 0 : i32
      %dma_wait3A_120 = tpu.memref_slice %arg11[%dma_wait3A, %dma_wait3A_119] : memref<512x16xf32, #tpu.memory_space<vmem>> -> memref<512x16xf32, #tpu.memory_space<vmem>>
      %dma_wait3A_121 = arith.constant 0 : i32
      %dma_wait3A_122 = tpu.memref_slice %arg13[%add3A_89, %dma_wait3A_121] : memref<100352x16xf32, #tpu.memory_space<vmem_shared>> -> memref<512x16xf32, #tpu.memory_space<vmem_shared>>
      %dma_wait3A_123 = arith.constant 0 : i32
      %dma_wait3A_124 = tpu.memref_slice %arg13[%add3A_89, %dma_wait3A_123] : memref<100352x16xf32, #tpu.memory_space<vmem_shared>> -> memref<512x16xf32, #tpu.memory_space<vmem_shared>>
      %dma_wait3A_125 = arith.constant 0 : i32
      %dma_wait3A_126 = arith.constant 0 : i32
      %dma_wait3A_127 = tpu.memref_slice %arg11[%dma_wait3A_125, %dma_wait3A_126] : memref<512x16xf32, #tpu.memory_space<vmem>> -> memref<512x16xf32, #tpu.memory_space<vmem>>
      tpu.wait_dma2 semaphore(%run_scoped3A : memref<!tpu.dma_semaphore, #tpu.memory_space<semaphore_mem>>) src(%dma_wait3A_127 : memref<512x16xf32, #tpu.memory_space<vmem>>) dst(%dma_wait3A_124 : memref<512x16xf32, #tpu.memory_space<vmem_shared>>)
      tpu.yield
    }) : () -> ()
    %add3A_90 = arith.constant 4608 : i32
    %add3A_91 = arith.addi %multiple_of3A, %add3A_90 : i32
    "tpu.region"() ({
      %run_scoped3A = tpu.sem_alloc : memref<!tpu.dma_semaphore, #tpu.memory_space<semaphore_mem>>
      %dma_start3A = arith.constant 0 : i32
      %dma_start3A_110 = arith.constant 0 : i32
      %dma_start3A_111 = tpu.memref_slice %arg11[%dma_start3A, %dma_start3A_110] : memref<512x16xf32, #tpu.memory_space<vmem>> -> memref<512x16xf32, #tpu.memory_space<vmem>>
      %dma_start3A_112 = arith.constant 0 : i32
      %dma_start3A_113 = tpu.memref_slice %arg13[%add3A_91, %dma_start3A_112] : memref<100352x16xf32, #tpu.memory_space<vmem_shared>> -> memref<512x16xf32, #tpu.memory_space<vmem_shared>>
      %dma_start3A_114 = arith.constant 0 : i32
      %dma_start3A_115 = tpu.memref_slice %arg13[%add3A_91, %dma_start3A_114] : memref<100352x16xf32, #tpu.memory_space<vmem_shared>> -> memref<512x16xf32, #tpu.memory_space<vmem_shared>>
      %dma_start3A_116 = arith.constant 0 : i32
      %dma_start3A_117 = arith.constant 0 : i32
      %dma_start3A_118 = tpu.memref_slice %arg11[%dma_start3A_116, %dma_start3A_117] : memref<512x16xf32, #tpu.memory_space<vmem>> -> memref<512x16xf32, #tpu.memory_space<vmem>>
      tpu.enqueue_dma source(%dma_start3A_118 : memref<512x16xf32, #tpu.memory_space<vmem>>) target(%dma_start3A_115 : memref<512x16xf32, #tpu.memory_space<vmem_shared>>) target_semaphore(%run_scoped3A : memref<!tpu.dma_semaphore, #tpu.memory_space<semaphore_mem>>)
      %dma_wait3A = arith.constant 0 : i32
      %dma_wait3A_119 = arith.constant 0 : i32
      %dma_wait3A_120 = tpu.memref_slice %arg11[%dma_wait3A, %dma_wait3A_119] : memref<512x16xf32, #tpu.memory_space<vmem>> -> memref<512x16xf32, #tpu.memory_space<vmem>>
      %dma_wait3A_121 = arith.constant 0 : i32
      %dma_wait3A_122 = tpu.memref_slice %arg13[%add3A_91, %dma_wait3A_121] : memref<100352x16xf32, #tpu.memory_space<vmem_shared>> -> memref<512x16xf32, #tpu.memory_space<vmem_shared>>
      %dma_wait3A_123 = arith.constant 0 : i32
      %dma_wait3A_124 = tpu.memref_slice %arg13[%add3A_91, %dma_wait3A_123] : memref<100352x16xf32, #tpu.memory_space<vmem_shared>> -> memref<512x16xf32, #tpu.memory_space<vmem_shared>>
      %dma_wait3A_125 = arith.constant 0 : i32
      %dma_wait3A_126 = arith.constant 0 : i32
      %dma_wait3A_127 = tpu.memref_slice %arg11[%dma_wait3A_125, %dma_wait3A_126] : memref<512x16xf32, #tpu.memory_space<vmem>> -> memref<512x16xf32, #tpu.memory_space<vmem>>
      tpu.wait_dma2 semaphore(%run_scoped3A : memref<!tpu.dma_semaphore, #tpu.memory_space<semaphore_mem>>) src(%dma_wait3A_127 : memref<512x16xf32, #tpu.memory_space<vmem>>) dst(%dma_wait3A_124 : memref<512x16xf32, #tpu.memory_space<vmem_shared>>)
      tpu.yield
    }) : () -> ()
    %add3A_92 = arith.constant 5120 : i32
    %add3A_93 = arith.addi %multiple_of3A, %add3A_92 : i32
    "tpu.region"() ({
      %run_scoped3A = tpu.sem_alloc : memref<!tpu.dma_semaphore, #tpu.memory_space<semaphore_mem>>
      %dma_start3A = arith.constant 0 : i32
      %dma_start3A_110 = arith.constant 0 : i32
      %dma_start3A_111 = tpu.memref_slice %arg11[%dma_start3A, %dma_start3A_110] : memref<512x16xf32, #tpu.memory_space<vmem>> -> memref<512x16xf32, #tpu.memory_space<vmem>>
      %dma_start3A_112 = arith.constant 0 : i32
      %dma_start3A_113 = tpu.memref_slice %arg13[%add3A_93, %dma_start3A_112] : memref<100352x16xf32, #tpu.memory_space<vmem_shared>> -> memref<512x16xf32, #tpu.memory_space<vmem_shared>>
      %dma_start3A_114 = arith.constant 0 : i32
      %dma_start3A_115 = tpu.memref_slice %arg13[%add3A_93, %dma_start3A_114] : memref<100352x16xf32, #tpu.memory_space<vmem_shared>> -> memref<512x16xf32, #tpu.memory_space<vmem_shared>>
      %dma_start3A_116 = arith.constant 0 : i32
      %dma_start3A_117 = arith.constant 0 : i32
      %dma_start3A_118 = tpu.memref_slice %arg11[%dma_start3A_116, %dma_start3A_117] : memref<512x16xf32, #tpu.memory_space<vmem>> -> memref<512x16xf32, #tpu.memory_space<vmem>>
      tpu.enqueue_dma source(%dma_start3A_118 : memref<512x16xf32, #tpu.memory_space<vmem>>) target(%dma_start3A_115 : memref<512x16xf32, #tpu.memory_space<vmem_shared>>) target_semaphore(%run_scoped3A : memref<!tpu.dma_semaphore, #tpu.memory_space<semaphore_mem>>)
      %dma_wait3A = arith.constant 0 : i32
      %dma_wait3A_119 = arith.constant 0 : i32
      %dma_wait3A_120 = tpu.memref_slice %arg11[%dma_wait3A, %dma_wait3A_119] : memref<512x16xf32, #tpu.memory_space<vmem>> -> memref<512x16xf32, #tpu.memory_space<vmem>>
      %dma_wait3A_121 = arith.constant 0 : i32
      %dma_wait3A_122 = tpu.memref_slice %arg13[%add3A_93, %dma_wait3A_121] : memref<100352x16xf32, #tpu.memory_space<vmem_shared>> -> memref<512x16xf32, #tpu.memory_space<vmem_shared>>
      %dma_wait3A_123 = arith.constant 0 : i32
      %dma_wait3A_124 = tpu.memref_slice %arg13[%add3A_93, %dma_wait3A_123] : memref<100352x16xf32, #tpu.memory_space<vmem_shared>> -> memref<512x16xf32, #tpu.memory_space<vmem_shared>>
      %dma_wait3A_125 = arith.constant 0 : i32
      %dma_wait3A_126 = arith.constant 0 : i32
      %dma_wait3A_127 = tpu.memref_slice %arg11[%dma_wait3A_125, %dma_wait3A_126] : memref<512x16xf32, #tpu.memory_space<vmem>> -> memref<512x16xf32, #tpu.memory_space<vmem>>
      tpu.wait_dma2 semaphore(%run_scoped3A : memref<!tpu.dma_semaphore, #tpu.memory_space<semaphore_mem>>) src(%dma_wait3A_127 : memref<512x16xf32, #tpu.memory_space<vmem>>) dst(%dma_wait3A_124 : memref<512x16xf32, #tpu.memory_space<vmem_shared>>)
      tpu.yield
    }) : () -> ()
    %add3A_94 = arith.constant 5632 : i32
    %add3A_95 = arith.addi %multiple_of3A, %add3A_94 : i32
    "tpu.region"() ({
      %run_scoped3A = tpu.sem_alloc : memref<!tpu.dma_semaphore, #tpu.memory_space<semaphore_mem>>
      %dma_start3A = arith.constant 0 : i32
      %dma_start3A_110 = arith.constant 0 : i32
      %dma_start3A_111 = tpu.memref_slice %arg11[%dma_start3A, %dma_start3A_110] : memref<512x16xf32, #tpu.memory_space<vmem>> -> memref<512x16xf32, #tpu.memory_space<vmem>>
      %dma_start3A_112 = arith.constant 0 : i32
      %dma_start3A_113 = tpu.memref_slice %arg13[%add3A_95, %dma_start3A_112] : memref<100352x16xf32, #tpu.memory_space<vmem_shared>> -> memref<512x16xf32, #tpu.memory_space<vmem_shared>>
      %dma_start3A_114 = arith.constant 0 : i32
      %dma_start3A_115 = tpu.memref_slice %arg13[%add3A_95, %dma_start3A_114] : memref<100352x16xf32, #tpu.memory_space<vmem_shared>> -> memref<512x16xf32, #tpu.memory_space<vmem_shared>>
      %dma_start3A_116 = arith.constant 0 : i32
      %dma_start3A_117 = arith.constant 0 : i32
      %dma_start3A_118 = tpu.memref_slice %arg11[%dma_start3A_116, %dma_start3A_117] : memref<512x16xf32, #tpu.memory_space<vmem>> -> memref<512x16xf32, #tpu.memory_space<vmem>>
      tpu.enqueue_dma source(%dma_start3A_118 : memref<512x16xf32, #tpu.memory_space<vmem>>) target(%dma_start3A_115 : memref<512x16xf32, #tpu.memory_space<vmem_shared>>) target_semaphore(%run_scoped3A : memref<!tpu.dma_semaphore, #tpu.memory_space<semaphore_mem>>)
      %dma_wait3A = arith.constant 0 : i32
      %dma_wait3A_119 = arith.constant 0 : i32
      %dma_wait3A_120 = tpu.memref_slice %arg11[%dma_wait3A, %dma_wait3A_119] : memref<512x16xf32, #tpu.memory_space<vmem>> -> memref<512x16xf32, #tpu.memory_space<vmem>>
      %dma_wait3A_121 = arith.constant 0 : i32
      %dma_wait3A_122 = tpu.memref_slice %arg13[%add3A_95, %dma_wait3A_121] : memref<100352x16xf32, #tpu.memory_space<vmem_shared>> -> memref<512x16xf32, #tpu.memory_space<vmem_shared>>
      %dma_wait3A_123 = arith.constant 0 : i32
      %dma_wait3A_124 = tpu.memref_slice %arg13[%add3A_95, %dma_wait3A_123] : memref<100352x16xf32, #tpu.memory_space<vmem_shared>> -> memref<512x16xf32, #tpu.memory_space<vmem_shared>>
      %dma_wait3A_125 = arith.constant 0 : i32
      %dma_wait3A_126 = arith.constant 0 : i32
      %dma_wait3A_127 = tpu.memref_slice %arg11[%dma_wait3A_125, %dma_wait3A_126] : memref<512x16xf32, #tpu.memory_space<vmem>> -> memref<512x16xf32, #tpu.memory_space<vmem>>
      tpu.wait_dma2 semaphore(%run_scoped3A : memref<!tpu.dma_semaphore, #tpu.memory_space<semaphore_mem>>) src(%dma_wait3A_127 : memref<512x16xf32, #tpu.memory_space<vmem>>) dst(%dma_wait3A_124 : memref<512x16xf32, #tpu.memory_space<vmem_shared>>)
      tpu.yield
    }) : () -> ()
    %add3A_96 = arith.constant 6144 : i32
    %add3A_97 = arith.addi %multiple_of3A, %add3A_96 : i32
    "tpu.region"() ({
      %run_scoped3A = tpu.sem_alloc : memref<!tpu.dma_semaphore, #tpu.memory_space<semaphore_mem>>
      %dma_start3A = arith.constant 0 : i32
      %dma_start3A_110 = arith.constant 0 : i32
      %dma_start3A_111 = tpu.memref_slice %arg11[%dma_start3A, %dma_start3A_110] : memref<512x16xf32, #tpu.memory_space<vmem>> -> memref<128x16xf32, #tpu.memory_space<vmem>>
      %dma_start3A_112 = arith.constant 0 : i32
      %dma_start3A_113 = tpu.memref_slice %arg13[%add3A_97, %dma_start3A_112] : memref<100352x16xf32, #tpu.memory_space<vmem_shared>> -> memref<128x16xf32, #tpu.memory_space<vmem_shared>>
      %dma_start3A_114 = arith.constant 0 : i32
      %dma_start3A_115 = tpu.memref_slice %arg13[%add3A_97, %dma_start3A_114] : memref<100352x16xf32, #tpu.memory_space<vmem_shared>> -> memref<128x16xf32, #tpu.memory_space<vmem_shared>>
      %dma_start3A_116 = arith.constant 0 : i32
      %dma_start3A_117 = arith.constant 0 : i32
      %dma_start3A_118 = tpu.memref_slice %arg11[%dma_start3A_116, %dma_start3A_117] : memref<512x16xf32, #tpu.memory_space<vmem>> -> memref<128x16xf32, #tpu.memory_space<vmem>>
      tpu.enqueue_dma source(%dma_start3A_118 : memref<128x16xf32, #tpu.memory_space<vmem>>) target(%dma_start3A_115 : memref<128x16xf32, #tpu.memory_space<vmem_shared>>) target_semaphore(%run_scoped3A : memref<!tpu.dma_semaphore, #tpu.memory_space<semaphore_mem>>)
      %dma_wait3A = arith.constant 0 : i32
      %dma_wait3A_119 = arith.constant 0 : i32
      %dma_wait3A_120 = tpu.memref_slice %arg11[%dma_wait3A, %dma_wait3A_119] : memref<512x16xf32, #tpu.memory_space<vmem>> -> memref<128x16xf32, #tpu.memory_space<vmem>>
      %dma_wait3A_121 = arith.constant 0 : i32
      %dma_wait3A_122 = tpu.memref_slice %arg13[%add3A_97, %dma_wait3A_121] : memref<100352x16xf32, #tpu.memory_space<vmem_shared>> -> memref<128x16xf32, #tpu.memory_space<vmem_shared>>
      %dma_wait3A_123 = arith.constant 0 : i32
      %dma_wait3A_124 = tpu.memref_slice %arg13[%add3A_97, %dma_wait3A_123] : memref<100352x16xf32, #tpu.memory_space<vmem_shared>> -> memref<128x16xf32, #tpu.memory_space<vmem_shared>>
      %dma_wait3A_125 = arith.constant 0 : i32
      %dma_wait3A_126 = arith.constant 0 : i32
      %dma_wait3A_127 = tpu.memref_slice %arg11[%dma_wait3A_125, %dma_wait3A_126] : memref<512x16xf32, #tpu.memory_space<vmem>> -> memref<128x16xf32, #tpu.memory_space<vmem>>
      tpu.wait_dma2 semaphore(%run_scoped3A : memref<!tpu.dma_semaphore, #tpu.memory_space<semaphore_mem>>) src(%dma_wait3A_127 : memref<128x16xf32, #tpu.memory_space<vmem>>) dst(%dma_wait3A_124 : memref<128x16xf32, #tpu.memory_space<vmem_shared>>)
      tpu.yield
    }) : () -> ()
    %scan3A_98 = arith.constant 0 : i32
    %scan3A_99 = arith.constant 512 : i32
    %scan3A_100 = arith.addi %scan3A_98, %scan3A_99 : i32
    %scan3A_101 = arith.constant 1 : i32
    scf.for %scan3A_110 = %scan3A_98 to %scan3A_100 step %scan3A_101  : i32 {
      %mul3A_111 = arith.constant 1 : i32
      %mul3A_112 = arith.muli %scan3A_110, %mul3A_111 : i32
      %add3A_113 = arith.constant 0 : i32
      %add3A_114 = arith.addi %add3A_113, %mul3A_112 : i32
      %swap3A = arith.index_cast %add3A_114 : i32 to index
      %swap3A_115 = arith.constant 0 : index
      %swap3A_116 = tpu.vector_load %arg11[%swap3A, %swap3A_115] {strides = array<i32>} : memref<512x16xf32, #tpu.memory_space<vmem>>, vector<16xf32>,
      tpu.vector_store %arg11[%swap3A, %swap3A_115], %select_n3A {strides = array<i32>} : memref<512x16xf32, #tpu.memory_space<vmem>>, vector<16xf32>,
      %swap3A_117 = arith.index_cast %add3A_114 : i32 to index
      %swap3A_118 = arith.constant 0 : index
      %swap3A_119 = tpu.vector_load %arg12[%swap3A_117, %swap3A_118] {strides = array<i32>} : memref<512x16xf32, #tpu.memory_space<vmem>>, vector<16xf32>,
      tpu.vector_store %arg12[%swap3A_117, %swap3A_118], %select_n3A {strides = array<i32>} : memref<512x16xf32, #tpu.memory_space<vmem>>, vector<16xf32>,
    }
    %scan3A_102 = arith.constant 512 : i32
    %barrier3A_103 = arith.constant 0 : index
    tpu.barrier barrier_id(%barrier3A_103)
    %scan3A_104 = arith.constant 0 : i32
    %scan3A_105 = arith.constant 49 : i32
    %scan3A_106 = arith.addi %scan3A_104, %scan3A_105 : i32
    %scan3A_107 = arith.constant 1 : i32
    scf.for %scan3A_110 = %scan3A_104 to %scan3A_106 step %scan3A_107  : i32 {
      %mul3A_111 = arith.constant 4 : i32
      %mul3A_112 = arith.muli %scan3A_110, %mul3A_111 : i32
      %add3A_113 = arith.constant 0 : i32
      %add3A_114 = arith.addi %add3A_113, %mul3A_112 : i32
      %mul3A_115 = arith.constant 4 : i32
      %mul3A_116 = arith.muli %add3A_114, %mul3A_115 : i32
      %add3A_117 = arith.addi %select_n3A_30, %mul3A_116 : i32
      %multiple_of3A_118 = tpu.assume_multiple %add3A_117, 8 : i32
      %mul3A_119 = arith.constant 512 : i32
      %mul3A_120 = arith.muli %add3A_114, %mul3A_119 : i32
      %add3A_121 = arith.addi %mul3A_12, %mul3A_120 : i32
      %multiple_of3A_122 = tpu.assume_multiple %add3A_121, 8 : i32
      "tpu.region"() ({
        %run_scoped3A = tpu.sem_alloc : memref<!tpu.dma_semaphore, #tpu.memory_space<semaphore_mem>>
        %dma_start3A_452 = arith.constant 0 : i32
        %dma_start3A_453 = tpu.memref_slice %arg4[%multiple_of3A_118, %dma_start3A_452] : memref<25088x128xi32, #tpu.memory_space<hbm>> -> memref<16x128xi32, #tpu.memory_space<hbm>>
        %dma_start3A_454 = arith.constant 0 : i32
        %dma_start3A_455 = tpu.memref_slice %arg4[%multiple_of3A_118, %dma_start3A_454] : memref<25088x128xi32, #tpu.memory_space<hbm>> -> memref<16x128xi32, #tpu.memory_space<hbm>>
        tpu.enqueue_dma source(%dma_start3A_455 : memref<16x128xi32, #tpu.memory_space<hbm>>) target(%arg9 : memref<16x128xi32, #tpu.memory_space<vmem>>) target_semaphore(%run_scoped3A : memref<!tpu.dma_semaphore, #tpu.memory_space<semaphore_mem>>)
        %dma_wait3A_456 = arith.constant 0 : i32
        %dma_wait3A_457 = tpu.memref_slice %arg4[%multiple_of3A_118, %dma_wait3A_456] : memref<25088x128xi32, #tpu.memory_space<hbm>> -> memref<16x128xi32, #tpu.memory_space<hbm>>
        %dma_wait3A_458 = arith.constant 0 : i32
        %dma_wait3A_459 = tpu.memref_slice %arg4[%multiple_of3A_118, %dma_wait3A_458] : memref<25088x128xi32, #tpu.memory_space<hbm>> -> memref<16x128xi32, #tpu.memory_space<hbm>>
        tpu.wait_dma2 semaphore(%run_scoped3A : memref<!tpu.dma_semaphore, #tpu.memory_space<semaphore_mem>>) src(%dma_wait3A_459 : memref<16x128xi32, #tpu.memory_space<hbm>>) dst(%arg9 : memref<16x128xi32, #tpu.memory_space<vmem>>)
        tpu.yield
      }) : () -> ()
      "tpu.region"() ({
        %run_scoped3A = tpu.sem_alloc : memref<!tpu.dma_semaphore, #tpu.memory_space<semaphore_mem>>
        %dma_start3A_452 = tpu.memref_slice %arg5[%multiple_of3A_122] : memref<3211264xf32, #tpu.memory_space<hbm>> -> memref<2048xf32, #tpu.memory_space<hbm>>
        %dma_start3A_453 = tpu.memref_slice %arg5[%multiple_of3A_122] : memref<3211264xf32, #tpu.memory_space<hbm>> -> memref<2048xf32, #tpu.memory_space<hbm>>
        tpu.enqueue_dma source(%dma_start3A_453 : memref<2048xf32, #tpu.memory_space<hbm>>) target(%arg10 : memref<2048xf32, #tpu.memory_space<vmem>>) target_semaphore(%run_scoped3A : memref<!tpu.dma_semaphore, #tpu.memory_space<semaphore_mem>>)
        %dma_wait3A_454 = tpu.memref_slice %arg5[%multiple_of3A_122] : memref<3211264xf32, #tpu.memory_space<hbm>> -> memref<2048xf32, #tpu.memory_space<hbm>>
        %dma_wait3A_455 = tpu.memref_slice %arg5[%multiple_of3A_122] : memref<3211264xf32, #tpu.memory_space<hbm>> -> memref<2048xf32, #tpu.memory_space<hbm>>
        tpu.wait_dma2 semaphore(%run_scoped3A : memref<!tpu.dma_semaphore, #tpu.memory_space<semaphore_mem>>) src(%dma_wait3A_455 : memref<2048xf32, #tpu.memory_space<hbm>>) dst(%arg10 : memref<2048xf32, #tpu.memory_space<vmem>>)
        tpu.yield
      }) : () -> ()
      %parallel_loop3A = arith.constant 0 : i32
      %parallel_loop3A_123 = arith.constant 32 : i32
      %parallel_loop3A_124 = arith.constant 1 : i32
      scf.for %parallel_loop3A_452 = %parallel_loop3A to %parallel_loop3A_123 step %parallel_loop3A_124  : i32 {
        %parallel_loop3A_453 = arith.constant 16 : i32
        %parallel_loop3A_454 = arith.muli %parallel_loop3A_452, %parallel_loop3A_453 : i32
        %parallel_loop3A_455 = arith.constant 0 : i32
        %parallel_loop3A_456 = arith.addi %parallel_loop3A_455, %parallel_loop3A_454 : i32
        %parallel_loop3A_457 = arith.index_cast %parallel_loop3A_456 : i32 to index
        %parallel_loop3A_458 = tpu.vector_load %arg10[%parallel_loop3A_457] {strides = array<i32>} : memref<2048xf32, #tpu.memory_space<vmem>>, vector<16xf32>,
        %parallel_loop3A_459 = arith.constant 16 : i32
        %parallel_loop3A_460 = arith.muli %parallel_loop3A_452, %parallel_loop3A_459 : i32
        %parallel_loop3A_461 = vector.broadcast %parallel_loop3A_460 : i32 to vector<16xi32>
        %parallel_loop3A_462 = arith.addi %parallel_loop3A_461, %iota3A : vector<16xi32>
        tpu.vector_store_idx %arg11[%parallel_loop3A_462, %broadcast_in_dim3A_6], %parallel_loop3A_458 : memref<512x16xf32, #tpu.memory_space<vmem>>[vector<16xi32>, vector<16xi32>], vector<16xf32>,
      } {sc.loop_unroll_factor = 4 : i64, sc.parallel_access}
      %dma_start3A = arith.constant 0 : i32
      %dma_start3A_125 = arith.constant 0 : i32
      %dma_start3A_126 = arith.constant 0 : i32
      %dma_start3A_127 = tpu.memref_slice %arg11[%dma_start3A_125, %dma_start3A_126] : memref<512x16xf32, #tpu.memory_space<vmem>> -> memref<128x16xf32, #tpu.memory_space<vmem>>
      %dma_start3A_128 = arith.constant 0 : i32
      %dma_start3A_129 = tpu.memref_slice %arg9[%dma_start3A, %dma_start3A_128] : memref<16x128xi32, #tpu.memory_space<vmem>> -> memref<1x128xi32, #tpu.memory_space<vmem>>
      %dma_start3A_130 = tpu.memref_squeeze %dma_start3A_129 : memref<1x128xi32, #tpu.memory_space<vmem>> -> memref<128xi32, #tpu.memory_space<vmem>>
      %dma_start3A_131 = arith.constant 0 : i32
      %dma_start3A_132 = arith.constant 0 : i32
      %dma_start3A_133 = tpu.memref_slice %arg13[%dma_start3A_131, %dma_start3A_132] : memref<100352x16xf32, #tpu.memory_space<vmem_shared>> -> memref<100352x16xf32, #tpu.memory_space<vmem_shared>>
      tpu.enqueue_indirect_dma source(%dma_start3A_127 : memref<128x16xf32, #tpu.memory_space<vmem>>) target(%dma_start3A_133 : memref<100352x16xf32, #tpu.memory_space<vmem_shared>>) offsets(%dma_start3A_130 : memref<128xi32, #tpu.memory_space<vmem>>) semaphore(%arg15 : memref<!tpu.dma_semaphore, #tpu.memory_space<semaphore_mem>>) {add = true}
      %dma_start3A_134 = arith.constant 1 : i32
      %dma_start3A_135 = arith.constant 128 : i32
      %dma_start3A_136 = arith.constant 0 : i32
      %dma_start3A_137 = tpu.memref_slice %arg11[%dma_start3A_135, %dma_start3A_136] : memref<512x16xf32, #tpu.memory_space<vmem>> -> memref<128x16xf32, #tpu.memory_space<vmem>>
      %dma_start3A_138 = arith.constant 0 : i32
      %dma_start3A_139 = tpu.memref_slice %arg9[%dma_start3A_134, %dma_start3A_138] : memref<16x128xi32, #tpu.memory_space<vmem>> -> memref<1x128xi32, #tpu.memory_space<vmem>>
      %dma_start3A_140 = tpu.memref_squeeze %dma_start3A_139 : memref<1x128xi32, #tpu.memory_space<vmem>> -> memref<128xi32, #tpu.memory_space<vmem>>
      %dma_start3A_141 = arith.constant 0 : i32
      %dma_start3A_142 = arith.constant 0 : i32
      %dma_start3A_143 = tpu.memref_slice %arg13[%dma_start3A_141, %dma_start3A_142] : memref<100352x16xf32, #tpu.memory_space<vmem_shared>> -> memref<100352x16xf32, #tpu.memory_space<vmem_shared>>
      tpu.enqueue_indirect_dma source(%dma_start3A_137 : memref<128x16xf32, #tpu.memory_space<vmem>>) target(%dma_start3A_143 : memref<100352x16xf32, #tpu.memory_space<vmem_shared>>) offsets(%dma_start3A_140 : memref<128xi32, #tpu.memory_space<vmem>>) semaphore(%arg15 : memref<!tpu.dma_semaphore, #tpu.memory_space<semaphore_mem>>) {add = true}
      %dma_start3A_144 = arith.constant 2 : i32
      %dma_start3A_145 = arith.constant 256 : i32
      %dma_start3A_146 = arith.constant 0 : i32
      %dma_start3A_147 = tpu.memref_slice %arg11[%dma_start3A_145, %dma_start3A_146] : memref<512x16xf32, #tpu.memory_space<vmem>> -> memref<128x16xf32, #tpu.memory_space<vmem>>
      %dma_start3A_148 = arith.constant 0 : i32
      %dma_start3A_149 = tpu.memref_slice %arg9[%dma_start3A_144, %dma_start3A_148] : memref<16x128xi32, #tpu.memory_space<vmem>> -> memref<1x128xi32, #tpu.memory_space<vmem>>
      %dma_start3A_150 = tpu.memref_squeeze %dma_start3A_149 : memref<1x128xi32, #tpu.memory_space<vmem>> -> memref<128xi32, #tpu.memory_space<vmem>>
      %dma_start3A_151 = arith.constant 0 : i32
      %dma_start3A_152 = arith.constant 0 : i32
      %dma_start3A_153 = tpu.memref_slice %arg13[%dma_start3A_151, %dma_start3A_152] : memref<100352x16xf32, #tpu.memory_space<vmem_shared>> -> memref<100352x16xf32, #tpu.memory_space<vmem_shared>>
      tpu.enqueue_indirect_dma source(%dma_start3A_147 : memref<128x16xf32, #tpu.memory_space<vmem>>) target(%dma_start3A_153 : memref<100352x16xf32, #tpu.memory_space<vmem_shared>>) offsets(%dma_start3A_150 : memref<128xi32, #tpu.memory_space<vmem>>) semaphore(%arg15 : memref<!tpu.dma_semaphore, #tpu.memory_space<semaphore_mem>>) {add = true}
      %dma_start3A_154 = arith.constant 3 : i32
      %dma_start3A_155 = arith.constant 384 : i32
      %dma_start3A_156 = arith.constant 0 : i32
      %dma_start3A_157 = tpu.memref_slice %arg11[%dma_start3A_155, %dma_start3A_156] : memref<512x16xf32, #tpu.memory_space<vmem>> -> memref<128x16xf32, #tpu.memory_space<vmem>>
      %dma_start3A_158 = arith.constant 0 : i32
      %dma_start3A_159 = tpu.memref_slice %arg9[%dma_start3A_154, %dma_start3A_158] : memref<16x128xi32, #tpu.memory_space<vmem>> -> memref<1x128xi32, #tpu.memory_space<vmem>>
      %dma_start3A_160 = tpu.memref_squeeze %dma_start3A_159 : memref<1x128xi32, #tpu.memory_space<vmem>> -> memref<128xi32, #tpu.memory_space<vmem>>
      %dma_start3A_161 = arith.constant 0 : i32
      %dma_start3A_162 = arith.constant 0 : i32
      %dma_start3A_163 = tpu.memref_slice %arg13[%dma_start3A_161, %dma_start3A_162] : memref<100352x16xf32, #tpu.memory_space<vmem_shared>> -> memref<100352x16xf32, #tpu.memory_space<vmem_shared>>
      tpu.enqueue_indirect_dma source(%dma_start3A_157 : memref<128x16xf32, #tpu.memory_space<vmem>>) target(%dma_start3A_163 : memref<100352x16xf32, #tpu.memory_space<vmem_shared>>) offsets(%dma_start3A_160 : memref<128xi32, #tpu.memory_space<vmem>>) semaphore(%arg15 : memref<!tpu.dma_semaphore, #tpu.memory_space<semaphore_mem>>) {add = true}
      %parallel_loop3A_164 = arith.constant 0 : i32
      %parallel_loop3A_165 = arith.constant 32 : i32
      %parallel_loop3A_166 = arith.constant 1 : i32
      scf.for %parallel_loop3A_452 = %parallel_loop3A_164 to %parallel_loop3A_165 step %parallel_loop3A_166  : i32 {
        %parallel_loop3A_453 = arith.constant 16 : i32
        %parallel_loop3A_454 = arith.muli %parallel_loop3A_452, %parallel_loop3A_453 : i32
        %parallel_loop3A_455 = arith.constant 512 : i32
        %parallel_loop3A_456 = arith.addi %parallel_loop3A_455, %parallel_loop3A_454 : i32
        %parallel_loop3A_457 = arith.index_cast %parallel_loop3A_456 : i32 to index
        %parallel_loop3A_458 = tpu.vector_load %arg10[%parallel_loop3A_457] {strides = array<i32>} : memref<2048xf32, #tpu.memory_space<vmem>>, vector<16xf32>,
        %parallel_loop3A_459 = arith.constant 16 : i32
        %parallel_loop3A_460 = arith.muli %parallel_loop3A_452, %parallel_loop3A_459 : i32
        %parallel_loop3A_461 = vector.broadcast %parallel_loop3A_460 : i32 to vector<16xi32>
        %parallel_loop3A_462 = arith.addi %parallel_loop3A_461, %iota3A : vector<16xi32>
        tpu.vector_store_idx %arg12[%parallel_loop3A_462, %broadcast_in_dim3A_6], %parallel_loop3A_458 : memref<512x16xf32, #tpu.memory_space<vmem>>[vector<16xi32>, vector<16xi32>], vector<16xf32>,
      } {sc.loop_unroll_factor = 4 : i64, sc.parallel_access}
      %dma_wait3A = arith.constant 0 : i32
      %dma_wait3A_167 = arith.constant 0 : i32
      %dma_wait3A_168 = arith.constant 0 : i32
      %dma_wait3A_169 = tpu.memref_slice %arg11[%dma_wait3A_167, %dma_wait3A_168] : memref<512x16xf32, #tpu.memory_space<vmem>> -> memref<128x16xf32, #tpu.memory_space<vmem>>
      %dma_wait3A_170 = arith.constant 0 : i32
      %dma_wait3A_171 = tpu.memref_slice %arg9[%dma_wait3A, %dma_wait3A_170] : memref<16x128xi32, #tpu.memory_space<vmem>> -> memref<1x128xi32, #tpu.memory_space<vmem>>
      %dma_wait3A_172 = tpu.memref_squeeze %dma_wait3A_171 : memref<1x128xi32, #tpu.memory_space<vmem>> -> memref<128xi32, #tpu.memory_space<vmem>>
      %dma_wait3A_173 = arith.constant 0 : i32
      %dma_wait3A_174 = arith.constant 0 : i32
      %dma_wait3A_175 = tpu.memref_slice %arg13[%dma_wait3A_173, %dma_wait3A_174] : memref<100352x16xf32, #tpu.memory_space<vmem_shared>> -> memref<100352x16xf32, #tpu.memory_space<vmem_shared>>
      tpu.wait_indirect_dma semaphore(%arg15 : memref<!tpu.dma_semaphore, #tpu.memory_space<semaphore_mem>>) src(%dma_wait3A_169 : memref<128x16xf32, #tpu.memory_space<vmem>>) dst(%dma_wait3A_175 : memref<100352x16xf32, #tpu.memory_space<vmem_shared>>)
      %dma_wait3A_176 = arith.constant 1 : i32
      %dma_wait3A_177 = arith.constant 128 : i32
      %dma_wait3A_178 = arith.constant 0 : i32
      %dma_wait3A_179 = tpu.memref_slice %arg11[%dma_wait3A_177, %dma_wait3A_178] : memref<512x16xf32, #tpu.memory_space<vmem>> -> memref<128x16xf32, #tpu.memory_space<vmem>>
      %dma_wait3A_180 = arith.constant 0 : i32
      %dma_wait3A_181 = tpu.memref_slice %arg9[%dma_wait3A_176, %dma_wait3A_180] : memref<16x128xi32, #tpu.memory_space<vmem>> -> memref<1x128xi32, #tpu.memory_space<vmem>>
      %dma_wait3A_182 = tpu.memref_squeeze %dma_wait3A_181 : memref<1x128xi32, #tpu.memory_space<vmem>> -> memref<128xi32, #tpu.memory_space<vmem>>
      %dma_wait3A_183 = arith.constant 0 : i32
      %dma_wait3A_184 = arith.constant 0 : i32
      %dma_wait3A_185 = tpu.memref_slice %arg13[%dma_wait3A_183, %dma_wait3A_184] : memref<100352x16xf32, #tpu.memory_space<vmem_shared>> -> memref<100352x16xf32, #tpu.memory_space<vmem_shared>>
      tpu.wait_indirect_dma semaphore(%arg15 : memref<!tpu.dma_semaphore, #tpu.memory_space<semaphore_mem>>) src(%dma_wait3A_179 : memref<128x16xf32, #tpu.memory_space<vmem>>) dst(%dma_wait3A_185 : memref<100352x16xf32, #tpu.memory_space<vmem_shared>>)
      %dma_wait3A_186 = arith.constant 2 : i32
      %dma_wait3A_187 = arith.constant 256 : i32
      %dma_wait3A_188 = arith.constant 0 : i32
      %dma_wait3A_189 = tpu.memref_slice %arg11[%dma_wait3A_187, %dma_wait3A_188] : memref<512x16xf32, #tpu.memory_space<vmem>> -> memref<128x16xf32, #tpu.memory_space<vmem>>
      %dma_wait3A_190 = arith.constant 0 : i32
      %dma_wait3A_191 = tpu.memref_slice %arg9[%dma_wait3A_186, %dma_wait3A_190] : memref<16x128xi32, #tpu.memory_space<vmem>> -> memref<1x128xi32, #tpu.memory_space<vmem>>
      %dma_wait3A_192 = tpu.memref_squeeze %dma_wait3A_191 : memref<1x128xi32, #tpu.memory_space<vmem>> -> memref<128xi32, #tpu.memory_space<vmem>>
      %dma_wait3A_193 = arith.constant 0 : i32
      %dma_wait3A_194 = arith.constant 0 : i32
      %dma_wait3A_195 = tpu.memref_slice %arg13[%dma_wait3A_193, %dma_wait3A_194] : memref<100352x16xf32, #tpu.memory_space<vmem_shared>> -> memref<100352x16xf32, #tpu.memory_space<vmem_shared>>
      tpu.wait_indirect_dma semaphore(%arg15 : memref<!tpu.dma_semaphore, #tpu.memory_space<semaphore_mem>>) src(%dma_wait3A_189 : memref<128x16xf32, #tpu.memory_space<vmem>>) dst(%dma_wait3A_195 : memref<100352x16xf32, #tpu.memory_space<vmem_shared>>)
      %dma_wait3A_196 = arith.constant 3 : i32
      %dma_wait3A_197 = arith.constant 384 : i32
      %dma_wait3A_198 = arith.constant 0 : i32
      %dma_wait3A_199 = tpu.memref_slice %arg11[%dma_wait3A_197, %dma_wait3A_198] : memref<512x16xf32, #tpu.memory_space<vmem>> -> memref<128x16xf32, #tpu.memory_space<vmem>>
      %dma_wait3A_200 = arith.constant 0 : i32
      %dma_wait3A_201 = tpu.memref_slice %arg9[%dma_wait3A_196, %dma_wait3A_200] : memref<16x128xi32, #tpu.memory_space<vmem>> -> memref<1x128xi32, #tpu.memory_space<vmem>>
      %dma_wait3A_202 = tpu.memref_squeeze %dma_wait3A_201 : memref<1x128xi32, #tpu.memory_space<vmem>> -> memref<128xi32, #tpu.memory_space<vmem>>
      %dma_wait3A_203 = arith.constant 0 : i32
      %dma_wait3A_204 = arith.constant 0 : i32
      %dma_wait3A_205 = tpu.memref_slice %arg13[%dma_wait3A_203, %dma_wait3A_204] : memref<100352x16xf32, #tpu.memory_space<vmem_shared>> -> memref<100352x16xf32, #tpu.memory_space<vmem_shared>>
      tpu.wait_indirect_dma semaphore(%arg15 : memref<!tpu.dma_semaphore, #tpu.memory_space<semaphore_mem>>) src(%dma_wait3A_199 : memref<128x16xf32, #tpu.memory_space<vmem>>) dst(%dma_wait3A_205 : memref<100352x16xf32, #tpu.memory_space<vmem_shared>>)
      %dma_start3A_206 = arith.constant 4 : i32
      %dma_start3A_207 = arith.constant 0 : i32
      %dma_start3A_208 = arith.constant 0 : i32
      %dma_start3A_209 = tpu.memref_slice %arg12[%dma_start3A_207, %dma_start3A_208] : memref<512x16xf32, #tpu.memory_space<vmem>> -> memref<128x16xf32, #tpu.memory_space<vmem>>
      %dma_start3A_210 = arith.constant 0 : i32
      %dma_start3A_211 = tpu.memref_slice %arg9[%dma_start3A_206, %dma_start3A_210] : memref<16x128xi32, #tpu.memory_space<vmem>> -> memref<1x128xi32, #tpu.memory_space<vmem>>
      %dma_start3A_212 = tpu.memref_squeeze %dma_start3A_211 : memref<1x128xi32, #tpu.memory_space<vmem>> -> memref<128xi32, #tpu.memory_space<vmem>>
      %dma_start3A_213 = arith.constant 0 : i32
      %dma_start3A_214 = arith.constant 0 : i32
      %dma_start3A_215 = tpu.memref_slice %arg13[%dma_start3A_213, %dma_start3A_214] : memref<100352x16xf32, #tpu.memory_space<vmem_shared>> -> memref<100352x16xf32, #tpu.memory_space<vmem_shared>>
      tpu.enqueue_indirect_dma source(%dma_start3A_209 : memref<128x16xf32, #tpu.memory_space<vmem>>) target(%dma_start3A_215 : memref<100352x16xf32, #tpu.memory_space<vmem_shared>>) offsets(%dma_start3A_212 : memref<128xi32, #tpu.memory_space<vmem>>) semaphore(%arg15 : memref<!tpu.dma_semaphore, #tpu.memory_space<semaphore_mem>>) {add = true}
      %dma_start3A_216 = arith.constant 5 : i32
      %dma_start3A_217 = arith.constant 128 : i32
      %dma_start3A_218 = arith.constant 0 : i32
      %dma_start3A_219 = tpu.memref_slice %arg12[%dma_start3A_217, %dma_start3A_218] : memref<512x16xf32, #tpu.memory_space<vmem>> -> memref<128x16xf32, #tpu.memory_space<vmem>>
      %dma_start3A_220 = arith.constant 0 : i32
      %dma_start3A_221 = tpu.memref_slice %arg9[%dma_start3A_216, %dma_start3A_220] : memref<16x128xi32, #tpu.memory_space<vmem>> -> memref<1x128xi32, #tpu.memory_space<vmem>>
      %dma_start3A_222 = tpu.memref_squeeze %dma_start3A_221 : memref<1x128xi32, #tpu.memory_space<vmem>> -> memref<128xi32, #tpu.memory_space<vmem>>
      %dma_start3A_223 = arith.constant 0 : i32
      %dma_start3A_224 = arith.constant 0 : i32
      %dma_start3A_225 = tpu.memref_slice %arg13[%dma_start3A_223, %dma_start3A_224] : memref<100352x16xf32, #tpu.memory_space<vmem_shared>> -> memref<100352x16xf32, #tpu.memory_space<vmem_shared>>
      tpu.enqueue_indirect_dma source(%dma_start3A_219 : memref<128x16xf32, #tpu.memory_space<vmem>>) target(%dma_start3A_225 : memref<100352x16xf32, #tpu.memory_space<vmem_shared>>) offsets(%dma_start3A_222 : memref<128xi32, #tpu.memory_space<vmem>>) semaphore(%arg15 : memref<!tpu.dma_semaphore, #tpu.memory_space<semaphore_mem>>) {add = true}
      %dma_start3A_226 = arith.constant 6 : i32
      %dma_start3A_227 = arith.constant 256 : i32
      %dma_start3A_228 = arith.constant 0 : i32
      %dma_start3A_229 = tpu.memref_slice %arg12[%dma_start3A_227, %dma_start3A_228] : memref<512x16xf32, #tpu.memory_space<vmem>> -> memref<128x16xf32, #tpu.memory_space<vmem>>
      %dma_start3A_230 = arith.constant 0 : i32
      %dma_start3A_231 = tpu.memref_slice %arg9[%dma_start3A_226, %dma_start3A_230] : memref<16x128xi32, #tpu.memory_space<vmem>> -> memref<1x128xi32, #tpu.memory_space<vmem>>
      %dma_start3A_232 = tpu.memref_squeeze %dma_start3A_231 : memref<1x128xi32, #tpu.memory_space<vmem>> -> memref<128xi32, #tpu.memory_space<vmem>>
      %dma_start3A_233 = arith.constant 0 : i32
      %dma_start3A_234 = arith.constant 0 : i32
      %dma_start3A_235 = tpu.memref_slice %arg13[%dma_start3A_233, %dma_start3A_234] : memref<100352x16xf32, #tpu.memory_space<vmem_shared>> -> memref<100352x16xf32, #tpu.memory_space<vmem_shared>>
      tpu.enqueue_indirect_dma source(%dma_start3A_229 : memref<128x16xf32, #tpu.memory_space<vmem>>) target(%dma_start3A_235 : memref<100352x16xf32, #tpu.memory_space<vmem_shared>>) offsets(%dma_start3A_232 : memref<128xi32, #tpu.memory_space<vmem>>) semaphore(%arg15 : memref<!tpu.dma_semaphore, #tpu.memory_space<semaphore_mem>>) {add = true}
      %dma_start3A_236 = arith.constant 7 : i32
      %dma_start3A_237 = arith.constant 384 : i32
      %dma_start3A_238 = arith.constant 0 : i32
      %dma_start3A_239 = tpu.memref_slice %arg12[%dma_start3A_237, %dma_start3A_238] : memref<512x16xf32, #tpu.memory_space<vmem>> -> memref<128x16xf32, #tpu.memory_space<vmem>>
      %dma_start3A_240 = arith.constant 0 : i32
      %dma_start3A_241 = tpu.memref_slice %arg9[%dma_start3A_236, %dma_start3A_240] : memref<16x128xi32, #tpu.memory_space<vmem>> -> memref<1x128xi32, #tpu.memory_space<vmem>>
      %dma_start3A_242 = tpu.memref_squeeze %dma_start3A_241 : memref<1x128xi32, #tpu.memory_space<vmem>> -> memref<128xi32, #tpu.memory_space<vmem>>
      %dma_start3A_243 = arith.constant 0 : i32
      %dma_start3A_244 = arith.constant 0 : i32
      %dma_start3A_245 = tpu.memref_slice %arg13[%dma_start3A_243, %dma_start3A_244] : memref<100352x16xf32, #tpu.memory_space<vmem_shared>> -> memref<100352x16xf32, #tpu.memory_space<vmem_shared>>
      tpu.enqueue_indirect_dma source(%dma_start3A_239 : memref<128x16xf32, #tpu.memory_space<vmem>>) target(%dma_start3A_245 : memref<100352x16xf32, #tpu.memory_space<vmem_shared>>) offsets(%dma_start3A_242 : memref<128xi32, #tpu.memory_space<vmem>>) semaphore(%arg15 : memref<!tpu.dma_semaphore, #tpu.memory_space<semaphore_mem>>) {add = true}
      %parallel_loop3A_246 = arith.constant 0 : i32
      %parallel_loop3A_247 = arith.constant 32 : i32
      %parallel_loop3A_248 = arith.constant 1 : i32
      scf.for %parallel_loop3A_452 = %parallel_loop3A_246 to %parallel_loop3A_247 step %parallel_loop3A_248  : i32 {
        %parallel_loop3A_453 = arith.constant 16 : i32
        %parallel_loop3A_454 = arith.muli %parallel_loop3A_452, %parallel_loop3A_453 : i32
        %parallel_loop3A_455 = arith.constant 1024 : i32
        %parallel_loop3A_456 = arith.addi %parallel_loop3A_455, %parallel_loop3A_454 : i32
        %parallel_loop3A_457 = arith.index_cast %parallel_loop3A_456 : i32 to index
        %parallel_loop3A_458 = tpu.vector_load %arg10[%parallel_loop3A_457] {strides = array<i32>} : memref<2048xf32, #tpu.memory_space<vmem>>, vector<16xf32>,
        %parallel_loop3A_459 = arith.constant 16 : i32
        %parallel_loop3A_460 = arith.muli %parallel_loop3A_452, %parallel_loop3A_459 : i32
        %parallel_loop3A_461 = vector.broadcast %parallel_loop3A_460 : i32 to vector<16xi32>
        %parallel_loop3A_462 = arith.addi %parallel_loop3A_461, %iota3A : vector<16xi32>
        tpu.vector_store_idx %arg11[%parallel_loop3A_462, %broadcast_in_dim3A_6], %parallel_loop3A_458 : memref<512x16xf32, #tpu.memory_space<vmem>>[vector<16xi32>, vector<16xi32>], vector<16xf32>,
      } {sc.loop_unroll_factor = 4 : i64, sc.parallel_access}
      %dma_wait3A_249 = arith.constant 4 : i32
      %dma_wait3A_250 = arith.constant 0 : i32
      %dma_wait3A_251 = arith.constant 0 : i32
      %dma_wait3A_252 = tpu.memref_slice %arg12[%dma_wait3A_250, %dma_wait3A_251] : memref<512x16xf32, #tpu.memory_space<vmem>> -> memref<128x16xf32, #tpu.memory_space<vmem>>
      %dma_wait3A_253 = arith.constant 0 : i32
      %dma_wait3A_254 = tpu.memref_slice %arg9[%dma_wait3A_249, %dma_wait3A_253] : memref<16x128xi32, #tpu.memory_space<vmem>> -> memref<1x128xi32, #tpu.memory_space<vmem>>
      %dma_wait3A_255 = tpu.memref_squeeze %dma_wait3A_254 : memref<1x128xi32, #tpu.memory_space<vmem>> -> memref<128xi32, #tpu.memory_space<vmem>>
      %dma_wait3A_256 = arith.constant 0 : i32
      %dma_wait3A_257 = arith.constant 0 : i32
      %dma_wait3A_258 = tpu.memref_slice %arg13[%dma_wait3A_256, %dma_wait3A_257] : memref<100352x16xf32, #tpu.memory_space<vmem_shared>> -> memref<100352x16xf32, #tpu.memory_space<vmem_shared>>
      tpu.wait_indirect_dma semaphore(%arg15 : memref<!tpu.dma_semaphore, #tpu.memory_space<semaphore_mem>>) src(%dma_wait3A_252 : memref<128x16xf32, #tpu.memory_space<vmem>>) dst(%dma_wait3A_258 : memref<100352x16xf32, #tpu.memory_space<vmem_shared>>)
      %dma_wait3A_259 = arith.constant 5 : i32
      %dma_wait3A_260 = arith.constant 128 : i32
      %dma_wait3A_261 = arith.constant 0 : i32
      %dma_wait3A_262 = tpu.memref_slice %arg12[%dma_wait3A_260, %dma_wait3A_261] : memref<512x16xf32, #tpu.memory_space<vmem>> -> memref<128x16xf32, #tpu.memory_space<vmem>>
      %dma_wait3A_263 = arith.constant 0 : i32
      %dma_wait3A_264 = tpu.memref_slice %arg9[%dma_wait3A_259, %dma_wait3A_263] : memref<16x128xi32, #tpu.memory_space<vmem>> -> memref<1x128xi32, #tpu.memory_space<vmem>>
      %dma_wait3A_265 = tpu.memref_squeeze %dma_wait3A_264 : memref<1x128xi32, #tpu.memory_space<vmem>> -> memref<128xi32, #tpu.memory_space<vmem>>
      %dma_wait3A_266 = arith.constant 0 : i32
      %dma_wait3A_267 = arith.constant 0 : i32
      %dma_wait3A_268 = tpu.memref_slice %arg13[%dma_wait3A_266, %dma_wait3A_267] : memref<100352x16xf32, #tpu.memory_space<vmem_shared>> -> memref<100352x16xf32, #tpu.memory_space<vmem_shared>>
      tpu.wait_indirect_dma semaphore(%arg15 : memref<!tpu.dma_semaphore, #tpu.memory_space<semaphore_mem>>) src(%dma_wait3A_262 : memref<128x16xf32, #tpu.memory_space<vmem>>) dst(%dma_wait3A_268 : memref<100352x16xf32, #tpu.memory_space<vmem_shared>>)
      %dma_wait3A_269 = arith.constant 6 : i32
      %dma_wait3A_270 = arith.constant 256 : i32
      %dma_wait3A_271 = arith.constant 0 : i32
      %dma_wait3A_272 = tpu.memref_slice %arg12[%dma_wait3A_270, %dma_wait3A_271] : memref<512x16xf32, #tpu.memory_space<vmem>> -> memref<128x16xf32, #tpu.memory_space<vmem>>
      %dma_wait3A_273 = arith.constant 0 : i32
      %dma_wait3A_274 = tpu.memref_slice %arg9[%dma_wait3A_269, %dma_wait3A_273] : memref<16x128xi32, #tpu.memory_space<vmem>> -> memref<1x128xi32, #tpu.memory_space<vmem>>
      %dma_wait3A_275 = tpu.memref_squeeze %dma_wait3A_274 : memref<1x128xi32, #tpu.memory_space<vmem>> -> memref<128xi32, #tpu.memory_space<vmem>>
      %dma_wait3A_276 = arith.constant 0 : i32
      %dma_wait3A_277 = arith.constant 0 : i32
      %dma_wait3A_278 = tpu.memref_slice %arg13[%dma_wait3A_276, %dma_wait3A_277] : memref<100352x16xf32, #tpu.memory_space<vmem_shared>> -> memref<100352x16xf32, #tpu.memory_space<vmem_shared>>
      tpu.wait_indirect_dma semaphore(%arg15 : memref<!tpu.dma_semaphore, #tpu.memory_space<semaphore_mem>>) src(%dma_wait3A_272 : memref<128x16xf32, #tpu.memory_space<vmem>>) dst(%dma_wait3A_278 : memref<100352x16xf32, #tpu.memory_space<vmem_shared>>)
      %dma_wait3A_279 = arith.constant 7 : i32
      %dma_wait3A_280 = arith.constant 384 : i32
      %dma_wait3A_281 = arith.constant 0 : i32
      %dma_wait3A_282 = tpu.memref_slice %arg12[%dma_wait3A_280, %dma_wait3A_281] : memref<512x16xf32, #tpu.memory_space<vmem>> -> memref<128x16xf32, #tpu.memory_space<vmem>>
      %dma_wait3A_283 = arith.constant 0 : i32
      %dma_wait3A_284 = tpu.memref_slice %arg9[%dma_wait3A_279, %dma_wait3A_283] : memref<16x128xi32, #tpu.memory_space<vmem>> -> memref<1x128xi32, #tpu.memory_space<vmem>>
      %dma_wait3A_285 = tpu.memref_squeeze %dma_wait3A_284 : memref<1x128xi32, #tpu.memory_space<vmem>> -> memref<128xi32, #tpu.memory_space<vmem>>
      %dma_wait3A_286 = arith.constant 0 : i32
      %dma_wait3A_287 = arith.constant 0 : i32
      %dma_wait3A_288 = tpu.memref_slice %arg13[%dma_wait3A_286, %dma_wait3A_287] : memref<100352x16xf32, #tpu.memory_space<vmem_shared>> -> memref<100352x16xf32, #tpu.memory_space<vmem_shared>>
      tpu.wait_indirect_dma semaphore(%arg15 : memref<!tpu.dma_semaphore, #tpu.memory_space<semaphore_mem>>) src(%dma_wait3A_282 : memref<128x16xf32, #tpu.memory_space<vmem>>) dst(%dma_wait3A_288 : memref<100352x16xf32, #tpu.memory_space<vmem_shared>>)
      %dma_start3A_289 = arith.constant 8 : i32
      %dma_start3A_290 = arith.constant 0 : i32
      %dma_start3A_291 = arith.constant 0 : i32
      %dma_start3A_292 = tpu.memref_slice %arg11[%dma_start3A_290, %dma_start3A_291] : memref<512x16xf32, #tpu.memory_space<vmem>> -> memref<128x16xf32, #tpu.memory_space<vmem>>
      %dma_start3A_293 = arith.constant 0 : i32
      %dma_start3A_294 = tpu.memref_slice %arg9[%dma_start3A_289, %dma_start3A_293] : memref<16x128xi32, #tpu.memory_space<vmem>> -> memref<1x128xi32, #tpu.memory_space<vmem>>
      %dma_start3A_295 = tpu.memref_squeeze %dma_start3A_294 : memref<1x128xi32, #tpu.memory_space<vmem>> -> memref<128xi32, #tpu.memory_space<vmem>>
      %dma_start3A_296 = arith.constant 0 : i32
      %dma_start3A_297 = arith.constant 0 : i32
      %dma_start3A_298 = tpu.memref_slice %arg13[%dma_start3A_296, %dma_start3A_297] : memref<100352x16xf32, #tpu.memory_space<vmem_shared>> -> memref<100352x16xf32, #tpu.memory_space<vmem_shared>>
      tpu.enqueue_indirect_dma source(%dma_start3A_292 : memref<128x16xf32, #tpu.memory_space<vmem>>) target(%dma_start3A_298 : memref<100352x16xf32, #tpu.memory_space<vmem_shared>>) offsets(%dma_start3A_295 : memref<128xi32, #tpu.memory_space<vmem>>) semaphore(%arg15 : memref<!tpu.dma_semaphore, #tpu.memory_space<semaphore_mem>>) {add = true}
      %dma_start3A_299 = arith.constant 9 : i32
      %dma_start3A_300 = arith.constant 128 : i32
      %dma_start3A_301 = arith.constant 0 : i32
      %dma_start3A_302 = tpu.memref_slice %arg11[%dma_start3A_300, %dma_start3A_301] : memref<512x16xf32, #tpu.memory_space<vmem>> -> memref<128x16xf32, #tpu.memory_space<vmem>>
      %dma_start3A_303 = arith.constant 0 : i32
      %dma_start3A_304 = tpu.memref_slice %arg9[%dma_start3A_299, %dma_start3A_303] : memref<16x128xi32, #tpu.memory_space<vmem>> -> memref<1x128xi32, #tpu.memory_space<vmem>>
      %dma_start3A_305 = tpu.memref_squeeze %dma_start3A_304 : memref<1x128xi32, #tpu.memory_space<vmem>> -> memref<128xi32, #tpu.memory_space<vmem>>
      %dma_start3A_306 = arith.constant 0 : i32
      %dma_start3A_307 = arith.constant 0 : i32
      %dma_start3A_308 = tpu.memref_slice %arg13[%dma_start3A_306, %dma_start3A_307] : memref<100352x16xf32, #tpu.memory_space<vmem_shared>> -> memref<100352x16xf32, #tpu.memory_space<vmem_shared>>
      tpu.enqueue_indirect_dma source(%dma_start3A_302 : memref<128x16xf32, #tpu.memory_space<vmem>>) target(%dma_start3A_308 : memref<100352x16xf32, #tpu.memory_space<vmem_shared>>) offsets(%dma_start3A_305 : memref<128xi32, #tpu.memory_space<vmem>>) semaphore(%arg15 : memref<!tpu.dma_semaphore, #tpu.memory_space<semaphore_mem>>) {add = true}
      %dma_start3A_309 = arith.constant 10 : i32
      %dma_start3A_310 = arith.constant 256 : i32
      %dma_start3A_311 = arith.constant 0 : i32
      %dma_start3A_312 = tpu.memref_slice %arg11[%dma_start3A_310, %dma_start3A_311] : memref<512x16xf32, #tpu.memory_space<vmem>> -> memref<128x16xf32, #tpu.memory_space<vmem>>
      %dma_start3A_313 = arith.constant 0 : i32
      %dma_start3A_314 = tpu.memref_slice %arg9[%dma_start3A_309, %dma_start3A_313] : memref<16x128xi32, #tpu.memory_space<vmem>> -> memref<1x128xi32, #tpu.memory_space<vmem>>
      %dma_start3A_315 = tpu.memref_squeeze %dma_start3A_314 : memref<1x128xi32, #tpu.memory_space<vmem>> -> memref<128xi32, #tpu.memory_space<vmem>>
      %dma_start3A_316 = arith.constant 0 : i32
      %dma_start3A_317 = arith.constant 0 : i32
      %dma_start3A_318 = tpu.memref_slice %arg13[%dma_start3A_316, %dma_start3A_317] : memref<100352x16xf32, #tpu.memory_space<vmem_shared>> -> memref<100352x16xf32, #tpu.memory_space<vmem_shared>>
      tpu.enqueue_indirect_dma source(%dma_start3A_312 : memref<128x16xf32, #tpu.memory_space<vmem>>) target(%dma_start3A_318 : memref<100352x16xf32, #tpu.memory_space<vmem_shared>>) offsets(%dma_start3A_315 : memref<128xi32, #tpu.memory_space<vmem>>) semaphore(%arg15 : memref<!tpu.dma_semaphore, #tpu.memory_space<semaphore_mem>>) {add = true}
      %dma_start3A_319 = arith.constant 11 : i32
      %dma_start3A_320 = arith.constant 384 : i32
      %dma_start3A_321 = arith.constant 0 : i32
      %dma_start3A_322 = tpu.memref_slice %arg11[%dma_start3A_320, %dma_start3A_321] : memref<512x16xf32, #tpu.memory_space<vmem>> -> memref<128x16xf32, #tpu.memory_space<vmem>>
      %dma_start3A_323 = arith.constant 0 : i32
      %dma_start3A_324 = tpu.memref_slice %arg9[%dma_start3A_319, %dma_start3A_323] : memref<16x128xi32, #tpu.memory_space<vmem>> -> memref<1x128xi32, #tpu.memory_space<vmem>>
      %dma_start3A_325 = tpu.memref_squeeze %dma_start3A_324 : memref<1x128xi32, #tpu.memory_space<vmem>> -> memref<128xi32, #tpu.memory_space<vmem>>
      %dma_start3A_326 = arith.constant 0 : i32
      %dma_start3A_327 = arith.constant 0 : i32
      %dma_start3A_328 = tpu.memref_slice %arg13[%dma_start3A_326, %dma_start3A_327] : memref<100352x16xf32, #tpu.memory_space<vmem_shared>> -> memref<100352x16xf32, #tpu.memory_space<vmem_shared>>
      tpu.enqueue_indirect_dma source(%dma_start3A_322 : memref<128x16xf32, #tpu.memory_space<vmem>>) target(%dma_start3A_328 : memref<100352x16xf32, #tpu.memory_space<vmem_shared>>) offsets(%dma_start3A_325 : memref<128xi32, #tpu.memory_space<vmem>>) semaphore(%arg15 : memref<!tpu.dma_semaphore, #tpu.memory_space<semaphore_mem>>) {add = true}
      %parallel_loop3A_329 = arith.constant 0 : i32
      %parallel_loop3A_330 = arith.constant 32 : i32
      %parallel_loop3A_331 = arith.constant 1 : i32
      scf.for %parallel_loop3A_452 = %parallel_loop3A_329 to %parallel_loop3A_330 step %parallel_loop3A_331  : i32 {
        %parallel_loop3A_453 = arith.constant 16 : i32
        %parallel_loop3A_454 = arith.muli %parallel_loop3A_452, %parallel_loop3A_453 : i32
        %parallel_loop3A_455 = arith.constant 1536 : i32
        %parallel_loop3A_456 = arith.addi %parallel_loop3A_455, %parallel_loop3A_454 : i32
        %parallel_loop3A_457 = arith.index_cast %parallel_loop3A_456 : i32 to index
        %parallel_loop3A_458 = tpu.vector_load %arg10[%parallel_loop3A_457] {strides = array<i32>} : memref<2048xf32, #tpu.memory_space<vmem>>, vector<16xf32>,
        %parallel_loop3A_459 = arith.constant 16 : i32
        %parallel_loop3A_460 = arith.muli %parallel_loop3A_452, %parallel_loop3A_459 : i32
        %parallel_loop3A_461 = vector.broadcast %parallel_loop3A_460 : i32 to vector<16xi32>
        %parallel_loop3A_462 = arith.addi %parallel_loop3A_461, %iota3A : vector<16xi32>
        tpu.vector_store_idx %arg12[%parallel_loop3A_462, %broadcast_in_dim3A_6], %parallel_loop3A_458 : memref<512x16xf32, #tpu.memory_space<vmem>>[vector<16xi32>, vector<16xi32>], vector<16xf32>,
      } {sc.loop_unroll_factor = 4 : i64, sc.parallel_access}
      %dma_wait3A_332 = arith.constant 8 : i32
      %dma_wait3A_333 = arith.constant 0 : i32
      %dma_wait3A_334 = arith.constant 0 : i32
      %dma_wait3A_335 = tpu.memref_slice %arg11[%dma_wait3A_333, %dma_wait3A_334] : memref<512x16xf32, #tpu.memory_space<vmem>> -> memref<128x16xf32, #tpu.memory_space<vmem>>
      %dma_wait3A_336 = arith.constant 0 : i32
      %dma_wait3A_337 = tpu.memref_slice %arg9[%dma_wait3A_332, %dma_wait3A_336] : memref<16x128xi32, #tpu.memory_space<vmem>> -> memref<1x128xi32, #tpu.memory_space<vmem>>
      %dma_wait3A_338 = tpu.memref_squeeze %dma_wait3A_337 : memref<1x128xi32, #tpu.memory_space<vmem>> -> memref<128xi32, #tpu.memory_space<vmem>>
      %dma_wait3A_339 = arith.constant 0 : i32
      %dma_wait3A_340 = arith.constant 0 : i32
      %dma_wait3A_341 = tpu.memref_slice %arg13[%dma_wait3A_339, %dma_wait3A_340] : memref<100352x16xf32, #tpu.memory_space<vmem_shared>> -> memref<100352x16xf32, #tpu.memory_space<vmem_shared>>
      tpu.wait_indirect_dma semaphore(%arg15 : memref<!tpu.dma_semaphore, #tpu.memory_space<semaphore_mem>>) src(%dma_wait3A_335 : memref<128x16xf32, #tpu.memory_space<vmem>>) dst(%dma_wait3A_341 : memref<100352x16xf32, #tpu.memory_space<vmem_shared>>)
      %dma_wait3A_342 = arith.constant 9 : i32
      %dma_wait3A_343 = arith.constant 128 : i32
      %dma_wait3A_344 = arith.constant 0 : i32
      %dma_wait3A_345 = tpu.memref_slice %arg11[%dma_wait3A_343, %dma_wait3A_344] : memref<512x16xf32, #tpu.memory_space<vmem>> -> memref<128x16xf32, #tpu.memory_space<vmem>>
      %dma_wait3A_346 = arith.constant 0 : i32
      %dma_wait3A_347 = tpu.memref_slice %arg9[%dma_wait3A_342, %dma_wait3A_346] : memref<16x128xi32, #tpu.memory_space<vmem>> -> memref<1x128xi32, #tpu.memory_space<vmem>>
      %dma_wait3A_348 = tpu.memref_squeeze %dma_wait3A_347 : memref<1x128xi32, #tpu.memory_space<vmem>> -> memref<128xi32, #tpu.memory_space<vmem>>
      %dma_wait3A_349 = arith.constant 0 : i32
      %dma_wait3A_350 = arith.constant 0 : i32
      %dma_wait3A_351 = tpu.memref_slice %arg13[%dma_wait3A_349, %dma_wait3A_350] : memref<100352x16xf32, #tpu.memory_space<vmem_shared>> -> memref<100352x16xf32, #tpu.memory_space<vmem_shared>>
      tpu.wait_indirect_dma semaphore(%arg15 : memref<!tpu.dma_semaphore, #tpu.memory_space<semaphore_mem>>) src(%dma_wait3A_345 : memref<128x16xf32, #tpu.memory_space<vmem>>) dst(%dma_wait3A_351 : memref<100352x16xf32, #tpu.memory_space<vmem_shared>>)
      %dma_wait3A_352 = arith.constant 10 : i32
      %dma_wait3A_353 = arith.constant 256 : i32
      %dma_wait3A_354 = arith.constant 0 : i32
      %dma_wait3A_355 = tpu.memref_slice %arg11[%dma_wait3A_353, %dma_wait3A_354] : memref<512x16xf32, #tpu.memory_space<vmem>> -> memref<128x16xf32, #tpu.memory_space<vmem>>
      %dma_wait3A_356 = arith.constant 0 : i32
      %dma_wait3A_357 = tpu.memref_slice %arg9[%dma_wait3A_352, %dma_wait3A_356] : memref<16x128xi32, #tpu.memory_space<vmem>> -> memref<1x128xi32, #tpu.memory_space<vmem>>
      %dma_wait3A_358 = tpu.memref_squeeze %dma_wait3A_357 : memref<1x128xi32, #tpu.memory_space<vmem>> -> memref<128xi32, #tpu.memory_space<vmem>>
      %dma_wait3A_359 = arith.constant 0 : i32
      %dma_wait3A_360 = arith.constant 0 : i32
      %dma_wait3A_361 = tpu.memref_slice %arg13[%dma_wait3A_359, %dma_wait3A_360] : memref<100352x16xf32, #tpu.memory_space<vmem_shared>> -> memref<100352x16xf32, #tpu.memory_space<vmem_shared>>
      tpu.wait_indirect_dma semaphore(%arg15 : memref<!tpu.dma_semaphore, #tpu.memory_space<semaphore_mem>>) src(%dma_wait3A_355 : memref<128x16xf32, #tpu.memory_space<vmem>>) dst(%dma_wait3A_361 : memref<100352x16xf32, #tpu.memory_space<vmem_shared>>)
      %dma_wait3A_362 = arith.constant 11 : i32
      %dma_wait3A_363 = arith.constant 384 : i32
      %dma_wait3A_364 = arith.constant 0 : i32
      %dma_wait3A_365 = tpu.memref_slice %arg11[%dma_wait3A_363, %dma_wait3A_364] : memref<512x16xf32, #tpu.memory_space<vmem>> -> memref<128x16xf32, #tpu.memory_space<vmem>>
      %dma_wait3A_366 = arith.constant 0 : i32
      %dma_wait3A_367 = tpu.memref_slice %arg9[%dma_wait3A_362, %dma_wait3A_366] : memref<16x128xi32, #tpu.memory_space<vmem>> -> memref<1x128xi32, #tpu.memory_space<vmem>>
      %dma_wait3A_368 = tpu.memref_squeeze %dma_wait3A_367 : memref<1x128xi32, #tpu.memory_space<vmem>> -> memref<128xi32, #tpu.memory_space<vmem>>
      %dma_wait3A_369 = arith.constant 0 : i32
      %dma_wait3A_370 = arith.constant 0 : i32
      %dma_wait3A_371 = tpu.memref_slice %arg13[%dma_wait3A_369, %dma_wait3A_370] : memref<100352x16xf32, #tpu.memory_space<vmem_shared>> -> memref<100352x16xf32, #tpu.memory_space<vmem_shared>>
      tpu.wait_indirect_dma semaphore(%arg15 : memref<!tpu.dma_semaphore, #tpu.memory_space<semaphore_mem>>) src(%dma_wait3A_365 : memref<128x16xf32, #tpu.memory_space<vmem>>) dst(%dma_wait3A_371 : memref<100352x16xf32, #tpu.memory_space<vmem_shared>>)
      %dma_start3A_372 = arith.constant 12 : i32
      %dma_start3A_373 = arith.constant 0 : i32
      %dma_start3A_374 = arith.constant 0 : i32
      %dma_start3A_375 = tpu.memref_slice %arg12[%dma_start3A_373, %dma_start3A_374] : memref<512x16xf32, #tpu.memory_space<vmem>> -> memref<128x16xf32, #tpu.memory_space<vmem>>
      %dma_start3A_376 = arith.constant 0 : i32
      %dma_start3A_377 = tpu.memref_slice %arg9[%dma_start3A_372, %dma_start3A_376] : memref<16x128xi32, #tpu.memory_space<vmem>> -> memref<1x128xi32, #tpu.memory_space<vmem>>
      %dma_start3A_378 = tpu.memref_squeeze %dma_start3A_377 : memref<1x128xi32, #tpu.memory_space<vmem>> -> memref<128xi32, #tpu.memory_space<vmem>>
      %dma_start3A_379 = arith.constant 0 : i32
      %dma_start3A_380 = arith.constant 0 : i32
      %dma_start3A_381 = tpu.memref_slice %arg13[%dma_start3A_379, %dma_start3A_380] : memref<100352x16xf32, #tpu.memory_space<vmem_shared>> -> memref<100352x16xf32, #tpu.memory_space<vmem_shared>>
      tpu.enqueue_indirect_dma source(%dma_start3A_375 : memref<128x16xf32, #tpu.memory_space<vmem>>) target(%dma_start3A_381 : memref<100352x16xf32, #tpu.memory_space<vmem_shared>>) offsets(%dma_start3A_378 : memref<128xi32, #tpu.memory_space<vmem>>) semaphore(%arg15 : memref<!tpu.dma_semaphore, #tpu.memory_space<semaphore_mem>>) {add = true}
      %dma_start3A_382 = arith.constant 13 : i32
      %dma_start3A_383 = arith.constant 128 : i32
      %dma_start3A_384 = arith.constant 0 : i32
      %dma_start3A_385 = tpu.memref_slice %arg12[%dma_start3A_383, %dma_start3A_384] : memref<512x16xf32, #tpu.memory_space<vmem>> -> memref<128x16xf32, #tpu.memory_space<vmem>>
      %dma_start3A_386 = arith.constant 0 : i32
      %dma_start3A_387 = tpu.memref_slice %arg9[%dma_start3A_382, %dma_start3A_386] : memref<16x128xi32, #tpu.memory_space<vmem>> -> memref<1x128xi32, #tpu.memory_space<vmem>>
      %dma_start3A_388 = tpu.memref_squeeze %dma_start3A_387 : memref<1x128xi32, #tpu.memory_space<vmem>> -> memref<128xi32, #tpu.memory_space<vmem>>
      %dma_start3A_389 = arith.constant 0 : i32
      %dma_start3A_390 = arith.constant 0 : i32
      %dma_start3A_391 = tpu.memref_slice %arg13[%dma_start3A_389, %dma_start3A_390] : memref<100352x16xf32, #tpu.memory_space<vmem_shared>> -> memref<100352x16xf32, #tpu.memory_space<vmem_shared>>
      tpu.enqueue_indirect_dma source(%dma_start3A_385 : memref<128x16xf32, #tpu.memory_space<vmem>>) target(%dma_start3A_391 : memref<100352x16xf32, #tpu.memory_space<vmem_shared>>) offsets(%dma_start3A_388 : memref<128xi32, #tpu.memory_space<vmem>>) semaphore(%arg15 : memref<!tpu.dma_semaphore, #tpu.memory_space<semaphore_mem>>) {add = true}
      %dma_start3A_392 = arith.constant 14 : i32
      %dma_start3A_393 = arith.constant 256 : i32
      %dma_start3A_394 = arith.constant 0 : i32
      %dma_start3A_395 = tpu.memref_slice %arg12[%dma_start3A_393, %dma_start3A_394] : memref<512x16xf32, #tpu.memory_space<vmem>> -> memref<128x16xf32, #tpu.memory_space<vmem>>
      %dma_start3A_396 = arith.constant 0 : i32
      %dma_start3A_397 = tpu.memref_slice %arg9[%dma_start3A_392, %dma_start3A_396] : memref<16x128xi32, #tpu.memory_space<vmem>> -> memref<1x128xi32, #tpu.memory_space<vmem>>
      %dma_start3A_398 = tpu.memref_squeeze %dma_start3A_397 : memref<1x128xi32, #tpu.memory_space<vmem>> -> memref<128xi32, #tpu.memory_space<vmem>>
      %dma_start3A_399 = arith.constant 0 : i32
      %dma_start3A_400 = arith.constant 0 : i32
      %dma_start3A_401 = tpu.memref_slice %arg13[%dma_start3A_399, %dma_start3A_400] : memref<100352x16xf32, #tpu.memory_space<vmem_shared>> -> memref<100352x16xf32, #tpu.memory_space<vmem_shared>>
      tpu.enqueue_indirect_dma source(%dma_start3A_395 : memref<128x16xf32, #tpu.memory_space<vmem>>) target(%dma_start3A_401 : memref<100352x16xf32, #tpu.memory_space<vmem_shared>>) offsets(%dma_start3A_398 : memref<128xi32, #tpu.memory_space<vmem>>) semaphore(%arg15 : memref<!tpu.dma_semaphore, #tpu.memory_space<semaphore_mem>>) {add = true}
      %dma_start3A_402 = arith.constant 15 : i32
      %dma_start3A_403 = arith.constant 384 : i32
      %dma_start3A_404 = arith.constant 0 : i32
      %dma_start3A_405 = tpu.memref_slice %arg12[%dma_start3A_403, %dma_start3A_404] : memref<512x16xf32, #tpu.memory_space<vmem>> -> memref<128x16xf32, #tpu.memory_space<vmem>>
      %dma_start3A_406 = arith.constant 0 : i32
      %dma_start3A_407 = tpu.memref_slice %arg9[%dma_start3A_402, %dma_start3A_406] : memref<16x128xi32, #tpu.memory_space<vmem>> -> memref<1x128xi32, #tpu.memory_space<vmem>>
      %dma_start3A_408 = tpu.memref_squeeze %dma_start3A_407 : memref<1x128xi32, #tpu.memory_space<vmem>> -> memref<128xi32, #tpu.memory_space<vmem>>
      %dma_start3A_409 = arith.constant 0 : i32
      %dma_start3A_410 = arith.constant 0 : i32
      %dma_start3A_411 = tpu.memref_slice %arg13[%dma_start3A_409, %dma_start3A_410] : memref<100352x16xf32, #tpu.memory_space<vmem_shared>> -> memref<100352x16xf32, #tpu.memory_space<vmem_shared>>
      tpu.enqueue_indirect_dma source(%dma_start3A_405 : memref<128x16xf32, #tpu.memory_space<vmem>>) target(%dma_start3A_411 : memref<100352x16xf32, #tpu.memory_space<vmem_shared>>) offsets(%dma_start3A_408 : memref<128xi32, #tpu.memory_space<vmem>>) semaphore(%arg15 : memref<!tpu.dma_semaphore, #tpu.memory_space<semaphore_mem>>) {add = true}
      %dma_wait3A_412 = arith.constant 12 : i32
      %dma_wait3A_413 = arith.constant 0 : i32
      %dma_wait3A_414 = arith.constant 0 : i32
      %dma_wait3A_415 = tpu.memref_slice %arg12[%dma_wait3A_413, %dma_wait3A_414] : memref<512x16xf32, #tpu.memory_space<vmem>> -> memref<128x16xf32, #tpu.memory_space<vmem>>
      %dma_wait3A_416 = arith.constant 0 : i32
      %dma_wait3A_417 = tpu.memref_slice %arg9[%dma_wait3A_412, %dma_wait3A_416] : memref<16x128xi32, #tpu.memory_space<vmem>> -> memref<1x128xi32, #tpu.memory_space<vmem>>
      %dma_wait3A_418 = tpu.memref_squeeze %dma_wait3A_417 : memref<1x128xi32, #tpu.memory_space<vmem>> -> memref<128xi32, #tpu.memory_space<vmem>>
      %dma_wait3A_419 = arith.constant 0 : i32
      %dma_wait3A_420 = arith.constant 0 : i32
      %dma_wait3A_421 = tpu.memref_slice %arg13[%dma_wait3A_419, %dma_wait3A_420] : memref<100352x16xf32, #tpu.memory_space<vmem_shared>> -> memref<100352x16xf32, #tpu.memory_space<vmem_shared>>
      tpu.wait_indirect_dma semaphore(%arg15 : memref<!tpu.dma_semaphore, #tpu.memory_space<semaphore_mem>>) src(%dma_wait3A_415 : memref<128x16xf32, #tpu.memory_space<vmem>>) dst(%dma_wait3A_421 : memref<100352x16xf32, #tpu.memory_space<vmem_shared>>)
      %dma_wait3A_422 = arith.constant 13 : i32
      %dma_wait3A_423 = arith.constant 128 : i32
      %dma_wait3A_424 = arith.constant 0 : i32
      %dma_wait3A_425 = tpu.memref_slice %arg12[%dma_wait3A_423, %dma_wait3A_424] : memref<512x16xf32, #tpu.memory_space<vmem>> -> memref<128x16xf32, #tpu.memory_space<vmem>>
      %dma_wait3A_426 = arith.constant 0 : i32
      %dma_wait3A_427 = tpu.memref_slice %arg9[%dma_wait3A_422, %dma_wait3A_426] : memref<16x128xi32, #tpu.memory_space<vmem>> -> memref<1x128xi32, #tpu.memory_space<vmem>>
      %dma_wait3A_428 = tpu.memref_squeeze %dma_wait3A_427 : memref<1x128xi32, #tpu.memory_space<vmem>> -> memref<128xi32, #tpu.memory_space<vmem>>
      %dma_wait3A_429 = arith.constant 0 : i32
      %dma_wait3A_430 = arith.constant 0 : i32
      %dma_wait3A_431 = tpu.memref_slice %arg13[%dma_wait3A_429, %dma_wait3A_430] : memref<100352x16xf32, #tpu.memory_space<vmem_shared>> -> memref<100352x16xf32, #tpu.memory_space<vmem_shared>>
      tpu.wait_indirect_dma semaphore(%arg15 : memref<!tpu.dma_semaphore, #tpu.memory_space<semaphore_mem>>) src(%dma_wait3A_425 : memref<128x16xf32, #tpu.memory_space<vmem>>) dst(%dma_wait3A_431 : memref<100352x16xf32, #tpu.memory_space<vmem_shared>>)
      %dma_wait3A_432 = arith.constant 14 : i32
      %dma_wait3A_433 = arith.constant 256 : i32
      %dma_wait3A_434 = arith.constant 0 : i32
      %dma_wait3A_435 = tpu.memref_slice %arg12[%dma_wait3A_433, %dma_wait3A_434] : memref<512x16xf32, #tpu.memory_space<vmem>> -> memref<128x16xf32, #tpu.memory_space<vmem>>
      %dma_wait3A_436 = arith.constant 0 : i32
      %dma_wait3A_437 = tpu.memref_slice %arg9[%dma_wait3A_432, %dma_wait3A_436] : memref<16x128xi32, #tpu.memory_space<vmem>> -> memref<1x128xi32, #tpu.memory_space<vmem>>
      %dma_wait3A_438 = tpu.memref_squeeze %dma_wait3A_437 : memref<1x128xi32, #tpu.memory_space<vmem>> -> memref<128xi32, #tpu.memory_space<vmem>>
      %dma_wait3A_439 = arith.constant 0 : i32
      %dma_wait3A_440 = arith.constant 0 : i32
      %dma_wait3A_441 = tpu.memref_slice %arg13[%dma_wait3A_439, %dma_wait3A_440] : memref<100352x16xf32, #tpu.memory_space<vmem_shared>> -> memref<100352x16xf32, #tpu.memory_space<vmem_shared>>
      tpu.wait_indirect_dma semaphore(%arg15 : memref<!tpu.dma_semaphore, #tpu.memory_space<semaphore_mem>>) src(%dma_wait3A_435 : memref<128x16xf32, #tpu.memory_space<vmem>>) dst(%dma_wait3A_441 : memref<100352x16xf32, #tpu.memory_space<vmem_shared>>)
      %dma_wait3A_442 = arith.constant 15 : i32
      %dma_wait3A_443 = arith.constant 384 : i32
      %dma_wait3A_444 = arith.constant 0 : i32
      %dma_wait3A_445 = tpu.memref_slice %arg12[%dma_wait3A_443, %dma_wait3A_444] : memref<512x16xf32, #tpu.memory_space<vmem>> -> memref<128x16xf32, #tpu.memory_space<vmem>>
      %dma_wait3A_446 = arith.constant 0 : i32
      %dma_wait3A_447 = tpu.memref_slice %arg9[%dma_wait3A_442, %dma_wait3A_446] : memref<16x128xi32, #tpu.memory_space<vmem>> -> memref<1x128xi32, #tpu.memory_space<vmem>>
      %dma_wait3A_448 = tpu.memref_squeeze %dma_wait3A_447 : memref<1x128xi32, #tpu.memory_space<vmem>> -> memref<128xi32, #tpu.memory_space<vmem>>
      %dma_wait3A_449 = arith.constant 0 : i32
      %dma_wait3A_450 = arith.constant 0 : i32
      %dma_wait3A_451 = tpu.memref_slice %arg13[%dma_wait3A_449, %dma_wait3A_450] : memref<100352x16xf32, #tpu.memory_space<vmem_shared>> -> memref<100352x16xf32, #tpu.memory_space<vmem_shared>>
      tpu.wait_indirect_dma semaphore(%arg15 : memref<!tpu.dma_semaphore, #tpu.memory_space<semaphore_mem>>) src(%dma_wait3A_445 : memref<128x16xf32, #tpu.memory_space<vmem>>) dst(%dma_wait3A_451 : memref<100352x16xf32, #tpu.memory_space<vmem_shared>>)
    }
    %scan3A_108 = arith.constant 49 : i32
    %barrier3A_109 = arith.constant 0 : index
    tpu.barrier barrier_id(%barrier3A_109)
    "tpu.region"() ({
      %run_scoped3A = tpu.sem_alloc : memref<!tpu.dma_semaphore, #tpu.memory_space<semaphore_mem>>
      %dma_start3A = arith.constant 0 : i32
      %dma_start3A_110 = tpu.memref_slice %arg7[%arg0, %multiple_of3A, %dma_start3A] : memref<2x100352x16xf32, #tpu.memory_space<hbm>> -> memref<1x6272x16xf32, #tpu.memory_space<hbm>>
      %dma_start3A_111 = tpu.memref_squeeze %dma_start3A_110 : memref<1x6272x16xf32, #tpu.memory_space<hbm>> -> memref<6272x16xf32, #tpu.memory_space<hbm>>
      %dma_start3A_112 = arith.constant 0 : i32
      %dma_start3A_113 = tpu.memref_slice %arg13[%multiple_of3A, %dma_start3A_112] : memref<100352x16xf32, #tpu.memory_space<vmem_shared>> -> memref<6272x16xf32, #tpu.memory_space<vmem_shared>>
      tpu.enqueue_dma source(%dma_start3A_113 : memref<6272x16xf32, #tpu.memory_space<vmem_shared>>) target(%dma_start3A_111 : memref<6272x16xf32, #tpu.memory_space<hbm>>) target_semaphore(%run_scoped3A : memref<!tpu.dma_semaphore, #tpu.memory_space<semaphore_mem>>)
      %dma_wait3A = arith.constant 0 : i32
      %dma_wait3A_114 = tpu.memref_slice %arg7[%arg0, %multiple_of3A, %dma_wait3A] : memref<2x100352x16xf32, #tpu.memory_space<hbm>> -> memref<1x6272x16xf32, #tpu.memory_space<hbm>>
      %dma_wait3A_115 = tpu.memref_squeeze %dma_wait3A_114 : memref<1x6272x16xf32, #tpu.memory_space<hbm>> -> memref<6272x16xf32, #tpu.memory_space<hbm>>
      %dma_wait3A_116 = arith.constant 0 : i32
      %dma_wait3A_117 = tpu.memref_slice %arg13[%multiple_of3A, %dma_wait3A_116] : memref<100352x16xf32, #tpu.memory_space<vmem_shared>> -> memref<6272x16xf32, #tpu.memory_space<vmem_shared>>
      tpu.wait_dma2 semaphore(%run_scoped3A : memref<!tpu.dma_semaphore, #tpu.memory_space<semaphore_mem>>) src(%dma_wait3A_117 : memref<6272x16xf32, #tpu.memory_space<vmem_shared>>) dst(%dma_wait3A_115 : memref<6272x16xf32, #tpu.memory_space<hbm>>)
      tpu.yield
    }) : () -> ()
    return
  }
}

</mosaic_0001>

<sc_bundles>
// kernel: _sc_segment_sums.3.cloned.1.call-start
scs
__scs_entry_jumppad:
0x0: {  	(pc) =	sbr.rel $0x88, $3  }
0x1: {  	(tag) =	ssettag $0x0;
	lr =	simm.s32 $0x1  }
0x2: {  	[smem:$0x3F9D] =	sst lr;
	_ =	strace $0xD0000000  }
0x3: {  	_ = 	snop  }
0x4: {  	_ = 	snop  }
0x5: {  	_ = 	snop  }
0x6: {  	_ = 	snop  }
0x7: {  	_ = 	snop  }
__scs_overlays_trampoline_lowered:
0x8: {  	[smem:$0x3FAC] =	sst s0  }
0x9: {  	[smem:$0x3FAD] =	sst s1  }
0xa: {  	[smem:$0x3FAE] =	sst s2  }
0xb: {  	[smem:$0x3FAF] =	sst s3  }
0xc: {  	[smem:$0x3FB0] =	sst s4  }
0xd: {  	[smem:$0x3FB1] =	sst s5  }
0xe: {  	[smem:$0x3FB2] =	sst s6  }
0xf: {  	[smem:$0x3FB3] =	sst s7  }
0x10: {  	[smem:$0x3FB4] =	sst s8  }
0x11: {  	[smem:$0x3FB5] =	sst s9;
	s0 =	simm.s32 @!p0 $0x0  }
0x12: {  	s1 =	sld [smem:$0x3F9B];
	s0 =	simm.s32 @p0 $0x1  }
0x13: {  	[smem:$0x3FB6] =	sst s0;
	s0 =	simm.s32 @!p1 $0x0  }
0x14: {  	s2 =	sld [smem:$0x3F9A];
	s0 =	simm.s32 @p1 $0x1  }
0x15: {  	[smem:$0x3FB7] =	sst s0;
	s0 =	simm.s32 @!p2 $0x0  }
0x16: {  	s3 =	sld [smem:$0x3FDB];
	s0 =	simm.s32 @p2 $0x1  }
0x17: {  	s4 =	simm.s32 $0x1BF5;
	[smem:$0x3FB9] =	sst s0  }
0x18: {  	s0 =	sld [smem:$0x3F9C];
	_ =	swait.ge [sflag:s4], $0x0  }
0x19: {  	s7 =	sld [smem:$0x3F9D]  }
0x1a: {  	s8 =	sadd.s32 $0xFFFFE003, lr  }
0x1b: {  	s9 =	sadd.s32 $0xFFFFFEF7, lr;
	s5 =	simm.s32 $0xFFFFFFFF;
	p2 =	slt.u32 s8, $0xFFFFF086  }
0x1c: {  	p1 =	slt.u32 s9, $0xF7A;
	s5 =	simm.s32 @!p2 $0x0  }
0x1d: {  	s5 =	simm.s32 @p1 $0x1;
	p0 =	seq.s32 s7, s2  }
0x1e: {  	s7 =	smul.u32 @!p0 $0xF7A, s2;
	p2 =	seq.s32 @!p0 s5, $0x0  }
0x1f: {  	s9 =	smul.u32 $0xF7A, s1;
	s8 =	simm.s32 @!p0 $0x1BF5;
	p2 =	por !p2, p0  }
0x20: {  	[sflag:s8] =	ssyncset.s32 @!p0 $0xFFFFF086;
	s6 =	sadd.s32 @!p0 s3, s7;
	s7 =	simm.s32 @!p0 $0x108  }
0x21: {  	s3 =	sadd.s32 s3, s9;
	s6 =	sadd.s32 @!p0 $0x88, s6;
	s7 =	simm.s32 @p2 $0x1082  }
0x22: {  	[simem:s7], [sflag:s8] =	dma.local @!p0 [hbm:s6], $0xF7A  }
0x23: {  	s9 =	sor.u32 $0xD0000000, s2;
	s6 =	simm.s32 $0x108;
	_ =	swait.ge @!p0 [sflag:s8], $0x0  }
0x24: {  	s3 =	sadd.s32 $0x88, s3;
	s6 =	simm.s32 @!p1 $0x1082;
	[sflag:s4] =	ssyncset.s32 $0xFFFFF086  }
0x25: {  	[simem:s6], [sflag:s4] =	dma.local [hbm:s3], $0xF7A  }
0x26: {  	[smem:$0x3F9D] =	sst s1;
	(tag) =	ssettag s2;
	_ =	strace s9  }
0x27: {  	s1 =	sld [smem:$0x3FAD]  }
0x28: {  	s2 =	sld [smem:$0x3FAE]  }
0x29: {  	s4 =	sld [smem:$0x3FB0]  }
0x2a: {  	p0 =	seq.s32 s5, $0x0;
	s5 =	sld [smem:$0x3FB1]  }
0x2b: {  	s6 =	sld [smem:$0x3FB2]  }
0x2c: {  	s7 =	sld [smem:$0x3FB3]  }
0x2d: {  	s3 =	simm.s32 $0x108;
	s8 =	sld [smem:$0x3FB4]  }
0x2e: {  	s3 =	simm.s32 @!p0 $0x1082;
	s9 =	sld [smem:$0x3FB5]  }
0x2f: {  	lr =	sadd.s32 s0, s3;
	s0 =	sld [smem:$0x3FAC]  }
0x30: {  	s3 =	sld [smem:$0x3FAF]  }
0x31: {  	[smem:$0x3FB8] =	sst s10  }
0x32: {  	s10 =	sld [smem:$0x3FB6];
	_ =	sdelay $0x3  }
0x33: {  	p0 =	seq.s32 s10, $0x1;
	s10 =	sld [smem:$0x3FB8];
	_ =	sdelay $0x3  }
0x34: {  	[smem:$0x3FB8] =	sst s10  }
0x35: {  	s10 =	sld [smem:$0x3FB7];
	_ =	sdelay $0x3  }
0x36: {  	p1 =	seq.s32 s10, $0x1;
	s10 =	sld [smem:$0x3FB8];
	_ =	sdelay $0x3  }
0x37: {  	[smem:$0x3FB8] =	sst s10  }
0x38: {  	s10 =	sld [smem:$0x3FB9]  }
0x39: {  	_ = 	snop;
	(pc) =	sbr.ind lr, $3  }
0x3a: {  	_ = 	snop  }
0x3b: {  	_ = 	snop  }
0x3c: {  	p2 =	seq.s32 s10, $0x1;
	s10 =	sld [smem:$0x3FB8]  }
0x3d: {  	_ =	shalt  }
0x3e: {  	_ =	shalt  }
0x3f: {  	_ =	shalt  }
0x40: {  	_ =	shalt  }
0x41: {  	_ =	shalt  }
0x42: {  	_ =	shalt  }
0x43: {  	_ =	shalt  }
0x44: {  	_ =	shalt  }
0x45: {  	_ =	shalt  }
0x46: {  	_ =	shalt  }
0x47: {  	_ =	shalt  }
0x48: {  	_ =	shalt  }
0x49: {  	_ =	shalt  }
0x4a: {  	_ =	shalt  }
0x4b: {  	_ =	shalt  }
0x4c: {  	_ =	shalt  }
0x4d: {  	_ =	shalt  }
0x4e: {  	_ =	shalt  }
0x4f: {  	_ =	shalt  }
0x50: {  	_ =	shalt  }
0x51: {  	_ =	shalt  }
0x52: {  	_ =	shalt  }
0x53: {  	_ =	shalt  }
0x54: {  	_ =	shalt  }
0x55: {  	_ =	shalt  }
0x56: {  	_ =	shalt  }
0x57: {  	_ =	shalt  }
0x58: {  	_ =	shalt  }
0x59: {  	_ =	shalt  }
0x5a: {  	_ =	shalt  }
0x5b: {  	_ =	shalt  }
0x5c: {  	_ =	shalt  }
0x5d: {  	_ =	shalt  }
0x5e: {  	_ =	shalt  }
0x5f: {  	_ =	shalt  }
0x60: {  	_ =	shalt  }
0x61: {  	_ =	shalt  }
0x62: {  	_ =	shalt  }
0x63: {  	_ =	shalt  }
0x64: {  	_ =	shalt  }
0x65: {  	_ =	shalt  }
0x66: {  	_ =	shalt  }
0x67: {  	_ =	shalt  }
0x68: {  	_ =	shalt  }
0x69: {  	_ =	shalt  }
0x6a: {  	_ =	shalt  }
0x6b: {  	_ =	shalt  }
0x6c: {  	_ =	shalt  }
0x6d: {  	_ =	shalt  }
0x6e: {  	_ =	shalt  }
0x6f: {  	_ =	shalt  }
0x70: {  	_ =	shalt  }
0x71: {  	_ =	shalt  }
0x72: {  	_ =	shalt  }
0x73: {  	_ =	shalt  }
0x74: {  	_ =	shalt  }
0x75: {  	_ =	shalt  }
0x76: {  	_ =	shalt  }
0x77: {  	_ =	shalt  }
0x78: {  	_ =	shalt  }
0x79: {  	_ =	shalt  }
0x7a: {  	_ =	shalt  }
0x7b: {  	_ =	shalt  }
0x7c: {  	_ =	shalt  }
0x7d: {  	_ =	shalt  }
0x7e: {  	_ =	shalt  }
0x7f: {  	_ =	shalt  }
0x80: {  	_ =	shalt  }
0x81: {  	_ =	shalt  }
0x82: {  	_ =	shalt  }
0x83: {  	_ =	shalt  }
0x84: {  	_ =	shalt  }
0x85: {  	_ =	shalt  }
0x86: {  	_ =	shalt  }
0x87: {  	_ =	shalt  }
.Lfunc_end0:
.L_simem_size_0:
called_computation_lowered:
.L_overlay_start_0:
0x88: {  	s2 =	sld [smem:$0x3FD9]  }
0x89: {  	s3 =	sld [smem:$0x3FFE];
	_ =	sdelay $0x1  }
0x8a: {  	s1 =	srdreg.scid  }
0x8b: {  	s0 =	sand.u32 $0x1, s1  }
0x8c: {  	s14 =	sshll.u32 s0, $0xA;
	s2 =	sadd.s32 s3, s2  }
0x8d: {  	s2 =	sadd.s32 s2, s14  }
0x8e: {  	[smem:$0x3FC4] =	sst s2  }
0x8f: {  	_ = 	snop  }
0x90: {  	s2 =	sld [smem:$0x3FD0]  }
0x91: {  	s15 =	sld [smem:$0x3FC8]  }
0x92: {  	s4 =	sld [smem:$0x3FC7]  }
0x93: {  	s6 =	simm.s32 $0xA;
	s7 =	simm.s32 $0x10;
	s5 =	sld [smem:$0x3FC6]  }
0x94: {  	[smem:s7], [sflag:s6] =	dma.local [hbm:s2], $0x1  }
0x95: {  	_ =	swait.eq [sflag:s6], $0x1  }
0x96: {  	[sflag:s6] =	ssyncset.done $0x0  }
0x97: {  	s16 =	sld [smem:$0x10];
	[sflag:s6] =	ssyncadd.s32 $0xFFFFFFFF  }
0x98: {  	s17 =	sld [smem:$0x11];
	(tm) =	ssettm $0x1  }
0x99: {  	s18 =	sld [smem:$0x3FFB];
	_ =	sdelay $0x3  }
0x9a: {  	_ =	strace s18  }
0x9b: {  	s7 =	sld [smem:$0x3FFC];
	_ =	sdelay $0x3  }
0x9c: {  	_ =	strace s7  }
0x9d: {  	s7 =	sld [smem:$0x3FFD];
	_ =	sdelay $0x3  }
0x9e: {  	_ =	strace s7  }
0x9f: {  	_ =	strace $0x8FFFFFFF  }
0xa0: {  	s19 =	sld [smem:$0x3FDB];
	_ =	sdelay $0x1  }
0xa1: {  	s8 =	simm.s32 $_scs_section_size  }
0xa2: {  	s9 =	simm.s32 $_size__tile_overlayer_lowered;
	s10 =	simm.s32 $_tile_overlayer_lowered  }
0xa3: {  	s22 =	simm.s32 $0x1BFF;
	s21 =	sshll.u32 s10, $0x1;
	s7 =	sadd.s32 s8, s19  }
0xa4: {  	s11 =	simm.s32 $0x0;
	s20 =	sshll.u32 s9, $0x1;
	s9 =	sadd.s32 s21, s7  }
0xa5: {  	[timem:s11], [sflag:s22] =	dma.local [hbm:s9], s20  }
0xa6: {  	_ =	swait.ge [sflag:s22], s20  }
0xa7: {  	s8 =	ssub.s32 $0x0, s20;
	[sflag:s22] =	ssyncset.done $0x0  }
0xa8: {  	[sflag:s22] =	ssyncadd.s32 s8;
	_ =	sdelay $0x1  }
0xa9: {  	s23 =	simm.s32 $0x1B8B  }
0xaa: {  	_ =	swait.ge [sflag:s23], $0x1  }
0xab: {  	[sflag:s23] =	ssyncset.done $0x0  }
0xac: {  	s25 =	simm.s32 $0x1B8E;
	s24 =	sld [smem:$0x3FFE];
	[sflag:s23] =	ssyncadd.s32 $0xFFFFFFFF  }
0xad: {  	s26 =	simm.s32 $execute0_lowered;
	[smem:$0x3FD2] =	sst s25  }
0xae: {  	s9 =	sshll.u32 s26, $0x1;
	_ =	strace $0x80000046;
	[dreg:$0x1] =	wrdreg $0xFFFFFFFF  }
0xaf: {  	s28 =	simm.s32 $_size_execute0_lowered;
	s7 =	sadd.s32 s7, s9;
	[dreg:$0x0] =	wrdreg $0x0  }
0xb0: {  	s9 =	sshll.u32 s28, $0x1;
	[dreg:$0x2] =	wrdreg s7  }
0xb1: {  	[dreg:$0x3] =	wrdreg s9  }
0xb2: {  	[dreg:$0x4] =	wrdreg $0xC0  }
0xb3: {  	_ =	task [dreg:s11], $0x5FFFF  }
0xb4: {  	[dreg:$0x1] =	wrdreg $0xFFFFFFFF  }
0xb5: {  	[dreg:$0x0] =	wrdreg $0x60  }
0xb6: {  	[dreg:$0x2] =	wrdreg s24  }
0xb7: {  	[dreg:$0x3] =	wrdreg s15  }
0xb8: {  	[dreg:$0x4] =	wrdreg s4  }
0xb9: {  	[dreg:$0x5] =	wrdreg s5  }
0xba: {  	[dreg:$0x6] =	wrdreg s16  }
0xbb: {  	[dreg:$0x7] =	wrdreg s17  }
0xbc: {  	[dreg:$0x8] =	wrdreg $0x58000  }
0xbd: {  	[dreg:$0x9] =	wrdreg $0x9  }
0xbe: {  	_ =	task.clear_ibuf [dreg:s11], $0xAFFFF;
	_ =	strace $0x90000046  }
0xbf: {  	s29 =	simm.s32 $0x9;
	_ =	strace $0x80000048  }
0xc0: {  	_ =	swait.ge [sflag:s29], $0x1  }
0xc1: {  	[sflag:s29] =	ssyncadd.s32 $0xFFFFFFFF  }
0xc2: {  	_ =	strace $0x90000048  }
0xc3: {  	_ =	sfence  }
0xc4: {  	s30 =	sld [smem:$0x0];
	_ =	sdelay $0x2  }
0xc5: {  	s31 =	sshll.u32 s1, $0xD;
	s1 =	sshrl.u32 s1, $0x2  }
0xc6: {  	s3 =	sand.u32 $0x4000, s31;
	s1 =	sadd.s32 s1, s30  }
0xc7: {  	s0 =	sor.u32 s3, s0;
	s1 =	sshll.u32 s1, $0x11  }
0xc8: {  	s0 =	sor.u32 s1, s0  }
0xc9: {  	s0 =	sadd.s32 $0x8F2B, s0  }
0xca: {  	[sflag:s0] =	ssyncadd.remote.s32 $0x1  }
0xcb: {  	_ =	sfence.sel $0xFFFF  }
0xcc: {  	[dreg:$0x0] =	wrdreg $0xFFFFFFFF;
	(pc) =	sbr.abs _section_cstart, $3  }
0xcd: {  	[dreg:$0x1] =	wrdreg $0xFFFFFFFF  }
0xce: {  	_ =	task.clear_ibuf [dreg:s11], $0x2FFFF;
	_ =	strace $0x9FFFFFFF  }
0xcf: {  	(tm) =	ssettm $0x7FFFFFFF  }
tec
execute0_lowered:
.L_overlay_start_1:
0x0: {  	(tag) =	ssettag $0x1  }
0x1: {  	s0 =	rddreg [dreg:$0x0]  }
0x2: {  	s15 =	rddreg [dreg:$0x1]  }
0x3: {  	s1 =	rddreg [dreg:$0x4]  }
0x4: {  	s2 =	rddreg [dreg:$0x5]  }
0x5: {  	s5 =	rddreg [dreg:$0x6]  }
0x6: {  	s3 =	srdreg.scid;
	s11 =	simm.s32 $0x0;
	s9 =	stileid.u32  }
0x7: {  	s28 =	simm.s32 $0x800;
	s29 =	simm.s32 $0x1000;
	s30 =	simm.s32 $0x80  }
0x8: {  	s31 =	simm.s32 $0x2000;
	s3 =	sand.u32 $0x1, s3;
	s6 =	smul.u32 $0x62000, s9  }
0x9: {  	[smem:$0x7FF] =	sst s11;
	s8 =	sshll.u32 s9, $0x1;
	s9 =	smul.u32 $0x18800, s9  }
0xa: {  	s7 =	sadd.s32 $0x187400, s0;
	s4 =	ssub.s32 $0x2, s3;
	s6 =	sshrl.u32 s6, $0x2  }
0xb: {  	_ =	strace $0x80000047;
	s12 =	sadd.s32 s9, s5;
	s6 =	sadd.s32 s6, s5  }
0xc: {  	s10 =	sor.u32 s3, s8;
	[dreg:$0x9] =	wrdreg s12;
	s13 =	sadd.s32 $0x2000, s6  }
0xd: {  	s3 =	smul.u32 $0x188000, s3;
	s14 =	sadd.s32 $0x4000, s6;
	[dreg:$0xa] =	wrdreg s13  }
0xe: {  	s26 =	sshrl.u32 s4, $0x1;
	s16 =	sadd.s32 $0x6000, s6;
	[dreg:$0xb] =	wrdreg s14  }
0xf: {  	s8 =	smul.u32 $0x18800, s10;
	s17 =	sadd.s32 $0x8000, s6;
	[dreg:$0xc] =	wrdreg s16  }
0x10: {  	s10 =	simm.s32 $0x3800;
	s18 =	sadd.s32 $0xA000, s6;
	[dreg:$0xd] =	wrdreg s17  }
0x11: {  	s0 =	ssub.s32 s4, s26;
	s19 =	sadd.s32 $0xC000, s6;
	[dreg:$0xe] =	wrdreg s18  }
0x12: {  	s3 =	sadd.s32 s9, s3;
	s20 =	sadd.s32 $0xE000, s6;
	[dreg:$0xf] =	wrdreg s19  }
0x13: {  	s4 =	simm.s32 $0x2800;
	s21 =	sadd.s32 $0x10000, s6;
	[dreg:$0x10] =	wrdreg s20  }
0x14: {  	s12 =	simm.s32 $0x4000;
	s22 =	sadd.s32 $0x12000, s6;
	[dreg:$0x11] =	wrdreg s21  }
0x15: {  	s9 =	simm.s32 $0xD00;
	s23 =	sadd.s32 $0x14000, s6;
	[dreg:$0x12] =	wrdreg s22  }
0x16: {  	s3 =	sshrl.u32 s3, $0x3;
	s24 =	sadd.s32 $0x16000, s6;
	[dreg:$0x13] =	wrdreg s23  }
0x17: {  	s25 =	sadd.s32 $0x18000, s6;
	s0 =	smax.u32 s0, $0x1;
	[dreg:$0x14] =	wrdreg s24  }
0x18: {  	s6 =	simm.s32 $0xD80;
	[dreg:$0x15] =	wrdreg s25;
	s1 =	sadd.s32 s1, s3  }
0x19: {  	s26 =	sadd.s32 s2, s3;
	[dreg:$0x18] =	wrdreg s0;
	s25 =	simm.s32 $0x1800  }
0x1a: {  	s23 =	simm.s32 $0x3000;
	s14 =	simm.s32 $0x4800;
	s16 =	simm.s32 $0x5000  }
0x1b: {  	v0 =	vimm.f32 $0.0e+00;
	v1 =	vimm.s32 $0x0;
	s17 =	simm.s32 $0x1;
	s21 =	simm.s32 $0x2;
	s2 =	simm.s32 $0xE80  }
0x1c: {  	vm0 =	vcmask $0x300;
	vm1 =	vcmask $0x704;
	v3 =	vlaneseq.u32;
	s3 =	simm.s32 $0xF00;
	s18 =	simm.s32 $0xF80;
	[dreg:$0x16] =	wrdreg s1  }
0x1d: {  	v1 =	vsel vm0, $0x3, v1;
	v2 =	vsel vm1, $0x3F800000, v0;
	v3 =	vmul.u32 $0x10, v3;
	[dreg:$0x17] =	wrdreg s26;
	s26 =	simm.s32 $0x3;
	s1 =	simm.s32 $0xE00  }
.LBB2_1:
0x1e: {  	[dreg:$0x8] =	wrdreg s11;
	s11 =	simm.s32 $0x40;
	s19 =	simm.s32 $0x0  }
.LBB2_2:
0x1f: {  	p0 =	sne.s32 s11, $0x7FC0;
	[tilespmem:s19+$0x1800] =	vst v0;
	s19 =	smov.u32 s11;
	s11 =	sadd.s32 $0x40, s11  }
.Ltmp0:
0x20: {  	(pc) =	sbr.rel @p0 .LBB2_2-.Ltmp0, $2  }
0x21: {  	_ =	sdelay $0x2  }
0x22: {  	s19 =	sshra.s32 s19, $0x2  }
0x23: {  	[tilespmem:s19+$0x1800] =	vst v0;
	s0 =	rddreg [dreg:$0x9]  }
0x24: {  	[spmem:s0] =	stream.linear.scatter [tilespmem:s25], [sflag:$0x3], $0x2000, $0x38;
	[tilespmem:$0x1E000] =	vst v63  }
0x25: {  	_ =	swait.ge [sflag:s26], $0x2000  }
0x26: {  	[sflag:s26] =	ssyncset.done $0x0  }
0x27: {  	s11 =	rddreg [dreg:$0xa];
	[sflag:s26] =	ssyncadd.s32 $0xFFFFE000  }
0x28: {  	[spmem:s11] =	stream.linear.scatter [tilespmem:s25], [sflag:$0x3], $0x2000, $0x38;
	[tilespmem:$0x1E000] =	vst v63  }
0x29: {  	_ =	swait.ge [sflag:s26], $0x2000  }
0x2a: {  	[sflag:s26] =	ssyncset.done $0x0  }
0x2b: {  	s13 =	rddreg [dreg:$0xb];
	[sflag:s26] =	ssyncadd.s32 $0xFFFFE000  }
0x2c: {  	[spmem:s13] =	stream.linear.scatter [tilespmem:s25], [sflag:$0x3], $0x2000, $0x38;
	[tilespmem:$0x1E000] =	vst v63  }
0x2d: {  	_ =	swait.ge [sflag:s26], $0x2000  }
0x2e: {  	[sflag:s26] =	ssyncset.done $0x0  }
0x2f: {  	s19 =	rddreg [dreg:$0xc];
	[sflag:s26] =	ssyncadd.s32 $0xFFFFE000  }
0x30: {  	[spmem:s19] =	stream.linear.scatter [tilespmem:s25], [sflag:$0x3], $0x2000, $0x38;
	[tilespmem:$0x1E000] =	vst v63  }
0x31: {  	_ =	swait.ge [sflag:s26], $0x2000  }
0x32: {  	[sflag:s26] =	ssyncset.done $0x0  }
0x33: {  	s20 =	rddreg [dreg:$0xd];
	[sflag:s26] =	ssyncadd.s32 $0xFFFFE000  }
0x34: {  	[spmem:s20] =	stream.linear.scatter [tilespmem:s25], [sflag:$0x3], $0x2000, $0x38;
	[tilespmem:$0x1E000] =	vst v63  }
0x35: {  	_ =	swait.ge [sflag:s26], $0x2000  }
0x36: {  	[sflag:s26] =	ssyncset.done $0x0  }
0x37: {  	s22 =	rddreg [dreg:$0xe];
	[sflag:s26] =	ssyncadd.s32 $0xFFFFE000  }
0x38: {  	[spmem:s22] =	stream.linear.scatter [tilespmem:s25], [sflag:$0x3], $0x2000, $0x38;
	[tilespmem:$0x1E000] =	vst v63  }
0x39: {  	_ =	swait.ge [sflag:s26], $0x2000  }
0x3a: {  	[sflag:s26] =	ssyncset.done $0x0  }
0x3b: {  	s24 =	rddreg [dreg:$0xf];
	[sflag:s26] =	ssyncadd.s32 $0xFFFFE000  }
0x3c: {  	[spmem:s24] =	stream.linear.scatter [tilespmem:s25], [sflag:$0x3], $0x2000, $0x38;
	[tilespmem:$0x1E000] =	vst v63  }
0x3d: {  	_ =	swait.ge [sflag:s26], $0x2000  }
0x3e: {  	[sflag:s26] =	ssyncset.done $0x0  }
0x3f: {  	s11 =	rddreg [dreg:$0x10];
	[sflag:s26] =	ssyncadd.s32 $0xFFFFE000  }
0x40: {  	[spmem:s11] =	stream.linear.scatter [tilespmem:s25], [sflag:$0x3], $0x2000, $0x38;
	[tilespmem:$0x1E000] =	vst v63  }
0x41: {  	_ =	swait.ge [sflag:s26], $0x2000  }
0x42: {  	[sflag:s26] =	ssyncset.done $0x0  }
0x43: {  	s13 =	rddreg [dreg:$0x11];
	[sflag:s26] =	ssyncadd.s32 $0xFFFFE000  }
0x44: {  	[spmem:s13] =	stream.linear.scatter [tilespmem:s25], [sflag:$0x3], $0x2000, $0x38;
	[tilespmem:$0x1E000] =	vst v63  }
0x45: {  	_ =	swait.ge [sflag:s26], $0x2000  }
0x46: {  	[sflag:s26] =	ssyncset.done $0x0  }
0x47: {  	s19 =	rddreg [dreg:$0x12];
	[sflag:s26] =	ssyncadd.s32 $0xFFFFE000  }
0x48: {  	[spmem:s19] =	stream.linear.scatter [tilespmem:s25], [sflag:$0x3], $0x2000, $0x38;
	[tilespmem:$0x1E000] =	vst v63  }
0x49: {  	_ =	swait.ge [sflag:s26], $0x2000  }
0x4a: {  	[sflag:s26] =	ssyncset.done $0x0  }
0x4b: {  	s20 =	rddreg [dreg:$0x13];
	[sflag:s26] =	ssyncadd.s32 $0xFFFFE000  }
0x4c: {  	[spmem:s20] =	stream.linear.scatter [tilespmem:s25], [sflag:$0x3], $0x2000, $0x38;
	[tilespmem:$0x1E000] =	vst v63  }
0x4d: {  	_ =	swait.ge [sflag:s26], $0x2000  }
0x4e: {  	[sflag:s26] =	ssyncset.done $0x0  }
0x4f: {  	s22 =	rddreg [dreg:$0x14];
	[sflag:s26] =	ssyncadd.s32 $0xFFFFE000  }
0x50: {  	[spmem:s22] =	stream.linear.scatter [tilespmem:s25], [sflag:$0x3], $0x2000, $0x38;
	[tilespmem:$0x1E000] =	vst v63  }
0x51: {  	_ =	swait.ge [sflag:s26], $0x2000  }
0x52: {  	[sflag:s26] =	ssyncset.done $0x0  }
0x53: {  	s24 =	rddreg [dreg:$0x15];
	[sflag:s26] =	ssyncadd.s32 $0xFFFFE000  }
0x54: {  	[spmem:s24] =	stream.linear.scatter [tilespmem:s25], [sflag:$0x3], $0x800, $0x38;
	[tilespmem:$0x1E000] =	vst v63  }
0x55: {  	_ =	swait.ge [sflag:s26], $0x800  }
0x56: {  	[sflag:s26] =	ssyncset.done $0x0  }
0x57: {  	[sflag:s26] =	ssyncadd.s32 $0xFFFFF800  }
0x58: {  	s19 =	simm.s32 $0x0;
	s20 =	simm.s32 $0x0;
	[bflag:$0x0] =	sbarrier.arrive $0xFFFF  }
.LBB2_4:
0x59: {  	s11 =	sshll.u32 s20, $0xB  }
0x5a: {  	s11 =	sadd.s32 s8, s11  }
0x5b: {  	s11 =	sshrl.u32 s11, $0x3  }
0x5c: {  	s22 =	sadd.s32 s15, s11  }
0x5d: {  	[tilespmem:s19], [sflag:$0x3] =	stream.linear.gather [hbm4b:s22+s19], $0x800, $0x38;
	[tilespmem:$0x1E000] =	vst v63  }
0x5e: {  	_ =	swait.ge [sflag:s26], $0x800  }
0x5f: {  	[sflag:s26] =	ssyncset.done $0x0  }
0x60: {  	[sflag:s26] =	ssyncadd.s32 $0xFFFFF800  }
0x61: {  	s0 =	rddreg [dreg:$0x2]  }
0x62: {  	s13 =	sadd.s32 s0, s11  }
0x63: {  	[tilespmem:s28], [sflag:$0x3] =	stream.linear.gather [hbm4b:s13+s19], $0x800, $0x38;
	[tilespmem:$0x1E000] =	vst v63  }
0x64: {  	_ =	swait.ge [sflag:s26], $0x800  }
0x65: {  	[sflag:s26] =	ssyncset.done $0x0  }
0x66: {  	[sflag:s26] =	ssyncadd.s32 $0xFFFFF800  }
0x67: {  	s24 =	rddreg [dreg:$0x3]  }
0x68: {  	s11 =	sadd.s32 s24, s11  }
0x69: {  	[tilespmem:s29], [sflag:$0x3] =	stream.linear.gather [hbm4b:s11+s19], $0x800, $0x38;
	[tilespmem:$0x1E000] =	vst v63  }
0x6a: {  	_ =	swait.ge [sflag:s26], $0x800  }
0x6b: {  	[sflag:s26] =	ssyncset.done $0x0  }
0x6c: {  	[sflag:s26] =	ssyncadd.s32 $0xFFFFF800  }
0x6d: {  	[tilespmem:s25], [sflag:$0x1] =	stream.indirect.gather [hbm4b:s7+s30], $0x10, s19, s30, $0xb8;
	[tilespmem:$0x1E000] =	vst v63  }
0x6e: {  	_ = 	snop  }
0x6f: {  	[tilespmem:s31], [sflag:$0x1] =	stream.indirect.gather [hbm4b:s7+s30], $0x10, s30, s30, $0xb8;
	[tilespmem:$0x1E000] =	vst v63  }
0x70: {  	s13 =	simm.s32 $0x100  }
0x71: {  	[tilespmem:s4], [sflag:$0x1] =	stream.indirect.gather [hbm4b:s7+s30], $0x10, s13, s30, $0xb8;
	[tilespmem:$0x1E000] =	vst v63  }
0x72: {  	s22 =	simm.s32 $0x180  }
0x73: {  	[tilespmem:s23], [sflag:$0x1] =	stream.indirect.gather [hbm4b:s7+s30], $0x10, s22, s30, $0xb8;
	[tilespmem:$0x1E000] =	vst v63  }
0x74: {  	s24 =	simm.s32 $0x200  }
0x75: {  	[tilespmem:s10], [sflag:$0x1] =	stream.indirect.gather [hbm4b:s7+s30], $0x10, s24, s30, $0xb8;
	[tilespmem:$0x1E000] =	vst v63  }
0x76: {  	s11 =	simm.s32 $0x280  }
0x77: {  	[tilespmem:s12], [sflag:$0x1] =	stream.indirect.gather [hbm4b:s7+s30], $0x10, s11, s30, $0xb8;
	[tilespmem:$0x1E000] =	vst v63  }
0x78: {  	s13 =	simm.s32 $0x300  }
0x79: {  	[tilespmem:s14], [sflag:$0x1] =	stream.indirect.gather [hbm4b:s7+s30], $0x10, s13, s30, $0xb8;
	[tilespmem:$0x1E000] =	vst v63  }
0x7a: {  	s0 =	simm.s32 $0x2;
	s22 =	simm.s32 $0x380  }
0x7b: {  	v4 =	vmov s19;
	v6 =	vmov s0;
	[tilespmem:s16], [sflag:$0x1] =	stream.indirect.gather [hbm4b:s7+s30], $0x10, s22, s30, $0xb8;
	[tilespmem:$0x1E000] =	vst v63  }
0x7c: {  	v4 =	vshrl.u32 v4, $0x3;
	v6 =	vshrl.u32 v6, $0x3;
	_ =	swait.ge [sflag:s17], $0x800  }
0x7d: {  	v4 =	vshll.u32 v4, v1;
	v6 =	vshll.u32 v6, v1;
	s24 =	simm.s32 $0x1;
	[sflag:s17] =	ssyncset.done $0x0  }
0x7e: {  	v4 =	vbroadcast v4, $0x0;
	v6 =	vadd.s32 $0x2, v6;
	v5 =	vmov s24;
	s24 =	simm.s32 $0x4;
	[sflag:s17] =	ssyncadd.s32 $0xFFFFF800  }
0x7f: {  	v11 =	vbroadcast v6, $0x0;
	v8 =	vmov s24;
	s24 =	simm.s32 $0x6;
	v5 =	vshrl.u32 v5, $0x3;
	_ =	swait.ge [sflag:s17], $0x800  }
0x80: {  	v10 =	vmov s24;
	v8 =	vshrl.u32 v8, $0x3;
	v5 =	vshll.u32 v5, v1;
	s13 =	simm.s32 $0x3;
	[sflag:s17] =	ssyncset.done $0x0  }
0x81: {  	v10 =	vshrl.u32 v10, $0x3;
	v5 =	vadd.s32 $0x1, v5;
	v7 =	vmov s13;
	[sflag:s17] =	ssyncadd.s32 $0xFFFFF800  }
0x82: {  	v8 =	vshll.u32 v8, v1;
	v5 =	vbroadcast v5, $0x0;
	s22 =	simm.s32 $0x5;
	v7 =	vshrl.u32 v7, $0x3;
	_ =	swait.ge [sflag:s17], $0x800  }
0x83: {  	v10 =	vshll.u32 v10, v1;
	v9 =	vmov s22;
	v7 =	vshll.u32 v7, v1;
	[sflag:s17] =	ssyncset.done $0x0  }
0x84: {  	s0 =	simm.s32 $0x7;
	v6 =	vadd.s32 $0x4, v8;
	v9 =	vshrl.u32 v9, $0x3;
	v7 =	vadd.s32 $0x3, v7;
	[sflag:s17] =	ssyncadd.s32 $0xFFFFF800  }
0x85: {  	v8 =	vmov s0;
	v9 =	vshll.u32 v9, v1;
	v7 =	vbroadcast v7, $0x0;
	_ =	swait.ge [sflag:s17], $0x800  }
0x86: {  	v12 =	vbroadcast v6, $0x0;
	v6 =	vshrl.u32 v8, $0x3;
	v9 =	vadd.s32 $0x5, v9;
	[sflag:s17] =	ssyncset.done $0x0  }
0x87: {  	v8 =	vadd.s32 $0x6, v10;
	v6 =	vshll.u32 v6, v1;
	v10 =	vbroadcast v9, $0x0;
	[sflag:s17] =	ssyncadd.s32 $0xFFFFF800  }
0x88: {  	v8 =	vbroadcast v8, $0x0;
	v9 =	vadd.s32 $0x7, v6;
	v4 =	vld.idx.msk [tilespmem:v4+s29+$0x0], $0xffff  }
0x89: {  	s24 =	simm.s32 $0xA;
	v13 =	vbroadcast v9, $0x0;
	v6 =	vld.idx.msk [tilespmem:v5+s29+$0x0], $0xffff  }
0x8a: {  	v15 =	vmov s24;
	s24 =	simm.s32 $0xE;
	s13 =	simm.s32 $0x8;
	v5 =	vld.idx.msk [tilespmem:v11+s29+$0x0], $0xffff  }
0x8b: {  	s0 =	simm.s32 $0xB;
	v18 =	vmov s24;
	v9 =	vmov s13;
	v7 =	vld.idx.msk [tilespmem:v7+s29+$0x0], $0xffff  }
0x8c: {  	v15 =	vshrl.u32 v15, $0x3;
	v16 =	vmov s0;
	s22 =	simm.s32 $0x9;
	v11 =	vshrl.u32 v9, $0x3;
	v9 =	vld.idx.msk [tilespmem:v12+s29+$0x0], $0xffff  }
0x8d: {  	v18 =	vshrl.u32 v18, $0x3;
	v20 =	vshll.u32 v15, v1;
	v14 =	vmov s22;
	s22 =	simm.s32 $0xD;
	v10 =	vld.idx.msk [tilespmem:v10+s29+$0x0], $0xffff  }
0x8e: {  	v16 =	vshrl.u32 v16, $0x3;
	v20 =	vadd.s32 $0x2, v20;
	v12 =	vmov s22;
	v8 =	vld.idx.msk [tilespmem:v8+s29+$0x0], $0xffff  }
0x8f: {  	v25 =	vshll.u32 v18, v1;
	v21 =	vshll.u32 v16, v1;
	s22 =	simm.s32 $0x1840;
	v19 =	vshrl.u32 v12, $0x3;
	v12 =	vld.idx.msk [tilespmem:v13+s29+$0x0], $0xffff  }
0x90: {  	v18 =	vbroadcast v20, $0x0;
	v20 =	vadd.s32 $0x6, v25;
	v14 =	vshrl.u32 v14, $0x3;
	s13 =	simm.s32 $0xC;
	v13 =	vld [tilespmem:s22+$0x30]  }
0x91: {  	v14 =	vshll.u32 v14, v1;
	v17 =	vmov s13;
	v11 =	vshll.u32 v11, v1;
	v15 =	vld [tilespmem:s22+$0xFFFFFFC0]  }
0x92: {  	v14 =	vadd.s32 $0x1, v14;
	v17 =	vshrl.u32 v17, $0x3;
	v16 =	vld [tilespmem:s22+$0xFFFFFFD0];
	v11 =	vbroadcast v11, $0x0  }
0x93: {  	v17 =	vshll.u32 v17, v1;
	v24 =	vshll.u32 v19, v1;
	v19 =	vbroadcast v14, $0x0;
	v14 =	vld [tilespmem:s22+$0xFFFFFFE0]  }
0x94: {  	s11 =	simm.s32 $0xF;
	s24 =	simm.s32 $0x10;
	v23 =	vadd.s32 $0x3, v21;
	v22 =	vadd.s32 $0x4, v17;
	v17 =	vld [tilespmem:s22+$0xFFFFFFF0];
	v21 =	vadd.s32 $0x5, v24  }
.LBB2_5:
0x95: {  	p0 =	slt.u32 s24, $0x1F8;
	v23 =	vbroadcast v23, $0x0;
	v24 =	vmov s11;
	v25 =	vld [tilespmem:s22+$0x0];
	v12 =	vmul.f32 v13, v12  }
0x96: {  	v13 =	vbroadcast v22, $0x0;
	v22 =	vshrl.u32 v24, $0x3;
	v15 =	vmul.f32 v15, v4;
	v24 =	vld [tilespmem:s22+$0x10]  }
0x97: {  	v21 =	vbroadcast v21, $0x0;
	v22 =	vshll.u32 v22, v1;
	v16 =	vmul.f32 v16, v6;
	v26 =	vld [tilespmem:s22+$0x20];
	[tilespmem:s22+$0x30] =	vst v12  }
0x98: {  	v4 =	vld.idx.msk [tilespmem:v11+s29+$0x0], $0xffff;
	v11 =	vbroadcast v20, $0x0;
	v12 =	vadd.s32 $0x7, v22;
	[tilespmem:s22+$0xFFFFFFC0] =	vst v15;
	v14 =	vmul.f32 v14, v5  }
0x99: {  	v5 =	vmov s24;
	v6 =	vld.idx.msk [tilespmem:v19+s29+$0x0], $0xffff;
	v12 =	vbroadcast v12, $0x0;
	[tilespmem:s22+$0xFFFFFFD0] =	vst v16;
	v15 =	vmul.f32 v17, v7  }
0x9a: {  	s11 =	sadd.s32 $0x1, s24;
	s13 =	sadd.s32 $0x2, s24;
	v16 =	vshrl.u32 v5, $0x3;
	v5 =	vld.idx.msk [tilespmem:v18+s29+$0x0], $0xffff;
	[tilespmem:s22+$0xFFFFFFE0] =	vst v14;
	v14 =	vmul.f32 v25, v9  }
0x9b: {  	v17 =	vmov s11;
	s11 =	sadd.s32 $0x3, s24;
	v18 =	vmov s13;
	s13 =	sadd.s32 $0x4, s24;
	v7 =	vld.idx.msk [tilespmem:v23+s29+$0x0], $0xffff;
	[tilespmem:s22+$0xFFFFFFF0] =	vst v15;
	v15 =	vmul.f32 v24, v10  }
0x9c: {  	v19 =	vmov s11;
	s11 =	sadd.s32 $0x5, s24;
	v20 =	vmov s13;
	s13 =	sadd.s32 $0x6, s24;
	v9 =	vld.idx.msk [tilespmem:v13+s29+$0x0], $0xffff;
	[tilespmem:s22+$0x0] =	vst v14;
	v13 =	vmul.f32 v26, v8  }
0x9d: {  	v14 =	vshll.u32 v16, v1;
	v16 =	vmov s11;
	v22 =	vmov s13;
	v10 =	vld.idx.msk [tilespmem:v21+s29+$0x0], $0xffff;
	[tilespmem:s22+$0x10] =	vst v15  }
0x9e: {  	v15 =	vshrl.u32 v17, $0x3;
	v17 =	vshrl.u32 v18, $0x3;
	v18 =	vshrl.u32 v19, $0x3;
	v8 =	vld.idx.msk [tilespmem:v11+s29+$0x0], $0xffff;
	[tilespmem:s22+$0x20] =	vst v13  }
0x9f: {  	v19 =	vshrl.u32 v20, $0x3;
	v16 =	vshrl.u32 v16, $0x3;
	v20 =	vshrl.u32 v22, $0x3;
	s22 =	sadd.s32 $0x80, s22;
	v12 =	vld.idx.msk [tilespmem:v12+s29+$0x0], $0xffff  }
.Ltmp1:
0xa0: {  	v11 =	vbroadcast v14, $0x0;
	v14 =	vshll.u32 v15, v1;
	v17 =	vshll.u32 v17, v1;
	v13 =	vld [tilespmem:s22+$0x30];
	(pc) =	sbr.rel @p0 .LBB2_5-.Ltmp1, $4  }
0xa1: {  	v18 =	vshll.u32 v18, v1;
	v21 =	vshll.u32 v19, v1;
	v24 =	vshll.u32 v16, v1;
	v15 =	vld [tilespmem:s22+$0xFFFFFFC0]  }
0xa2: {  	v20 =	vshll.u32 v20, v1;
	v14 =	vadd.s32 $0x1, v14;
	v17 =	vadd.s32 $0x2, v17;
	v16 =	vld [tilespmem:s22+$0xFFFFFFD0]  }
0xa3: {  	v23 =	vadd.s32 $0x3, v18;
	v22 =	vadd.s32 $0x4, v21;
	v19 =	vbroadcast v14, $0x0;
	v14 =	vld [tilespmem:s22+$0xFFFFFFE0]  }
0xa4: {  	s11 =	sadd.s32 $0x7, s24;
	s24 =	sadd.s32 $0x8, s24;
	v21 =	vadd.s32 $0x5, v24;
	v20 =	vadd.s32 $0x6, v20;
	v18 =	vbroadcast v17, $0x0;
	v17 =	vld [tilespmem:s22+$0xFFFFFFF0]  }
0xa5: {  	_ = 	snop  }
0xa6: {  	v25 =	vld [tilespmem:s22+$0x0]  }
0xa7: {  	v26 =	vld [tilespmem:s22+$0x10]  }
0xa8: {  	v27 =	vld [tilespmem:s22+$0x20]  }
0xa9: {  	v23 =	vbroadcast v23, $0x0;
	v11 =	vld.idx.msk [tilespmem:v11+s29+$0x0], $0xffff  }
0xaa: {  	v24 =	vmov s11;
	v22 =	vbroadcast v22, $0x0;
	v19 =	vld.idx.msk [tilespmem:v19+s29+$0x0], $0xffff;
	v4 =	vmul.f32 v15, v4  }
0xab: {  	v21 =	vbroadcast v21, $0x0;
	s0 =	sadd.s32 $0x80, s22;
	v24 =	vshrl.u32 v24, $0x3;
	v18 =	vld.idx.msk [tilespmem:v18+s29+$0x0], $0xffff;
	v6 =	vmul.f32 v16, v6  }
0xac: {  	v20 =	vbroadcast v20, $0x0;
	v24 =	vshll.u32 v24, v1;
	[tilespmem:s22+$0xFFFFFFC0] =	vst v4;
	v4 =	vmul.f32 v14, v5;
	v5 =	vld [tilespmem:s0+$0x30]  }
0xad: {  	v24 =	vadd.s32 $0x7, v24;
	[tilespmem:s22+$0xFFFFFFD0] =	vst v6;
	v6 =	vmul.f32 v17, v7;
	v7 =	vld [tilespmem:s0+$0xFFFFFFC0]  }
0xae: {  	v24 =	vbroadcast v24, $0x0;
	[tilespmem:s22+$0xFFFFFFE0] =	vst v4;
	v4 =	vmul.f32 v25, v9;
	v9 =	vld [tilespmem:s0+$0xFFFFFFD0]  }
0xaf: {  	v23 =	vld.idx.msk [tilespmem:v23+s29+$0x0], $0xffff  }
0xb0: {  	v12 =	vmul.f32 v13, v12;
	v22 =	vld.idx.msk [tilespmem:v22+s29+$0x0], $0xffff  }
0xb1: {  	v13 =	vld.idx.msk [tilespmem:v21+s29+$0x0], $0xffff  }
0xb2: {  	[tilespmem:s22+$0x30] =	vst v12;
	v15 =	vld.idx.msk [tilespmem:v20+s29+$0x0], $0xffff  }
0xb3: {  	[tilespmem:s22+$0xFFFFFFF0] =	vst v6;
	v6 =	vmul.f32 v26, v10;
	v10 =	vld [tilespmem:s0+$0xFFFFFFE0]  }
0xb4: {  	[tilespmem:s22+$0x0] =	vst v4;
	v4 =	vmul.f32 v27, v8;
	v12 =	vld.idx.msk [tilespmem:v24+s29+$0x0], $0xffff  }
0xb5: {  	[tilespmem:s22+$0x10] =	vst v6;
	v6 =	vld [tilespmem:s0+$0x0]  }
0xb6: {  	v8 =	vld [tilespmem:s0+$0xFFFFFFF0];
	[tilespmem:s22+$0x20] =	vst v4;
	v4 =	vmul.f32 v7, v11  }
0xb7: {  	v11 =	vld [tilespmem:s0+$0x20];
	v9 =	vmul.f32 v9, v19  }
0xb8: {  	v7 =	vld [tilespmem:s0+$0x10];
	[tilespmem:s0+$0xFFFFFFC0] =	vst v4;
	v4 =	vmul.f32 v10, v18  }
0xb9: {  	[tilespmem:s0+$0xFFFFFFD0] =	vst v9;
	v5 =	vmul.f32 v5, v12  }
0xba: {  	[tilespmem:s0+$0xFFFFFFE0] =	vst v4;
	v4 =	vmul.f32 v6, v22  }
0xbb: {  	[tilespmem:s0+$0x30] =	vst v5;
	v5 =	vmul.f32 v8, v23  }
0xbc: {  	[tilespmem:s0+$0x0] =	vst v4;
	v4 =	vmul.f32 v11, v15  }
0xbd: {  	[tilespmem:s0+$0xFFFFFFF0] =	vst v5;
	v5 =	vmul.f32 v7, v13  }
0xbe: {  	[tilespmem:s0+$0x20] =	vst v4  }
0xbf: {  	[tilespmem:s0+$0x10] =	vst v5  }
0xc0: {  	[spmem:s5] =	stream.indirect.scatter.add.f32 [tilespmem:s25], [sflag:$0x2], $0x10, s28, s30, $0xb8;
	[tilespmem:$0x1E000] =	vst v63  }
0xc1: {  	s0 =	simm.s32 $0x880  }
0xc2: {  	[spmem:s5] =	stream.indirect.scatter.add.f32 [tilespmem:s31], [sflag:$0x2], $0x10, s0, s30, $0xb8;
	[tilespmem:$0x1E000] =	vst v63  }
0xc3: {  	s13 =	simm.s32 $0x900;
	s24 =	simm.s32 $0x200  }
0xc4: {  	[spmem:s5] =	stream.indirect.scatter.add.f32 [tilespmem:s4], [sflag:$0x2], $0x10, s13, s30, $0xb8;
	[tilespmem:$0x1E000] =	vst v63  }
0xc5: {  	s22 =	simm.s32 $0x980;
	v4 =	vmov s24;
	s24 =	simm.s32 $0x205  }
0xc6: {  	[spmem:s5] =	stream.indirect.scatter.add.f32 [tilespmem:s23], [sflag:$0x2], $0x10, s22, s30, $0xb8;
	[tilespmem:$0x1E000] =	vst v63  }
0xc7: {  	v9 =	vmov s24;
	v4 =	vshrl.u32 v4, $0x3;
	_ =	swait.ge [sflag:s17], $0x800  }
0xc8: {  	v4 =	vshll.u32 v4, v1;
	v9 =	vshrl.u32 v9, $0x3;
	s0 =	simm.s32 $0x202;
	[sflag:s17] =	ssyncset.done $0x0  }
0xc9: {  	v4 =	vbroadcast v4, $0x0;
	v9 =	vshll.u32 v9, v1;
	v6 =	vmov s0;
	s13 =	simm.s32 $0x201;
	[sflag:s17] =	ssyncadd.s32 $0xFFFFF800  }
0xca: {  	v9 =	vadd.s32 $0x5, v9;
	s0 =	simm.s32 $0x206;
	v6 =	vshrl.u32 v6, $0x3;
	v5 =	vmov s13;
	_ =	swait.ge [sflag:s17], $0x800  }
0xcb: {  	v10 =	vmov s0;
	s13 =	simm.s32 $0x203;
	v6 =	vshll.u32 v6, v1;
	s22 =	simm.s32 $0x204;
	v5 =	vshrl.u32 v5, $0x3;
	[sflag:s17] =	ssyncset.done $0x0  }
0xcc: {  	v7 =	vmov s13;
	v8 =	vmov s22;
	v5 =	vshll.u32 v5, v1;
	[sflag:s17] =	ssyncadd.s32 $0xFFFFF800  }
0xcd: {  	v6 =	vadd.s32 $0x2, v6;
	v8 =	vshrl.u32 v8, $0x3;
	v5 =	vadd.s32 $0x1, v5;
	_ =	swait.ge [sflag:s17], $0x800  }
0xce: {  	v7 =	vshrl.u32 v7, $0x3;
	v8 =	vshll.u32 v8, v1;
	v5 =	vbroadcast v5, $0x0;
	[sflag:s17] =	ssyncset.done $0x0  }
0xcf: {  	v6 =	vbroadcast v6, $0x0;
	v7 =	vshll.u32 v7, v1;
	v8 =	vadd.s32 $0x4, v8;
	[sflag:s17] =	ssyncadd.s32 $0xFFFFF800  }
0xd0: {  	v10 =	vshrl.u32 v10, $0x3;
	s13 =	simm.s32 $0x207;
	v7 =	vadd.s32 $0x3, v7;
	v8 =	vbroadcast v8, $0x0;
	_ =	swait.ge [sflag:s17], $0x800  }
0xd1: {  	v10 =	vshll.u32 v10, v1;
	v11 =	vmov s13;
	v7 =	vbroadcast v7, $0x0;
	[sflag:s17] =	ssyncset.done $0x0  }
0xd2: {  	v9 =	vbroadcast v9, $0x0;
	v10 =	vadd.s32 $0x6, v10;
	v11 =	vshrl.u32 v11, $0x3;
	[sflag:s17] =	ssyncadd.s32 $0xFFFFF800  }
0xd3: {  	s24 =	simm.s32 $0x209;
	v10 =	vbroadcast v10, $0x0;
	v11 =	vshll.u32 v11, v1;
	v14 =	vld.idx.msk [tilespmem:v4+s29+$0x0], $0xffff  }
0xd4: {  	v13 =	vmov s24;
	s24 =	simm.s32 $0x20C;
	v4 =	vadd.s32 $0x7, v11;
	v11 =	vld.idx.msk [tilespmem:v5+s29+$0x0], $0xffff  }
0xd5: {  	v16 =	vmov s24;
	v20 =	vld.idx.msk [tilespmem:v6+s29+$0x0], $0xffff;
	v12 =	vbroadcast v4, $0x0  }
0xd6: {  	v16 =	vshrl.u32 v16, $0x3;
	s22 =	simm.s32 $0x208;
	v5 =	vld.idx.msk [tilespmem:v8+s29+$0x0], $0xffff  }
0xd7: {  	v13 =	vshrl.u32 v13, $0x3;
	v16 =	vshll.u32 v16, v1;
	s0 =	simm.s32 $0x20A;
	s13 =	simm.s32 $0x20B;
	v6 =	vmov s22;
	v4 =	vld.idx.msk [tilespmem:v7+s29+$0x0], $0xffff  }
0xd8: {  	v15 =	vmov s0;
	s22 =	simm.s32 $0x20E;
	v7 =	vmov s13;
	v8 =	vshrl.u32 v6, $0x3;
	v6 =	vld.idx.msk [tilespmem:v9+s29+$0x0], $0xffff  }
0xd9: {  	s0 =	simm.s32 $0x20D;
	v18 =	vmov s22;
	v9 =	vshrl.u32 v15, $0x3;
	s22 =	simm.s32 $0x3840;
	v15 =	vshrl.u32 v7, $0x3;
	v7 =	vld.idx.msk [tilespmem:v10+s29+$0x0], $0xffff  }
0xda: {  	v23 =	vadd.s32 $0x4, v16;
	v17 =	vmov s0;
	v8 =	vshll.u32 v8, v1;
	v21 =	vld [tilespmem:s22+$0xFFFFFFC0]  }
0xdb: {  	v10 =	vshrl.u32 v17, $0x3;
	v17 =	vshrl.u32 v18, $0x3;
	v9 =	vshll.u32 v9, v1;
	v18 =	vld.idx.msk [tilespmem:v12+s29+$0x0], $0xffff  }
0xdc: {  	v19 =	vshll.u32 v10, v1;
	v12 =	vshll.u32 v13, v1;
	v13 =	vshll.u32 v15, v1;
	v15 =	vld [tilespmem:s22+$0x30]  }
0xdd: {  	v22 =	vld [tilespmem:s22+$0xFFFFFFD0];
	v8 =	vbroadcast v8, $0x0;
	v9 =	vadd.s32 $0x2, v9;
	v10 =	vadd.s32 $0x1, v12  }
0xde: {  	v61 =	vld [tilespmem:s22+$0xFFFFFFE0];
	v17 =	vshll.u32 v17, v1;
	v9 =	vbroadcast v9, $0x0;
	v10 =	vbroadcast v10, $0x0  }
0xdf: {  	s24 =	simm.s32 $0x20F;
	v16 =	vld [tilespmem:s22+$0xFFFFFFF0];
	v19 =	vadd.s32 $0x5, v19;
	v62 =	vadd.s32 $0x6, v17;
	v12 =	vadd.s32 $0x3, v13  }
0xe0: {  	v17 =	vmov s24;
	v63 =	vmul.f32 v21, v14;
	v13 =	vbroadcast v12, $0x0;
	v12 =	vld [tilespmem:s22+$0x0]  }
0xe1: {  	v14 =	vld [tilespmem:s22+$0x10];
	v18 =	vmul.f32 v15, v18;
	v15 =	vbroadcast v23, $0x0;
	v23 =	vshrl.u32 v17, $0x3  }
0xe2: {  	[tilespmem:s22+$0xFFFFFFC0] =	vst v63;
	v17 =	vbroadcast v19, $0x0;
	v19 =	vmul.f32 v22, v11;
	v11 =	vld [tilespmem:s22+$0x20];
	v21 =	vshll.u32 v23, v1  }
0xe3: {  	s24 =	simm.s32 $0x8;
	v20 =	vmul.f32 v61, v20;
	v8 =	vld.idx.msk [tilespmem:v8+s29+$0x0], $0xffff;
	[tilespmem:s22+$0x30] =	vst v18;
	v18 =	vbroadcast v62, $0x0;
	v21 =	vadd.s32 $0x7, v21  }
.LBB2_7:
0xe4: {  	s11 =	sadd.s32 $0x208, s24;
	s13 =	sadd.s32 $0x209, s24;
	v22 =	vld.idx.msk [tilespmem:v10+s29+$0x0], $0xffff;
	v10 =	vbroadcast v21, $0x0;
	[tilespmem:s22+$0xFFFFFFD0] =	vst v19;
	v16 =	vmul.f32 v16, v4  }
0xe5: {  	v19 =	vmov s11;
	v21 =	vmov s13;
	s11 =	sadd.s32 $0x20A, s24;
	s13 =	sadd.s32 $0x20B, s24;
	v23 =	vld.idx.msk [tilespmem:v9+s29+$0x0], $0xffff;
	[tilespmem:s22+$0xFFFFFFE0] =	vst v20;
	v9 =	vmul.f32 v12, v5  }
0xe6: {  	v12 =	vmov s11;
	v20 =	vmov s13;
	s11 =	sadd.s32 $0x20C, s24;
	s13 =	sadd.s32 $0x20D, s24;
	v4 =	vld.idx.msk [tilespmem:v13+s29+$0x0], $0xffff;
	[tilespmem:s22+$0xFFFFFFF0] =	vst v16;
	v13 =	vmul.f32 v14, v6  }
0xe7: {  	v14 =	vmov s11;
	v16 =	vmov s13;
	s11 =	sadd.s32 $0x20E, s24;
	v5 =	vld.idx.msk [tilespmem:v15+s29+$0x0], $0xffff;
	[tilespmem:s22+$0x0] =	vst v9;
	v9 =	vmul.f32 v11, v7  }
0xe8: {  	v11 =	vshrl.u32 v19, $0x3;
	v15 =	vshrl.u32 v21, $0x3;
	v19 =	vmov s11;
	v6 =	vld.idx.msk [tilespmem:v17+s29+$0x0], $0xffff;
	[tilespmem:s22+$0x10] =	vst v13  }
0xe9: {  	v12 =	vshrl.u32 v12, $0x3;
	v13 =	vshrl.u32 v20, $0x3;
	v14 =	vshrl.u32 v14, $0x3;
	v7 =	vld.idx.msk [tilespmem:v18+s29+$0x0], $0xffff;
	[tilespmem:s22+$0x20] =	vst v9  }
0xea: {  	v9 =	vshll.u32 v11, v1;
	v11 =	vshrl.u32 v16, $0x3;
	v16 =	vshrl.u32 v19, $0x3;
	s22 =	sadd.s32 $0x80, s22;
	v17 =	vld.idx.msk [tilespmem:v10+s29+$0x0], $0xffff  }
0xeb: {  	v12 =	vshll.u32 v12, v1;
	v13 =	vshll.u32 v13, v1;
	v10 =	vshll.u32 v15, v1;
	v15 =	vld [tilespmem:s22+$0x30]  }
0xec: {  	v14 =	vshll.u32 v14, v1;
	v11 =	vshll.u32 v11, v1;
	v16 =	vshll.u32 v16, v1;
	v18 =	vld [tilespmem:s22+$0xFFFFFFC0]  }
0xed: {  	s11 =	sadd.s32 $0x20F, s24;
	s24 =	sadd.s32 $0x8, s24;
	v12 =	vadd.s32 $0x2, v12;
	v20 =	vbroadcast v9, $0x0;
	v9 =	vadd.s32 $0x1, v10;
	v19 =	vld [tilespmem:s22+$0xFFFFFFD0]  }
0xee: {  	p0 =	slt.u32 s24, $0x1F8;
	v13 =	vadd.s32 $0x3, v13;
	v14 =	vadd.s32 $0x4, v14;
	v10 =	vbroadcast v9, $0x0;
	v24 =	vld [tilespmem:s22+$0xFFFFFFE0]  }
.Ltmp2:
0xef: {  	v11 =	vadd.s32 $0x5, v11;
	v21 =	vadd.s32 $0x6, v16;
	v9 =	vbroadcast v12, $0x0;
	v16 =	vld [tilespmem:s22+$0xFFFFFFF0];
	(pc) =	sbr.rel @p0 .LBB2_7-.Ltmp2, $4  }
0xf0: {  	v25 =	vmov s11;
	v13 =	vbroadcast v13, $0x0;
	v12 =	vld [tilespmem:s22+$0x0];
	v26 =	vmul.f32 v15, v17  }
0xf1: {  	v25 =	vshrl.u32 v25, $0x3;
	v15 =	vbroadcast v14, $0x0;
	v27 =	vmul.f32 v18, v8;
	v14 =	vld [tilespmem:s22+$0x10]  }
0xf2: {  	v25 =	vshll.u32 v25, v1;
	v17 =	vbroadcast v11, $0x0;
	v19 =	vmul.f32 v19, v22;
	v11 =	vld [tilespmem:s22+$0x20];
	[tilespmem:s22+$0x30] =	vst v26  }
0xf3: {  	v18 =	vbroadcast v21, $0x0;
	v21 =	vadd.s32 $0x7, v25;
	v8 =	vld.idx.msk [tilespmem:v20+s29+$0x0], $0xffff;
	[tilespmem:s22+$0xFFFFFFC0] =	vst v27;
	v20 =	vmul.f32 v24, v23  }
0xf4: {  	_ =	sdelay $0x3  }
0xf5: {  	v10 =	vld.idx.msk [tilespmem:v10+s29+$0x0], $0xffff  }
0xf6: {  	v9 =	vld.idx.msk [tilespmem:v9+s29+$0x0], $0xffff  }
0xf7: {  	v13 =	vld.idx.msk [tilespmem:v13+s29+$0x0], $0xffff  }
0xf8: {  	v15 =	vld.idx.msk [tilespmem:v15+s29+$0x0], $0xffff  }
0xf9: {  	v17 =	vld.idx.msk [tilespmem:v17+s29+$0x0], $0xffff  }
0xfa: {  	s11 =	sadd.s32 $0x80, s22;
	v18 =	vld.idx.msk [tilespmem:v18+s29+$0x0], $0xffff  }
0xfb: {  	v21 =	vbroadcast v21, $0x0;
	v22 =	vld [tilespmem:s11+$0x30]  }
0xfc: {  	v4 =	vmul.f32 v16, v4;
	v16 =	vld [tilespmem:s11+$0xFFFFFFC0]  }
0xfd: {  	[tilespmem:s22+$0xFFFFFFD0] =	vst v19;
	v5 =	vmul.f32 v12, v5;
	v12 =	vld [tilespmem:s11+$0xFFFFFFD0]  }
0xfe: {  	[tilespmem:s22+$0xFFFFFFF0] =	vst v4;
	v4 =	vmul.f32 v14, v6;
	v6 =	vld [tilespmem:s11+$0xFFFFFFE0]  }
0xff: {  	[tilespmem:s22+$0x0] =	vst v5;
	v5 =	vmul.f32 v11, v7;
	v7 =	vld [tilespmem:s11+$0xFFFFFFF0]  }
0x100: {  	[tilespmem:s22+$0x10] =	vst v4;
	v4 =	vld [tilespmem:s11+$0x0]  }
0x101: {  	[tilespmem:s22+$0x20] =	vst v5;
	v21 =	vld.idx.msk [tilespmem:v21+s29+$0x0], $0xffff;
	v5 =	vmul.f32 v16, v8  }
0x102: {  	[tilespmem:s22+$0xFFFFFFE0] =	vst v20;
	v8 =	vld [tilespmem:s11+$0x10];
	v10 =	vmul.f32 v12, v10  }
0x103: {  	v12 =	vld [tilespmem:s11+$0x20];
	[tilespmem:s11+$0xFFFFFFC0] =	vst v5;
	v5 =	vmul.f32 v6, v9  }
0x104: {  	[tilespmem:s11+$0xFFFFFFD0] =	vst v10;
	v6 =	vmul.f32 v7, v13  }
0x105: {  	v4 =	vmul.f32 v4, v15;
	[tilespmem:s11+$0xFFFFFFE0] =	vst v5  }
0x106: {  	[tilespmem:s11+$0xFFFFFFF0] =	vst v6;
	v11 =	vmul.f32 v22, v21  }
0x107: {  	v5 =	vmul.f32 v8, v17;
	[tilespmem:s11+$0x0] =	vst v4  }
0x108: {  	v4 =	vmul.f32 v12, v18;
	[tilespmem:s11+$0x30] =	vst v11  }
0x109: {  	[tilespmem:s11+$0x10] =	vst v5  }
0x10a: {  	[tilespmem:s11+$0x20] =	vst v4  }
0x10b: {  	_ =	swait.ge [sflag:s21], $0x800  }
0x10c: {  	[sflag:s21] =	ssyncset.done $0x0  }
0x10d: {  	[sflag:s21] =	ssyncadd.s32 $0xFFFFF800  }
0x10e: {  	_ =	swait.ge [sflag:s21], $0x800  }
0x10f: {  	[sflag:s21] =	ssyncset.done $0x0  }
0x110: {  	[sflag:s21] =	ssyncadd.s32 $0xFFFFF800  }
0x111: {  	_ =	swait.ge [sflag:s21], $0x800  }
0x112: {  	[sflag:s21] =	ssyncset.done $0x0  }
0x113: {  	[sflag:s21] =	ssyncadd.s32 $0xFFFFF800  }
0x114: {  	_ =	swait.ge [sflag:s21], $0x800  }
0x115: {  	[sflag:s21] =	ssyncset.done $0x0  }
0x116: {  	s0 =	simm.s32 $0x400;
	[sflag:s21] =	ssyncadd.s32 $0xFFFFF800  }
0x117: {  	[tilespmem:s25], [sflag:$0x1] =	stream.indirect.gather [hbm4b:s7+s30], $0x10, s0, s30, $0xb8;
	[tilespmem:$0x1E000] =	vst v63  }
0x118: {  	s11 =	simm.s32 $0x480  }
0x119: {  	[tilespmem:s31], [sflag:$0x1] =	stream.indirect.gather [hbm4b:s7+s30], $0x10, s11, s30, $0xb8;
	[tilespmem:$0x1E000] =	vst v63  }
0x11a: {  	s13 =	simm.s32 $0x500  }
0x11b: {  	[tilespmem:s4], [sflag:$0x1] =	stream.indirect.gather [hbm4b:s7+s30], $0x10, s13, s30, $0xb8;
	[tilespmem:$0x1E000] =	vst v63  }
0x11c: {  	s22 =	simm.s32 $0x580  }
0x11d: {  	[tilespmem:s23], [sflag:$0x1] =	stream.indirect.gather [hbm4b:s7+s30], $0x10, s22, s30, $0xb8;
	[tilespmem:$0x1E000] =	vst v63  }
0x11e: {  	s24 =	simm.s32 $0xA00  }
0x11f: {  	[spmem:s5] =	stream.indirect.scatter.add.f32 [tilespmem:s10], [sflag:$0x2], $0x10, s24, s30, $0xb8;
	[tilespmem:$0x1E000] =	vst v63  }
0x120: {  	s11 =	simm.s32 $0xA80  }
0x121: {  	[spmem:s5] =	stream.indirect.scatter.add.f32 [tilespmem:s12], [sflag:$0x2], $0x10, s11, s30, $0xb8;
	[tilespmem:$0x1E000] =	vst v63  }
0x122: {  	s0 =	simm.s32 $0x402;
	s13 =	simm.s32 $0xB00  }
0x123: {  	[spmem:s5] =	stream.indirect.scatter.add.f32 [tilespmem:s14], [sflag:$0x2], $0x10, s13, s30, $0xb8;
	[tilespmem:$0x1E000] =	vst v63  }
0x124: {  	v6 =	vmov s0;
	s0 =	simm.s32 $0x406;
	s22 =	simm.s32 $0xB80  }
0x125: {  	[spmem:s5] =	stream.indirect.scatter.add.f32 [tilespmem:s16], [sflag:$0x2], $0x10, s22, s30, $0xb8;
	[tilespmem:$0x1E000] =	vst v63  }
0x126: {  	v10 =	vmov s0;
	v6 =	vshrl.u32 v6, $0x3;
	_ =	swait.ge [sflag:s17], $0x800  }
0x127: {  	v10 =	vshrl.u32 v10, $0x3;
	v6 =	vshll.u32 v6, v1;
	s24 =	simm.s32 $0x400;
	[sflag:s17] =	ssyncset.done $0x0  }
0x128: {  	v6 =	vadd.s32 $0x2, v6;
	v10 =	vshll.u32 v10, v1;
	v4 =	vmov s24;
	s13 =	simm.s32 $0x401;
	[sflag:s17] =	ssyncadd.s32 $0xFFFFF800  }
0x129: {  	v6 =	vbroadcast v6, $0x0;
	s24 =	simm.s32 $0x405;
	v4 =	vshrl.u32 v4, $0x3;
	v5 =	vmov s13;
	_ =	swait.ge [sflag:s17], $0x800  }
0x12a: {  	v9 =	vmov s24;
	v4 =	vshll.u32 v4, v1;
	s22 =	simm.s32 $0x404;
	v5 =	vshrl.u32 v5, $0x3;
	[sflag:s17] =	ssyncset.done $0x0  }
0x12b: {  	v4 =	vbroadcast v4, $0x0;
	s13 =	simm.s32 $0x403;
	v8 =	vmov s22;
	v5 =	vshll.u32 v5, v1;
	[sflag:s17] =	ssyncadd.s32 $0xFFFFF800  }
0x12c: {  	v7 =	vmov s13;
	v8 =	vshrl.u32 v8, $0x3;
	v5 =	vadd.s32 $0x1, v5;
	_ =	swait.ge [sflag:s17], $0x800  }
0x12d: {  	v7 =	vshrl.u32 v7, $0x3;
	v8 =	vshll.u32 v8, v1;
	v5 =	vbroadcast v5, $0x0;
	[sflag:s17] =	ssyncset.done $0x0  }
0x12e: {  	v9 =	vshrl.u32 v9, $0x3;
	v7 =	vshll.u32 v7, v1;
	v8 =	vadd.s32 $0x4, v8;
	[sflag:s17] =	ssyncadd.s32 $0xFFFFF800  }
0x12f: {  	v9 =	vshll.u32 v9, v1;
	s13 =	simm.s32 $0x407;
	v7 =	vadd.s32 $0x3, v7;
	v8 =	vbroadcast v8, $0x0;
	_ =	swait.ge [sflag:s17], $0x800  }
0x130: {  	v9 =	vadd.s32 $0x5, v9;
	v11 =	vmov s13;
	v7 =	vbroadcast v7, $0x0;
	[sflag:s17] =	ssyncset.done $0x0  }
0x131: {  	v10 =	vadd.s32 $0x6, v10;
	v9 =	vbroadcast v9, $0x0;
	v11 =	vshrl.u32 v11, $0x3;
	[sflag:s17] =	ssyncadd.s32 $0xFFFFF800  }
0x132: {  	v10 =	vbroadcast v10, $0x0;
	v11 =	vshll.u32 v11, v1;
	v14 =	vld.idx.msk [tilespmem:v4+s29+$0x0], $0xffff  }
0x133: {  	s24 =	simm.s32 $0x409;
	v4 =	vadd.s32 $0x7, v11;
	v11 =	vld.idx.msk [tilespmem:v5+s29+$0x0], $0xffff  }
0x134: {  	s0 =	simm.s32 $0x40A;
	v13 =	vmov s24;
	s24 =	simm.s32 $0x40C;
	v20 =	vld.idx.msk [tilespmem:v6+s29+$0x0], $0xffff;
	v12 =	vbroadcast v4, $0x0  }
0x135: {  	v15 =	vmov s0;
	s0 =	simm.s32 $0x40D;
	v16 =	vmov s24;
	s22 =	simm.s32 $0x408;
	v5 =	vld.idx.msk [tilespmem:v8+s29+$0x0], $0xffff  }
0x136: {  	v17 =	vmov s0;
	v16 =	vshrl.u32 v16, $0x3;
	s13 =	simm.s32 $0x40B;
	v6 =	vmov s22;
	v4 =	vld.idx.msk [tilespmem:v7+s29+$0x0], $0xffff  }
0x137: {  	v16 =	vshll.u32 v16, v1;
	s22 =	simm.s32 $0x40E;
	v7 =	vmov s13;
	v8 =	vshrl.u32 v6, $0x3;
	v6 =	vld.idx.msk [tilespmem:v9+s29+$0x0], $0xffff  }
0x138: {  	v18 =	vmov s22;
	v9 =	vshrl.u32 v15, $0x3;
	s22 =	simm.s32 $0x1840;
	v15 =	vshrl.u32 v7, $0x3;
	v7 =	vld.idx.msk [tilespmem:v10+s29+$0x0], $0xffff  }
0x139: {  	v13 =	vshrl.u32 v13, $0x3;
	v23 =	vadd.s32 $0x4, v16;
	v8 =	vshll.u32 v8, v1;
	v21 =	vld [tilespmem:s22+$0xFFFFFFC0]  }
0x13a: {  	v10 =	vshrl.u32 v17, $0x3;
	v17 =	vshrl.u32 v18, $0x3;
	v9 =	vshll.u32 v9, v1;
	v18 =	vld.idx.msk [tilespmem:v12+s29+$0x0], $0xffff  }
0x13b: {  	v19 =	vshll.u32 v10, v1;
	v12 =	vshll.u32 v13, v1;
	v13 =	vshll.u32 v15, v1;
	v15 =	vld [tilespmem:s22+$0x30]  }
0x13c: {  	v22 =	vld [tilespmem:s22+$0xFFFFFFD0];
	v8 =	vbroadcast v8, $0x0;
	v9 =	vadd.s32 $0x2, v9;
	v10 =	vadd.s32 $0x1, v12  }
0x13d: {  	v24 =	vld [tilespmem:s22+$0xFFFFFFE0];
	v17 =	vshll.u32 v17, v1;
	v9 =	vbroadcast v9, $0x0;
	v10 =	vbroadcast v10, $0x0  }
0x13e: {  	s24 =	simm.s32 $0x40F;
	v16 =	vld [tilespmem:s22+$0xFFFFFFF0];
	v19 =	vadd.s32 $0x5, v19;
	v25 =	vadd.s32 $0x6, v17;
	v12 =	vadd.s32 $0x3, v13  }
0x13f: {  	v17 =	vmov s24;
	v26 =	vmul.f32 v21, v14;
	v13 =	vbroadcast v12, $0x0;
	v12 =	vld [tilespmem:s22+$0x0]  }
0x140: {  	v14 =	vld [tilespmem:s22+$0x10];
	v18 =	vmul.f32 v15, v18;
	v15 =	vbroadcast v23, $0x0;
	v23 =	vshrl.u32 v17, $0x3  }
0x141: {  	[tilespmem:s22+$0xFFFFFFC0] =	vst v26;
	v17 =	vbroadcast v19, $0x0;
	v19 =	vmul.f32 v22, v11;
	v11 =	vld [tilespmem:s22+$0x20];
	v21 =	vshll.u32 v23, v1  }
0x142: {  	s24 =	simm.s32 $0x8;
	v20 =	vmul.f32 v24, v20;
	v8 =	vld.idx.msk [tilespmem:v8+s29+$0x0], $0xffff;
	[tilespmem:s22+$0x30] =	vst v18;
	v18 =	vbroadcast v25, $0x0;
	v21 =	vadd.s32 $0x7, v21  }
.LBB2_9:
0x143: {  	s11 =	sadd.s32 $0x408, s24;
	s13 =	sadd.s32 $0x409, s24;
	v22 =	vld.idx.msk [tilespmem:v10+s29+$0x0], $0xffff;
	v10 =	vbroadcast v21, $0x0;
	[tilespmem:s22+$0xFFFFFFD0] =	vst v19;
	v16 =	vmul.f32 v16, v4  }
0x144: {  	v19 =	vmov s11;
	v21 =	vmov s13;
	s11 =	sadd.s32 $0x40A, s24;
	s13 =	sadd.s32 $0x40B, s24;
	v23 =	vld.idx.msk [tilespmem:v9+s29+$0x0], $0xffff;
	[tilespmem:s22+$0xFFFFFFE0] =	vst v20;
	v9 =	vmul.f32 v12, v5  }
0x145: {  	v12 =	vmov s11;
	v20 =	vmov s13;
	s11 =	sadd.s32 $0x40C, s24;
	s13 =	sadd.s32 $0x40D, s24;
	v4 =	vld.idx.msk [tilespmem:v13+s29+$0x0], $0xffff;
	[tilespmem:s22+$0xFFFFFFF0] =	vst v16;
	v13 =	vmul.f32 v14, v6  }
0x146: {  	v14 =	vmov s11;
	v16 =	vmov s13;
	s11 =	sadd.s32 $0x40E, s24;
	v5 =	vld.idx.msk [tilespmem:v15+s29+$0x0], $0xffff;
	[tilespmem:s22+$0x0] =	vst v9;
	v9 =	vmul.f32 v11, v7  }
0x147: {  	v11 =	vshrl.u32 v19, $0x3;
	v15 =	vshrl.u32 v21, $0x3;
	v19 =	vmov s11;
	v6 =	vld.idx.msk [tilespmem:v17+s29+$0x0], $0xffff;
	[tilespmem:s22+$0x10] =	vst v13  }
0x148: {  	v12 =	vshrl.u32 v12, $0x3;
	v13 =	vshrl.u32 v20, $0x3;
	v14 =	vshrl.u32 v14, $0x3;
	v7 =	vld.idx.msk [tilespmem:v18+s29+$0x0], $0xffff;
	[tilespmem:s22+$0x20] =	vst v9  }
0x149: {  	v9 =	vshll.u32 v11, v1;
	v11 =	vshrl.u32 v16, $0x3;
	v16 =	vshrl.u32 v19, $0x3;
	s22 =	sadd.s32 $0x80, s22;
	v17 =	vld.idx.msk [tilespmem:v10+s29+$0x0], $0xffff  }
0x14a: {  	v12 =	vshll.u32 v12, v1;
	v13 =	vshll.u32 v13, v1;
	v10 =	vshll.u32 v15, v1;
	v15 =	vld [tilespmem:s22+$0x30]  }
0x14b: {  	v14 =	vshll.u32 v14, v1;
	v11 =	vshll.u32 v11, v1;
	v16 =	vshll.u32 v16, v1;
	v18 =	vld [tilespmem:s22+$0xFFFFFFC0]  }
0x14c: {  	s11 =	sadd.s32 $0x40F, s24;
	s24 =	sadd.s32 $0x8, s24;
	v12 =	vadd.s32 $0x2, v12;
	v20 =	vbroadcast v9, $0x0;
	v9 =	vadd.s32 $0x1, v10;
	v19 =	vld [tilespmem:s22+$0xFFFFFFD0]  }
0x14d: {  	p0 =	slt.u32 s24, $0x1F8;
	v13 =	vadd.s32 $0x3, v13;
	v14 =	vadd.s32 $0x4, v14;
	v10 =	vbroadcast v9, $0x0;
	v24 =	vld [tilespmem:s22+$0xFFFFFFE0]  }
.Ltmp3:
0x14e: {  	v11 =	vadd.s32 $0x5, v11;
	v21 =	vadd.s32 $0x6, v16;
	v9 =	vbroadcast v12, $0x0;
	v16 =	vld [tilespmem:s22+$0xFFFFFFF0];
	(pc) =	sbr.rel @p0 .LBB2_9-.Ltmp3, $4  }
0x14f: {  	v25 =	vmov s11;
	v13 =	vbroadcast v13, $0x0;
	v12 =	vld [tilespmem:s22+$0x0];
	v26 =	vmul.f32 v15, v17  }
0x150: {  	v25 =	vshrl.u32 v25, $0x3;
	v15 =	vbroadcast v14, $0x0;
	v27 =	vmul.f32 v18, v8;
	v14 =	vld [tilespmem:s22+$0x10]  }
0x151: {  	v25 =	vshll.u32 v25, v1;
	v17 =	vbroadcast v11, $0x0;
	v19 =	vmul.f32 v19, v22;
	v11 =	vld [tilespmem:s22+$0x20];
	[tilespmem:s22+$0x30] =	vst v26  }
0x152: {  	v18 =	vbroadcast v21, $0x0;
	v21 =	vadd.s32 $0x7, v25;
	v8 =	vld.idx.msk [tilespmem:v20+s29+$0x0], $0xffff;
	[tilespmem:s22+$0xFFFFFFC0] =	vst v27;
	v20 =	vmul.f32 v24, v23  }
0x153: {  	_ =	sdelay $0x3  }
0x154: {  	v10 =	vld.idx.msk [tilespmem:v10+s29+$0x0], $0xffff  }
0x155: {  	v9 =	vld.idx.msk [tilespmem:v9+s29+$0x0], $0xffff  }
0x156: {  	v13 =	vld.idx.msk [tilespmem:v13+s29+$0x0], $0xffff  }
0x157: {  	v15 =	vld.idx.msk [tilespmem:v15+s29+$0x0], $0xffff  }
0x158: {  	v17 =	vld.idx.msk [tilespmem:v17+s29+$0x0], $0xffff  }
0x159: {  	s11 =	sadd.s32 $0x80, s22;
	v18 =	vld.idx.msk [tilespmem:v18+s29+$0x0], $0xffff  }
0x15a: {  	v21 =	vbroadcast v21, $0x0;
	v22 =	vld [tilespmem:s11+$0x30]  }
0x15b: {  	v4 =	vmul.f32 v16, v4;
	v16 =	vld [tilespmem:s11+$0xFFFFFFC0]  }
0x15c: {  	[tilespmem:s22+$0xFFFFFFD0] =	vst v19;
	v5 =	vmul.f32 v12, v5;
	v12 =	vld [tilespmem:s11+$0xFFFFFFD0]  }
0x15d: {  	[tilespmem:s22+$0xFFFFFFF0] =	vst v4;
	v4 =	vmul.f32 v14, v6;
	v6 =	vld [tilespmem:s11+$0xFFFFFFE0]  }
0x15e: {  	[tilespmem:s22+$0x0] =	vst v5;
	v5 =	vmul.f32 v11, v7;
	v7 =	vld [tilespmem:s11+$0xFFFFFFF0]  }
0x15f: {  	[tilespmem:s22+$0x10] =	vst v4;
	v4 =	vld [tilespmem:s11+$0x0]  }
0x160: {  	[tilespmem:s22+$0x20] =	vst v5;
	v21 =	vld.idx.msk [tilespmem:v21+s29+$0x0], $0xffff;
	v5 =	vmul.f32 v16, v8  }
0x161: {  	[tilespmem:s22+$0xFFFFFFE0] =	vst v20;
	v8 =	vld [tilespmem:s11+$0x10];
	v10 =	vmul.f32 v12, v10  }
0x162: {  	v12 =	vld [tilespmem:s11+$0x20];
	[tilespmem:s11+$0xFFFFFFC0] =	vst v5;
	v5 =	vmul.f32 v6, v9  }
0x163: {  	[tilespmem:s11+$0xFFFFFFD0] =	vst v10;
	v6 =	vmul.f32 v7, v13  }
0x164: {  	v4 =	vmul.f32 v4, v15;
	[tilespmem:s11+$0xFFFFFFE0] =	vst v5  }
0x165: {  	[tilespmem:s11+$0xFFFFFFF0] =	vst v6;
	v11 =	vmul.f32 v22, v21  }
0x166: {  	v5 =	vmul.f32 v8, v17;
	[tilespmem:s11+$0x0] =	vst v4  }
0x167: {  	v4 =	vmul.f32 v12, v18;
	[tilespmem:s11+$0x30] =	vst v11  }
0x168: {  	[tilespmem:s11+$0x10] =	vst v5  }
0x169: {  	[tilespmem:s11+$0x20] =	vst v4  }
0x16a: {  	_ =	swait.ge [sflag:s21], $0x800  }
0x16b: {  	[sflag:s21] =	ssyncset.done $0x0  }
0x16c: {  	[sflag:s21] =	ssyncadd.s32 $0xFFFFF800  }
0x16d: {  	_ =	swait.ge [sflag:s21], $0x800  }
0x16e: {  	[sflag:s21] =	ssyncset.done $0x0  }
0x16f: {  	[sflag:s21] =	ssyncadd.s32 $0xFFFFF800  }
0x170: {  	_ =	swait.ge [sflag:s21], $0x800  }
0x171: {  	[sflag:s21] =	ssyncset.done $0x0  }
0x172: {  	[sflag:s21] =	ssyncadd.s32 $0xFFFFF800  }
0x173: {  	_ =	swait.ge [sflag:s21], $0x800  }
0x174: {  	[sflag:s21] =	ssyncset.done $0x0  }
0x175: {  	s0 =	simm.s32 $0x600;
	[sflag:s21] =	ssyncadd.s32 $0xFFFFF800  }
0x176: {  	[tilespmem:s10], [sflag:$0x1] =	stream.indirect.gather [hbm4b:s7+s30], $0x10, s0, s30, $0xb8;
	[tilespmem:$0x1E000] =	vst v63  }
0x177: {  	s22 =	simm.s32 $0x680  }
0x178: {  	[tilespmem:s12], [sflag:$0x1] =	stream.indirect.gather [hbm4b:s7+s30], $0x10, s22, s30, $0xb8;
	[tilespmem:$0x1E000] =	vst v63  }
0x179: {  	s24 =	simm.s32 $0x700  }
0x17a: {  	[tilespmem:s14], [sflag:$0x1] =	stream.indirect.gather [hbm4b:s7+s30], $0x10, s24, s30, $0xb8;
	[tilespmem:$0x1E000] =	vst v63  }
0x17b: {  	s11 =	simm.s32 $0x780  }
0x17c: {  	[tilespmem:s16], [sflag:$0x1] =	stream.indirect.gather [hbm4b:s7+s30], $0x10, s11, s30, $0xb8;
	[tilespmem:$0x1E000] =	vst v63  }
0x17d: {  	s13 =	simm.s32 $0xC00  }
0x17e: {  	[spmem:s5] =	stream.indirect.scatter.add.f32 [tilespmem:s25], [sflag:$0x2], $0x10, s13, s30, $0xb8;
	[tilespmem:$0x1E000] =	vst v63  }
0x17f: {  	s22 =	simm.s32 $0xC80  }
0x180: {  	[spmem:s5] =	stream.indirect.scatter.add.f32 [tilespmem:s31], [sflag:$0x2], $0x10, s22, s30, $0xb8;
	[tilespmem:$0x1E000] =	vst v63  }
0x181: {  	s0 =	simm.s32 $0x602  }
0x182: {  	[spmem:s5] =	stream.indirect.scatter.add.f32 [tilespmem:s4], [sflag:$0x2], $0x10, s9, s30, $0xb8;
	[tilespmem:$0x1E000] =	vst v63  }
0x183: {  	v6 =	vmov s0;
	s0 =	simm.s32 $0x606  }
0x184: {  	[spmem:s5] =	stream.indirect.scatter.add.f32 [tilespmem:s23], [sflag:$0x2], $0x10, s6, s30, $0xb8;
	[tilespmem:$0x1E000] =	vst v63  }
0x185: {  	v10 =	vmov s0;
	v6 =	vshrl.u32 v6, $0x3;
	_ =	swait.ge [sflag:s17], $0x800  }
0x186: {  	v10 =	vshrl.u32 v10, $0x3;
	v6 =	vshll.u32 v6, v1;
	s24 =	simm.s32 $0x600;
	[sflag:s17] =	ssyncset.done $0x0  }
0x187: {  	v6 =	vadd.s32 $0x2, v6;
	v10 =	vshll.u32 v10, v1;
	v4 =	vmov s24;
	s13 =	simm.s32 $0x601;
	[sflag:s17] =	ssyncadd.s32 $0xFFFFF800  }
0x188: {  	s24 =	simm.s32 $0x605;
	v6 =	vbroadcast v6, $0x0;
	v4 =	vshrl.u32 v4, $0x3;
	v5 =	vmov s13;
	_ =	swait.ge [sflag:s17], $0x800  }
0x189: {  	v9 =	vmov s24;
	v4 =	vshll.u32 v4, v1;
	s22 =	simm.s32 $0x604;
	v5 =	vshrl.u32 v5, $0x3;
	[sflag:s17] =	ssyncset.done $0x0  }
0x18a: {  	v4 =	vbroadcast v4, $0x0;
	s13 =	simm.s32 $0x603;
	v8 =	vmov s22;
	v5 =	vshll.u32 v5, v1;
	[sflag:s17] =	ssyncadd.s32 $0xFFFFF800  }
0x18b: {  	v7 =	vmov s13;
	v8 =	vshrl.u32 v8, $0x3;
	v5 =	vadd.s32 $0x1, v5;
	_ =	swait.ge [sflag:s17], $0x800  }
0x18c: {  	v7 =	vshrl.u32 v7, $0x3;
	v8 =	vshll.u32 v8, v1;
	v5 =	vbroadcast v5, $0x0;
	[sflag:s17] =	ssyncset.done $0x0  }
0x18d: {  	v9 =	vshrl.u32 v9, $0x3;
	v7 =	vshll.u32 v7, v1;
	v8 =	vadd.s32 $0x4, v8;
	[sflag:s17] =	ssyncadd.s32 $0xFFFFF800  }
0x18e: {  	v9 =	vshll.u32 v9, v1;
	s13 =	simm.s32 $0x607;
	v7 =	vadd.s32 $0x3, v7;
	v8 =	vbroadcast v8, $0x0;
	_ =	swait.ge [sflag:s17], $0x800  }
0x18f: {  	v9 =	vadd.s32 $0x5, v9;
	v11 =	vmov s13;
	v7 =	vbroadcast v7, $0x0;
	[sflag:s17] =	ssyncset.done $0x0  }
0x190: {  	v10 =	vadd.s32 $0x6, v10;
	v9 =	vbroadcast v9, $0x0;
	v11 =	vshrl.u32 v11, $0x3;
	[sflag:s17] =	ssyncadd.s32 $0xFFFFF800  }
0x191: {  	v10 =	vbroadcast v10, $0x0;
	v11 =	vshll.u32 v11, v1;
	v14 =	vld.idx.msk [tilespmem:v4+s29+$0x0], $0xffff  }
0x192: {  	s24 =	simm.s32 $0x609;
	v4 =	vadd.s32 $0x7, v11;
	v11 =	vld.idx.msk [tilespmem:v5+s29+$0x0], $0xffff  }
0x193: {  	s0 =	simm.s32 $0x60A;
	v13 =	vmov s24;
	s24 =	simm.s32 $0x60C;
	v20 =	vld.idx.msk [tilespmem:v6+s29+$0x0], $0xffff;
	v12 =	vbroadcast v4, $0x0  }
0x194: {  	v15 =	vmov s0;
	s0 =	simm.s32 $0x60D;
	v16 =	vmov s24;
	s22 =	simm.s32 $0x608;
	v5 =	vld.idx.msk [tilespmem:v8+s29+$0x0], $0xffff  }
0x195: {  	v17 =	vmov s0;
	v16 =	vshrl.u32 v16, $0x3;
	s13 =	simm.s32 $0x60B;
	v6 =	vmov s22;
	v4 =	vld.idx.msk [tilespmem:v7+s29+$0x0], $0xffff  }
0x196: {  	v16 =	vshll.u32 v16, v1;
	s22 =	simm.s32 $0x60E;
	v7 =	vmov s13;
	v8 =	vshrl.u32 v6, $0x3;
	v6 =	vld.idx.msk [tilespmem:v9+s29+$0x0], $0xffff  }
0x197: {  	v18 =	vmov s22;
	v9 =	vshrl.u32 v15, $0x3;
	s22 =	simm.s32 $0x3840;
	v15 =	vshrl.u32 v7, $0x3;
	v7 =	vld.idx.msk [tilespmem:v10+s29+$0x0], $0xffff  }
0x198: {  	v13 =	vshrl.u32 v13, $0x3;
	v23 =	vadd.s32 $0x4, v16;
	v8 =	vshll.u32 v8, v1;
	v21 =	vld [tilespmem:s22+$0xFFFFFFC0]  }
0x199: {  	v10 =	vshrl.u32 v17, $0x3;
	v17 =	vshrl.u32 v18, $0x3;
	v9 =	vshll.u32 v9, v1;
	v18 =	vld.idx.msk [tilespmem:v12+s29+$0x0], $0xffff  }
0x19a: {  	v19 =	vshll.u32 v10, v1;
	v12 =	vshll.u32 v13, v1;
	v13 =	vshll.u32 v15, v1;
	v15 =	vld [tilespmem:s22+$0x30]  }
0x19b: {  	v22 =	vld [tilespmem:s22+$0xFFFFFFD0];
	v8 =	vbroadcast v8, $0x0;
	v9 =	vadd.s32 $0x2, v9;
	v10 =	vadd.s32 $0x1, v12  }
0x19c: {  	v24 =	vld [tilespmem:s22+$0xFFFFFFE0];
	v17 =	vshll.u32 v17, v1;
	v9 =	vbroadcast v9, $0x0;
	v10 =	vbroadcast v10, $0x0  }
0x19d: {  	s24 =	simm.s32 $0x60F;
	v16 =	vld [tilespmem:s22+$0xFFFFFFF0];
	v19 =	vadd.s32 $0x5, v19;
	v25 =	vadd.s32 $0x6, v17;
	v12 =	vadd.s32 $0x3, v13  }
0x19e: {  	v17 =	vmov s24;
	v26 =	vmul.f32 v21, v14;
	v13 =	vbroadcast v12, $0x0;
	v12 =	vld [tilespmem:s22+$0x0]  }
0x19f: {  	v14 =	vld [tilespmem:s22+$0x10];
	v18 =	vmul.f32 v15, v18;
	v15 =	vbroadcast v23, $0x0;
	v23 =	vshrl.u32 v17, $0x3  }
0x1a0: {  	[tilespmem:s22+$0xFFFFFFC0] =	vst v26;
	v17 =	vbroadcast v19, $0x0;
	v19 =	vmul.f32 v22, v11;
	v11 =	vld [tilespmem:s22+$0x20];
	v21 =	vshll.u32 v23, v1  }
0x1a1: {  	s24 =	simm.s32 $0x8;
	v20 =	vmul.f32 v24, v20;
	v8 =	vld.idx.msk [tilespmem:v8+s29+$0x0], $0xffff;
	[tilespmem:s22+$0x30] =	vst v18;
	v18 =	vbroadcast v25, $0x0;
	v21 =	vadd.s32 $0x7, v21  }
.LBB2_11:
0x1a2: {  	s11 =	sadd.s32 $0x608, s24;
	s13 =	sadd.s32 $0x609, s24;
	v22 =	vld.idx.msk [tilespmem:v10+s29+$0x0], $0xffff;
	v10 =	vbroadcast v21, $0x0;
	[tilespmem:s22+$0xFFFFFFD0] =	vst v19;
	v16 =	vmul.f32 v16, v4  }
0x1a3: {  	v19 =	vmov s11;
	v21 =	vmov s13;
	s11 =	sadd.s32 $0x60A, s24;
	s13 =	sadd.s32 $0x60B, s24;
	v23 =	vld.idx.msk [tilespmem:v9+s29+$0x0], $0xffff;
	[tilespmem:s22+$0xFFFFFFE0] =	vst v20;
	v9 =	vmul.f32 v12, v5  }
0x1a4: {  	v12 =	vmov s11;
	v20 =	vmov s13;
	s11 =	sadd.s32 $0x60C, s24;
	s13 =	sadd.s32 $0x60D, s24;
	v4 =	vld.idx.msk [tilespmem:v13+s29+$0x0], $0xffff;
	[tilespmem:s22+$0xFFFFFFF0] =	vst v16;
	v13 =	vmul.f32 v14, v6  }
0x1a5: {  	v14 =	vmov s11;
	v16 =	vmov s13;
	s11 =	sadd.s32 $0x60E, s24;
	v5 =	vld.idx.msk [tilespmem:v15+s29+$0x0], $0xffff;
	[tilespmem:s22+$0x0] =	vst v9;
	v9 =	vmul.f32 v11, v7  }
0x1a6: {  	v11 =	vshrl.u32 v19, $0x3;
	v15 =	vshrl.u32 v21, $0x3;
	v19 =	vmov s11;
	v6 =	vld.idx.msk [tilespmem:v17+s29+$0x0], $0xffff;
	[tilespmem:s22+$0x10] =	vst v13  }
0x1a7: {  	v12 =	vshrl.u32 v12, $0x3;
	v13 =	vshrl.u32 v20, $0x3;
	v14 =	vshrl.u32 v14, $0x3;
	v7 =	vld.idx.msk [tilespmem:v18+s29+$0x0], $0xffff;
	[tilespmem:s22+$0x20] =	vst v9  }
0x1a8: {  	v9 =	vshll.u32 v11, v1;
	v11 =	vshrl.u32 v16, $0x3;
	v16 =	vshrl.u32 v19, $0x3;
	s22 =	sadd.s32 $0x80, s22;
	v17 =	vld.idx.msk [tilespmem:v10+s29+$0x0], $0xffff  }
0x1a9: {  	v12 =	vshll.u32 v12, v1;
	v13 =	vshll.u32 v13, v1;
	v10 =	vshll.u32 v15, v1;
	v15 =	vld [tilespmem:s22+$0x30]  }
0x1aa: {  	v14 =	vshll.u32 v14, v1;
	v11 =	vshll.u32 v11, v1;
	v16 =	vshll.u32 v16, v1;
	v18 =	vld [tilespmem:s22+$0xFFFFFFC0]  }
0x1ab: {  	s11 =	sadd.s32 $0x60F, s24;
	s24 =	sadd.s32 $0x8, s24;
	v12 =	vadd.s32 $0x2, v12;
	v20 =	vbroadcast v9, $0x0;
	v9 =	vadd.s32 $0x1, v10;
	v19 =	vld [tilespmem:s22+$0xFFFFFFD0]  }
0x1ac: {  	p0 =	slt.u32 s24, $0x1F8;
	v13 =	vadd.s32 $0x3, v13;
	v14 =	vadd.s32 $0x4, v14;
	v10 =	vbroadcast v9, $0x0;
	v24 =	vld [tilespmem:s22+$0xFFFFFFE0]  }
.Ltmp4:
0x1ad: {  	v11 =	vadd.s32 $0x5, v11;
	v21 =	vadd.s32 $0x6, v16;
	v9 =	vbroadcast v12, $0x0;
	v16 =	vld [tilespmem:s22+$0xFFFFFFF0];
	(pc) =	sbr.rel @p0 .LBB2_11-.Ltmp4, $4  }
0x1ae: {  	v25 =	vmov s11;
	v13 =	vbroadcast v13, $0x0;
	v12 =	vld [tilespmem:s22+$0x0];
	v26 =	vmul.f32 v15, v17  }
0x1af: {  	v25 =	vshrl.u32 v25, $0x3;
	v15 =	vbroadcast v14, $0x0;
	v27 =	vmul.f32 v18, v8;
	v14 =	vld [tilespmem:s22+$0x10]  }
0x1b0: {  	v25 =	vshll.u32 v25, v1;
	v17 =	vbroadcast v11, $0x0;
	v19 =	vmul.f32 v19, v22;
	v11 =	vld [tilespmem:s22+$0x20];
	[tilespmem:s22+$0x30] =	vst v26  }
0x1b1: {  	v18 =	vbroadcast v21, $0x0;
	v21 =	vadd.s32 $0x7, v25;
	v8 =	vld.idx.msk [tilespmem:v20+s29+$0x0], $0xffff;
	[tilespmem:s22+$0xFFFFFFC0] =	vst v27;
	v20 =	vmul.f32 v24, v23  }
0x1b2: {  	_ =	sdelay $0x3  }
0x1b3: {  	v10 =	vld.idx.msk [tilespmem:v10+s29+$0x0], $0xffff  }
0x1b4: {  	v9 =	vld.idx.msk [tilespmem:v9+s29+$0x0], $0xffff  }
0x1b5: {  	v13 =	vld.idx.msk [tilespmem:v13+s29+$0x0], $0xffff  }
0x1b6: {  	v15 =	vld.idx.msk [tilespmem:v15+s29+$0x0], $0xffff  }
0x1b7: {  	v17 =	vld.idx.msk [tilespmem:v17+s29+$0x0], $0xffff  }
0x1b8: {  	s11 =	sadd.s32 $0x80, s22;
	v18 =	vld.idx.msk [tilespmem:v18+s29+$0x0], $0xffff  }
0x1b9: {  	v22 =	vld [tilespmem:s11+$0x30]  }
0x1ba: {  	v21 =	vbroadcast v21, $0x0;
	v4 =	vmul.f32 v16, v4;
	v56 =	vld [tilespmem:s11+$0xFFFFFFC0]  }
0x1bb: {  	[tilespmem:s22+$0xFFFFFFD0] =	vst v19;
	v5 =	vmul.f32 v12, v5;
	v57 =	vld [tilespmem:s11+$0xFFFFFFD0]  }
0x1bc: {  	v59 =	vld [tilespmem:s11+$0xFFFFFFF0];
	[tilespmem:s22+$0xFFFFFFF0] =	vst v4;
	v4 =	vmul.f32 v14, v6  }
0x1bd: {  	v58 =	vld [tilespmem:s11+$0xFFFFFFE0];
	[tilespmem:s22+$0x0] =	vst v5;
	v5 =	vmul.f32 v11, v7  }
0x1be: {  	[tilespmem:s22+$0x10] =	vst v4;
	v4 =	vld [tilespmem:s11+$0x0]  }
0x1bf: {  	v61 =	vld [tilespmem:s11+$0x10];
	[tilespmem:s22+$0x20] =	vst v5;
	v5 =	vmul.f32 v56, v8  }
0x1c0: {  	[tilespmem:s22+$0xFFFFFFE0] =	vst v20;
	v21 =	vld.idx.msk [tilespmem:v21+s29+$0x0], $0xffff;
	v10 =	vmul.f32 v57, v10  }
0x1c1: {  	v62 =	vld [tilespmem:s11+$0x20];
	v63 =	vmul.f32 v59, v13;
	[tilespmem:s11+$0xFFFFFFC0] =	vst v5  }
0x1c2: {  	v5 =	vmul.f32 v58, v9;
	[tilespmem:s11+$0xFFFFFFD0] =	vst v10  }
0x1c3: {  	[tilespmem:s11+$0xFFFFFFF0] =	vst v63;
	v4 =	vmul.f32 v4, v15  }
0x1c4: {  	[tilespmem:s11+$0xFFFFFFE0] =	vst v5;
	v5 =	vmul.f32 v61, v17  }
0x1c5: {  	v60 =	vmul.f32 v22, v21;
	[tilespmem:s11+$0x0] =	vst v4  }
0x1c6: {  	v4 =	vmul.f32 v62, v18;
	[tilespmem:s11+$0x10] =	vst v5  }
0x1c7: {  	[tilespmem:s11+$0x30] =	vst v60  }
0x1c8: {  	[tilespmem:s11+$0x20] =	vst v4  }
0x1c9: {  	_ =	swait.ge [sflag:s21], $0x800  }
0x1ca: {  	[sflag:s21] =	ssyncset.done $0x0  }
0x1cb: {  	[sflag:s21] =	ssyncadd.s32 $0xFFFFF800  }
0x1cc: {  	_ =	swait.ge [sflag:s21], $0x800  }
0x1cd: {  	[sflag:s21] =	ssyncset.done $0x0  }
0x1ce: {  	[sflag:s21] =	ssyncadd.s32 $0xFFFFF800  }
0x1cf: {  	_ =	swait.ge [sflag:s21], $0x800  }
0x1d0: {  	[sflag:s21] =	ssyncset.done $0x0  }
0x1d1: {  	[sflag:s21] =	ssyncadd.s32 $0xFFFFF800  }
0x1d2: {  	_ =	swait.ge [sflag:s21], $0x800  }
0x1d3: {  	[sflag:s21] =	ssyncset.done $0x0  }
0x1d4: {  	[sflag:s21] =	ssyncadd.s32 $0xFFFFF800  }
0x1d5: {  	[spmem:s5] =	stream.indirect.scatter.add.f32 [tilespmem:s10], [sflag:$0x2], $0x10, s1, s30, $0xb8;
	[tilespmem:$0x1E000] =	vst v63  }
0x1d6: {  	_ = 	snop  }
0x1d7: {  	[spmem:s5] =	stream.indirect.scatter.add.f32 [tilespmem:s12], [sflag:$0x2], $0x10, s2, s30, $0xb8;
	[tilespmem:$0x1E000] =	vst v63  }
0x1d8: {  	_ = 	snop  }
0x1d9: {  	[spmem:s5] =	stream.indirect.scatter.add.f32 [tilespmem:s14], [sflag:$0x2], $0x10, s3, s30, $0xb8;
	[tilespmem:$0x1E000] =	vst v63  }
0x1da: {  	_ = 	snop  }
0x1db: {  	[spmem:s5] =	stream.indirect.scatter.add.f32 [tilespmem:s16], [sflag:$0x2], $0x10, s18, s30, $0xb8;
	[tilespmem:$0x1E000] =	vst v63  }
0x1dc: {  	_ =	swait.ge [sflag:s21], $0x800  }
0x1dd: {  	[sflag:s21] =	ssyncset.done $0x0  }
0x1de: {  	[sflag:s21] =	ssyncadd.s32 $0xFFFFF800  }
0x1df: {  	_ =	swait.ge [sflag:s21], $0x800  }
0x1e0: {  	[sflag:s21] =	ssyncset.done $0x0  }
0x1e1: {  	s20 =	sadd.s32 $0x1, s20;
	[sflag:s21] =	ssyncadd.s32 $0xFFFFF800  }
0x1e2: {  	p0 =	sne.s32 s20, $0x31;
	_ =	swait.ge [sflag:s21], $0x800  }
.Ltmp5:
0x1e3: {  	[sflag:s21] =	ssyncset.done $0x0;
	(pc) =	sbr.rel @p0 .LBB2_4-.Ltmp5, $4  }
0x1e4: {  	[sflag:s21] =	ssyncadd.s32 $0xFFFFF800  }
0x1e5: {  	_ =	swait.ge [sflag:s21], $0x800  }
0x1e6: {  	[sflag:s21] =	ssyncset.done $0x0  }
0x1e7: {  	[sflag:s21] =	ssyncadd.s32 $0xFFFFF800  }
0x1e8: {  	s0 =	stileid.u32;
	[bflag:$0x0] =	sbarrier.arrive $0xFFFF  }
0x1e9: {  	s11 =	sshll.u32 s0, $0x6;
	s22 =	rddreg [dreg:$0x9]  }
0x1ea: {  	s24 =	rddreg [dreg:$0x16];
	s11 =	sor.u32 $0x1C03, s11  }
0x1eb: {  	s13 =	sshrl.u32 s22, $0x3;
	[dreg:$0x19] =	wrdreg s11  }
0x1ec: {  	[dreg:$0x1a] =	wrdreg s13  }
0x1ed: {  	[hbm:s24], [sflag:s11] =	dma.local [spmem:s13], $0x3100  }
0x1ee: {  	_ =	swait.ge [sflag:s26], $0x3100  }
0x1ef: {  	[sflag:s26] =	ssyncset.done $0x0  }
0x1f0: {  	s19 =	simm.s32 $0x0;
	s11 =	simm.s32 $0x40;
	[sflag:s26] =	ssyncadd.s32 $0xFFFFCF00  }
.LBB2_14:
0x1f1: {  	p0 =	sne.s32 s11, $0x7FC0;
	[tilespmem:s19+$0x1800] =	vst v0;
	s13 =	smov.u32 s11;
	s11 =	sadd.s32 $0x40, s11  }
.Ltmp6:
0x1f2: {  	(pc) =	sbr.rel @p0 .LBB2_14-.Ltmp6, $2  }
0x1f3: {  	_ =	sdelay $0x2  }
0x1f4: {  	s19 =	sshra.s32 s13, $0x2  }
0x1f5: {  	[tilespmem:s19+$0x1800] =	vst v0;
	s0 =	rddreg [dreg:$0x9]  }
0x1f6: {  	[spmem:s0] =	stream.linear.scatter [tilespmem:s25], [sflag:$0x3], $0x2000, $0x38;
	[tilespmem:$0x1E000] =	vst v63  }
0x1f7: {  	_ =	swait.ge [sflag:s26], $0x2000  }
0x1f8: {  	[sflag:s26] =	ssyncset.done $0x0  }
0x1f9: {  	s15 =	rddreg [dreg:$0xa];
	[sflag:s26] =	ssyncadd.s32 $0xFFFFE000  }
0x1fa: {  	[spmem:s15] =	stream.linear.scatter [tilespmem:s25], [sflag:$0x3], $0x2000, $0x38;
	[tilespmem:$0x1E000] =	vst v63  }
0x1fb: {  	_ =	swait.ge [sflag:s26], $0x2000  }
0x1fc: {  	[sflag:s26] =	ssyncset.done $0x0  }
0x1fd: {  	s19 =	rddreg [dreg:$0xb];
	[sflag:s26] =	ssyncadd.s32 $0xFFFFE000  }
0x1fe: {  	[spmem:s19] =	stream.linear.scatter [tilespmem:s25], [sflag:$0x3], $0x2000, $0x38;
	[tilespmem:$0x1E000] =	vst v63  }
0x1ff: {  	_ =	swait.ge [sflag:s26], $0x2000  }
0x200: {  	[sflag:s26] =	ssyncset.done $0x0  }
0x201: {  	s20 =	rddreg [dreg:$0xc];
	[sflag:s26] =	ssyncadd.s32 $0xFFFFE000  }
0x202: {  	[spmem:s20] =	stream.linear.scatter [tilespmem:s25], [sflag:$0x3], $0x2000, $0x38;
	[tilespmem:$0x1E000] =	vst v63  }
0x203: {  	_ =	swait.ge [sflag:s26], $0x2000  }
0x204: {  	[sflag:s26] =	ssyncset.done $0x0  }
0x205: {  	s22 =	rddreg [dreg:$0xd];
	[sflag:s26] =	ssyncadd.s32 $0xFFFFE000  }
0x206: {  	[spmem:s22] =	stream.linear.scatter [tilespmem:s25], [sflag:$0x3], $0x2000, $0x38;
	[tilespmem:$0x1E000] =	vst v63  }
0x207: {  	_ =	swait.ge [sflag:s26], $0x2000  }
0x208: {  	[sflag:s26] =	ssyncset.done $0x0  }
0x209: {  	s24 =	rddreg [dreg:$0xe];
	[sflag:s26] =	ssyncadd.s32 $0xFFFFE000  }
0x20a: {  	[spmem:s24] =	stream.linear.scatter [tilespmem:s25], [sflag:$0x3], $0x2000, $0x38;
	[tilespmem:$0x1E000] =	vst v63  }
0x20b: {  	_ =	swait.ge [sflag:s26], $0x2000  }
0x20c: {  	[sflag:s26] =	ssyncset.done $0x0  }
0x20d: {  	s11 =	rddreg [dreg:$0xf];
	[sflag:s26] =	ssyncadd.s32 $0xFFFFE000  }
0x20e: {  	[spmem:s11] =	stream.linear.scatter [tilespmem:s25], [sflag:$0x3], $0x2000, $0x38;
	[tilespmem:$0x1E000] =	vst v63  }
0x20f: {  	_ =	swait.ge [sflag:s26], $0x2000  }
0x210: {  	[sflag:s26] =	ssyncset.done $0x0  }
0x211: {  	s13 =	rddreg [dreg:$0x10];
	[sflag:s26] =	ssyncadd.s32 $0xFFFFE000  }
0x212: {  	[spmem:s13] =	stream.linear.scatter [tilespmem:s25], [sflag:$0x3], $0x2000, $0x38;
	[tilespmem:$0x1E000] =	vst v63  }
0x213: {  	_ =	swait.ge [sflag:s26], $0x2000  }
0x214: {  	[sflag:s26] =	ssyncset.done $0x0  }
0x215: {  	s15 =	rddreg [dreg:$0x11];
	[sflag:s26] =	ssyncadd.s32 $0xFFFFE000  }
0x216: {  	[spmem:s15] =	stream.linear.scatter [tilespmem:s25], [sflag:$0x3], $0x2000, $0x38;
	[tilespmem:$0x1E000] =	vst v63  }
0x217: {  	_ =	swait.ge [sflag:s26], $0x2000  }
0x218: {  	[sflag:s26] =	ssyncset.done $0x0  }
0x219: {  	s19 =	rddreg [dreg:$0x12];
	[sflag:s26] =	ssyncadd.s32 $0xFFFFE000  }
0x21a: {  	[spmem:s19] =	stream.linear.scatter [tilespmem:s25], [sflag:$0x3], $0x2000, $0x38;
	[tilespmem:$0x1E000] =	vst v63  }
0x21b: {  	_ =	swait.ge [sflag:s26], $0x2000  }
0x21c: {  	[sflag:s26] =	ssyncset.done $0x0  }
0x21d: {  	s20 =	rddreg [dreg:$0x13];
	[sflag:s26] =	ssyncadd.s32 $0xFFFFE000  }
0x21e: {  	[spmem:s20] =	stream.linear.scatter [tilespmem:s25], [sflag:$0x3], $0x2000, $0x38;
	[tilespmem:$0x1E000] =	vst v63  }
0x21f: {  	_ =	swait.ge [sflag:s26], $0x2000  }
0x220: {  	[sflag:s26] =	ssyncset.done $0x0  }
0x221: {  	s22 =	rddreg [dreg:$0x14];
	[sflag:s26] =	ssyncadd.s32 $0xFFFFE000  }
0x222: {  	[spmem:s22] =	stream.linear.scatter [tilespmem:s25], [sflag:$0x3], $0x2000, $0x38;
	[tilespmem:$0x1E000] =	vst v63  }
0x223: {  	_ =	swait.ge [sflag:s26], $0x2000  }
0x224: {  	[sflag:s26] =	ssyncset.done $0x0  }
0x225: {  	s24 =	rddreg [dreg:$0x15];
	[sflag:s26] =	ssyncadd.s32 $0xFFFFE000  }
0x226: {  	[spmem:s24] =	stream.linear.scatter [tilespmem:s25], [sflag:$0x3], $0x800, $0x38;
	[tilespmem:$0x1E000] =	vst v63  }
0x227: {  	_ =	swait.ge [sflag:s26], $0x800  }
0x228: {  	[sflag:s26] =	ssyncset.done $0x0  }
0x229: {  	s11 =	simm.s32 $0x40;
	s19 =	simm.s32 $0x0;
	[sflag:s26] =	ssyncadd.s32 $0xFFFFF800  }
.LBB2_16:
0x22a: {  	p0 =	sne.s32 s11, $0x7FC0;
	[tilespmem:s19+$0x1800] =	vst v2;
	s13 =	smov.u32 s11;
	s11 =	sadd.s32 $0x40, s11  }
.Ltmp7:
0x22b: {  	[tilespmem:s19+$0x3800] =	vst v2;
	(pc) =	sbr.rel @p0 .LBB2_16-.Ltmp7, $2  }
0x22c: {  	_ =	sdelay $0x2  }
0x22d: {  	s19 =	sshra.s32 s13, $0x2  }
0x22e: {  	[tilespmem:s19+$0x1800] =	vst v2  }
0x22f: {  	[tilespmem:s19+$0x3800] =	vst v2  }
0x230: {  	s19 =	simm.s32 $0x0;
	s20 =	simm.s32 $0x0;
	[bflag:$0x0] =	sbarrier.arrive $0xFFFF  }
.LBB2_18:
0x231: {  	s11 =	sshll.u32 s20, $0xB  }
0x232: {  	s11 =	sadd.s32 s8, s11  }
0x233: {  	s0 =	rddreg [dreg:$0x2];
	s11 =	sshrl.u32 s11, $0x3  }
0x234: {  	s13 =	sadd.s32 s0, s11  }
0x235: {  	[tilespmem:s28], [sflag:$0x3] =	stream.linear.gather [hbm4b:s13+s19], $0x800, $0x38;
	[tilespmem:$0x1E000] =	vst v63  }
0x236: {  	_ =	swait.ge [sflag:s26], $0x800  }
0x237: {  	[sflag:s26] =	ssyncset.done $0x0  }
0x238: {  	[sflag:s26] =	ssyncadd.s32 $0xFFFFF800  }
0x239: {  	s13 =	rddreg [dreg:$0x3]  }
0x23a: {  	s11 =	sadd.s32 s13, s11  }
0x23b: {  	[tilespmem:s29], [sflag:$0x3] =	stream.linear.gather [hbm4b:s11+s19], $0x800, $0x38;
	[tilespmem:$0x1E000] =	vst v63  }
0x23c: {  	s15 =	simm.s32 $0x10;
	_ =	swait.ge [sflag:s26], $0x800  }
0x23d: {  	v4 =	vmov s19;
	s24 =	simm.s32 $0x20;
	s22 =	simm.s32 $0x30;
	v5 =	vmov s15;
	[sflag:s26] =	ssyncset.done $0x0  }
0x23e: {  	v6 =	vmov s24;
	v7 =	vmov s22;
	v5 =	vshll.u32 v5, $0x4;
	s0 =	simm.s32 $0x1020;
	[sflag:s26] =	ssyncadd.s32 $0xFFFFF800  }
0x23f: {  	v8 =	vshll.u32 v4, $0x4;
	v6 =	vshll.u32 v6, $0x4;
	v11 =	vor.u32 v3, v5;
	v9 =	vld [tilespmem:s0+$0xFFFFFFF0]  }
0x240: {  	s24 =	simm.s32 $0x40;
	v7 =	vshll.u32 v7, $0x4;
	v8 =	vor.u32 v3, v8;
	v4 =	vor.u32 v3, v6;
	v6 =	vld [tilespmem:s0+$0xFFFFFFE0]  }
0x241: {  	s22 =	simm.s32 $0x60;
	s15 =	simm.s32 $0x70;
	v12 =	vmov s24;
	v5 =	vor.u32 v3, v7;
	s13 =	simm.s32 $0x50;
	v10 =	vld [tilespmem:s0+$0x10]  }
0x242: {  	v13 =	vmov s22;
	v14 =	vmov s15;
	s22 =	simm.s32 $0x1060;
	s11 =	simm.s32 $0x4;
	v15 =	vmov s13;
	v7 =	vld [tilespmem:s0+$0x0]  }
.LBB2_19:
0x243: {  	s11 =	sadd.s32 $0x4, s11  }
0x244: {  	v15 =	vshll.u32 v15, $0x4;
	v13 =	vshll.u32 v13, $0x4;
	v16 =	vld [tilespmem:s22+$0x10];
	v14 =	vshll.u32 v14, $0x4;
	[tilespmem:v11+s25+$0x0] =	vst.idx.msk $0xffff, v9;
	p0 =	slt.u32 s11, $0x1C  }
.Ltmp8:
0x245: {  	v12 =	vshll.u32 v12, $0x4;
	v9 =	vld [tilespmem:s22+$0xFFFFFFF0];
	v11 =	vor.u32 v3, v15;
	v13 =	vor.u32 v3, v13;
	[tilespmem:v8+s25+$0x0] =	vst.idx.msk $0xffff, v6;
	(pc) =	sbr.rel @p0 .LBB2_19-.Ltmp8, $4  }
0x246: {  	v8 =	vor.u32 v3, v12;
	v6 =	vld [tilespmem:s22+$0xFFFFFFE0];
	[tilespmem:v5+s25+$0x0] =	vst.idx.msk $0xffff, v10;
	v5 =	vor.u32 v3, v14  }
0x247: {  	s24 =	sadd.s32 $0x40, s24;
	[tilespmem:v4+s25+$0x0] =	vst.idx.msk $0xffff, v7;
	v7 =	vld [tilespmem:s22+$0x0];
	v4 =	vmov v13  }
0x248: {  	v12 =	vmov s24;
	s0 =	sadd.s32 $0x10, s24;
	s13 =	sadd.s32 $0x20, s24;
	s15 =	sadd.s32 $0x30, s24  }
0x249: {  	v15 =	vmov s0;
	v14 =	vmov s15;
	v13 =	vmov s13;
	s22 =	sadd.s32 $0x40, s22;
	v10 =	vmovc v16  }
0x24a: {  	_ =	sdelay $0x1  }
0x24b: {  	v15 =	vshll.u32 v15, $0x4  }
0x24c: {  	v12 =	vshll.u32 v12, $0x4;
	v16 =	vld [tilespmem:s22+$0xFFFFFFF0];
	v15 =	vor.u32 v3, v15  }
0x24d: {  	v14 =	vshll.u32 v14, $0x4;
	[tilespmem:v11+s25+$0x0] =	vst.idx.msk $0xffff, v9;
	v9 =	vld [tilespmem:s22+$0xFFFFFFE0];
	v11 =	vor.u32 v3, v12  }
0x24e: {  	v12 =	vshll.u32 v13, $0x4;
	v13 =	vld [tilespmem:s22+$0x10];
	[tilespmem:v8+s25+$0x0] =	vst.idx.msk $0xffff, v6;
	v6 =	vor.u32 v3, v14  }
0x24f: {  	[tilespmem:v5+s25+$0x0] =	vst.idx.msk $0xffff, v10;
	v5 =	vld [tilespmem:s22+$0x0];
	v8 =	vor.u32 v3, v12  }
0x250: {  	[tilespmem:v4+s25+$0x0] =	vst.idx.msk $0xffff, v7  }
0x251: {  	[tilespmem:v15+s25+$0x0] =	vst.idx.msk $0xffff, v16  }
0x252: {  	[tilespmem:v11+s25+$0x0] =	vst.idx.msk $0xffff, v9  }
0x253: {  	[tilespmem:v6+s25+$0x0] =	vst.idx.msk $0xffff, v13  }
0x254: {  	[tilespmem:v8+s25+$0x0] =	vst.idx.msk $0xffff, v5  }
0x255: {  	[spmem:s5] =	stream.indirect.scatter.add.f32 [tilespmem:s25], [sflag:$0x2], $0x10, s28, s30, $0xb8;
	[tilespmem:$0x1E000] =	vst v63  }
0x256: {  	s0 =	simm.s32 $0x880;
	s15 =	simm.s32 $0x900  }
0x257: {  	[spmem:s5] =	stream.indirect.scatter.add.f32 [tilespmem:s31], [sflag:$0x2], $0x10, s0, s30, $0xb8;
	[tilespmem:$0x1E000] =	vst v63  }
0x258: {  	s24 =	simm.s32 $0x30;
	s11 =	simm.s32 $0x0;
	s13 =	simm.s32 $0x10  }
0x259: {  	v4 =	vmov s11;
	[spmem:s5] =	stream.indirect.scatter.add.f32 [tilespmem:s4], [sflag:$0x2], $0x10, s15, s30, $0xb8;
	[tilespmem:$0x1E000] =	vst v63  }
0x25a: {  	s22 =	simm.s32 $0x980;
	v4 =	vshll.u32 v4, $0x4;
	v6 =	vmov s13;
	s0 =	simm.s32 $0x1230;
	s15 =	simm.s32 $0x20  }
0x25b: {  	v9 =	vor.u32 v3, v4;
	v5 =	vmov s24;
	v7 =	vmov s15;
	[spmem:s5] =	stream.indirect.scatter.add.f32 [tilespmem:s23], [sflag:$0x2], $0x10, s22, s30, $0xb8;
	[tilespmem:$0x1E000] =	vst v63  }
0x25c: {  	v8 =	vshll.u32 v6, $0x4;
	v11 =	vshll.u32 v5, $0x4;
	v10 =	vshll.u32 v7, $0x4;
	v7 =	vld [tilespmem:s0+$0xFFFFFFD0]  }
0x25d: {  	s13 =	simm.s32 $0x40;
	v4 =	vor.u32 v3, v8;
	v5 =	vor.u32 v3, v10;
	v8 =	vld [tilespmem:s0+$0x0];
	v10 =	vor.u32 v3, v11  }
0x25e: {  	s24 =	simm.s32 $0x70;
	v15 =	vmov s13;
	s15 =	simm.s32 $0x50;
	s22 =	simm.s32 $0x60;
	v11 =	vld [tilespmem:s0+$0xFFFFFFE0]  }
0x25f: {  	s11 =	simm.s32 $0x4;
	v12 =	vmov s24;
	v14 =	vmov s15;
	v6 =	vld [tilespmem:s0+$0xFFFFFFF0];
	v13 =	vmov s22;
	s22 =	simm.s32 $0x1270  }
.LBB2_21:
0x260: {  	s11 =	sadd.s32 $0x4, s11  }
0x261: {  	v15 =	vshll.u32 v15, $0x4;
	v14 =	vshll.u32 v14, $0x4;
	v16 =	vld [tilespmem:s22+$0xFFFFFFF0];
	v13 =	vshll.u32 v13, $0x4;
	[tilespmem:v9+s10+$0x0] =	vst.idx.msk $0xffff, v7;
	p0 =	slt.u32 s11, $0x1C  }
.Ltmp9:
0x262: {  	v12 =	vshll.u32 v12, $0x4;
	v7 =	vld [tilespmem:s22+$0xFFFFFFD0];
	v9 =	vor.u32 v3, v15;
	v14 =	vor.u32 v3, v14;
	[tilespmem:v10+s10+$0x0] =	vst.idx.msk $0xffff, v8;
	(pc) =	sbr.rel @p0 .LBB2_21-.Ltmp9, $4  }
0x263: {  	v13 =	vor.u32 v3, v13;
	v10 =	vor.u32 v3, v12;
	v8 =	vld [tilespmem:s22+$0x0];
	[tilespmem:v4+s10+$0x0] =	vst.idx.msk $0xffff, v11;
	v4 =	vmov v14  }
0x264: {  	s24 =	sadd.s32 $0x40, s24;
	v11 =	vld [tilespmem:s22+$0xFFFFFFE0];
	[tilespmem:v5+s10+$0x0] =	vst.idx.msk $0xffff, v6;
	v5 =	vmov v13  }
0x265: {  	s0 =	sadd.s32 $0xFFFFFFD0, s24;
	s13 =	sadd.s32 $0xFFFFFFE0, s24;
	s15 =	sadd.s32 $0xFFFFFFF0, s24;
	v12 =	vmov s24  }
0x266: {  	v15 =	vmov s0;
	v14 =	vmov s13;
	v13 =	vmov s15;
	s22 =	sadd.s32 $0x40, s22;
	v6 =	vmovc v16  }
0x267: {  	_ =	sdelay $0x1  }
0x268: {  	v15 =	vshll.u32 v15, $0x4  }
0x269: {  	v16 =	vld [tilespmem:s22+$0xFFFFFFD0];
	v12 =	vshll.u32 v12, $0x4;
	v15 =	vor.u32 v3, v15  }
0x26a: {  	v14 =	vshll.u32 v14, $0x4;
	[tilespmem:v9+s10+$0x0] =	vst.idx.msk $0xffff, v7;
	v7 =	vld [tilespmem:s22+$0x0];
	v9 =	vor.u32 v3, v12  }
0x26b: {  	v12 =	vshll.u32 v13, $0x4;
	v13 =	vor.u32 v3, v14;
	[tilespmem:v10+s10+$0x0] =	vst.idx.msk $0xffff, v8;
	v8 =	vld [tilespmem:s22+$0xFFFFFFE0]  }
0x26c: {  	[tilespmem:v5+s10+$0x0] =	vst.idx.msk $0xffff, v6;
	v10 =	vld [tilespmem:s22+$0xFFFFFFF0];
	v12 =	vor.u32 v3, v12  }
0x26d: {  	[tilespmem:v4+s10+$0x0] =	vst.idx.msk $0xffff, v11  }
0x26e: {  	[tilespmem:v15+s10+$0x0] =	vst.idx.msk $0xffff, v16  }
0x26f: {  	[tilespmem:v9+s10+$0x0] =	vst.idx.msk $0xffff, v7  }
0x270: {  	[tilespmem:v13+s10+$0x0] =	vst.idx.msk $0xffff, v8  }
0x271: {  	[tilespmem:v12+s10+$0x0] =	vst.idx.msk $0xffff, v10  }
0x272: {  	_ =	swait.ge [sflag:s21], $0x800  }
0x273: {  	[sflag:s21] =	ssyncset.done $0x0  }
0x274: {  	[sflag:s21] =	ssyncadd.s32 $0xFFFFF800  }
0x275: {  	_ =	swait.ge [sflag:s21], $0x800  }
0x276: {  	[sflag:s21] =	ssyncset.done $0x0  }
0x277: {  	[sflag:s21] =	ssyncadd.s32 $0xFFFFF800  }
0x278: {  	_ =	swait.ge [sflag:s21], $0x800  }
0x279: {  	[sflag:s21] =	ssyncset.done $0x0  }
0x27a: {  	[sflag:s21] =	ssyncadd.s32 $0xFFFFF800  }
0x27b: {  	_ =	swait.ge [sflag:s21], $0x800  }
0x27c: {  	[sflag:s21] =	ssyncset.done $0x0  }
0x27d: {  	s0 =	simm.s32 $0xA00;
	[sflag:s21] =	ssyncadd.s32 $0xFFFFF800  }
0x27e: {  	[spmem:s5] =	stream.indirect.scatter.add.f32 [tilespmem:s10], [sflag:$0x2], $0x10, s0, s30, $0xb8;
	[tilespmem:$0x1E000] =	vst v63  }
0x27f: {  	s13 =	simm.s32 $0xA80;
	s15 =	simm.s32 $0xB00  }
0x280: {  	[spmem:s5] =	stream.indirect.scatter.add.f32 [tilespmem:s12], [sflag:$0x2], $0x10, s13, s30, $0xb8;
	[tilespmem:$0x1E000] =	vst v63  }
0x281: {  	s24 =	simm.s32 $0x30;
	s11 =	simm.s32 $0x0;
	s22 =	simm.s32 $0xB80  }
0x282: {  	v5 =	vmov s24;
	[spmem:s5] =	stream.indirect.scatter.add.f32 [tilespmem:s14], [sflag:$0x2], $0x10, s15, s30, $0xb8;
	[tilespmem:$0x1E000] =	vst v63  }
0x283: {  	v4 =	vmov s11;
	v11 =	vshll.u32 v5, $0x4;
	s0 =	simm.s32 $0x1430;
	s13 =	simm.s32 $0x10;
	s15 =	simm.s32 $0x20  }
0x284: {  	v4 =	vshll.u32 v4, $0x4;
	v6 =	vmov s13;
	v7 =	vmov s15;
	[spmem:s5] =	stream.indirect.scatter.add.f32 [tilespmem:s16], [sflag:$0x2], $0x10, s22, s30, $0xb8;
	[tilespmem:$0x1E000] =	vst v63  }
0x285: {  	v9 =	vor.u32 v3, v4;
	v8 =	vshll.u32 v6, $0x4;
	v10 =	vshll.u32 v7, $0x4;
	v7 =	vld [tilespmem:s0+$0xFFFFFFD0]  }
0x286: {  	s24 =	simm.s32 $0x70;
	v4 =	vor.u32 v3, v8;
	v5 =	vor.u32 v3, v10;
	v8 =	vld [tilespmem:s0+$0x0];
	v10 =	vor.u32 v3, v11  }
0x287: {  	v12 =	vmov s24;
	s13 =	simm.s32 $0x40;
	s15 =	simm.s32 $0x50;
	s22 =	simm.s32 $0x60;
	v11 =	vld [tilespmem:s0+$0xFFFFFFE0]  }
0x288: {  	s11 =	simm.s32 $0x4;
	v15 =	vmov s13;
	v14 =	vmov s15;
	v6 =	vld [tilespmem:s0+$0xFFFFFFF0];
	v13 =	vmov s22;
	s22 =	simm.s32 $0x1470  }
.LBB2_23:
0x289: {  	s11 =	sadd.s32 $0x4, s11  }
0x28a: {  	v15 =	vshll.u32 v15, $0x4;
	v14 =	vshll.u32 v14, $0x4;
	v16 =	vld [tilespmem:s22+$0xFFFFFFF0];
	v13 =	vshll.u32 v13, $0x4;
	[tilespmem:v9+s25+$0x0] =	vst.idx.msk $0xffff, v7;
	p0 =	slt.u32 s11, $0x1C  }
.Ltmp10:
0x28b: {  	v12 =	vshll.u32 v12, $0x4;
	v7 =	vld [tilespmem:s22+$0xFFFFFFD0];
	v9 =	vor.u32 v3, v15;
	v14 =	vor.u32 v3, v14;
	[tilespmem:v10+s25+$0x0] =	vst.idx.msk $0xffff, v8;
	(pc) =	sbr.rel @p0 .LBB2_23-.Ltmp10, $4  }
0x28c: {  	v13 =	vor.u32 v3, v13;
	v10 =	vor.u32 v3, v12;
	v8 =	vld [tilespmem:s22+$0x0];
	[tilespmem:v4+s25+$0x0] =	vst.idx.msk $0xffff, v11;
	v4 =	vmov v14  }
0x28d: {  	s24 =	sadd.s32 $0x40, s24;
	v11 =	vld [tilespmem:s22+$0xFFFFFFE0];
	[tilespmem:v5+s25+$0x0] =	vst.idx.msk $0xffff, v6;
	v5 =	vmov v13  }
0x28e: {  	s0 =	sadd.s32 $0xFFFFFFD0, s24;
	s13 =	sadd.s32 $0xFFFFFFE0, s24;
	s15 =	sadd.s32 $0xFFFFFFF0, s24;
	v12 =	vmov s24  }
0x28f: {  	v15 =	vmov s0;
	v14 =	vmov s13;
	v13 =	vmov s15;
	s22 =	sadd.s32 $0x40, s22;
	v6 =	vmovc v16  }
0x290: {  	_ =	sdelay $0x1  }
0x291: {  	v15 =	vshll.u32 v15, $0x4  }
0x292: {  	v16 =	vld [tilespmem:s22+$0xFFFFFFD0];
	v12 =	vshll.u32 v12, $0x4;
	v15 =	vor.u32 v3, v15  }
0x293: {  	v14 =	vshll.u32 v14, $0x4;
	[tilespmem:v9+s25+$0x0] =	vst.idx.msk $0xffff, v7;
	v7 =	vld [tilespmem:s22+$0x0];
	v9 =	vor.u32 v3, v12  }
0x294: {  	v12 =	vshll.u32 v13, $0x4;
	v13 =	vor.u32 v3, v14;
	[tilespmem:v10+s25+$0x0] =	vst.idx.msk $0xffff, v8;
	v8 =	vld [tilespmem:s22+$0xFFFFFFE0]  }
0x295: {  	[tilespmem:v5+s25+$0x0] =	vst.idx.msk $0xffff, v6;
	v10 =	vld [tilespmem:s22+$0xFFFFFFF0];
	v12 =	vor.u32 v3, v12  }
0x296: {  	[tilespmem:v4+s25+$0x0] =	vst.idx.msk $0xffff, v11  }
0x297: {  	[tilespmem:v15+s25+$0x0] =	vst.idx.msk $0xffff, v16  }
0x298: {  	[tilespmem:v9+s25+$0x0] =	vst.idx.msk $0xffff, v7  }
0x299: {  	[tilespmem:v13+s25+$0x0] =	vst.idx.msk $0xffff, v8  }
0x29a: {  	[tilespmem:v12+s25+$0x0] =	vst.idx.msk $0xffff, v10  }
0x29b: {  	_ =	swait.ge [sflag:s21], $0x800  }
0x29c: {  	[sflag:s21] =	ssyncset.done $0x0  }
0x29d: {  	[sflag:s21] =	ssyncadd.s32 $0xFFFFF800  }
0x29e: {  	_ =	swait.ge [sflag:s21], $0x800  }
0x29f: {  	[sflag:s21] =	ssyncset.done $0x0  }
0x2a0: {  	[sflag:s21] =	ssyncadd.s32 $0xFFFFF800  }
0x2a1: {  	_ =	swait.ge [sflag:s21], $0x800  }
0x2a2: {  	[sflag:s21] =	ssyncset.done $0x0  }
0x2a3: {  	[sflag:s21] =	ssyncadd.s32 $0xFFFFF800  }
0x2a4: {  	_ =	swait.ge [sflag:s21], $0x800  }
0x2a5: {  	[sflag:s21] =	ssyncset.done $0x0  }
0x2a6: {  	s0 =	simm.s32 $0xC00;
	[sflag:s21] =	ssyncadd.s32 $0xFFFFF800  }
0x2a7: {  	[spmem:s5] =	stream.indirect.scatter.add.f32 [tilespmem:s25], [sflag:$0x2], $0x10, s0, s30, $0xb8;
	[tilespmem:$0x1E000] =	vst v63  }
0x2a8: {  	s22 =	simm.s32 $0xC80  }
0x2a9: {  	[spmem:s5] =	stream.indirect.scatter.add.f32 [tilespmem:s31], [sflag:$0x2], $0x10, s22, s30, $0xb8;
	[tilespmem:$0x1E000] =	vst v63  }
0x2aa: {  	s24 =	simm.s32 $0x30;
	s11 =	simm.s32 $0x0;
	s13 =	simm.s32 $0x10  }
0x2ab: {  	[spmem:s5] =	stream.indirect.scatter.add.f32 [tilespmem:s4], [sflag:$0x2], $0x10, s9, s30, $0xb8;
	[tilespmem:$0x1E000] =	vst v63  }
0x2ac: {  	s15 =	simm.s32 $0x20;
	v5 =	vmov s24;
	v6 =	vmov s13;
	v4 =	vmov s11;
	s0 =	simm.s32 $0x1630  }
0x2ad: {  	v11 =	vshll.u32 v5, $0x4;
	v4 =	vshll.u32 v4, $0x4;
	v7 =	vmov s15;
	[spmem:s5] =	stream.indirect.scatter.add.f32 [tilespmem:s23], [sflag:$0x2], $0x10, s6, s30, $0xb8;
	[tilespmem:$0x1E000] =	vst v63  }
0x2ae: {  	v8 =	vshll.u32 v6, $0x4;
	v9 =	vor.u32 v3, v4;
	v10 =	vshll.u32 v7, $0x4;
	v7 =	vld [tilespmem:s0+$0xFFFFFFD0]  }
0x2af: {  	s13 =	simm.s32 $0x40;
	v4 =	vor.u32 v3, v8;
	v5 =	vor.u32 v3, v10;
	v10 =	vor.u32 v3, v11;
	v8 =	vld [tilespmem:s0+$0x0]  }
0x2b0: {  	s24 =	simm.s32 $0x70;
	s15 =	simm.s32 $0x50;
	v15 =	vmov s13;
	s22 =	simm.s32 $0x60;
	v11 =	vld [tilespmem:s0+$0xFFFFFFE0]  }
0x2b1: {  	s11 =	simm.s32 $0x4;
	v12 =	vmov s24;
	v14 =	vmov s15;
	v13 =	vmov s22;
	s22 =	simm.s32 $0x1670;
	v6 =	vld [tilespmem:s0+$0xFFFFFFF0]  }
.LBB2_25:
0x2b2: {  	s11 =	sadd.s32 $0x4, s11  }
0x2b3: {  	v15 =	vshll.u32 v15, $0x4;
	v14 =	vshll.u32 v14, $0x4;
	v16 =	vld [tilespmem:s22+$0xFFFFFFF0];
	v13 =	vshll.u32 v13, $0x4;
	[tilespmem:v9+s10+$0x0] =	vst.idx.msk $0xffff, v7;
	p0 =	slt.u32 s11, $0x1C  }
.Ltmp11:
0x2b4: {  	v12 =	vshll.u32 v12, $0x4;
	v7 =	vld [tilespmem:s22+$0xFFFFFFD0];
	v9 =	vor.u32 v3, v15;
	v14 =	vor.u32 v3, v14;
	[tilespmem:v10+s10+$0x0] =	vst.idx.msk $0xffff, v8;
	(pc) =	sbr.rel @p0 .LBB2_25-.Ltmp11, $4  }
0x2b5: {  	v13 =	vor.u32 v3, v13;
	v10 =	vor.u32 v3, v12;
	v8 =	vld [tilespmem:s22+$0x0];
	[tilespmem:v4+s10+$0x0] =	vst.idx.msk $0xffff, v11;
	v4 =	vmov v14  }
0x2b6: {  	s24 =	sadd.s32 $0x40, s24;
	v11 =	vld [tilespmem:s22+$0xFFFFFFE0];
	[tilespmem:v5+s10+$0x0] =	vst.idx.msk $0xffff, v6;
	v5 =	vmov v13  }
0x2b7: {  	s0 =	sadd.s32 $0xFFFFFFD0, s24;
	s13 =	sadd.s32 $0xFFFFFFE0, s24;
	s15 =	sadd.s32 $0xFFFFFFF0, s24;
	v12 =	vmov s24  }
0x2b8: {  	v15 =	vmov s0;
	v14 =	vmov s13;
	v13 =	vmov s15;
	s22 =	sadd.s32 $0x40, s22;
	v6 =	vmovc v16  }
0x2b9: {  	_ =	sdelay $0x1  }
0x2ba: {  	v15 =	vshll.u32 v15, $0x4  }
0x2bb: {  	v16 =	vld [tilespmem:s22+$0xFFFFFFD0];
	v12 =	vshll.u32 v12, $0x4;
	v15 =	vor.u32 v3, v15  }
0x2bc: {  	v14 =	vshll.u32 v14, $0x4;
	[tilespmem:v9+s10+$0x0] =	vst.idx.msk $0xffff, v7;
	v58 =	vld [tilespmem:s22+$0x0];
	v59 =	vor.u32 v3, v12  }
0x2bd: {  	v60 =	vshll.u32 v13, $0x4;
	v62 =	vld [tilespmem:s22+$0xFFFFFFE0];
	[tilespmem:v5+s10+$0x0] =	vst.idx.msk $0xffff, v6;
	v61 =	vor.u32 v3, v14  }
0x2be: {  	v63 =	vld [tilespmem:s22+$0xFFFFFFF0];
	[tilespmem:v10+s10+$0x0] =	vst.idx.msk $0xffff, v8;
	v12 =	vor.u32 v3, v60  }
0x2bf: {  	[tilespmem:v4+s10+$0x0] =	vst.idx.msk $0xffff, v11  }
0x2c0: {  	[tilespmem:v15+s10+$0x0] =	vst.idx.msk $0xffff, v16  }
0x2c1: {  	[tilespmem:v59+s10+$0x0] =	vst.idx.msk $0xffff, v58  }
0x2c2: {  	[tilespmem:v61+s10+$0x0] =	vst.idx.msk $0xffff, v62  }
0x2c3: {  	[tilespmem:v12+s10+$0x0] =	vst.idx.msk $0xffff, v63  }
0x2c4: {  	_ =	swait.ge [sflag:s21], $0x800  }
0x2c5: {  	[sflag:s21] =	ssyncset.done $0x0  }
0x2c6: {  	[sflag:s21] =	ssyncadd.s32 $0xFFFFF800  }
0x2c7: {  	_ =	swait.ge [sflag:s21], $0x800  }
0x2c8: {  	[sflag:s21] =	ssyncset.done $0x0  }
0x2c9: {  	[sflag:s21] =	ssyncadd.s32 $0xFFFFF800  }
0x2ca: {  	_ =	swait.ge [sflag:s21], $0x800  }
0x2cb: {  	[sflag:s21] =	ssyncset.done $0x0  }
0x2cc: {  	[sflag:s21] =	ssyncadd.s32 $0xFFFFF800  }
0x2cd: {  	_ =	swait.ge [sflag:s21], $0x800  }
0x2ce: {  	[sflag:s21] =	ssyncset.done $0x0  }
0x2cf: {  	[sflag:s21] =	ssyncadd.s32 $0xFFFFF800  }
0x2d0: {  	[spmem:s5] =	stream.indirect.scatter.add.f32 [tilespmem:s10], [sflag:$0x2], $0x10, s1, s30, $0xb8;
	[tilespmem:$0x1E000] =	vst v63  }
0x2d1: {  	_ = 	snop  }
0x2d2: {  	[spmem:s5] =	stream.indirect.scatter.add.f32 [tilespmem:s12], [sflag:$0x2], $0x10, s2, s30, $0xb8;
	[tilespmem:$0x1E000] =	vst v63  }
0x2d3: {  	_ = 	snop  }
0x2d4: {  	[spmem:s5] =	stream.indirect.scatter.add.f32 [tilespmem:s14], [sflag:$0x2], $0x10, s3, s30, $0xb8;
	[tilespmem:$0x1E000] =	vst v63  }
0x2d5: {  	_ = 	snop  }
0x2d6: {  	[spmem:s5] =	stream.indirect.scatter.add.f32 [tilespmem:s16], [sflag:$0x2], $0x10, s18, s30, $0xb8;
	[tilespmem:$0x1E000] =	vst v63  }
0x2d7: {  	_ =	swait.ge [sflag:s21], $0x800  }
0x2d8: {  	[sflag:s21] =	ssyncset.done $0x0  }
0x2d9: {  	[sflag:s21] =	ssyncadd.s32 $0xFFFFF800  }
0x2da: {  	_ =	swait.ge [sflag:s21], $0x800  }
0x2db: {  	[sflag:s21] =	ssyncset.done $0x0  }
0x2dc: {  	s20 =	sadd.s32 $0x1, s20;
	[sflag:s21] =	ssyncadd.s32 $0xFFFFF800  }
0x2dd: {  	p0 =	sne.s32 s20, $0x31;
	_ =	swait.ge [sflag:s21], $0x800  }
.Ltmp12:
0x2de: {  	[sflag:s21] =	ssyncset.done $0x0;
	(pc) =	sbr.rel @p0 .LBB2_18-.Ltmp12, $4  }
0x2df: {  	[sflag:s21] =	ssyncadd.s32 $0xFFFFF800  }
0x2e0: {  	_ =	swait.ge [sflag:s21], $0x800  }
0x2e1: {  	[sflag:s21] =	ssyncset.done $0x0  }
0x2e2: {  	[sflag:s21] =	ssyncadd.s32 $0xFFFFF800  }
0x2e3: {  	[bflag:$0x0] =	sbarrier.arrive $0xFFFF  }
0x2e4: {  	s0 =	rddreg [dreg:$0x17]  }
0x2e5: {  	s11 =	rddreg [dreg:$0x19]  }
0x2e6: {  	s13 =	rddreg [dreg:$0x1a]  }
0x2e7: {  	[hbm:s0], [sflag:s11] =	dma.local [spmem:s13], $0x3100  }
0x2e8: {  	_ =	swait.ge [sflag:s26], $0x3100  }
0x2e9: {  	s22 =	rddreg [dreg:$0x8]  }
0x2ea: {  	s24 =	rddreg [dreg:$0x18];
	s11 =	sadd.s32 $0x1, s22  }
0x2eb: {  	p0 =	sne.s32 s11, s24  }
.Ltmp13:
0x2ec: {  	_ = 	snop;
	(pc) =	sbr.rel @p0 .LBB2_1-.Ltmp13, $4  }
0x2ed: {  	_ = 	snop  }
0x2ee: {  	[sflag:s26] =	ssyncset.done $0x0  }
0x2ef: {  	[sflag:s26] =	ssyncadd.s32 $0xFFFFCF00  }
0x2f0: {  	s15 =	rddreg [dreg:$0x1]  }
0x2f1: {  	_ =	sfence.sel $0x180000  }
0x2f2: {  	[bflag:$0x0] =	sbarrier.arrive $0xFFFF  }
0x2f3: {  	_ =	strace $0x90000047  }
0x2f4: {  	s0 =	stileid.u32;
	[bflag:$0x2] =	sbarrier.arrive $0xFFFF  }
0x2f5: {  	p0 =	sne.s32 s0, $0x0;
	s0 =	rddreg [dreg:$0x7]  }
0x2f6: {  	s0 =	sadd.s32 @!p0 $0x100000, s0  }
0x2f7: {  	[sflag:s0] =	ssyncadd.tile.s32 @!p0 $0x1;
	_ =	shalt  }
.Lfunc_end2:
_tile_overlayer_lowered:
.L_overlay_start_2:
0x2f8: {  	(tag) =	ssettag $0x2  }
0x2f9: {  	s0 =	rddreg [dreg:$0x0];
	s2 =	stileid.u32  }
0x2fa: {  	s1 =	rddreg [dreg:$0x1];
	p0 =	sne.s32 s2, $0x0  }
0x2fb: {  	s3 =	rddreg [dreg:$0x2];
	[bflag:$0x3] =	sbarrier.arrive $0xFFFF;
	s2 =	simm.s32 @!p0 $0x1C03  }
0x2fc: {  	[timem:s3], [sflag:s2] =	dma.local @!p0 [hbm:s0], s1  }
0x2fd: {  	s0 =	simm.s32 @!p0 $0x3  }
0x2fe: {  	_ =	swait.ge @!p0 [sflag:s0], s1  }
0x2ff: {  	s1 =	ssub.s32 @!p0 $0x0, s1;
	[sflag:s0] =	ssyncset.done @!p0 $0x0  }
0x300: {  	[sflag:s0] =	ssyncadd.s32 @!p0 s1  }
0x301: {  	[bflag:$0x3] =	sbarrier.arrive $0xFFFF  }
0x302: {  	_ =	shalt  }

</sc_bundles>
